<compile_context>
chip_gen: v7x
topology: tpu7x:2x2x1
jax: 0.10.2.dev20260603
libtpu: 0.0.44.dev20260713+nightly
codegen_flags: <defaults>
</compile_context>

<pallas_src>
import functools

import jax
import jax.numpy as jnp
from jax import lax
from jax.experimental import pallas as pl
from jax.experimental.pallas import tpu as pltpu
from jax.experimental.pallas import tpu_sc as plsc

NUM_WORKERS = 32
LANE = 128
EMB_DIM = 32
RING = 8


def _build(batch: int, seq: int, dim: int):
    b_per_w = batch // NUM_WORKERS
    blocks_per_t = b_per_w // LANE
    sub = dim // 8
    n_bhi = batch // LANE

    mesh = plsc.VectorSubcoreMesh(core_axis_name="c", subcore_axis_name="s")

    @functools.partial(
        pl.kernel,
        mesh=mesh,
        compiler_params=pltpu.CompilerParams(
            use_tc_tiling_on_sc=False, needs_layout_passes=False
        ),
        out_type=jax.ShapeDtypeStruct((seq, sub, n_bhi, 8, LANE), jnp.float32),
        scratch_types=[
            pltpu.VMEM((seq, b_per_w), jnp.int32),
            pltpu.VMEM((RING, LANE, dim), jnp.float32),
            pltpu.VMEM((RING, sub, 8, LANE), jnp.float32),
        ]
        + [pltpu.SemaphoreType.DMA] * (2 * RING),
    )
    def k(table_hbm, idx_hbm, out_hbm, idx_v, rv, tv, *sems):
        gs = sems[:RING]
        os_ = sems[RING:]
        wid = lax.axis_index("c") * 16 + lax.axis_index("s")
        pltpu.sync_copy(idx_hbm.at[:, pl.ds(wid * b_per_w, b_per_w)], idx_v)

        iota16 = lax.iota(jnp.int32, 16)
        chi_lo = jnp.right_shift(iota16, 3)
        chi_hi = chi_lo + 2
        clo = jnp.bitwise_and(iota16, 7)

        def fire(t_idx, bl, p):
            ivec = idx_v.at[t_idx, pl.ds(bl * LANE, LANE)]
            pltpu.async_copy(table_hbm.at[ivec], rv.at[p], gs[p])

        def wait_g(p):
            pltpu.make_async_copy(
                table_hbm.at[idx_v.at[0, pl.ds(0, LANE)]], rv.at[p], gs[p]
            ).wait()

        def transpose(p):
            src = rv.at[p]
            dst = tv.at[p]

            @plsc.parallel_loop(0, LANE, 1, unroll=16)
            def _(b):
                cols = jnp.full((16,), 0, jnp.int32) + b
                v_lo = src[b, pl.ds(0, 16)]
                v_hi = src[b, pl.ds(16, 16)]
                plsc.store_scatter(dst, [chi_lo, clo, cols], v_lo)
                plsc.store_scatter(dst, [chi_hi, clo, cols], v_hi)

        def fire_writes(t_idx, bl, p):
            pltpu.async_copy(
                tv.at[p],
                out_hbm.at[t_idx, pl.ds(0, sub), wid * blocks_per_t + bl],
                os_[p],
            )

        def wait_writes(p):
            pltpu.make_async_copy(
                tv.at[p],
                out_hbm.at[0, pl.ds(0, sub), 0],
                os_[p],
            ).wait()

        for p in range(RING):
            fire(p // blocks_per_t, p % blocks_per_t, p)

        def ubody(u, carry):
            t0 = 2 * u
            for p in range(RING):
                t = t0 + p // blocks_per_t
                bl = p % blocks_per_t
                t_next = jnp.minimum(t + 2, seq - 1)
                wait_g(p)

                @pl.when(u > 0)
                def _():
                    wait_writes(p)

                transpose(p)
                fire(t_next, bl, p)
                fire_writes(t, bl, p)
            return carry

        lax.fori_loop(0, seq // 2, ubody, 0)
        for p in range(RING):
            wait_g(p)
            wait_writes(p)

    return k


def kernel(inputs, weight):
    b, t = inputs.shape
    idxT = inputs.T.astype(jnp.int32)
    k = _build(b, t, EMB_DIM)
    out5 = k(weight, idxT)
    return out5.transpose(2, 4, 0, 1, 3).reshape(b, t, EMB_DIM)

# --- scband reference (transcript-rebuilt; emitter-appended) ---
"""Pipeline reference for scband-embedding-43310450213074 (READ-ONLY COPY).

The authoritative reference and input builder live on the scoring server;
editing this copy changes nothing except your own understanding.
"""

import jax, jax.numpy as jnp
import numpy as np

NUM_EMBEDDINGS = 1000000
EMBEDDING_DIM = 32

def setup_inputs(seed: int = 0) -> dict:
    key = jax.random.key(seed)
    k_idx, k_w = jax.random.split(key)
    inputs = jax.random.randint(k_idx, (16384, 50), 0, NUM_EMBEDDINGS, dtype=jnp.int64 if jax.config.jax_enable_x64 else jnp.int32)
    # nn.Embedding default init: N(0, 1)
    weight = jax.random.normal(k_w, (NUM_EMBEDDINGS, EMBEDDING_DIM), dtype=jnp.float32)
    return {"inputs": inputs, "weight": weight}

def reference(inputs, weight):
    # Module in eval mode (or with p=0 / dropout=0): TokenMasking and Dropout are no-ops.
    # Forward is a pure embedding lookup (gather).
    out = jnp.take(weight, inputs, axis=0)
    return out

if __name__ == "__main__":
    import jax
    _d = setup_inputs()
    print(jax.jit(kernel)(*tuple(_d.values())))

</pallas_src>

<mosaic_0001>
#map = affine_map<(d0, d1) -> (0, 0)>
#map1 = affine_map<(d0, d1) -> (0, 0, 0, 0, 0)>
module attributes {stable_mosaic.version = 14 : i64} {
  func.func @k(%arg0: i32, %arg1: i32, %arg2: memref<1000000x32xf32, #tpu.memory_space<hbm>>, %arg3: memref<50x16384xi32, #tpu.memory_space<hbm>>, %arg4: memref<50x4x128x8x128xf32, #tpu.memory_space<hbm>>, %arg5: memref<50x512xi32, #tpu.memory_space<vmem>>, %arg6: memref<8x128x32xf32, #tpu.memory_space<vmem>>, %arg7: memref<8x4x8x128xf32, #tpu.memory_space<vmem>>, %arg8: memref<!tpu.dma_semaphore, #tpu.memory_space<semaphore_mem>>, %arg9: memref<!tpu.dma_semaphore, #tpu.memory_space<semaphore_mem>>, %arg10: memref<!tpu.dma_semaphore, #tpu.memory_space<semaphore_mem>>, %arg11: memref<!tpu.dma_semaphore, #tpu.memory_space<semaphore_mem>>, %arg12: memref<!tpu.dma_semaphore, #tpu.memory_space<semaphore_mem>>, %arg13: memref<!tpu.dma_semaphore, #tpu.memory_space<semaphore_mem>>, %arg14: memref<!tpu.dma_semaphore, #tpu.memory_space<semaphore_mem>>, %arg15: memref<!tpu.dma_semaphore, #tpu.memory_space<semaphore_mem>>, %arg16: memref<!tpu.dma_semaphore, #tpu.memory_space<semaphore_mem>>, %arg17: memref<!tpu.dma_semaphore, #tpu.memory_space<semaphore_mem>>, %arg18: memref<!tpu.dma_semaphore, #tpu.memory_space<semaphore_mem>>, %arg19: memref<!tpu.dma_semaphore, #tpu.memory_space<semaphore_mem>>, %arg20: memref<!tpu.dma_semaphore, #tpu.memory_space<semaphore_mem>>, %arg21: memref<!tpu.dma_semaphore, #tpu.memory_space<semaphore_mem>>, %arg22: memref<!tpu.dma_semaphore, #tpu.memory_space<semaphore_mem>>, %arg23: memref<!tpu.dma_semaphore, #tpu.memory_space<semaphore_mem>>) attributes {dimension_semantics = [#tpu.dimension_semantics<core_parallel>, #tpu.dimension_semantics<subcore_parallel>], iteration_bounds = array<i64: 2, 16>, scalar_prefetch = 0 : i64, scratch_operands = 19 : i64, tpu.core_type = #tpu.core_type<sc_vector_subcore>, window_params = [{transform_indices = #map}, {transform_indices = #map}, {transform_indices = #map1}]} {
    %mul3A = arith.constant 16 : i32
    %mul3A_0 = arith.muli %arg0, %mul3A : i32
    %add3A = arith.addi %mul3A_0, %arg1 : i32
    %mul3A_1 = arith.constant 512 : i32
    %mul3A_2 = arith.muli %add3A, %mul3A_1 : i32
    "tpu.region"() ({
      %run_scoped3A = tpu.sem_alloc : memref<!tpu.dma_semaphore, #tpu.memory_space<semaphore_mem>>
      %dma_start3A_389 = arith.constant 0 : i32
      %dma_start3A_390 = tpu.memref_slice %arg3[%dma_start3A_389, %mul3A_2] : memref<50x16384xi32, #tpu.memory_space<hbm>> -> memref<50x512xi32, #tpu.memory_space<hbm>>
      %dma_start3A_391 = arith.constant 0 : i32
      %dma_start3A_392 = tpu.memref_slice %arg3[%dma_start3A_391, %mul3A_2] : memref<50x16384xi32, #tpu.memory_space<hbm>> -> memref<50x512xi32, #tpu.memory_space<hbm>>
      tpu.enqueue_dma source(%dma_start3A_392 : memref<50x512xi32, #tpu.memory_space<hbm>>) target(%arg5 : memref<50x512xi32, #tpu.memory_space<vmem>>) target_semaphore(%run_scoped3A : memref<!tpu.dma_semaphore, #tpu.memory_space<semaphore_mem>>)
      %dma_wait3A_393 = arith.constant 0 : i32
      %dma_wait3A_394 = tpu.memref_slice %arg3[%dma_wait3A_393, %mul3A_2] : memref<50x16384xi32, #tpu.memory_space<hbm>> -> memref<50x512xi32, #tpu.memory_space<hbm>>
      %dma_wait3A_395 = arith.constant 0 : i32
      %dma_wait3A_396 = tpu.memref_slice %arg3[%dma_wait3A_395, %mul3A_2] : memref<50x16384xi32, #tpu.memory_space<hbm>> -> memref<50x512xi32, #tpu.memory_space<hbm>>
      tpu.wait_dma2 semaphore(%run_scoped3A : memref<!tpu.dma_semaphore, #tpu.memory_space<semaphore_mem>>) src(%dma_wait3A_396 : memref<50x512xi32, #tpu.memory_space<hbm>>) dst(%arg5 : memref<50x512xi32, #tpu.memory_space<vmem>>)
      tpu.yield
    }) : () -> ()
    %iota3A = tpu.iota {dimensions = array<i32: 0>} : vector<16xi32>
    %shift_right_arithmetic3A = arith.constant 3 : i32
    %shift_right_arithmetic3A_3 = vector.broadcast %shift_right_arithmetic3A : i32 to vector<16xi32>
    %shift_right_arithmetic3A_4 = arith.shrsi %iota3A, %shift_right_arithmetic3A_3 : vector<16xi32>
    %add3A_5 = arith.constant 2 : i32
    %add3A_6 = vector.broadcast %add3A_5 : i32 to vector<16xi32>
    %add3A_7 = arith.addi %shift_right_arithmetic3A_4, %add3A_6 : vector<16xi32>
    %and3A = arith.constant 7 : i32
    %and3A_8 = vector.broadcast %and3A : i32 to vector<16xi32>
    %and3A_9 = arith.andi %iota3A, %and3A_8 : vector<16xi32>
    %dma_start3A = arith.constant 0 : i32
    %dma_start3A_10 = arith.constant 0 : i32
    %dma_start3A_11 = arith.constant 0 : i32
    %dma_start3A_12 = arith.constant 0 : i32
    %dma_start3A_13 = tpu.memref_slice %arg6[%dma_start3A_10, %dma_start3A_11, %dma_start3A_12] : memref<8x128x32xf32, #tpu.memory_space<vmem>> -> memref<1x128x32xf32, #tpu.memory_space<vmem>>
    %dma_start3A_14 = tpu.memref_squeeze %dma_start3A_13 : memref<1x128x32xf32, #tpu.memory_space<vmem>> -> memref<128x32xf32, #tpu.memory_space<vmem>>
    %dma_start3A_15 = arith.constant 0 : i32
    %dma_start3A_16 = tpu.memref_slice %arg5[%dma_start3A, %dma_start3A_15] : memref<50x512xi32, #tpu.memory_space<vmem>> -> memref<1x128xi32, #tpu.memory_space<vmem>>
    %dma_start3A_17 = tpu.memref_squeeze %dma_start3A_16 : memref<1x128xi32, #tpu.memory_space<vmem>> -> memref<128xi32, #tpu.memory_space<vmem>>
    %dma_start3A_18 = arith.constant 0 : i32
    %dma_start3A_19 = arith.constant 0 : i32
    %dma_start3A_20 = tpu.memref_slice %arg2[%dma_start3A_18, %dma_start3A_19] : memref<1000000x32xf32, #tpu.memory_space<hbm>> -> memref<1000000x32xf32, #tpu.memory_space<hbm>>
    tpu.enqueue_indirect_dma source(%dma_start3A_20 : memref<1000000x32xf32, #tpu.memory_space<hbm>>) target(%dma_start3A_14 : memref<128x32xf32, #tpu.memory_space<vmem>>) offsets(%dma_start3A_17 : memref<128xi32, #tpu.memory_space<vmem>>) semaphore(%arg8 : memref<!tpu.dma_semaphore, #tpu.memory_space<semaphore_mem>>)
    %dma_start3A_21 = arith.constant 0 : i32
    %dma_start3A_22 = arith.constant 1 : i32
    %dma_start3A_23 = arith.constant 0 : i32
    %dma_start3A_24 = arith.constant 0 : i32
    %dma_start3A_25 = tpu.memref_slice %arg6[%dma_start3A_22, %dma_start3A_23, %dma_start3A_24] : memref<8x128x32xf32, #tpu.memory_space<vmem>> -> memref<1x128x32xf32, #tpu.memory_space<vmem>>
    %dma_start3A_26 = tpu.memref_squeeze %dma_start3A_25 : memref<1x128x32xf32, #tpu.memory_space<vmem>> -> memref<128x32xf32, #tpu.memory_space<vmem>>
    %dma_start3A_27 = arith.constant 128 : i32
    %dma_start3A_28 = tpu.memref_slice %arg5[%dma_start3A_21, %dma_start3A_27] : memref<50x512xi32, #tpu.memory_space<vmem>> -> memref<1x128xi32, #tpu.memory_space<vmem>>
    %dma_start3A_29 = tpu.memref_squeeze %dma_start3A_28 : memref<1x128xi32, #tpu.memory_space<vmem>> -> memref<128xi32, #tpu.memory_space<vmem>>
    %dma_start3A_30 = arith.constant 0 : i32
    %dma_start3A_31 = arith.constant 0 : i32
    %dma_start3A_32 = tpu.memref_slice %arg2[%dma_start3A_30, %dma_start3A_31] : memref<1000000x32xf32, #tpu.memory_space<hbm>> -> memref<1000000x32xf32, #tpu.memory_space<hbm>>
    tpu.enqueue_indirect_dma source(%dma_start3A_32 : memref<1000000x32xf32, #tpu.memory_space<hbm>>) target(%dma_start3A_26 : memref<128x32xf32, #tpu.memory_space<vmem>>) offsets(%dma_start3A_29 : memref<128xi32, #tpu.memory_space<vmem>>) semaphore(%arg9 : memref<!tpu.dma_semaphore, #tpu.memory_space<semaphore_mem>>)
    %dma_start3A_33 = arith.constant 0 : i32
    %dma_start3A_34 = arith.constant 2 : i32
    %dma_start3A_35 = arith.constant 0 : i32
    %dma_start3A_36 = arith.constant 0 : i32
    %dma_start3A_37 = tpu.memref_slice %arg6[%dma_start3A_34, %dma_start3A_35, %dma_start3A_36] : memref<8x128x32xf32, #tpu.memory_space<vmem>> -> memref<1x128x32xf32, #tpu.memory_space<vmem>>
    %dma_start3A_38 = tpu.memref_squeeze %dma_start3A_37 : memref<1x128x32xf32, #tpu.memory_space<vmem>> -> memref<128x32xf32, #tpu.memory_space<vmem>>
    %dma_start3A_39 = arith.constant 256 : i32
    %dma_start3A_40 = tpu.memref_slice %arg5[%dma_start3A_33, %dma_start3A_39] : memref<50x512xi32, #tpu.memory_space<vmem>> -> memref<1x128xi32, #tpu.memory_space<vmem>>
    %dma_start3A_41 = tpu.memref_squeeze %dma_start3A_40 : memref<1x128xi32, #tpu.memory_space<vmem>> -> memref<128xi32, #tpu.memory_space<vmem>>
    %dma_start3A_42 = arith.constant 0 : i32
    %dma_start3A_43 = arith.constant 0 : i32
    %dma_start3A_44 = tpu.memref_slice %arg2[%dma_start3A_42, %dma_start3A_43] : memref<1000000x32xf32, #tpu.memory_space<hbm>> -> memref<1000000x32xf32, #tpu.memory_space<hbm>>
    tpu.enqueue_indirect_dma source(%dma_start3A_44 : memref<1000000x32xf32, #tpu.memory_space<hbm>>) target(%dma_start3A_38 : memref<128x32xf32, #tpu.memory_space<vmem>>) offsets(%dma_start3A_41 : memref<128xi32, #tpu.memory_space<vmem>>) semaphore(%arg10 : memref<!tpu.dma_semaphore, #tpu.memory_space<semaphore_mem>>)
    %dma_start3A_45 = arith.constant 0 : i32
    %dma_start3A_46 = arith.constant 3 : i32
    %dma_start3A_47 = arith.constant 0 : i32
    %dma_start3A_48 = arith.constant 0 : i32
    %dma_start3A_49 = tpu.memref_slice %arg6[%dma_start3A_46, %dma_start3A_47, %dma_start3A_48] : memref<8x128x32xf32, #tpu.memory_space<vmem>> -> memref<1x128x32xf32, #tpu.memory_space<vmem>>
    %dma_start3A_50 = tpu.memref_squeeze %dma_start3A_49 : memref<1x128x32xf32, #tpu.memory_space<vmem>> -> memref<128x32xf32, #tpu.memory_space<vmem>>
    %dma_start3A_51 = arith.constant 384 : i32
    %dma_start3A_52 = tpu.memref_slice %arg5[%dma_start3A_45, %dma_start3A_51] : memref<50x512xi32, #tpu.memory_space<vmem>> -> memref<1x128xi32, #tpu.memory_space<vmem>>
    %dma_start3A_53 = tpu.memref_squeeze %dma_start3A_52 : memref<1x128xi32, #tpu.memory_space<vmem>> -> memref<128xi32, #tpu.memory_space<vmem>>
    %dma_start3A_54 = arith.constant 0 : i32
    %dma_start3A_55 = arith.constant 0 : i32
    %dma_start3A_56 = tpu.memref_slice %arg2[%dma_start3A_54, %dma_start3A_55] : memref<1000000x32xf32, #tpu.memory_space<hbm>> -> memref<1000000x32xf32, #tpu.memory_space<hbm>>
    tpu.enqueue_indirect_dma source(%dma_start3A_56 : memref<1000000x32xf32, #tpu.memory_space<hbm>>) target(%dma_start3A_50 : memref<128x32xf32, #tpu.memory_space<vmem>>) offsets(%dma_start3A_53 : memref<128xi32, #tpu.memory_space<vmem>>) semaphore(%arg11 : memref<!tpu.dma_semaphore, #tpu.memory_space<semaphore_mem>>)
    %dma_start3A_57 = arith.constant 1 : i32
    %dma_start3A_58 = arith.constant 4 : i32
    %dma_start3A_59 = arith.constant 0 : i32
    %dma_start3A_60 = arith.constant 0 : i32
    %dma_start3A_61 = tpu.memref_slice %arg6[%dma_start3A_58, %dma_start3A_59, %dma_start3A_60] : memref<8x128x32xf32, #tpu.memory_space<vmem>> -> memref<1x128x32xf32, #tpu.memory_space<vmem>>
    %dma_start3A_62 = tpu.memref_squeeze %dma_start3A_61 : memref<1x128x32xf32, #tpu.memory_space<vmem>> -> memref<128x32xf32, #tpu.memory_space<vmem>>
    %dma_start3A_63 = arith.constant 0 : i32
    %dma_start3A_64 = tpu.memref_slice %arg5[%dma_start3A_57, %dma_start3A_63] : memref<50x512xi32, #tpu.memory_space<vmem>> -> memref<1x128xi32, #tpu.memory_space<vmem>>
    %dma_start3A_65 = tpu.memref_squeeze %dma_start3A_64 : memref<1x128xi32, #tpu.memory_space<vmem>> -> memref<128xi32, #tpu.memory_space<vmem>>
    %dma_start3A_66 = arith.constant 0 : i32
    %dma_start3A_67 = arith.constant 0 : i32
    %dma_start3A_68 = tpu.memref_slice %arg2[%dma_start3A_66, %dma_start3A_67] : memref<1000000x32xf32, #tpu.memory_space<hbm>> -> memref<1000000x32xf32, #tpu.memory_space<hbm>>
    tpu.enqueue_indirect_dma source(%dma_start3A_68 : memref<1000000x32xf32, #tpu.memory_space<hbm>>) target(%dma_start3A_62 : memref<128x32xf32, #tpu.memory_space<vmem>>) offsets(%dma_start3A_65 : memref<128xi32, #tpu.memory_space<vmem>>) semaphore(%arg12 : memref<!tpu.dma_semaphore, #tpu.memory_space<semaphore_mem>>)
    %dma_start3A_69 = arith.constant 1 : i32
    %dma_start3A_70 = arith.constant 5 : i32
    %dma_start3A_71 = arith.constant 0 : i32
    %dma_start3A_72 = arith.constant 0 : i32
    %dma_start3A_73 = tpu.memref_slice %arg6[%dma_start3A_70, %dma_start3A_71, %dma_start3A_72] : memref<8x128x32xf32, #tpu.memory_space<vmem>> -> memref<1x128x32xf32, #tpu.memory_space<vmem>>
    %dma_start3A_74 = tpu.memref_squeeze %dma_start3A_73 : memref<1x128x32xf32, #tpu.memory_space<vmem>> -> memref<128x32xf32, #tpu.memory_space<vmem>>
    %dma_start3A_75 = arith.constant 128 : i32
    %dma_start3A_76 = tpu.memref_slice %arg5[%dma_start3A_69, %dma_start3A_75] : memref<50x512xi32, #tpu.memory_space<vmem>> -> memref<1x128xi32, #tpu.memory_space<vmem>>
    %dma_start3A_77 = tpu.memref_squeeze %dma_start3A_76 : memref<1x128xi32, #tpu.memory_space<vmem>> -> memref<128xi32, #tpu.memory_space<vmem>>
    %dma_start3A_78 = arith.constant 0 : i32
    %dma_start3A_79 = arith.constant 0 : i32
    %dma_start3A_80 = tpu.memref_slice %arg2[%dma_start3A_78, %dma_start3A_79] : memref<1000000x32xf32, #tpu.memory_space<hbm>> -> memref<1000000x32xf32, #tpu.memory_space<hbm>>
    tpu.enqueue_indirect_dma source(%dma_start3A_80 : memref<1000000x32xf32, #tpu.memory_space<hbm>>) target(%dma_start3A_74 : memref<128x32xf32, #tpu.memory_space<vmem>>) offsets(%dma_start3A_77 : memref<128xi32, #tpu.memory_space<vmem>>) semaphore(%arg13 : memref<!tpu.dma_semaphore, #tpu.memory_space<semaphore_mem>>)
    %dma_start3A_81 = arith.constant 1 : i32
    %dma_start3A_82 = arith.constant 6 : i32
    %dma_start3A_83 = arith.constant 0 : i32
    %dma_start3A_84 = arith.constant 0 : i32
    %dma_start3A_85 = tpu.memref_slice %arg6[%dma_start3A_82, %dma_start3A_83, %dma_start3A_84] : memref<8x128x32xf32, #tpu.memory_space<vmem>> -> memref<1x128x32xf32, #tpu.memory_space<vmem>>
    %dma_start3A_86 = tpu.memref_squeeze %dma_start3A_85 : memref<1x128x32xf32, #tpu.memory_space<vmem>> -> memref<128x32xf32, #tpu.memory_space<vmem>>
    %dma_start3A_87 = arith.constant 256 : i32
    %dma_start3A_88 = tpu.memref_slice %arg5[%dma_start3A_81, %dma_start3A_87] : memref<50x512xi32, #tpu.memory_space<vmem>> -> memref<1x128xi32, #tpu.memory_space<vmem>>
    %dma_start3A_89 = tpu.memref_squeeze %dma_start3A_88 : memref<1x128xi32, #tpu.memory_space<vmem>> -> memref<128xi32, #tpu.memory_space<vmem>>
    %dma_start3A_90 = arith.constant 0 : i32
    %dma_start3A_91 = arith.constant 0 : i32
    %dma_start3A_92 = tpu.memref_slice %arg2[%dma_start3A_90, %dma_start3A_91] : memref<1000000x32xf32, #tpu.memory_space<hbm>> -> memref<1000000x32xf32, #tpu.memory_space<hbm>>
    tpu.enqueue_indirect_dma source(%dma_start3A_92 : memref<1000000x32xf32, #tpu.memory_space<hbm>>) target(%dma_start3A_86 : memref<128x32xf32, #tpu.memory_space<vmem>>) offsets(%dma_start3A_89 : memref<128xi32, #tpu.memory_space<vmem>>) semaphore(%arg14 : memref<!tpu.dma_semaphore, #tpu.memory_space<semaphore_mem>>)
    %dma_start3A_93 = arith.constant 1 : i32
    %dma_start3A_94 = arith.constant 7 : i32
    %dma_start3A_95 = arith.constant 0 : i32
    %dma_start3A_96 = arith.constant 0 : i32
    %dma_start3A_97 = tpu.memref_slice %arg6[%dma_start3A_94, %dma_start3A_95, %dma_start3A_96] : memref<8x128x32xf32, #tpu.memory_space<vmem>> -> memref<1x128x32xf32, #tpu.memory_space<vmem>>
    %dma_start3A_98 = tpu.memref_squeeze %dma_start3A_97 : memref<1x128x32xf32, #tpu.memory_space<vmem>> -> memref<128x32xf32, #tpu.memory_space<vmem>>
    %dma_start3A_99 = arith.constant 384 : i32
    %dma_start3A_100 = tpu.memref_slice %arg5[%dma_start3A_93, %dma_start3A_99] : memref<50x512xi32, #tpu.memory_space<vmem>> -> memref<1x128xi32, #tpu.memory_space<vmem>>
    %dma_start3A_101 = tpu.memref_squeeze %dma_start3A_100 : memref<1x128xi32, #tpu.memory_space<vmem>> -> memref<128xi32, #tpu.memory_space<vmem>>
    %dma_start3A_102 = arith.constant 0 : i32
    %dma_start3A_103 = arith.constant 0 : i32
    %dma_start3A_104 = tpu.memref_slice %arg2[%dma_start3A_102, %dma_start3A_103] : memref<1000000x32xf32, #tpu.memory_space<hbm>> -> memref<1000000x32xf32, #tpu.memory_space<hbm>>
    tpu.enqueue_indirect_dma source(%dma_start3A_104 : memref<1000000x32xf32, #tpu.memory_space<hbm>>) target(%dma_start3A_98 : memref<128x32xf32, #tpu.memory_space<vmem>>) offsets(%dma_start3A_101 : memref<128xi32, #tpu.memory_space<vmem>>) semaphore(%arg15 : memref<!tpu.dma_semaphore, #tpu.memory_space<semaphore_mem>>)
    %scan3A = arith.constant 0 : i32
    %scan3A_105 = arith.constant 0 : i32
    %scan3A_106 = arith.constant 25 : i32
    %scan3A_107 = arith.addi %scan3A_105, %scan3A_106 : i32
    %scan3A_108 = arith.constant 1 : i32
    scf.for %scan3A_389 = %scan3A_105 to %scan3A_107 step %scan3A_108  : i32 {
      %mul3A_390 = arith.constant 2 : i32
      %mul3A_391 = arith.muli %mul3A_390, %scan3A_389 : i32
      %add3A_392 = arith.constant 0 : i32
      %add3A_393 = arith.addi %mul3A_391, %add3A_392 : i32
      %add3A_394 = arith.constant 2 : i32
      %add3A_395 = arith.addi %add3A_393, %add3A_394 : i32
      %min3A = arith.constant 49 : i32
      %min3A_396 = arith.minsi %add3A_395, %min3A : i32
      %dma_wait3A_397 = arith.constant 0 : i32
      %dma_wait3A_398 = arith.constant 0 : i32
      %dma_wait3A_399 = arith.constant 0 : i32
      %dma_wait3A_400 = arith.constant 0 : i32
      %dma_wait3A_401 = tpu.memref_slice %arg6[%dma_wait3A_398, %dma_wait3A_399, %dma_wait3A_400] : memref<8x128x32xf32, #tpu.memory_space<vmem>> -> memref<1x128x32xf32, #tpu.memory_space<vmem>>
      %dma_wait3A_402 = tpu.memref_squeeze %dma_wait3A_401 : memref<1x128x32xf32, #tpu.memory_space<vmem>> -> memref<128x32xf32, #tpu.memory_space<vmem>>
      %dma_wait3A_403 = arith.constant 0 : i32
      %dma_wait3A_404 = tpu.memref_slice %arg5[%dma_wait3A_397, %dma_wait3A_403] : memref<50x512xi32, #tpu.memory_space<vmem>> -> memref<1x128xi32, #tpu.memory_space<vmem>>
      %dma_wait3A_405 = tpu.memref_squeeze %dma_wait3A_404 : memref<1x128xi32, #tpu.memory_space<vmem>> -> memref<128xi32, #tpu.memory_space<vmem>>
      %dma_wait3A_406 = arith.constant 0 : i32
      %dma_wait3A_407 = arith.constant 0 : i32
      %dma_wait3A_408 = tpu.memref_slice %arg2[%dma_wait3A_406, %dma_wait3A_407] : memref<1000000x32xf32, #tpu.memory_space<hbm>> -> memref<1000000x32xf32, #tpu.memory_space<hbm>>
      tpu.wait_indirect_dma semaphore(%arg8 : memref<!tpu.dma_semaphore, #tpu.memory_space<semaphore_mem>>) src(%dma_wait3A_408 : memref<1000000x32xf32, #tpu.memory_space<hbm>>) dst(%dma_wait3A_402 : memref<128x32xf32, #tpu.memory_space<vmem>>)
      %gt3A = arith.constant 0 : i32
      %gt3A_409 = arith.cmpi sgt, %scan3A_389, %gt3A : i32
      %convert_element_type3A = arith.extui %gt3A_409 : i1 to i32
      %cond3A = arith.constant 0 : i32
      %cond3A_410 = arith.cmpi ne, %convert_element_type3A, %cond3A : i32
      scf.if %cond3A_410 {
        %dma_wait3A_899 = arith.constant 0 : i32
        %dma_wait3A_900 = arith.constant 0 : i32
        %dma_wait3A_901 = arith.constant 0 : i32
        %dma_wait3A_902 = arith.constant 0 : i32
        %dma_wait3A_903 = arith.constant 0 : i32
        %dma_wait3A_904 = arith.constant 0 : i32
        %dma_wait3A_905 = tpu.memref_slice %arg7[%dma_wait3A_899, %dma_wait3A_902, %dma_wait3A_903, %dma_wait3A_904] : memref<8x4x8x128xf32, #tpu.memory_space<vmem>> -> memref<1x4x8x128xf32, #tpu.memory_space<vmem>>
        %dma_wait3A_906 = tpu.memref_squeeze %dma_wait3A_905 : memref<1x4x8x128xf32, #tpu.memory_space<vmem>> -> memref<4x8x128xf32, #tpu.memory_space<vmem>>
        %dma_wait3A_907 = arith.constant 0 : i32
        %dma_wait3A_908 = arith.constant 0 : i32
        %dma_wait3A_909 = arith.constant 0 : i32
        %dma_wait3A_910 = tpu.memref_slice %arg4[%dma_wait3A_900, %dma_wait3A_907, %dma_wait3A_901, %dma_wait3A_908, %dma_wait3A_909] : memref<50x4x128x8x128xf32, #tpu.memory_space<hbm>> -> memref<1x4x1x8x128xf32, #tpu.memory_space<hbm>>
        %dma_wait3A_911 = tpu.memref_squeeze %dma_wait3A_910 : memref<1x4x1x8x128xf32, #tpu.memory_space<hbm>> -> memref<4x8x128xf32, #tpu.memory_space<hbm>>
        %dma_wait3A_912 = arith.constant 0 : i32
        %dma_wait3A_913 = arith.constant 0 : i32
        %dma_wait3A_914 = arith.constant 0 : i32
        %dma_wait3A_915 = tpu.memref_slice %arg4[%dma_wait3A_900, %dma_wait3A_912, %dma_wait3A_901, %dma_wait3A_913, %dma_wait3A_914] : memref<50x4x128x8x128xf32, #tpu.memory_space<hbm>> -> memref<1x4x1x8x128xf32, #tpu.memory_space<hbm>>
        %dma_wait3A_916 = tpu.memref_squeeze %dma_wait3A_915 : memref<1x4x1x8x128xf32, #tpu.memory_space<hbm>> -> memref<4x8x128xf32, #tpu.memory_space<hbm>>
        %dma_wait3A_917 = arith.constant 0 : i32
        %dma_wait3A_918 = arith.constant 0 : i32
        %dma_wait3A_919 = arith.constant 0 : i32
        %dma_wait3A_920 = tpu.memref_slice %arg7[%dma_wait3A_899, %dma_wait3A_917, %dma_wait3A_918, %dma_wait3A_919] : memref<8x4x8x128xf32, #tpu.memory_space<vmem>> -> memref<1x4x8x128xf32, #tpu.memory_space<vmem>>
        %dma_wait3A_921 = tpu.memref_squeeze %dma_wait3A_920 : memref<1x4x8x128xf32, #tpu.memory_space<vmem>> -> memref<4x8x128xf32, #tpu.memory_space<vmem>>
        tpu.wait_dma2 semaphore(%arg16 : memref<!tpu.dma_semaphore, #tpu.memory_space<semaphore_mem>>) src(%dma_wait3A_921 : memref<4x8x128xf32, #tpu.memory_space<vmem>>) dst(%dma_wait3A_916 : memref<4x8x128xf32, #tpu.memory_space<hbm>>)
      } else {
      }
      %parallel_loop3A = arith.constant 0 : i32
      %parallel_loop3A_411 = arith.constant 128 : i32
      %parallel_loop3A_412 = arith.constant 1 : i32
      %parallel_loop3A_413 = arith.constant 0 : i32
      %parallel_loop3A_414 = arith.constant 0 : i32
      scf.for %parallel_loop3A_899 = %parallel_loop3A to %parallel_loop3A_411 step %parallel_loop3A_412  : i32 {
        %parallel_loop3A_900 = arith.constant 0 : i32
        %parallel_loop3A_901 = vector.broadcast %parallel_loop3A_900 : i32 to vector<16xi32>
        %parallel_loop3A_902 = vector.broadcast %parallel_loop3A_899 : i32 to vector<16xi32>
        %parallel_loop3A_903 = arith.addi %parallel_loop3A_901, %parallel_loop3A_902 : vector<16xi32>
        %parallel_loop3A_904 = arith.constant 0 : i32
        %parallel_loop3A_905 = arith.constant 0 : i32
        %parallel_loop3A_906 = tpu.memref_slice %arg6[%parallel_loop3A_413, %parallel_loop3A_904, %parallel_loop3A_905] : memref<8x128x32xf32, #tpu.memory_space<vmem>> -> memref<1x128x32xf32, #tpu.memory_space<vmem>>
        %parallel_loop3A_907 = tpu.memref_squeeze %parallel_loop3A_906 : memref<1x128x32xf32, #tpu.memory_space<vmem>> -> memref<128x32xf32, #tpu.memory_space<vmem>>
        %parallel_loop3A_908 = arith.index_cast %parallel_loop3A_899 : i32 to index
        %parallel_loop3A_909 = arith.constant 0 : index
        %parallel_loop3A_910 = tpu.vector_load %parallel_loop3A_907[%parallel_loop3A_908, %parallel_loop3A_909] {strides = array<i32>} : memref<128x32xf32, #tpu.memory_space<vmem>>, vector<16xf32>,
        %parallel_loop3A_911 = arith.constant 0 : i32
        %parallel_loop3A_912 = arith.constant 0 : i32
        %parallel_loop3A_913 = tpu.memref_slice %arg6[%parallel_loop3A_413, %parallel_loop3A_911, %parallel_loop3A_912] : memref<8x128x32xf32, #tpu.memory_space<vmem>> -> memref<1x128x32xf32, #tpu.memory_space<vmem>>
        %parallel_loop3A_914 = tpu.memref_squeeze %parallel_loop3A_913 : memref<1x128x32xf32, #tpu.memory_space<vmem>> -> memref<128x32xf32, #tpu.memory_space<vmem>>
        %parallel_loop3A_915 = arith.index_cast %parallel_loop3A_899 : i32 to index
        %parallel_loop3A_916 = arith.constant 16 : index
        %parallel_loop3A_917 = tpu.vector_load %parallel_loop3A_914[%parallel_loop3A_915, %parallel_loop3A_916] {strides = array<i32>} : memref<128x32xf32, #tpu.memory_space<vmem>>, vector<16xf32>,
        %parallel_loop3A_918 = arith.constant 0 : i32
        %parallel_loop3A_919 = arith.constant 0 : i32
        %parallel_loop3A_920 = arith.constant 0 : i32
        %parallel_loop3A_921 = tpu.memref_slice %arg7[%parallel_loop3A_414, %parallel_loop3A_918, %parallel_loop3A_919, %parallel_loop3A_920] : memref<8x4x8x128xf32, #tpu.memory_space<vmem>> -> memref<1x4x8x128xf32, #tpu.memory_space<vmem>>
        %parallel_loop3A_922 = tpu.memref_squeeze %parallel_loop3A_921 : memref<1x4x8x128xf32, #tpu.memory_space<vmem>> -> memref<4x8x128xf32, #tpu.memory_space<vmem>>
        tpu.vector_store_idx %parallel_loop3A_922[%shift_right_arithmetic3A_4, %and3A_9, %parallel_loop3A_903], %parallel_loop3A_910 : memref<4x8x128xf32, #tpu.memory_space<vmem>>[vector<16xi32>, vector<16xi32>, vector<16xi32>], vector<16xf32>,
        %parallel_loop3A_923 = arith.constant 0 : i32
        %parallel_loop3A_924 = arith.constant 0 : i32
        %parallel_loop3A_925 = arith.constant 0 : i32
        %parallel_loop3A_926 = tpu.memref_slice %arg7[%parallel_loop3A_414, %parallel_loop3A_923, %parallel_loop3A_924, %parallel_loop3A_925] : memref<8x4x8x128xf32, #tpu.memory_space<vmem>> -> memref<1x4x8x128xf32, #tpu.memory_space<vmem>>
        %parallel_loop3A_927 = tpu.memref_squeeze %parallel_loop3A_926 : memref<1x4x8x128xf32, #tpu.memory_space<vmem>> -> memref<4x8x128xf32, #tpu.memory_space<vmem>>
        tpu.vector_store_idx %parallel_loop3A_927[%add3A_7, %and3A_9, %parallel_loop3A_903], %parallel_loop3A_917 : memref<4x8x128xf32, #tpu.memory_space<vmem>>[vector<16xi32>, vector<16xi32>, vector<16xi32>], vector<16xf32>,
      } {sc.loop_unroll_factor = 16 : i64, sc.parallel_access}
      %dma_start3A_415 = arith.constant 0 : i32
      %dma_start3A_416 = arith.constant 0 : i32
      %dma_start3A_417 = arith.constant 0 : i32
      %dma_start3A_418 = tpu.memref_slice %arg6[%dma_start3A_415, %dma_start3A_416, %dma_start3A_417] : memref<8x128x32xf32, #tpu.memory_space<vmem>> -> memref<1x128x32xf32, #tpu.memory_space<vmem>>
      %dma_start3A_419 = tpu.memref_squeeze %dma_start3A_418 : memref<1x128x32xf32, #tpu.memory_space<vmem>> -> memref<128x32xf32, #tpu.memory_space<vmem>>
      %dma_start3A_420 = arith.constant 0 : i32
      %dma_start3A_421 = tpu.memref_slice %arg5[%min3A_396, %dma_start3A_420] : memref<50x512xi32, #tpu.memory_space<vmem>> -> memref<1x128xi32, #tpu.memory_space<vmem>>
      %dma_start3A_422 = tpu.memref_squeeze %dma_start3A_421 : memref<1x128xi32, #tpu.memory_space<vmem>> -> memref<128xi32, #tpu.memory_space<vmem>>
      %dma_start3A_423 = arith.constant 0 : i32
      %dma_start3A_424 = arith.constant 0 : i32
      %dma_start3A_425 = tpu.memref_slice %arg2[%dma_start3A_423, %dma_start3A_424] : memref<1000000x32xf32, #tpu.memory_space<hbm>> -> memref<1000000x32xf32, #tpu.memory_space<hbm>>
      tpu.enqueue_indirect_dma source(%dma_start3A_425 : memref<1000000x32xf32, #tpu.memory_space<hbm>>) target(%dma_start3A_419 : memref<128x32xf32, #tpu.memory_space<vmem>>) offsets(%dma_start3A_422 : memref<128xi32, #tpu.memory_space<vmem>>) semaphore(%arg8 : memref<!tpu.dma_semaphore, #tpu.memory_space<semaphore_mem>>)
      %mul3A_426 = arith.constant 4 : i32
      %mul3A_427 = arith.muli %add3A, %mul3A_426 : i32
      %add3A_428 = arith.constant 0 : i32
      %add3A_429 = arith.addi %mul3A_427, %add3A_428 : i32
      %dma_start3A_430 = arith.constant 0 : i32
      %dma_start3A_431 = arith.constant 0 : i32
      %dma_start3A_432 = arith.constant 0 : i32
      %dma_start3A_433 = arith.constant 0 : i32
      %dma_start3A_434 = tpu.memref_slice %arg7[%dma_start3A_430, %dma_start3A_431, %dma_start3A_432, %dma_start3A_433] : memref<8x4x8x128xf32, #tpu.memory_space<vmem>> -> memref<1x4x8x128xf32, #tpu.memory_space<vmem>>
      %dma_start3A_435 = tpu.memref_squeeze %dma_start3A_434 : memref<1x4x8x128xf32, #tpu.memory_space<vmem>> -> memref<4x8x128xf32, #tpu.memory_space<vmem>>
      %dma_start3A_436 = arith.constant 0 : i32
      %dma_start3A_437 = arith.constant 0 : i32
      %dma_start3A_438 = arith.constant 0 : i32
      %dma_start3A_439 = tpu.memref_slice %arg4[%add3A_393, %dma_start3A_436, %add3A_429, %dma_start3A_437, %dma_start3A_438] : memref<50x4x128x8x128xf32, #tpu.memory_space<hbm>> -> memref<1x4x1x8x128xf32, #tpu.memory_space<hbm>>
      %dma_start3A_440 = tpu.memref_squeeze %dma_start3A_439 : memref<1x4x1x8x128xf32, #tpu.memory_space<hbm>> -> memref<4x8x128xf32, #tpu.memory_space<hbm>>
      %dma_start3A_441 = arith.constant 0 : i32
      %dma_start3A_442 = arith.constant 0 : i32
      %dma_start3A_443 = arith.constant 0 : i32
      %dma_start3A_444 = tpu.memref_slice %arg4[%add3A_393, %dma_start3A_441, %add3A_429, %dma_start3A_442, %dma_start3A_443] : memref<50x4x128x8x128xf32, #tpu.memory_space<hbm>> -> memref<1x4x1x8x128xf32, #tpu.memory_space<hbm>>
      %dma_start3A_445 = tpu.memref_squeeze %dma_start3A_444 : memref<1x4x1x8x128xf32, #tpu.memory_space<hbm>> -> memref<4x8x128xf32, #tpu.memory_space<hbm>>
      %dma_start3A_446 = arith.constant 0 : i32
      %dma_start3A_447 = arith.constant 0 : i32
      %dma_start3A_448 = arith.constant 0 : i32
      %dma_start3A_449 = tpu.memref_slice %arg7[%dma_start3A_430, %dma_start3A_446, %dma_start3A_447, %dma_start3A_448] : memref<8x4x8x128xf32, #tpu.memory_space<vmem>> -> memref<1x4x8x128xf32, #tpu.memory_space<vmem>>
      %dma_start3A_450 = tpu.memref_squeeze %dma_start3A_449 : memref<1x4x8x128xf32, #tpu.memory_space<vmem>> -> memref<4x8x128xf32, #tpu.memory_space<vmem>>
      tpu.enqueue_dma source(%dma_start3A_450 : memref<4x8x128xf32, #tpu.memory_space<vmem>>) target(%dma_start3A_445 : memref<4x8x128xf32, #tpu.memory_space<hbm>>) target_semaphore(%arg16 : memref<!tpu.dma_semaphore, #tpu.memory_space<semaphore_mem>>)
      %add3A_451 = arith.constant 0 : i32
      %add3A_452 = arith.addi %mul3A_391, %add3A_451 : i32
      %add3A_453 = arith.constant 2 : i32
      %add3A_454 = arith.addi %add3A_452, %add3A_453 : i32
      %min3A_455 = arith.constant 49 : i32
      %min3A_456 = arith.minsi %add3A_454, %min3A_455 : i32
      %dma_wait3A_457 = arith.constant 0 : i32
      %dma_wait3A_458 = arith.constant 1 : i32
      %dma_wait3A_459 = arith.constant 0 : i32
      %dma_wait3A_460 = arith.constant 0 : i32
      %dma_wait3A_461 = tpu.memref_slice %arg6[%dma_wait3A_458, %dma_wait3A_459, %dma_wait3A_460] : memref<8x128x32xf32, #tpu.memory_space<vmem>> -> memref<1x128x32xf32, #tpu.memory_space<vmem>>
      %dma_wait3A_462 = tpu.memref_squeeze %dma_wait3A_461 : memref<1x128x32xf32, #tpu.memory_space<vmem>> -> memref<128x32xf32, #tpu.memory_space<vmem>>
      %dma_wait3A_463 = arith.constant 0 : i32
      %dma_wait3A_464 = tpu.memref_slice %arg5[%dma_wait3A_457, %dma_wait3A_463] : memref<50x512xi32, #tpu.memory_space<vmem>> -> memref<1x128xi32, #tpu.memory_space<vmem>>
      %dma_wait3A_465 = tpu.memref_squeeze %dma_wait3A_464 : memref<1x128xi32, #tpu.memory_space<vmem>> -> memref<128xi32, #tpu.memory_space<vmem>>
      %dma_wait3A_466 = arith.constant 0 : i32
      %dma_wait3A_467 = arith.constant 0 : i32
      %dma_wait3A_468 = tpu.memref_slice %arg2[%dma_wait3A_466, %dma_wait3A_467] : memref<1000000x32xf32, #tpu.memory_space<hbm>> -> memref<1000000x32xf32, #tpu.memory_space<hbm>>
      tpu.wait_indirect_dma semaphore(%arg9 : memref<!tpu.dma_semaphore, #tpu.memory_space<semaphore_mem>>) src(%dma_wait3A_468 : memref<1000000x32xf32, #tpu.memory_space<hbm>>) dst(%dma_wait3A_462 : memref<128x32xf32, #tpu.memory_space<vmem>>)
      %gt3A_469 = arith.constant 0 : i32
      %gt3A_470 = arith.cmpi sgt, %scan3A_389, %gt3A_469 : i32
      %convert_element_type3A_471 = arith.extui %gt3A_470 : i1 to i32
      %cond3A_472 = arith.constant 0 : i32
      %cond3A_473 = arith.cmpi ne, %convert_element_type3A_471, %cond3A_472 : i32
      scf.if %cond3A_473 {
        %dma_wait3A_899 = arith.constant 1 : i32
        %dma_wait3A_900 = arith.constant 0 : i32
        %dma_wait3A_901 = arith.constant 0 : i32
        %dma_wait3A_902 = arith.constant 0 : i32
        %dma_wait3A_903 = arith.constant 0 : i32
        %dma_wait3A_904 = arith.constant 0 : i32
        %dma_wait3A_905 = tpu.memref_slice %arg7[%dma_wait3A_899, %dma_wait3A_902, %dma_wait3A_903, %dma_wait3A_904] : memref<8x4x8x128xf32, #tpu.memory_space<vmem>> -> memref<1x4x8x128xf32, #tpu.memory_space<vmem>>
        %dma_wait3A_906 = tpu.memref_squeeze %dma_wait3A_905 : memref<1x4x8x128xf32, #tpu.memory_space<vmem>> -> memref<4x8x128xf32, #tpu.memory_space<vmem>>
        %dma_wait3A_907 = arith.constant 0 : i32
        %dma_wait3A_908 = arith.constant 0 : i32
        %dma_wait3A_909 = arith.constant 0 : i32
        %dma_wait3A_910 = tpu.memref_slice %arg4[%dma_wait3A_900, %dma_wait3A_907, %dma_wait3A_901, %dma_wait3A_908, %dma_wait3A_909] : memref<50x4x128x8x128xf32, #tpu.memory_space<hbm>> -> memref<1x4x1x8x128xf32, #tpu.memory_space<hbm>>
        %dma_wait3A_911 = tpu.memref_squeeze %dma_wait3A_910 : memref<1x4x1x8x128xf32, #tpu.memory_space<hbm>> -> memref<4x8x128xf32, #tpu.memory_space<hbm>>
        %dma_wait3A_912 = arith.constant 0 : i32
        %dma_wait3A_913 = arith.constant 0 : i32
        %dma_wait3A_914 = arith.constant 0 : i32
        %dma_wait3A_915 = tpu.memref_slice %arg4[%dma_wait3A_900, %dma_wait3A_912, %dma_wait3A_901, %dma_wait3A_913, %dma_wait3A_914] : memref<50x4x128x8x128xf32, #tpu.memory_space<hbm>> -> memref<1x4x1x8x128xf32, #tpu.memory_space<hbm>>
        %dma_wait3A_916 = tpu.memref_squeeze %dma_wait3A_915 : memref<1x4x1x8x128xf32, #tpu.memory_space<hbm>> -> memref<4x8x128xf32, #tpu.memory_space<hbm>>
        %dma_wait3A_917 = arith.constant 0 : i32
        %dma_wait3A_918 = arith.constant 0 : i32
        %dma_wait3A_919 = arith.constant 0 : i32
        %dma_wait3A_920 = tpu.memref_slice %arg7[%dma_wait3A_899, %dma_wait3A_917, %dma_wait3A_918, %dma_wait3A_919] : memref<8x4x8x128xf32, #tpu.memory_space<vmem>> -> memref<1x4x8x128xf32, #tpu.memory_space<vmem>>
        %dma_wait3A_921 = tpu.memref_squeeze %dma_wait3A_920 : memref<1x4x8x128xf32, #tpu.memory_space<vmem>> -> memref<4x8x128xf32, #tpu.memory_space<vmem>>
        tpu.wait_dma2 semaphore(%arg17 : memref<!tpu.dma_semaphore, #tpu.memory_space<semaphore_mem>>) src(%dma_wait3A_921 : memref<4x8x128xf32, #tpu.memory_space<vmem>>) dst(%dma_wait3A_916 : memref<4x8x128xf32, #tpu.memory_space<hbm>>)
      } else {
      }
      %parallel_loop3A_474 = arith.constant 0 : i32
      %parallel_loop3A_475 = arith.constant 128 : i32
      %parallel_loop3A_476 = arith.constant 1 : i32
      %parallel_loop3A_477 = arith.constant 1 : i32
      %parallel_loop3A_478 = arith.constant 1 : i32
      scf.for %parallel_loop3A_899 = %parallel_loop3A_474 to %parallel_loop3A_475 step %parallel_loop3A_476  : i32 {
        %parallel_loop3A_900 = arith.constant 0 : i32
        %parallel_loop3A_901 = vector.broadcast %parallel_loop3A_900 : i32 to vector<16xi32>
        %parallel_loop3A_902 = vector.broadcast %parallel_loop3A_899 : i32 to vector<16xi32>
        %parallel_loop3A_903 = arith.addi %parallel_loop3A_901, %parallel_loop3A_902 : vector<16xi32>
        %parallel_loop3A_904 = arith.constant 0 : i32
        %parallel_loop3A_905 = arith.constant 0 : i32
        %parallel_loop3A_906 = tpu.memref_slice %arg6[%parallel_loop3A_477, %parallel_loop3A_904, %parallel_loop3A_905] : memref<8x128x32xf32, #tpu.memory_space<vmem>> -> memref<1x128x32xf32, #tpu.memory_space<vmem>>
        %parallel_loop3A_907 = tpu.memref_squeeze %parallel_loop3A_906 : memref<1x128x32xf32, #tpu.memory_space<vmem>> -> memref<128x32xf32, #tpu.memory_space<vmem>>
        %parallel_loop3A_908 = arith.index_cast %parallel_loop3A_899 : i32 to index
        %parallel_loop3A_909 = arith.constant 0 : index
        %parallel_loop3A_910 = tpu.vector_load %parallel_loop3A_907[%parallel_loop3A_908, %parallel_loop3A_909] {strides = array<i32>} : memref<128x32xf32, #tpu.memory_space<vmem>>, vector<16xf32>,
        %parallel_loop3A_911 = arith.constant 0 : i32
        %parallel_loop3A_912 = arith.constant 0 : i32
        %parallel_loop3A_913 = tpu.memref_slice %arg6[%parallel_loop3A_477, %parallel_loop3A_911, %parallel_loop3A_912] : memref<8x128x32xf32, #tpu.memory_space<vmem>> -> memref<1x128x32xf32, #tpu.memory_space<vmem>>
        %parallel_loop3A_914 = tpu.memref_squeeze %parallel_loop3A_913 : memref<1x128x32xf32, #tpu.memory_space<vmem>> -> memref<128x32xf32, #tpu.memory_space<vmem>>
        %parallel_loop3A_915 = arith.index_cast %parallel_loop3A_899 : i32 to index
        %parallel_loop3A_916 = arith.constant 16 : index
        %parallel_loop3A_917 = tpu.vector_load %parallel_loop3A_914[%parallel_loop3A_915, %parallel_loop3A_916] {strides = array<i32>} : memref<128x32xf32, #tpu.memory_space<vmem>>, vector<16xf32>,
        %parallel_loop3A_918 = arith.constant 0 : i32
        %parallel_loop3A_919 = arith.constant 0 : i32
        %parallel_loop3A_920 = arith.constant 0 : i32
        %parallel_loop3A_921 = tpu.memref_slice %arg7[%parallel_loop3A_478, %parallel_loop3A_918, %parallel_loop3A_919, %parallel_loop3A_920] : memref<8x4x8x128xf32, #tpu.memory_space<vmem>> -> memref<1x4x8x128xf32, #tpu.memory_space<vmem>>
        %parallel_loop3A_922 = tpu.memref_squeeze %parallel_loop3A_921 : memref<1x4x8x128xf32, #tpu.memory_space<vmem>> -> memref<4x8x128xf32, #tpu.memory_space<vmem>>
        tpu.vector_store_idx %parallel_loop3A_922[%shift_right_arithmetic3A_4, %and3A_9, %parallel_loop3A_903], %parallel_loop3A_910 : memref<4x8x128xf32, #tpu.memory_space<vmem>>[vector<16xi32>, vector<16xi32>, vector<16xi32>], vector<16xf32>,
        %parallel_loop3A_923 = arith.constant 0 : i32
        %parallel_loop3A_924 = arith.constant 0 : i32
        %parallel_loop3A_925 = arith.constant 0 : i32
        %parallel_loop3A_926 = tpu.memref_slice %arg7[%parallel_loop3A_478, %parallel_loop3A_923, %parallel_loop3A_924, %parallel_loop3A_925] : memref<8x4x8x128xf32, #tpu.memory_space<vmem>> -> memref<1x4x8x128xf32, #tpu.memory_space<vmem>>
        %parallel_loop3A_927 = tpu.memref_squeeze %parallel_loop3A_926 : memref<1x4x8x128xf32, #tpu.memory_space<vmem>> -> memref<4x8x128xf32, #tpu.memory_space<vmem>>
        tpu.vector_store_idx %parallel_loop3A_927[%add3A_7, %and3A_9, %parallel_loop3A_903], %parallel_loop3A_917 : memref<4x8x128xf32, #tpu.memory_space<vmem>>[vector<16xi32>, vector<16xi32>, vector<16xi32>], vector<16xf32>,
      } {sc.loop_unroll_factor = 16 : i64, sc.parallel_access}
      %dma_start3A_479 = arith.constant 1 : i32
      %dma_start3A_480 = arith.constant 0 : i32
      %dma_start3A_481 = arith.constant 0 : i32
      %dma_start3A_482 = tpu.memref_slice %arg6[%dma_start3A_479, %dma_start3A_480, %dma_start3A_481] : memref<8x128x32xf32, #tpu.memory_space<vmem>> -> memref<1x128x32xf32, #tpu.memory_space<vmem>>
      %dma_start3A_483 = tpu.memref_squeeze %dma_start3A_482 : memref<1x128x32xf32, #tpu.memory_space<vmem>> -> memref<128x32xf32, #tpu.memory_space<vmem>>
      %dma_start3A_484 = arith.constant 128 : i32
      %dma_start3A_485 = tpu.memref_slice %arg5[%min3A_456, %dma_start3A_484] : memref<50x512xi32, #tpu.memory_space<vmem>> -> memref<1x128xi32, #tpu.memory_space<vmem>>
      %dma_start3A_486 = tpu.memref_squeeze %dma_start3A_485 : memref<1x128xi32, #tpu.memory_space<vmem>> -> memref<128xi32, #tpu.memory_space<vmem>>
      %dma_start3A_487 = arith.constant 0 : i32
      %dma_start3A_488 = arith.constant 0 : i32
      %dma_start3A_489 = tpu.memref_slice %arg2[%dma_start3A_487, %dma_start3A_488] : memref<1000000x32xf32, #tpu.memory_space<hbm>> -> memref<1000000x32xf32, #tpu.memory_space<hbm>>
      tpu.enqueue_indirect_dma source(%dma_start3A_489 : memref<1000000x32xf32, #tpu.memory_space<hbm>>) target(%dma_start3A_483 : memref<128x32xf32, #tpu.memory_space<vmem>>) offsets(%dma_start3A_486 : memref<128xi32, #tpu.memory_space<vmem>>) semaphore(%arg9 : memref<!tpu.dma_semaphore, #tpu.memory_space<semaphore_mem>>)
      %mul3A_490 = arith.constant 4 : i32
      %mul3A_491 = arith.muli %add3A, %mul3A_490 : i32
      %add3A_492 = arith.constant 1 : i32
      %add3A_493 = arith.addi %mul3A_491, %add3A_492 : i32
      %dma_start3A_494 = arith.constant 1 : i32
      %dma_start3A_495 = arith.constant 0 : i32
      %dma_start3A_496 = arith.constant 0 : i32
      %dma_start3A_497 = arith.constant 0 : i32
      %dma_start3A_498 = tpu.memref_slice %arg7[%dma_start3A_494, %dma_start3A_495, %dma_start3A_496, %dma_start3A_497] : memref<8x4x8x128xf32, #tpu.memory_space<vmem>> -> memref<1x4x8x128xf32, #tpu.memory_space<vmem>>
      %dma_start3A_499 = tpu.memref_squeeze %dma_start3A_498 : memref<1x4x8x128xf32, #tpu.memory_space<vmem>> -> memref<4x8x128xf32, #tpu.memory_space<vmem>>
      %dma_start3A_500 = arith.constant 0 : i32
      %dma_start3A_501 = arith.constant 0 : i32
      %dma_start3A_502 = arith.constant 0 : i32
      %dma_start3A_503 = tpu.memref_slice %arg4[%add3A_452, %dma_start3A_500, %add3A_493, %dma_start3A_501, %dma_start3A_502] : memref<50x4x128x8x128xf32, #tpu.memory_space<hbm>> -> memref<1x4x1x8x128xf32, #tpu.memory_space<hbm>>
      %dma_start3A_504 = tpu.memref_squeeze %dma_start3A_503 : memref<1x4x1x8x128xf32, #tpu.memory_space<hbm>> -> memref<4x8x128xf32, #tpu.memory_space<hbm>>
      %dma_start3A_505 = arith.constant 0 : i32
      %dma_start3A_506 = arith.constant 0 : i32
      %dma_start3A_507 = arith.constant 0 : i32
      %dma_start3A_508 = tpu.memref_slice %arg4[%add3A_452, %dma_start3A_505, %add3A_493, %dma_start3A_506, %dma_start3A_507] : memref<50x4x128x8x128xf32, #tpu.memory_space<hbm>> -> memref<1x4x1x8x128xf32, #tpu.memory_space<hbm>>
      %dma_start3A_509 = tpu.memref_squeeze %dma_start3A_508 : memref<1x4x1x8x128xf32, #tpu.memory_space<hbm>> -> memref<4x8x128xf32, #tpu.memory_space<hbm>>
      %dma_start3A_510 = arith.constant 0 : i32
      %dma_start3A_511 = arith.constant 0 : i32
      %dma_start3A_512 = arith.constant 0 : i32
      %dma_start3A_513 = tpu.memref_slice %arg7[%dma_start3A_494, %dma_start3A_510, %dma_start3A_511, %dma_start3A_512] : memref<8x4x8x128xf32, #tpu.memory_space<vmem>> -> memref<1x4x8x128xf32, #tpu.memory_space<vmem>>
      %dma_start3A_514 = tpu.memref_squeeze %dma_start3A_513 : memref<1x4x8x128xf32, #tpu.memory_space<vmem>> -> memref<4x8x128xf32, #tpu.memory_space<vmem>>
      tpu.enqueue_dma source(%dma_start3A_514 : memref<4x8x128xf32, #tpu.memory_space<vmem>>) target(%dma_start3A_509 : memref<4x8x128xf32, #tpu.memory_space<hbm>>) target_semaphore(%arg17 : memref<!tpu.dma_semaphore, #tpu.memory_space<semaphore_mem>>)
      %add3A_515 = arith.constant 0 : i32
      %add3A_516 = arith.addi %mul3A_391, %add3A_515 : i32
      %add3A_517 = arith.constant 2 : i32
      %add3A_518 = arith.addi %add3A_516, %add3A_517 : i32
      %min3A_519 = arith.constant 49 : i32
      %min3A_520 = arith.minsi %add3A_518, %min3A_519 : i32
      %dma_wait3A_521 = arith.constant 0 : i32
      %dma_wait3A_522 = arith.constant 2 : i32
      %dma_wait3A_523 = arith.constant 0 : i32
      %dma_wait3A_524 = arith.constant 0 : i32
      %dma_wait3A_525 = tpu.memref_slice %arg6[%dma_wait3A_522, %dma_wait3A_523, %dma_wait3A_524] : memref<8x128x32xf32, #tpu.memory_space<vmem>> -> memref<1x128x32xf32, #tpu.memory_space<vmem>>
      %dma_wait3A_526 = tpu.memref_squeeze %dma_wait3A_525 : memref<1x128x32xf32, #tpu.memory_space<vmem>> -> memref<128x32xf32, #tpu.memory_space<vmem>>
      %dma_wait3A_527 = arith.constant 0 : i32
      %dma_wait3A_528 = tpu.memref_slice %arg5[%dma_wait3A_521, %dma_wait3A_527] : memref<50x512xi32, #tpu.memory_space<vmem>> -> memref<1x128xi32, #tpu.memory_space<vmem>>
      %dma_wait3A_529 = tpu.memref_squeeze %dma_wait3A_528 : memref<1x128xi32, #tpu.memory_space<vmem>> -> memref<128xi32, #tpu.memory_space<vmem>>
      %dma_wait3A_530 = arith.constant 0 : i32
      %dma_wait3A_531 = arith.constant 0 : i32
      %dma_wait3A_532 = tpu.memref_slice %arg2[%dma_wait3A_530, %dma_wait3A_531] : memref<1000000x32xf32, #tpu.memory_space<hbm>> -> memref<1000000x32xf32, #tpu.memory_space<hbm>>
      tpu.wait_indirect_dma semaphore(%arg10 : memref<!tpu.dma_semaphore, #tpu.memory_space<semaphore_mem>>) src(%dma_wait3A_532 : memref<1000000x32xf32, #tpu.memory_space<hbm>>) dst(%dma_wait3A_526 : memref<128x32xf32, #tpu.memory_space<vmem>>)
      %gt3A_533 = arith.constant 0 : i32
      %gt3A_534 = arith.cmpi sgt, %scan3A_389, %gt3A_533 : i32
      %convert_element_type3A_535 = arith.extui %gt3A_534 : i1 to i32
      %cond3A_536 = arith.constant 0 : i32
      %cond3A_537 = arith.cmpi ne, %convert_element_type3A_535, %cond3A_536 : i32
      scf.if %cond3A_537 {
        %dma_wait3A_899 = arith.constant 2 : i32
        %dma_wait3A_900 = arith.constant 0 : i32
        %dma_wait3A_901 = arith.constant 0 : i32
        %dma_wait3A_902 = arith.constant 0 : i32
        %dma_wait3A_903 = arith.constant 0 : i32
        %dma_wait3A_904 = arith.constant 0 : i32
        %dma_wait3A_905 = tpu.memref_slice %arg7[%dma_wait3A_899, %dma_wait3A_902, %dma_wait3A_903, %dma_wait3A_904] : memref<8x4x8x128xf32, #tpu.memory_space<vmem>> -> memref<1x4x8x128xf32, #tpu.memory_space<vmem>>
        %dma_wait3A_906 = tpu.memref_squeeze %dma_wait3A_905 : memref<1x4x8x128xf32, #tpu.memory_space<vmem>> -> memref<4x8x128xf32, #tpu.memory_space<vmem>>
        %dma_wait3A_907 = arith.constant 0 : i32
        %dma_wait3A_908 = arith.constant 0 : i32
        %dma_wait3A_909 = arith.constant 0 : i32
        %dma_wait3A_910 = tpu.memref_slice %arg4[%dma_wait3A_900, %dma_wait3A_907, %dma_wait3A_901, %dma_wait3A_908, %dma_wait3A_909] : memref<50x4x128x8x128xf32, #tpu.memory_space<hbm>> -> memref<1x4x1x8x128xf32, #tpu.memory_space<hbm>>
        %dma_wait3A_911 = tpu.memref_squeeze %dma_wait3A_910 : memref<1x4x1x8x128xf32, #tpu.memory_space<hbm>> -> memref<4x8x128xf32, #tpu.memory_space<hbm>>
        %dma_wait3A_912 = arith.constant 0 : i32
        %dma_wait3A_913 = arith.constant 0 : i32
        %dma_wait3A_914 = arith.constant 0 : i32
        %dma_wait3A_915 = tpu.memref_slice %arg4[%dma_wait3A_900, %dma_wait3A_912, %dma_wait3A_901, %dma_wait3A_913, %dma_wait3A_914] : memref<50x4x128x8x128xf32, #tpu.memory_space<hbm>> -> memref<1x4x1x8x128xf32, #tpu.memory_space<hbm>>
        %dma_wait3A_916 = tpu.memref_squeeze %dma_wait3A_915 : memref<1x4x1x8x128xf32, #tpu.memory_space<hbm>> -> memref<4x8x128xf32, #tpu.memory_space<hbm>>
        %dma_wait3A_917 = arith.constant 0 : i32
        %dma_wait3A_918 = arith.constant 0 : i32
        %dma_wait3A_919 = arith.constant 0 : i32
        %dma_wait3A_920 = tpu.memref_slice %arg7[%dma_wait3A_899, %dma_wait3A_917, %dma_wait3A_918, %dma_wait3A_919] : memref<8x4x8x128xf32, #tpu.memory_space<vmem>> -> memref<1x4x8x128xf32, #tpu.memory_space<vmem>>
        %dma_wait3A_921 = tpu.memref_squeeze %dma_wait3A_920 : memref<1x4x8x128xf32, #tpu.memory_space<vmem>> -> memref<4x8x128xf32, #tpu.memory_space<vmem>>
        tpu.wait_dma2 semaphore(%arg18 : memref<!tpu.dma_semaphore, #tpu.memory_space<semaphore_mem>>) src(%dma_wait3A_921 : memref<4x8x128xf32, #tpu.memory_space<vmem>>) dst(%dma_wait3A_916 : memref<4x8x128xf32, #tpu.memory_space<hbm>>)
      } else {
      }
      %parallel_loop3A_538 = arith.constant 0 : i32
      %parallel_loop3A_539 = arith.constant 128 : i32
      %parallel_loop3A_540 = arith.constant 1 : i32
      %parallel_loop3A_541 = arith.constant 2 : i32
      %parallel_loop3A_542 = arith.constant 2 : i32
      scf.for %parallel_loop3A_899 = %parallel_loop3A_538 to %parallel_loop3A_539 step %parallel_loop3A_540  : i32 {
        %parallel_loop3A_900 = arith.constant 0 : i32
        %parallel_loop3A_901 = vector.broadcast %parallel_loop3A_900 : i32 to vector<16xi32>
        %parallel_loop3A_902 = vector.broadcast %parallel_loop3A_899 : i32 to vector<16xi32>
        %parallel_loop3A_903 = arith.addi %parallel_loop3A_901, %parallel_loop3A_902 : vector<16xi32>
        %parallel_loop3A_904 = arith.constant 0 : i32
        %parallel_loop3A_905 = arith.constant 0 : i32
        %parallel_loop3A_906 = tpu.memref_slice %arg6[%parallel_loop3A_541, %parallel_loop3A_904, %parallel_loop3A_905] : memref<8x128x32xf32, #tpu.memory_space<vmem>> -> memref<1x128x32xf32, #tpu.memory_space<vmem>>
        %parallel_loop3A_907 = tpu.memref_squeeze %parallel_loop3A_906 : memref<1x128x32xf32, #tpu.memory_space<vmem>> -> memref<128x32xf32, #tpu.memory_space<vmem>>
        %parallel_loop3A_908 = arith.index_cast %parallel_loop3A_899 : i32 to index
        %parallel_loop3A_909 = arith.constant 0 : index
        %parallel_loop3A_910 = tpu.vector_load %parallel_loop3A_907[%parallel_loop3A_908, %parallel_loop3A_909] {strides = array<i32>} : memref<128x32xf32, #tpu.memory_space<vmem>>, vector<16xf32>,
        %parallel_loop3A_911 = arith.constant 0 : i32
        %parallel_loop3A_912 = arith.constant 0 : i32
        %parallel_loop3A_913 = tpu.memref_slice %arg6[%parallel_loop3A_541, %parallel_loop3A_911, %parallel_loop3A_912] : memref<8x128x32xf32, #tpu.memory_space<vmem>> -> memref<1x128x32xf32, #tpu.memory_space<vmem>>
        %parallel_loop3A_914 = tpu.memref_squeeze %parallel_loop3A_913 : memref<1x128x32xf32, #tpu.memory_space<vmem>> -> memref<128x32xf32, #tpu.memory_space<vmem>>
        %parallel_loop3A_915 = arith.index_cast %parallel_loop3A_899 : i32 to index
        %parallel_loop3A_916 = arith.constant 16 : index
        %parallel_loop3A_917 = tpu.vector_load %parallel_loop3A_914[%parallel_loop3A_915, %parallel_loop3A_916] {strides = array<i32>} : memref<128x32xf32, #tpu.memory_space<vmem>>, vector<16xf32>,
        %parallel_loop3A_918 = arith.constant 0 : i32
        %parallel_loop3A_919 = arith.constant 0 : i32
        %parallel_loop3A_920 = arith.constant 0 : i32
        %parallel_loop3A_921 = tpu.memref_slice %arg7[%parallel_loop3A_542, %parallel_loop3A_918, %parallel_loop3A_919, %parallel_loop3A_920] : memref<8x4x8x128xf32, #tpu.memory_space<vmem>> -> memref<1x4x8x128xf32, #tpu.memory_space<vmem>>
        %parallel_loop3A_922 = tpu.memref_squeeze %parallel_loop3A_921 : memref<1x4x8x128xf32, #tpu.memory_space<vmem>> -> memref<4x8x128xf32, #tpu.memory_space<vmem>>
        tpu.vector_store_idx %parallel_loop3A_922[%shift_right_arithmetic3A_4, %and3A_9, %parallel_loop3A_903], %parallel_loop3A_910 : memref<4x8x128xf32, #tpu.memory_space<vmem>>[vector<16xi32>, vector<16xi32>, vector<16xi32>], vector<16xf32>,
        %parallel_loop3A_923 = arith.constant 0 : i32
        %parallel_loop3A_924 = arith.constant 0 : i32
        %parallel_loop3A_925 = arith.constant 0 : i32
        %parallel_loop3A_926 = tpu.memref_slice %arg7[%parallel_loop3A_542, %parallel_loop3A_923, %parallel_loop3A_924, %parallel_loop3A_925] : memref<8x4x8x128xf32, #tpu.memory_space<vmem>> -> memref<1x4x8x128xf32, #tpu.memory_space<vmem>>
        %parallel_loop3A_927 = tpu.memref_squeeze %parallel_loop3A_926 : memref<1x4x8x128xf32, #tpu.memory_space<vmem>> -> memref<4x8x128xf32, #tpu.memory_space<vmem>>
        tpu.vector_store_idx %parallel_loop3A_927[%add3A_7, %and3A_9, %parallel_loop3A_903], %parallel_loop3A_917 : memref<4x8x128xf32, #tpu.memory_space<vmem>>[vector<16xi32>, vector<16xi32>, vector<16xi32>], vector<16xf32>,
      } {sc.loop_unroll_factor = 16 : i64, sc.parallel_access}
      %dma_start3A_543 = arith.constant 2 : i32
      %dma_start3A_544 = arith.constant 0 : i32
      %dma_start3A_545 = arith.constant 0 : i32
      %dma_start3A_546 = tpu.memref_slice %arg6[%dma_start3A_543, %dma_start3A_544, %dma_start3A_545] : memref<8x128x32xf32, #tpu.memory_space<vmem>> -> memref<1x128x32xf32, #tpu.memory_space<vmem>>
      %dma_start3A_547 = tpu.memref_squeeze %dma_start3A_546 : memref<1x128x32xf32, #tpu.memory_space<vmem>> -> memref<128x32xf32, #tpu.memory_space<vmem>>
      %dma_start3A_548 = arith.constant 256 : i32
      %dma_start3A_549 = tpu.memref_slice %arg5[%min3A_520, %dma_start3A_548] : memref<50x512xi32, #tpu.memory_space<vmem>> -> memref<1x128xi32, #tpu.memory_space<vmem>>
      %dma_start3A_550 = tpu.memref_squeeze %dma_start3A_549 : memref<1x128xi32, #tpu.memory_space<vmem>> -> memref<128xi32, #tpu.memory_space<vmem>>
      %dma_start3A_551 = arith.constant 0 : i32
      %dma_start3A_552 = arith.constant 0 : i32
      %dma_start3A_553 = tpu.memref_slice %arg2[%dma_start3A_551, %dma_start3A_552] : memref<1000000x32xf32, #tpu.memory_space<hbm>> -> memref<1000000x32xf32, #tpu.memory_space<hbm>>
      tpu.enqueue_indirect_dma source(%dma_start3A_553 : memref<1000000x32xf32, #tpu.memory_space<hbm>>) target(%dma_start3A_547 : memref<128x32xf32, #tpu.memory_space<vmem>>) offsets(%dma_start3A_550 : memref<128xi32, #tpu.memory_space<vmem>>) semaphore(%arg10 : memref<!tpu.dma_semaphore, #tpu.memory_space<semaphore_mem>>)
      %mul3A_554 = arith.constant 4 : i32
      %mul3A_555 = arith.muli %add3A, %mul3A_554 : i32
      %add3A_556 = arith.constant 2 : i32
      %add3A_557 = arith.addi %mul3A_555, %add3A_556 : i32
      %dma_start3A_558 = arith.constant 2 : i32
      %dma_start3A_559 = arith.constant 0 : i32
      %dma_start3A_560 = arith.constant 0 : i32
      %dma_start3A_561 = arith.constant 0 : i32
      %dma_start3A_562 = tpu.memref_slice %arg7[%dma_start3A_558, %dma_start3A_559, %dma_start3A_560, %dma_start3A_561] : memref<8x4x8x128xf32, #tpu.memory_space<vmem>> -> memref<1x4x8x128xf32, #tpu.memory_space<vmem>>
      %dma_start3A_563 = tpu.memref_squeeze %dma_start3A_562 : memref<1x4x8x128xf32, #tpu.memory_space<vmem>> -> memref<4x8x128xf32, #tpu.memory_space<vmem>>
      %dma_start3A_564 = arith.constant 0 : i32
      %dma_start3A_565 = arith.constant 0 : i32
      %dma_start3A_566 = arith.constant 0 : i32
      %dma_start3A_567 = tpu.memref_slice %arg4[%add3A_516, %dma_start3A_564, %add3A_557, %dma_start3A_565, %dma_start3A_566] : memref<50x4x128x8x128xf32, #tpu.memory_space<hbm>> -> memref<1x4x1x8x128xf32, #tpu.memory_space<hbm>>
      %dma_start3A_568 = tpu.memref_squeeze %dma_start3A_567 : memref<1x4x1x8x128xf32, #tpu.memory_space<hbm>> -> memref<4x8x128xf32, #tpu.memory_space<hbm>>
      %dma_start3A_569 = arith.constant 0 : i32
      %dma_start3A_570 = arith.constant 0 : i32
      %dma_start3A_571 = arith.constant 0 : i32
      %dma_start3A_572 = tpu.memref_slice %arg4[%add3A_516, %dma_start3A_569, %add3A_557, %dma_start3A_570, %dma_start3A_571] : memref<50x4x128x8x128xf32, #tpu.memory_space<hbm>> -> memref<1x4x1x8x128xf32, #tpu.memory_space<hbm>>
      %dma_start3A_573 = tpu.memref_squeeze %dma_start3A_572 : memref<1x4x1x8x128xf32, #tpu.memory_space<hbm>> -> memref<4x8x128xf32, #tpu.memory_space<hbm>>
      %dma_start3A_574 = arith.constant 0 : i32
      %dma_start3A_575 = arith.constant 0 : i32
      %dma_start3A_576 = arith.constant 0 : i32
      %dma_start3A_577 = tpu.memref_slice %arg7[%dma_start3A_558, %dma_start3A_574, %dma_start3A_575, %dma_start3A_576] : memref<8x4x8x128xf32, #tpu.memory_space<vmem>> -> memref<1x4x8x128xf32, #tpu.memory_space<vmem>>
      %dma_start3A_578 = tpu.memref_squeeze %dma_start3A_577 : memref<1x4x8x128xf32, #tpu.memory_space<vmem>> -> memref<4x8x128xf32, #tpu.memory_space<vmem>>
      tpu.enqueue_dma source(%dma_start3A_578 : memref<4x8x128xf32, #tpu.memory_space<vmem>>) target(%dma_start3A_573 : memref<4x8x128xf32, #tpu.memory_space<hbm>>) target_semaphore(%arg18 : memref<!tpu.dma_semaphore, #tpu.memory_space<semaphore_mem>>)
      %add3A_579 = arith.constant 0 : i32
      %add3A_580 = arith.addi %mul3A_391, %add3A_579 : i32
      %add3A_581 = arith.constant 2 : i32
      %add3A_582 = arith.addi %add3A_580, %add3A_581 : i32
      %min3A_583 = arith.constant 49 : i32
      %min3A_584 = arith.minsi %add3A_582, %min3A_583 : i32
      %dma_wait3A_585 = arith.constant 0 : i32
      %dma_wait3A_586 = arith.constant 3 : i32
      %dma_wait3A_587 = arith.constant 0 : i32
      %dma_wait3A_588 = arith.constant 0 : i32
      %dma_wait3A_589 = tpu.memref_slice %arg6[%dma_wait3A_586, %dma_wait3A_587, %dma_wait3A_588] : memref<8x128x32xf32, #tpu.memory_space<vmem>> -> memref<1x128x32xf32, #tpu.memory_space<vmem>>
      %dma_wait3A_590 = tpu.memref_squeeze %dma_wait3A_589 : memref<1x128x32xf32, #tpu.memory_space<vmem>> -> memref<128x32xf32, #tpu.memory_space<vmem>>
      %dma_wait3A_591 = arith.constant 0 : i32
      %dma_wait3A_592 = tpu.memref_slice %arg5[%dma_wait3A_585, %dma_wait3A_591] : memref<50x512xi32, #tpu.memory_space<vmem>> -> memref<1x128xi32, #tpu.memory_space<vmem>>
      %dma_wait3A_593 = tpu.memref_squeeze %dma_wait3A_592 : memref<1x128xi32, #tpu.memory_space<vmem>> -> memref<128xi32, #tpu.memory_space<vmem>>
      %dma_wait3A_594 = arith.constant 0 : i32
      %dma_wait3A_595 = arith.constant 0 : i32
      %dma_wait3A_596 = tpu.memref_slice %arg2[%dma_wait3A_594, %dma_wait3A_595] : memref<1000000x32xf32, #tpu.memory_space<hbm>> -> memref<1000000x32xf32, #tpu.memory_space<hbm>>
      tpu.wait_indirect_dma semaphore(%arg11 : memref<!tpu.dma_semaphore, #tpu.memory_space<semaphore_mem>>) src(%dma_wait3A_596 : memref<1000000x32xf32, #tpu.memory_space<hbm>>) dst(%dma_wait3A_590 : memref<128x32xf32, #tpu.memory_space<vmem>>)
      %gt3A_597 = arith.constant 0 : i32
      %gt3A_598 = arith.cmpi sgt, %scan3A_389, %gt3A_597 : i32
      %convert_element_type3A_599 = arith.extui %gt3A_598 : i1 to i32
      %cond3A_600 = arith.constant 0 : i32
      %cond3A_601 = arith.cmpi ne, %convert_element_type3A_599, %cond3A_600 : i32
      scf.if %cond3A_601 {
        %dma_wait3A_899 = arith.constant 3 : i32
        %dma_wait3A_900 = arith.constant 0 : i32
        %dma_wait3A_901 = arith.constant 0 : i32
        %dma_wait3A_902 = arith.constant 0 : i32
        %dma_wait3A_903 = arith.constant 0 : i32
        %dma_wait3A_904 = arith.constant 0 : i32
        %dma_wait3A_905 = tpu.memref_slice %arg7[%dma_wait3A_899, %dma_wait3A_902, %dma_wait3A_903, %dma_wait3A_904] : memref<8x4x8x128xf32, #tpu.memory_space<vmem>> -> memref<1x4x8x128xf32, #tpu.memory_space<vmem>>
        %dma_wait3A_906 = tpu.memref_squeeze %dma_wait3A_905 : memref<1x4x8x128xf32, #tpu.memory_space<vmem>> -> memref<4x8x128xf32, #tpu.memory_space<vmem>>
        %dma_wait3A_907 = arith.constant 0 : i32
        %dma_wait3A_908 = arith.constant 0 : i32
        %dma_wait3A_909 = arith.constant 0 : i32
        %dma_wait3A_910 = tpu.memref_slice %arg4[%dma_wait3A_900, %dma_wait3A_907, %dma_wait3A_901, %dma_wait3A_908, %dma_wait3A_909] : memref<50x4x128x8x128xf32, #tpu.memory_space<hbm>> -> memref<1x4x1x8x128xf32, #tpu.memory_space<hbm>>
        %dma_wait3A_911 = tpu.memref_squeeze %dma_wait3A_910 : memref<1x4x1x8x128xf32, #tpu.memory_space<hbm>> -> memref<4x8x128xf32, #tpu.memory_space<hbm>>
        %dma_wait3A_912 = arith.constant 0 : i32
        %dma_wait3A_913 = arith.constant 0 : i32
        %dma_wait3A_914 = arith.constant 0 : i32
        %dma_wait3A_915 = tpu.memref_slice %arg4[%dma_wait3A_900, %dma_wait3A_912, %dma_wait3A_901, %dma_wait3A_913, %dma_wait3A_914] : memref<50x4x128x8x128xf32, #tpu.memory_space<hbm>> -> memref<1x4x1x8x128xf32, #tpu.memory_space<hbm>>
        %dma_wait3A_916 = tpu.memref_squeeze %dma_wait3A_915 : memref<1x4x1x8x128xf32, #tpu.memory_space<hbm>> -> memref<4x8x128xf32, #tpu.memory_space<hbm>>
        %dma_wait3A_917 = arith.constant 0 : i32
        %dma_wait3A_918 = arith.constant 0 : i32
        %dma_wait3A_919 = arith.constant 0 : i32
        %dma_wait3A_920 = tpu.memref_slice %arg7[%dma_wait3A_899, %dma_wait3A_917, %dma_wait3A_918, %dma_wait3A_919] : memref<8x4x8x128xf32, #tpu.memory_space<vmem>> -> memref<1x4x8x128xf32, #tpu.memory_space<vmem>>
        %dma_wait3A_921 = tpu.memref_squeeze %dma_wait3A_920 : memref<1x4x8x128xf32, #tpu.memory_space<vmem>> -> memref<4x8x128xf32, #tpu.memory_space<vmem>>
        tpu.wait_dma2 semaphore(%arg19 : memref<!tpu.dma_semaphore, #tpu.memory_space<semaphore_mem>>) src(%dma_wait3A_921 : memref<4x8x128xf32, #tpu.memory_space<vmem>>) dst(%dma_wait3A_916 : memref<4x8x128xf32, #tpu.memory_space<hbm>>)
      } else {
      }
      %parallel_loop3A_602 = arith.constant 0 : i32
      %parallel_loop3A_603 = arith.constant 128 : i32
      %parallel_loop3A_604 = arith.constant 1 : i32
      %parallel_loop3A_605 = arith.constant 3 : i32
      %parallel_loop3A_606 = arith.constant 3 : i32
      scf.for %parallel_loop3A_899 = %parallel_loop3A_602 to %parallel_loop3A_603 step %parallel_loop3A_604  : i32 {
        %parallel_loop3A_900 = arith.constant 0 : i32
        %parallel_loop3A_901 = vector.broadcast %parallel_loop3A_900 : i32 to vector<16xi32>
        %parallel_loop3A_902 = vector.broadcast %parallel_loop3A_899 : i32 to vector<16xi32>
        %parallel_loop3A_903 = arith.addi %parallel_loop3A_901, %parallel_loop3A_902 : vector<16xi32>
        %parallel_loop3A_904 = arith.constant 0 : i32
        %parallel_loop3A_905 = arith.constant 0 : i32
        %parallel_loop3A_906 = tpu.memref_slice %arg6[%parallel_loop3A_605, %parallel_loop3A_904, %parallel_loop3A_905] : memref<8x128x32xf32, #tpu.memory_space<vmem>> -> memref<1x128x32xf32, #tpu.memory_space<vmem>>
        %parallel_loop3A_907 = tpu.memref_squeeze %parallel_loop3A_906 : memref<1x128x32xf32, #tpu.memory_space<vmem>> -> memref<128x32xf32, #tpu.memory_space<vmem>>
        %parallel_loop3A_908 = arith.index_cast %parallel_loop3A_899 : i32 to index
        %parallel_loop3A_909 = arith.constant 0 : index
        %parallel_loop3A_910 = tpu.vector_load %parallel_loop3A_907[%parallel_loop3A_908, %parallel_loop3A_909] {strides = array<i32>} : memref<128x32xf32, #tpu.memory_space<vmem>>, vector<16xf32>,
        %parallel_loop3A_911 = arith.constant 0 : i32
        %parallel_loop3A_912 = arith.constant 0 : i32
        %parallel_loop3A_913 = tpu.memref_slice %arg6[%parallel_loop3A_605, %parallel_loop3A_911, %parallel_loop3A_912] : memref<8x128x32xf32, #tpu.memory_space<vmem>> -> memref<1x128x32xf32, #tpu.memory_space<vmem>>
        %parallel_loop3A_914 = tpu.memref_squeeze %parallel_loop3A_913 : memref<1x128x32xf32, #tpu.memory_space<vmem>> -> memref<128x32xf32, #tpu.memory_space<vmem>>
        %parallel_loop3A_915 = arith.index_cast %parallel_loop3A_899 : i32 to index
        %parallel_loop3A_916 = arith.constant 16 : index
        %parallel_loop3A_917 = tpu.vector_load %parallel_loop3A_914[%parallel_loop3A_915, %parallel_loop3A_916] {strides = array<i32>} : memref<128x32xf32, #tpu.memory_space<vmem>>, vector<16xf32>,
        %parallel_loop3A_918 = arith.constant 0 : i32
        %parallel_loop3A_919 = arith.constant 0 : i32
        %parallel_loop3A_920 = arith.constant 0 : i32
        %parallel_loop3A_921 = tpu.memref_slice %arg7[%parallel_loop3A_606, %parallel_loop3A_918, %parallel_loop3A_919, %parallel_loop3A_920] : memref<8x4x8x128xf32, #tpu.memory_space<vmem>> -> memref<1x4x8x128xf32, #tpu.memory_space<vmem>>
        %parallel_loop3A_922 = tpu.memref_squeeze %parallel_loop3A_921 : memref<1x4x8x128xf32, #tpu.memory_space<vmem>> -> memref<4x8x128xf32, #tpu.memory_space<vmem>>
        tpu.vector_store_idx %parallel_loop3A_922[%shift_right_arithmetic3A_4, %and3A_9, %parallel_loop3A_903], %parallel_loop3A_910 : memref<4x8x128xf32, #tpu.memory_space<vmem>>[vector<16xi32>, vector<16xi32>, vector<16xi32>], vector<16xf32>,
        %parallel_loop3A_923 = arith.constant 0 : i32
        %parallel_loop3A_924 = arith.constant 0 : i32
        %parallel_loop3A_925 = arith.constant 0 : i32
        %parallel_loop3A_926 = tpu.memref_slice %arg7[%parallel_loop3A_606, %parallel_loop3A_923, %parallel_loop3A_924, %parallel_loop3A_925] : memref<8x4x8x128xf32, #tpu.memory_space<vmem>> -> memref<1x4x8x128xf32, #tpu.memory_space<vmem>>
        %parallel_loop3A_927 = tpu.memref_squeeze %parallel_loop3A_926 : memref<1x4x8x128xf32, #tpu.memory_space<vmem>> -> memref<4x8x128xf32, #tpu.memory_space<vmem>>
        tpu.vector_store_idx %parallel_loop3A_927[%add3A_7, %and3A_9, %parallel_loop3A_903], %parallel_loop3A_917 : memref<4x8x128xf32, #tpu.memory_space<vmem>>[vector<16xi32>, vector<16xi32>, vector<16xi32>], vector<16xf32>,
      } {sc.loop_unroll_factor = 16 : i64, sc.parallel_access}
      %dma_start3A_607 = arith.constant 3 : i32
      %dma_start3A_608 = arith.constant 0 : i32
      %dma_start3A_609 = arith.constant 0 : i32
      %dma_start3A_610 = tpu.memref_slice %arg6[%dma_start3A_607, %dma_start3A_608, %dma_start3A_609] : memref<8x128x32xf32, #tpu.memory_space<vmem>> -> memref<1x128x32xf32, #tpu.memory_space<vmem>>
      %dma_start3A_611 = tpu.memref_squeeze %dma_start3A_610 : memref<1x128x32xf32, #tpu.memory_space<vmem>> -> memref<128x32xf32, #tpu.memory_space<vmem>>
      %dma_start3A_612 = arith.constant 384 : i32
      %dma_start3A_613 = tpu.memref_slice %arg5[%min3A_584, %dma_start3A_612] : memref<50x512xi32, #tpu.memory_space<vmem>> -> memref<1x128xi32, #tpu.memory_space<vmem>>
      %dma_start3A_614 = tpu.memref_squeeze %dma_start3A_613 : memref<1x128xi32, #tpu.memory_space<vmem>> -> memref<128xi32, #tpu.memory_space<vmem>>
      %dma_start3A_615 = arith.constant 0 : i32
      %dma_start3A_616 = arith.constant 0 : i32
      %dma_start3A_617 = tpu.memref_slice %arg2[%dma_start3A_615, %dma_start3A_616] : memref<1000000x32xf32, #tpu.memory_space<hbm>> -> memref<1000000x32xf32, #tpu.memory_space<hbm>>
      tpu.enqueue_indirect_dma source(%dma_start3A_617 : memref<1000000x32xf32, #tpu.memory_space<hbm>>) target(%dma_start3A_611 : memref<128x32xf32, #tpu.memory_space<vmem>>) offsets(%dma_start3A_614 : memref<128xi32, #tpu.memory_space<vmem>>) semaphore(%arg11 : memref<!tpu.dma_semaphore, #tpu.memory_space<semaphore_mem>>)
      %mul3A_618 = arith.constant 4 : i32
      %mul3A_619 = arith.muli %add3A, %mul3A_618 : i32
      %add3A_620 = arith.constant 3 : i32
      %add3A_621 = arith.addi %mul3A_619, %add3A_620 : i32
      %dma_start3A_622 = arith.constant 3 : i32
      %dma_start3A_623 = arith.constant 0 : i32
      %dma_start3A_624 = arith.constant 0 : i32
      %dma_start3A_625 = arith.constant 0 : i32
      %dma_start3A_626 = tpu.memref_slice %arg7[%dma_start3A_622, %dma_start3A_623, %dma_start3A_624, %dma_start3A_625] : memref<8x4x8x128xf32, #tpu.memory_space<vmem>> -> memref<1x4x8x128xf32, #tpu.memory_space<vmem>>
      %dma_start3A_627 = tpu.memref_squeeze %dma_start3A_626 : memref<1x4x8x128xf32, #tpu.memory_space<vmem>> -> memref<4x8x128xf32, #tpu.memory_space<vmem>>
      %dma_start3A_628 = arith.constant 0 : i32
      %dma_start3A_629 = arith.constant 0 : i32
      %dma_start3A_630 = arith.constant 0 : i32
      %dma_start3A_631 = tpu.memref_slice %arg4[%add3A_580, %dma_start3A_628, %add3A_621, %dma_start3A_629, %dma_start3A_630] : memref<50x4x128x8x128xf32, #tpu.memory_space<hbm>> -> memref<1x4x1x8x128xf32, #tpu.memory_space<hbm>>
      %dma_start3A_632 = tpu.memref_squeeze %dma_start3A_631 : memref<1x4x1x8x128xf32, #tpu.memory_space<hbm>> -> memref<4x8x128xf32, #tpu.memory_space<hbm>>
      %dma_start3A_633 = arith.constant 0 : i32
      %dma_start3A_634 = arith.constant 0 : i32
      %dma_start3A_635 = arith.constant 0 : i32
      %dma_start3A_636 = tpu.memref_slice %arg4[%add3A_580, %dma_start3A_633, %add3A_621, %dma_start3A_634, %dma_start3A_635] : memref<50x4x128x8x128xf32, #tpu.memory_space<hbm>> -> memref<1x4x1x8x128xf32, #tpu.memory_space<hbm>>
      %dma_start3A_637 = tpu.memref_squeeze %dma_start3A_636 : memref<1x4x1x8x128xf32, #tpu.memory_space<hbm>> -> memref<4x8x128xf32, #tpu.memory_space<hbm>>
      %dma_start3A_638 = arith.constant 0 : i32
      %dma_start3A_639 = arith.constant 0 : i32
      %dma_start3A_640 = arith.constant 0 : i32
      %dma_start3A_641 = tpu.memref_slice %arg7[%dma_start3A_622, %dma_start3A_638, %dma_start3A_639, %dma_start3A_640] : memref<8x4x8x128xf32, #tpu.memory_space<vmem>> -> memref<1x4x8x128xf32, #tpu.memory_space<vmem>>
      %dma_start3A_642 = tpu.memref_squeeze %dma_start3A_641 : memref<1x4x8x128xf32, #tpu.memory_space<vmem>> -> memref<4x8x128xf32, #tpu.memory_space<vmem>>
      tpu.enqueue_dma source(%dma_start3A_642 : memref<4x8x128xf32, #tpu.memory_space<vmem>>) target(%dma_start3A_637 : memref<4x8x128xf32, #tpu.memory_space<hbm>>) target_semaphore(%arg19 : memref<!tpu.dma_semaphore, #tpu.memory_space<semaphore_mem>>)
      %add3A_643 = arith.constant 1 : i32
      %add3A_644 = arith.addi %mul3A_391, %add3A_643 : i32
      %add3A_645 = arith.constant 2 : i32
      %add3A_646 = arith.addi %add3A_644, %add3A_645 : i32
      %min3A_647 = arith.constant 49 : i32
      %min3A_648 = arith.minsi %add3A_646, %min3A_647 : i32
      %dma_wait3A_649 = arith.constant 0 : i32
      %dma_wait3A_650 = arith.constant 4 : i32
      %dma_wait3A_651 = arith.constant 0 : i32
      %dma_wait3A_652 = arith.constant 0 : i32
      %dma_wait3A_653 = tpu.memref_slice %arg6[%dma_wait3A_650, %dma_wait3A_651, %dma_wait3A_652] : memref<8x128x32xf32, #tpu.memory_space<vmem>> -> memref<1x128x32xf32, #tpu.memory_space<vmem>>
      %dma_wait3A_654 = tpu.memref_squeeze %dma_wait3A_653 : memref<1x128x32xf32, #tpu.memory_space<vmem>> -> memref<128x32xf32, #tpu.memory_space<vmem>>
      %dma_wait3A_655 = arith.constant 0 : i32
      %dma_wait3A_656 = tpu.memref_slice %arg5[%dma_wait3A_649, %dma_wait3A_655] : memref<50x512xi32, #tpu.memory_space<vmem>> -> memref<1x128xi32, #tpu.memory_space<vmem>>
      %dma_wait3A_657 = tpu.memref_squeeze %dma_wait3A_656 : memref<1x128xi32, #tpu.memory_space<vmem>> -> memref<128xi32, #tpu.memory_space<vmem>>
      %dma_wait3A_658 = arith.constant 0 : i32
      %dma_wait3A_659 = arith.constant 0 : i32
      %dma_wait3A_660 = tpu.memref_slice %arg2[%dma_wait3A_658, %dma_wait3A_659] : memref<1000000x32xf32, #tpu.memory_space<hbm>> -> memref<1000000x32xf32, #tpu.memory_space<hbm>>
      tpu.wait_indirect_dma semaphore(%arg12 : memref<!tpu.dma_semaphore, #tpu.memory_space<semaphore_mem>>) src(%dma_wait3A_660 : memref<1000000x32xf32, #tpu.memory_space<hbm>>) dst(%dma_wait3A_654 : memref<128x32xf32, #tpu.memory_space<vmem>>)
      %gt3A_661 = arith.constant 0 : i32
      %gt3A_662 = arith.cmpi sgt, %scan3A_389, %gt3A_661 : i32
      %convert_element_type3A_663 = arith.extui %gt3A_662 : i1 to i32
      %cond3A_664 = arith.constant 0 : i32
      %cond3A_665 = arith.cmpi ne, %convert_element_type3A_663, %cond3A_664 : i32
      scf.if %cond3A_665 {
        %dma_wait3A_899 = arith.constant 4 : i32
        %dma_wait3A_900 = arith.constant 0 : i32
        %dma_wait3A_901 = arith.constant 0 : i32
        %dma_wait3A_902 = arith.constant 0 : i32
        %dma_wait3A_903 = arith.constant 0 : i32
        %dma_wait3A_904 = arith.constant 0 : i32
        %dma_wait3A_905 = tpu.memref_slice %arg7[%dma_wait3A_899, %dma_wait3A_902, %dma_wait3A_903, %dma_wait3A_904] : memref<8x4x8x128xf32, #tpu.memory_space<vmem>> -> memref<1x4x8x128xf32, #tpu.memory_space<vmem>>
        %dma_wait3A_906 = tpu.memref_squeeze %dma_wait3A_905 : memref<1x4x8x128xf32, #tpu.memory_space<vmem>> -> memref<4x8x128xf32, #tpu.memory_space<vmem>>
        %dma_wait3A_907 = arith.constant 0 : i32
        %dma_wait3A_908 = arith.constant 0 : i32
        %dma_wait3A_909 = arith.constant 0 : i32
        %dma_wait3A_910 = tpu.memref_slice %arg4[%dma_wait3A_900, %dma_wait3A_907, %dma_wait3A_901, %dma_wait3A_908, %dma_wait3A_909] : memref<50x4x128x8x128xf32, #tpu.memory_space<hbm>> -> memref<1x4x1x8x128xf32, #tpu.memory_space<hbm>>
        %dma_wait3A_911 = tpu.memref_squeeze %dma_wait3A_910 : memref<1x4x1x8x128xf32, #tpu.memory_space<hbm>> -> memref<4x8x128xf32, #tpu.memory_space<hbm>>
        %dma_wait3A_912 = arith.constant 0 : i32
        %dma_wait3A_913 = arith.constant 0 : i32
        %dma_wait3A_914 = arith.constant 0 : i32
        %dma_wait3A_915 = tpu.memref_slice %arg4[%dma_wait3A_900, %dma_wait3A_912, %dma_wait3A_901, %dma_wait3A_913, %dma_wait3A_914] : memref<50x4x128x8x128xf32, #tpu.memory_space<hbm>> -> memref<1x4x1x8x128xf32, #tpu.memory_space<hbm>>
        %dma_wait3A_916 = tpu.memref_squeeze %dma_wait3A_915 : memref<1x4x1x8x128xf32, #tpu.memory_space<hbm>> -> memref<4x8x128xf32, #tpu.memory_space<hbm>>
        %dma_wait3A_917 = arith.constant 0 : i32
        %dma_wait3A_918 = arith.constant 0 : i32
        %dma_wait3A_919 = arith.constant 0 : i32
        %dma_wait3A_920 = tpu.memref_slice %arg7[%dma_wait3A_899, %dma_wait3A_917, %dma_wait3A_918, %dma_wait3A_919] : memref<8x4x8x128xf32, #tpu.memory_space<vmem>> -> memref<1x4x8x128xf32, #tpu.memory_space<vmem>>
        %dma_wait3A_921 = tpu.memref_squeeze %dma_wait3A_920 : memref<1x4x8x128xf32, #tpu.memory_space<vmem>> -> memref<4x8x128xf32, #tpu.memory_space<vmem>>
        tpu.wait_dma2 semaphore(%arg20 : memref<!tpu.dma_semaphore, #tpu.memory_space<semaphore_mem>>) src(%dma_wait3A_921 : memref<4x8x128xf32, #tpu.memory_space<vmem>>) dst(%dma_wait3A_916 : memref<4x8x128xf32, #tpu.memory_space<hbm>>)
      } else {
      }
      %parallel_loop3A_666 = arith.constant 0 : i32
      %parallel_loop3A_667 = arith.constant 128 : i32
      %parallel_loop3A_668 = arith.constant 1 : i32
      %parallel_loop3A_669 = arith.constant 4 : i32
      %parallel_loop3A_670 = arith.constant 4 : i32
      scf.for %parallel_loop3A_899 = %parallel_loop3A_666 to %parallel_loop3A_667 step %parallel_loop3A_668  : i32 {
        %parallel_loop3A_900 = arith.constant 0 : i32
        %parallel_loop3A_901 = vector.broadcast %parallel_loop3A_900 : i32 to vector<16xi32>
        %parallel_loop3A_902 = vector.broadcast %parallel_loop3A_899 : i32 to vector<16xi32>
        %parallel_loop3A_903 = arith.addi %parallel_loop3A_901, %parallel_loop3A_902 : vector<16xi32>
        %parallel_loop3A_904 = arith.constant 0 : i32
        %parallel_loop3A_905 = arith.constant 0 : i32
        %parallel_loop3A_906 = tpu.memref_slice %arg6[%parallel_loop3A_669, %parallel_loop3A_904, %parallel_loop3A_905] : memref<8x128x32xf32, #tpu.memory_space<vmem>> -> memref<1x128x32xf32, #tpu.memory_space<vmem>>
        %parallel_loop3A_907 = tpu.memref_squeeze %parallel_loop3A_906 : memref<1x128x32xf32, #tpu.memory_space<vmem>> -> memref<128x32xf32, #tpu.memory_space<vmem>>
        %parallel_loop3A_908 = arith.index_cast %parallel_loop3A_899 : i32 to index
        %parallel_loop3A_909 = arith.constant 0 : index
        %parallel_loop3A_910 = tpu.vector_load %parallel_loop3A_907[%parallel_loop3A_908, %parallel_loop3A_909] {strides = array<i32>} : memref<128x32xf32, #tpu.memory_space<vmem>>, vector<16xf32>,
        %parallel_loop3A_911 = arith.constant 0 : i32
        %parallel_loop3A_912 = arith.constant 0 : i32
        %parallel_loop3A_913 = tpu.memref_slice %arg6[%parallel_loop3A_669, %parallel_loop3A_911, %parallel_loop3A_912] : memref<8x128x32xf32, #tpu.memory_space<vmem>> -> memref<1x128x32xf32, #tpu.memory_space<vmem>>
        %parallel_loop3A_914 = tpu.memref_squeeze %parallel_loop3A_913 : memref<1x128x32xf32, #tpu.memory_space<vmem>> -> memref<128x32xf32, #tpu.memory_space<vmem>>
        %parallel_loop3A_915 = arith.index_cast %parallel_loop3A_899 : i32 to index
        %parallel_loop3A_916 = arith.constant 16 : index
        %parallel_loop3A_917 = tpu.vector_load %parallel_loop3A_914[%parallel_loop3A_915, %parallel_loop3A_916] {strides = array<i32>} : memref<128x32xf32, #tpu.memory_space<vmem>>, vector<16xf32>,
        %parallel_loop3A_918 = arith.constant 0 : i32
        %parallel_loop3A_919 = arith.constant 0 : i32
        %parallel_loop3A_920 = arith.constant 0 : i32
        %parallel_loop3A_921 = tpu.memref_slice %arg7[%parallel_loop3A_670, %parallel_loop3A_918, %parallel_loop3A_919, %parallel_loop3A_920] : memref<8x4x8x128xf32, #tpu.memory_space<vmem>> -> memref<1x4x8x128xf32, #tpu.memory_space<vmem>>
        %parallel_loop3A_922 = tpu.memref_squeeze %parallel_loop3A_921 : memref<1x4x8x128xf32, #tpu.memory_space<vmem>> -> memref<4x8x128xf32, #tpu.memory_space<vmem>>
        tpu.vector_store_idx %parallel_loop3A_922[%shift_right_arithmetic3A_4, %and3A_9, %parallel_loop3A_903], %parallel_loop3A_910 : memref<4x8x128xf32, #tpu.memory_space<vmem>>[vector<16xi32>, vector<16xi32>, vector<16xi32>], vector<16xf32>,
        %parallel_loop3A_923 = arith.constant 0 : i32
        %parallel_loop3A_924 = arith.constant 0 : i32
        %parallel_loop3A_925 = arith.constant 0 : i32
        %parallel_loop3A_926 = tpu.memref_slice %arg7[%parallel_loop3A_670, %parallel_loop3A_923, %parallel_loop3A_924, %parallel_loop3A_925] : memref<8x4x8x128xf32, #tpu.memory_space<vmem>> -> memref<1x4x8x128xf32, #tpu.memory_space<vmem>>
        %parallel_loop3A_927 = tpu.memref_squeeze %parallel_loop3A_926 : memref<1x4x8x128xf32, #tpu.memory_space<vmem>> -> memref<4x8x128xf32, #tpu.memory_space<vmem>>
        tpu.vector_store_idx %parallel_loop3A_927[%add3A_7, %and3A_9, %parallel_loop3A_903], %parallel_loop3A_917 : memref<4x8x128xf32, #tpu.memory_space<vmem>>[vector<16xi32>, vector<16xi32>, vector<16xi32>], vector<16xf32>,
      } {sc.loop_unroll_factor = 16 : i64, sc.parallel_access}
      %dma_start3A_671 = arith.constant 4 : i32
      %dma_start3A_672 = arith.constant 0 : i32
      %dma_start3A_673 = arith.constant 0 : i32
      %dma_start3A_674 = tpu.memref_slice %arg6[%dma_start3A_671, %dma_start3A_672, %dma_start3A_673] : memref<8x128x32xf32, #tpu.memory_space<vmem>> -> memref<1x128x32xf32, #tpu.memory_space<vmem>>
      %dma_start3A_675 = tpu.memref_squeeze %dma_start3A_674 : memref<1x128x32xf32, #tpu.memory_space<vmem>> -> memref<128x32xf32, #tpu.memory_space<vmem>>
      %dma_start3A_676 = arith.constant 0 : i32
      %dma_start3A_677 = tpu.memref_slice %arg5[%min3A_648, %dma_start3A_676] : memref<50x512xi32, #tpu.memory_space<vmem>> -> memref<1x128xi32, #tpu.memory_space<vmem>>
      %dma_start3A_678 = tpu.memref_squeeze %dma_start3A_677 : memref<1x128xi32, #tpu.memory_space<vmem>> -> memref<128xi32, #tpu.memory_space<vmem>>
      %dma_start3A_679 = arith.constant 0 : i32
      %dma_start3A_680 = arith.constant 0 : i32
      %dma_start3A_681 = tpu.memref_slice %arg2[%dma_start3A_679, %dma_start3A_680] : memref<1000000x32xf32, #tpu.memory_space<hbm>> -> memref<1000000x32xf32, #tpu.memory_space<hbm>>
      tpu.enqueue_indirect_dma source(%dma_start3A_681 : memref<1000000x32xf32, #tpu.memory_space<hbm>>) target(%dma_start3A_675 : memref<128x32xf32, #tpu.memory_space<vmem>>) offsets(%dma_start3A_678 : memref<128xi32, #tpu.memory_space<vmem>>) semaphore(%arg12 : memref<!tpu.dma_semaphore, #tpu.memory_space<semaphore_mem>>)
      %mul3A_682 = arith.constant 4 : i32
      %mul3A_683 = arith.muli %add3A, %mul3A_682 : i32
      %add3A_684 = arith.constant 0 : i32
      %add3A_685 = arith.addi %mul3A_683, %add3A_684 : i32
      %dma_start3A_686 = arith.constant 4 : i32
      %dma_start3A_687 = arith.constant 0 : i32
      %dma_start3A_688 = arith.constant 0 : i32
      %dma_start3A_689 = arith.constant 0 : i32
      %dma_start3A_690 = tpu.memref_slice %arg7[%dma_start3A_686, %dma_start3A_687, %dma_start3A_688, %dma_start3A_689] : memref<8x4x8x128xf32, #tpu.memory_space<vmem>> -> memref<1x4x8x128xf32, #tpu.memory_space<vmem>>
      %dma_start3A_691 = tpu.memref_squeeze %dma_start3A_690 : memref<1x4x8x128xf32, #tpu.memory_space<vmem>> -> memref<4x8x128xf32, #tpu.memory_space<vmem>>
      %dma_start3A_692 = arith.constant 0 : i32
      %dma_start3A_693 = arith.constant 0 : i32
      %dma_start3A_694 = arith.constant 0 : i32
      %dma_start3A_695 = tpu.memref_slice %arg4[%add3A_644, %dma_start3A_692, %add3A_685, %dma_start3A_693, %dma_start3A_694] : memref<50x4x128x8x128xf32, #tpu.memory_space<hbm>> -> memref<1x4x1x8x128xf32, #tpu.memory_space<hbm>>
      %dma_start3A_696 = tpu.memref_squeeze %dma_start3A_695 : memref<1x4x1x8x128xf32, #tpu.memory_space<hbm>> -> memref<4x8x128xf32, #tpu.memory_space<hbm>>
      %dma_start3A_697 = arith.constant 0 : i32
      %dma_start3A_698 = arith.constant 0 : i32
      %dma_start3A_699 = arith.constant 0 : i32
      %dma_start3A_700 = tpu.memref_slice %arg4[%add3A_644, %dma_start3A_697, %add3A_685, %dma_start3A_698, %dma_start3A_699] : memref<50x4x128x8x128xf32, #tpu.memory_space<hbm>> -> memref<1x4x1x8x128xf32, #tpu.memory_space<hbm>>
      %dma_start3A_701 = tpu.memref_squeeze %dma_start3A_700 : memref<1x4x1x8x128xf32, #tpu.memory_space<hbm>> -> memref<4x8x128xf32, #tpu.memory_space<hbm>>
      %dma_start3A_702 = arith.constant 0 : i32
      %dma_start3A_703 = arith.constant 0 : i32
      %dma_start3A_704 = arith.constant 0 : i32
      %dma_start3A_705 = tpu.memref_slice %arg7[%dma_start3A_686, %dma_start3A_702, %dma_start3A_703, %dma_start3A_704] : memref<8x4x8x128xf32, #tpu.memory_space<vmem>> -> memref<1x4x8x128xf32, #tpu.memory_space<vmem>>
      %dma_start3A_706 = tpu.memref_squeeze %dma_start3A_705 : memref<1x4x8x128xf32, #tpu.memory_space<vmem>> -> memref<4x8x128xf32, #tpu.memory_space<vmem>>
      tpu.enqueue_dma source(%dma_start3A_706 : memref<4x8x128xf32, #tpu.memory_space<vmem>>) target(%dma_start3A_701 : memref<4x8x128xf32, #tpu.memory_space<hbm>>) target_semaphore(%arg20 : memref<!tpu.dma_semaphore, #tpu.memory_space<semaphore_mem>>)
      %add3A_707 = arith.constant 1 : i32
      %add3A_708 = arith.addi %mul3A_391, %add3A_707 : i32
      %add3A_709 = arith.constant 2 : i32
      %add3A_710 = arith.addi %add3A_708, %add3A_709 : i32
      %min3A_711 = arith.constant 49 : i32
      %min3A_712 = arith.minsi %add3A_710, %min3A_711 : i32
      %dma_wait3A_713 = arith.constant 0 : i32
      %dma_wait3A_714 = arith.constant 5 : i32
      %dma_wait3A_715 = arith.constant 0 : i32
      %dma_wait3A_716 = arith.constant 0 : i32
      %dma_wait3A_717 = tpu.memref_slice %arg6[%dma_wait3A_714, %dma_wait3A_715, %dma_wait3A_716] : memref<8x128x32xf32, #tpu.memory_space<vmem>> -> memref<1x128x32xf32, #tpu.memory_space<vmem>>
      %dma_wait3A_718 = tpu.memref_squeeze %dma_wait3A_717 : memref<1x128x32xf32, #tpu.memory_space<vmem>> -> memref<128x32xf32, #tpu.memory_space<vmem>>
      %dma_wait3A_719 = arith.constant 0 : i32
      %dma_wait3A_720 = tpu.memref_slice %arg5[%dma_wait3A_713, %dma_wait3A_719] : memref<50x512xi32, #tpu.memory_space<vmem>> -> memref<1x128xi32, #tpu.memory_space<vmem>>
      %dma_wait3A_721 = tpu.memref_squeeze %dma_wait3A_720 : memref<1x128xi32, #tpu.memory_space<vmem>> -> memref<128xi32, #tpu.memory_space<vmem>>
      %dma_wait3A_722 = arith.constant 0 : i32
      %dma_wait3A_723 = arith.constant 0 : i32
      %dma_wait3A_724 = tpu.memref_slice %arg2[%dma_wait3A_722, %dma_wait3A_723] : memref<1000000x32xf32, #tpu.memory_space<hbm>> -> memref<1000000x32xf32, #tpu.memory_space<hbm>>
      tpu.wait_indirect_dma semaphore(%arg13 : memref<!tpu.dma_semaphore, #tpu.memory_space<semaphore_mem>>) src(%dma_wait3A_724 : memref<1000000x32xf32, #tpu.memory_space<hbm>>) dst(%dma_wait3A_718 : memref<128x32xf32, #tpu.memory_space<vmem>>)
      %gt3A_725 = arith.constant 0 : i32
      %gt3A_726 = arith.cmpi sgt, %scan3A_389, %gt3A_725 : i32
      %convert_element_type3A_727 = arith.extui %gt3A_726 : i1 to i32
      %cond3A_728 = arith.constant 0 : i32
      %cond3A_729 = arith.cmpi ne, %convert_element_type3A_727, %cond3A_728 : i32
      scf.if %cond3A_729 {
        %dma_wait3A_899 = arith.constant 5 : i32
        %dma_wait3A_900 = arith.constant 0 : i32
        %dma_wait3A_901 = arith.constant 0 : i32
        %dma_wait3A_902 = arith.constant 0 : i32
        %dma_wait3A_903 = arith.constant 0 : i32
        %dma_wait3A_904 = arith.constant 0 : i32
        %dma_wait3A_905 = tpu.memref_slice %arg7[%dma_wait3A_899, %dma_wait3A_902, %dma_wait3A_903, %dma_wait3A_904] : memref<8x4x8x128xf32, #tpu.memory_space<vmem>> -> memref<1x4x8x128xf32, #tpu.memory_space<vmem>>
        %dma_wait3A_906 = tpu.memref_squeeze %dma_wait3A_905 : memref<1x4x8x128xf32, #tpu.memory_space<vmem>> -> memref<4x8x128xf32, #tpu.memory_space<vmem>>
        %dma_wait3A_907 = arith.constant 0 : i32
        %dma_wait3A_908 = arith.constant 0 : i32
        %dma_wait3A_909 = arith.constant 0 : i32
        %dma_wait3A_910 = tpu.memref_slice %arg4[%dma_wait3A_900, %dma_wait3A_907, %dma_wait3A_901, %dma_wait3A_908, %dma_wait3A_909] : memref<50x4x128x8x128xf32, #tpu.memory_space<hbm>> -> memref<1x4x1x8x128xf32, #tpu.memory_space<hbm>>
        %dma_wait3A_911 = tpu.memref_squeeze %dma_wait3A_910 : memref<1x4x1x8x128xf32, #tpu.memory_space<hbm>> -> memref<4x8x128xf32, #tpu.memory_space<hbm>>
        %dma_wait3A_912 = arith.constant 0 : i32
        %dma_wait3A_913 = arith.constant 0 : i32
        %dma_wait3A_914 = arith.constant 0 : i32
        %dma_wait3A_915 = tpu.memref_slice %arg4[%dma_wait3A_900, %dma_wait3A_912, %dma_wait3A_901, %dma_wait3A_913, %dma_wait3A_914] : memref<50x4x128x8x128xf32, #tpu.memory_space<hbm>> -> memref<1x4x1x8x128xf32, #tpu.memory_space<hbm>>
        %dma_wait3A_916 = tpu.memref_squeeze %dma_wait3A_915 : memref<1x4x1x8x128xf32, #tpu.memory_space<hbm>> -> memref<4x8x128xf32, #tpu.memory_space<hbm>>
        %dma_wait3A_917 = arith.constant 0 : i32
        %dma_wait3A_918 = arith.constant 0 : i32
        %dma_wait3A_919 = arith.constant 0 : i32
        %dma_wait3A_920 = tpu.memref_slice %arg7[%dma_wait3A_899, %dma_wait3A_917, %dma_wait3A_918, %dma_wait3A_919] : memref<8x4x8x128xf32, #tpu.memory_space<vmem>> -> memref<1x4x8x128xf32, #tpu.memory_space<vmem>>
        %dma_wait3A_921 = tpu.memref_squeeze %dma_wait3A_920 : memref<1x4x8x128xf32, #tpu.memory_space<vmem>> -> memref<4x8x128xf32, #tpu.memory_space<vmem>>
        tpu.wait_dma2 semaphore(%arg21 : memref<!tpu.dma_semaphore, #tpu.memory_space<semaphore_mem>>) src(%dma_wait3A_921 : memref<4x8x128xf32, #tpu.memory_space<vmem>>) dst(%dma_wait3A_916 : memref<4x8x128xf32, #tpu.memory_space<hbm>>)
      } else {
      }
      %parallel_loop3A_730 = arith.constant 0 : i32
      %parallel_loop3A_731 = arith.constant 128 : i32
      %parallel_loop3A_732 = arith.constant 1 : i32
      %parallel_loop3A_733 = arith.constant 5 : i32
      %parallel_loop3A_734 = arith.constant 5 : i32
      scf.for %parallel_loop3A_899 = %parallel_loop3A_730 to %parallel_loop3A_731 step %parallel_loop3A_732  : i32 {
        %parallel_loop3A_900 = arith.constant 0 : i32
        %parallel_loop3A_901 = vector.broadcast %parallel_loop3A_900 : i32 to vector<16xi32>
        %parallel_loop3A_902 = vector.broadcast %parallel_loop3A_899 : i32 to vector<16xi32>
        %parallel_loop3A_903 = arith.addi %parallel_loop3A_901, %parallel_loop3A_902 : vector<16xi32>
        %parallel_loop3A_904 = arith.constant 0 : i32
        %parallel_loop3A_905 = arith.constant 0 : i32
        %parallel_loop3A_906 = tpu.memref_slice %arg6[%parallel_loop3A_733, %parallel_loop3A_904, %parallel_loop3A_905] : memref<8x128x32xf32, #tpu.memory_space<vmem>> -> memref<1x128x32xf32, #tpu.memory_space<vmem>>
        %parallel_loop3A_907 = tpu.memref_squeeze %parallel_loop3A_906 : memref<1x128x32xf32, #tpu.memory_space<vmem>> -> memref<128x32xf32, #tpu.memory_space<vmem>>
        %parallel_loop3A_908 = arith.index_cast %parallel_loop3A_899 : i32 to index
        %parallel_loop3A_909 = arith.constant 0 : index
        %parallel_loop3A_910 = tpu.vector_load %parallel_loop3A_907[%parallel_loop3A_908, %parallel_loop3A_909] {strides = array<i32>} : memref<128x32xf32, #tpu.memory_space<vmem>>, vector<16xf32>,
        %parallel_loop3A_911 = arith.constant 0 : i32
        %parallel_loop3A_912 = arith.constant 0 : i32
        %parallel_loop3A_913 = tpu.memref_slice %arg6[%parallel_loop3A_733, %parallel_loop3A_911, %parallel_loop3A_912] : memref<8x128x32xf32, #tpu.memory_space<vmem>> -> memref<1x128x32xf32, #tpu.memory_space<vmem>>
        %parallel_loop3A_914 = tpu.memref_squeeze %parallel_loop3A_913 : memref<1x128x32xf32, #tpu.memory_space<vmem>> -> memref<128x32xf32, #tpu.memory_space<vmem>>
        %parallel_loop3A_915 = arith.index_cast %parallel_loop3A_899 : i32 to index
        %parallel_loop3A_916 = arith.constant 16 : index
        %parallel_loop3A_917 = tpu.vector_load %parallel_loop3A_914[%parallel_loop3A_915, %parallel_loop3A_916] {strides = array<i32>} : memref<128x32xf32, #tpu.memory_space<vmem>>, vector<16xf32>,
        %parallel_loop3A_918 = arith.constant 0 : i32
        %parallel_loop3A_919 = arith.constant 0 : i32
        %parallel_loop3A_920 = arith.constant 0 : i32
        %parallel_loop3A_921 = tpu.memref_slice %arg7[%parallel_loop3A_734, %parallel_loop3A_918, %parallel_loop3A_919, %parallel_loop3A_920] : memref<8x4x8x128xf32, #tpu.memory_space<vmem>> -> memref<1x4x8x128xf32, #tpu.memory_space<vmem>>
        %parallel_loop3A_922 = tpu.memref_squeeze %parallel_loop3A_921 : memref<1x4x8x128xf32, #tpu.memory_space<vmem>> -> memref<4x8x128xf32, #tpu.memory_space<vmem>>
        tpu.vector_store_idx %parallel_loop3A_922[%shift_right_arithmetic3A_4, %and3A_9, %parallel_loop3A_903], %parallel_loop3A_910 : memref<4x8x128xf32, #tpu.memory_space<vmem>>[vector<16xi32>, vector<16xi32>, vector<16xi32>], vector<16xf32>,
        %parallel_loop3A_923 = arith.constant 0 : i32
        %parallel_loop3A_924 = arith.constant 0 : i32
        %parallel_loop3A_925 = arith.constant 0 : i32
        %parallel_loop3A_926 = tpu.memref_slice %arg7[%parallel_loop3A_734, %parallel_loop3A_923, %parallel_loop3A_924, %parallel_loop3A_925] : memref<8x4x8x128xf32, #tpu.memory_space<vmem>> -> memref<1x4x8x128xf32, #tpu.memory_space<vmem>>
        %parallel_loop3A_927 = tpu.memref_squeeze %parallel_loop3A_926 : memref<1x4x8x128xf32, #tpu.memory_space<vmem>> -> memref<4x8x128xf32, #tpu.memory_space<vmem>>
        tpu.vector_store_idx %parallel_loop3A_927[%add3A_7, %and3A_9, %parallel_loop3A_903], %parallel_loop3A_917 : memref<4x8x128xf32, #tpu.memory_space<vmem>>[vector<16xi32>, vector<16xi32>, vector<16xi32>], vector<16xf32>,
      } {sc.loop_unroll_factor = 16 : i64, sc.parallel_access}
      %dma_start3A_735 = arith.constant 5 : i32
      %dma_start3A_736 = arith.constant 0 : i32
      %dma_start3A_737 = arith.constant 0 : i32
      %dma_start3A_738 = tpu.memref_slice %arg6[%dma_start3A_735, %dma_start3A_736, %dma_start3A_737] : memref<8x128x32xf32, #tpu.memory_space<vmem>> -> memref<1x128x32xf32, #tpu.memory_space<vmem>>
      %dma_start3A_739 = tpu.memref_squeeze %dma_start3A_738 : memref<1x128x32xf32, #tpu.memory_space<vmem>> -> memref<128x32xf32, #tpu.memory_space<vmem>>
      %dma_start3A_740 = arith.constant 128 : i32
      %dma_start3A_741 = tpu.memref_slice %arg5[%min3A_712, %dma_start3A_740] : memref<50x512xi32, #tpu.memory_space<vmem>> -> memref<1x128xi32, #tpu.memory_space<vmem>>
      %dma_start3A_742 = tpu.memref_squeeze %dma_start3A_741 : memref<1x128xi32, #tpu.memory_space<vmem>> -> memref<128xi32, #tpu.memory_space<vmem>>
      %dma_start3A_743 = arith.constant 0 : i32
      %dma_start3A_744 = arith.constant 0 : i32
      %dma_start3A_745 = tpu.memref_slice %arg2[%dma_start3A_743, %dma_start3A_744] : memref<1000000x32xf32, #tpu.memory_space<hbm>> -> memref<1000000x32xf32, #tpu.memory_space<hbm>>
      tpu.enqueue_indirect_dma source(%dma_start3A_745 : memref<1000000x32xf32, #tpu.memory_space<hbm>>) target(%dma_start3A_739 : memref<128x32xf32, #tpu.memory_space<vmem>>) offsets(%dma_start3A_742 : memref<128xi32, #tpu.memory_space<vmem>>) semaphore(%arg13 : memref<!tpu.dma_semaphore, #tpu.memory_space<semaphore_mem>>)
      %mul3A_746 = arith.constant 4 : i32
      %mul3A_747 = arith.muli %add3A, %mul3A_746 : i32
      %add3A_748 = arith.constant 1 : i32
      %add3A_749 = arith.addi %mul3A_747, %add3A_748 : i32
      %dma_start3A_750 = arith.constant 5 : i32
      %dma_start3A_751 = arith.constant 0 : i32
      %dma_start3A_752 = arith.constant 0 : i32
      %dma_start3A_753 = arith.constant 0 : i32
      %dma_start3A_754 = tpu.memref_slice %arg7[%dma_start3A_750, %dma_start3A_751, %dma_start3A_752, %dma_start3A_753] : memref<8x4x8x128xf32, #tpu.memory_space<vmem>> -> memref<1x4x8x128xf32, #tpu.memory_space<vmem>>
      %dma_start3A_755 = tpu.memref_squeeze %dma_start3A_754 : memref<1x4x8x128xf32, #tpu.memory_space<vmem>> -> memref<4x8x128xf32, #tpu.memory_space<vmem>>
      %dma_start3A_756 = arith.constant 0 : i32
      %dma_start3A_757 = arith.constant 0 : i32
      %dma_start3A_758 = arith.constant 0 : i32
      %dma_start3A_759 = tpu.memref_slice %arg4[%add3A_708, %dma_start3A_756, %add3A_749, %dma_start3A_757, %dma_start3A_758] : memref<50x4x128x8x128xf32, #tpu.memory_space<hbm>> -> memref<1x4x1x8x128xf32, #tpu.memory_space<hbm>>
      %dma_start3A_760 = tpu.memref_squeeze %dma_start3A_759 : memref<1x4x1x8x128xf32, #tpu.memory_space<hbm>> -> memref<4x8x128xf32, #tpu.memory_space<hbm>>
      %dma_start3A_761 = arith.constant 0 : i32
      %dma_start3A_762 = arith.constant 0 : i32
      %dma_start3A_763 = arith.constant 0 : i32
      %dma_start3A_764 = tpu.memref_slice %arg4[%add3A_708, %dma_start3A_761, %add3A_749, %dma_start3A_762, %dma_start3A_763] : memref<50x4x128x8x128xf32, #tpu.memory_space<hbm>> -> memref<1x4x1x8x128xf32, #tpu.memory_space<hbm>>
      %dma_start3A_765 = tpu.memref_squeeze %dma_start3A_764 : memref<1x4x1x8x128xf32, #tpu.memory_space<hbm>> -> memref<4x8x128xf32, #tpu.memory_space<hbm>>
      %dma_start3A_766 = arith.constant 0 : i32
      %dma_start3A_767 = arith.constant 0 : i32
      %dma_start3A_768 = arith.constant 0 : i32
      %dma_start3A_769 = tpu.memref_slice %arg7[%dma_start3A_750, %dma_start3A_766, %dma_start3A_767, %dma_start3A_768] : memref<8x4x8x128xf32, #tpu.memory_space<vmem>> -> memref<1x4x8x128xf32, #tpu.memory_space<vmem>>
      %dma_start3A_770 = tpu.memref_squeeze %dma_start3A_769 : memref<1x4x8x128xf32, #tpu.memory_space<vmem>> -> memref<4x8x128xf32, #tpu.memory_space<vmem>>
      tpu.enqueue_dma source(%dma_start3A_770 : memref<4x8x128xf32, #tpu.memory_space<vmem>>) target(%dma_start3A_765 : memref<4x8x128xf32, #tpu.memory_space<hbm>>) target_semaphore(%arg21 : memref<!tpu.dma_semaphore, #tpu.memory_space<semaphore_mem>>)
      %add3A_771 = arith.constant 1 : i32
      %add3A_772 = arith.addi %mul3A_391, %add3A_771 : i32
      %add3A_773 = arith.constant 2 : i32
      %add3A_774 = arith.addi %add3A_772, %add3A_773 : i32
      %min3A_775 = arith.constant 49 : i32
      %min3A_776 = arith.minsi %add3A_774, %min3A_775 : i32
      %dma_wait3A_777 = arith.constant 0 : i32
      %dma_wait3A_778 = arith.constant 6 : i32
      %dma_wait3A_779 = arith.constant 0 : i32
      %dma_wait3A_780 = arith.constant 0 : i32
      %dma_wait3A_781 = tpu.memref_slice %arg6[%dma_wait3A_778, %dma_wait3A_779, %dma_wait3A_780] : memref<8x128x32xf32, #tpu.memory_space<vmem>> -> memref<1x128x32xf32, #tpu.memory_space<vmem>>
      %dma_wait3A_782 = tpu.memref_squeeze %dma_wait3A_781 : memref<1x128x32xf32, #tpu.memory_space<vmem>> -> memref<128x32xf32, #tpu.memory_space<vmem>>
      %dma_wait3A_783 = arith.constant 0 : i32
      %dma_wait3A_784 = tpu.memref_slice %arg5[%dma_wait3A_777, %dma_wait3A_783] : memref<50x512xi32, #tpu.memory_space<vmem>> -> memref<1x128xi32, #tpu.memory_space<vmem>>
      %dma_wait3A_785 = tpu.memref_squeeze %dma_wait3A_784 : memref<1x128xi32, #tpu.memory_space<vmem>> -> memref<128xi32, #tpu.memory_space<vmem>>
      %dma_wait3A_786 = arith.constant 0 : i32
      %dma_wait3A_787 = arith.constant 0 : i32
      %dma_wait3A_788 = tpu.memref_slice %arg2[%dma_wait3A_786, %dma_wait3A_787] : memref<1000000x32xf32, #tpu.memory_space<hbm>> -> memref<1000000x32xf32, #tpu.memory_space<hbm>>
      tpu.wait_indirect_dma semaphore(%arg14 : memref<!tpu.dma_semaphore, #tpu.memory_space<semaphore_mem>>) src(%dma_wait3A_788 : memref<1000000x32xf32, #tpu.memory_space<hbm>>) dst(%dma_wait3A_782 : memref<128x32xf32, #tpu.memory_space<vmem>>)
      %gt3A_789 = arith.constant 0 : i32
      %gt3A_790 = arith.cmpi sgt, %scan3A_389, %gt3A_789 : i32
      %convert_element_type3A_791 = arith.extui %gt3A_790 : i1 to i32
      %cond3A_792 = arith.constant 0 : i32
      %cond3A_793 = arith.cmpi ne, %convert_element_type3A_791, %cond3A_792 : i32
      scf.if %cond3A_793 {
        %dma_wait3A_899 = arith.constant 6 : i32
        %dma_wait3A_900 = arith.constant 0 : i32
        %dma_wait3A_901 = arith.constant 0 : i32
        %dma_wait3A_902 = arith.constant 0 : i32
        %dma_wait3A_903 = arith.constant 0 : i32
        %dma_wait3A_904 = arith.constant 0 : i32
        %dma_wait3A_905 = tpu.memref_slice %arg7[%dma_wait3A_899, %dma_wait3A_902, %dma_wait3A_903, %dma_wait3A_904] : memref<8x4x8x128xf32, #tpu.memory_space<vmem>> -> memref<1x4x8x128xf32, #tpu.memory_space<vmem>>
        %dma_wait3A_906 = tpu.memref_squeeze %dma_wait3A_905 : memref<1x4x8x128xf32, #tpu.memory_space<vmem>> -> memref<4x8x128xf32, #tpu.memory_space<vmem>>
        %dma_wait3A_907 = arith.constant 0 : i32
        %dma_wait3A_908 = arith.constant 0 : i32
        %dma_wait3A_909 = arith.constant 0 : i32
        %dma_wait3A_910 = tpu.memref_slice %arg4[%dma_wait3A_900, %dma_wait3A_907, %dma_wait3A_901, %dma_wait3A_908, %dma_wait3A_909] : memref<50x4x128x8x128xf32, #tpu.memory_space<hbm>> -> memref<1x4x1x8x128xf32, #tpu.memory_space<hbm>>
        %dma_wait3A_911 = tpu.memref_squeeze %dma_wait3A_910 : memref<1x4x1x8x128xf32, #tpu.memory_space<hbm>> -> memref<4x8x128xf32, #tpu.memory_space<hbm>>
        %dma_wait3A_912 = arith.constant 0 : i32
        %dma_wait3A_913 = arith.constant 0 : i32
        %dma_wait3A_914 = arith.constant 0 : i32
        %dma_wait3A_915 = tpu.memref_slice %arg4[%dma_wait3A_900, %dma_wait3A_912, %dma_wait3A_901, %dma_wait3A_913, %dma_wait3A_914] : memref<50x4x128x8x128xf32, #tpu.memory_space<hbm>> -> memref<1x4x1x8x128xf32, #tpu.memory_space<hbm>>
        %dma_wait3A_916 = tpu.memref_squeeze %dma_wait3A_915 : memref<1x4x1x8x128xf32, #tpu.memory_space<hbm>> -> memref<4x8x128xf32, #tpu.memory_space<hbm>>
        %dma_wait3A_917 = arith.constant 0 : i32
        %dma_wait3A_918 = arith.constant 0 : i32
        %dma_wait3A_919 = arith.constant 0 : i32
        %dma_wait3A_920 = tpu.memref_slice %arg7[%dma_wait3A_899, %dma_wait3A_917, %dma_wait3A_918, %dma_wait3A_919] : memref<8x4x8x128xf32, #tpu.memory_space<vmem>> -> memref<1x4x8x128xf32, #tpu.memory_space<vmem>>
        %dma_wait3A_921 = tpu.memref_squeeze %dma_wait3A_920 : memref<1x4x8x128xf32, #tpu.memory_space<vmem>> -> memref<4x8x128xf32, #tpu.memory_space<vmem>>
        tpu.wait_dma2 semaphore(%arg22 : memref<!tpu.dma_semaphore, #tpu.memory_space<semaphore_mem>>) src(%dma_wait3A_921 : memref<4x8x128xf32, #tpu.memory_space<vmem>>) dst(%dma_wait3A_916 : memref<4x8x128xf32, #tpu.memory_space<hbm>>)
      } else {
      }
      %parallel_loop3A_794 = arith.constant 0 : i32
      %parallel_loop3A_795 = arith.constant 128 : i32
      %parallel_loop3A_796 = arith.constant 1 : i32
      %parallel_loop3A_797 = arith.constant 6 : i32
      %parallel_loop3A_798 = arith.constant 6 : i32
      scf.for %parallel_loop3A_899 = %parallel_loop3A_794 to %parallel_loop3A_795 step %parallel_loop3A_796  : i32 {
        %parallel_loop3A_900 = arith.constant 0 : i32
        %parallel_loop3A_901 = vector.broadcast %parallel_loop3A_900 : i32 to vector<16xi32>
        %parallel_loop3A_902 = vector.broadcast %parallel_loop3A_899 : i32 to vector<16xi32>
        %parallel_loop3A_903 = arith.addi %parallel_loop3A_901, %parallel_loop3A_902 : vector<16xi32>
        %parallel_loop3A_904 = arith.constant 0 : i32
        %parallel_loop3A_905 = arith.constant 0 : i32
        %parallel_loop3A_906 = tpu.memref_slice %arg6[%parallel_loop3A_797, %parallel_loop3A_904, %parallel_loop3A_905] : memref<8x128x32xf32, #tpu.memory_space<vmem>> -> memref<1x128x32xf32, #tpu.memory_space<vmem>>
        %parallel_loop3A_907 = tpu.memref_squeeze %parallel_loop3A_906 : memref<1x128x32xf32, #tpu.memory_space<vmem>> -> memref<128x32xf32, #tpu.memory_space<vmem>>
        %parallel_loop3A_908 = arith.index_cast %parallel_loop3A_899 : i32 to index
        %parallel_loop3A_909 = arith.constant 0 : index
        %parallel_loop3A_910 = tpu.vector_load %parallel_loop3A_907[%parallel_loop3A_908, %parallel_loop3A_909] {strides = array<i32>} : memref<128x32xf32, #tpu.memory_space<vmem>>, vector<16xf32>,
        %parallel_loop3A_911 = arith.constant 0 : i32
        %parallel_loop3A_912 = arith.constant 0 : i32
        %parallel_loop3A_913 = tpu.memref_slice %arg6[%parallel_loop3A_797, %parallel_loop3A_911, %parallel_loop3A_912] : memref<8x128x32xf32, #tpu.memory_space<vmem>> -> memref<1x128x32xf32, #tpu.memory_space<vmem>>
        %parallel_loop3A_914 = tpu.memref_squeeze %parallel_loop3A_913 : memref<1x128x32xf32, #tpu.memory_space<vmem>> -> memref<128x32xf32, #tpu.memory_space<vmem>>
        %parallel_loop3A_915 = arith.index_cast %parallel_loop3A_899 : i32 to index
        %parallel_loop3A_916 = arith.constant 16 : index
        %parallel_loop3A_917 = tpu.vector_load %parallel_loop3A_914[%parallel_loop3A_915, %parallel_loop3A_916] {strides = array<i32>} : memref<128x32xf32, #tpu.memory_space<vmem>>, vector<16xf32>,
        %parallel_loop3A_918 = arith.constant 0 : i32
        %parallel_loop3A_919 = arith.constant 0 : i32
        %parallel_loop3A_920 = arith.constant 0 : i32
        %parallel_loop3A_921 = tpu.memref_slice %arg7[%parallel_loop3A_798, %parallel_loop3A_918, %parallel_loop3A_919, %parallel_loop3A_920] : memref<8x4x8x128xf32, #tpu.memory_space<vmem>> -> memref<1x4x8x128xf32, #tpu.memory_space<vmem>>
        %parallel_loop3A_922 = tpu.memref_squeeze %parallel_loop3A_921 : memref<1x4x8x128xf32, #tpu.memory_space<vmem>> -> memref<4x8x128xf32, #tpu.memory_space<vmem>>
        tpu.vector_store_idx %parallel_loop3A_922[%shift_right_arithmetic3A_4, %and3A_9, %parallel_loop3A_903], %parallel_loop3A_910 : memref<4x8x128xf32, #tpu.memory_space<vmem>>[vector<16xi32>, vector<16xi32>, vector<16xi32>], vector<16xf32>,
        %parallel_loop3A_923 = arith.constant 0 : i32
        %parallel_loop3A_924 = arith.constant 0 : i32
        %parallel_loop3A_925 = arith.constant 0 : i32
        %parallel_loop3A_926 = tpu.memref_slice %arg7[%parallel_loop3A_798, %parallel_loop3A_923, %parallel_loop3A_924, %parallel_loop3A_925] : memref<8x4x8x128xf32, #tpu.memory_space<vmem>> -> memref<1x4x8x128xf32, #tpu.memory_space<vmem>>
        %parallel_loop3A_927 = tpu.memref_squeeze %parallel_loop3A_926 : memref<1x4x8x128xf32, #tpu.memory_space<vmem>> -> memref<4x8x128xf32, #tpu.memory_space<vmem>>
        tpu.vector_store_idx %parallel_loop3A_927[%add3A_7, %and3A_9, %parallel_loop3A_903], %parallel_loop3A_917 : memref<4x8x128xf32, #tpu.memory_space<vmem>>[vector<16xi32>, vector<16xi32>, vector<16xi32>], vector<16xf32>,
      } {sc.loop_unroll_factor = 16 : i64, sc.parallel_access}
      %dma_start3A_799 = arith.constant 6 : i32
      %dma_start3A_800 = arith.constant 0 : i32
      %dma_start3A_801 = arith.constant 0 : i32
      %dma_start3A_802 = tpu.memref_slice %arg6[%dma_start3A_799, %dma_start3A_800, %dma_start3A_801] : memref<8x128x32xf32, #tpu.memory_space<vmem>> -> memref<1x128x32xf32, #tpu.memory_space<vmem>>
      %dma_start3A_803 = tpu.memref_squeeze %dma_start3A_802 : memref<1x128x32xf32, #tpu.memory_space<vmem>> -> memref<128x32xf32, #tpu.memory_space<vmem>>
      %dma_start3A_804 = arith.constant 256 : i32
      %dma_start3A_805 = tpu.memref_slice %arg5[%min3A_776, %dma_start3A_804] : memref<50x512xi32, #tpu.memory_space<vmem>> -> memref<1x128xi32, #tpu.memory_space<vmem>>
      %dma_start3A_806 = tpu.memref_squeeze %dma_start3A_805 : memref<1x128xi32, #tpu.memory_space<vmem>> -> memref<128xi32, #tpu.memory_space<vmem>>
      %dma_start3A_807 = arith.constant 0 : i32
      %dma_start3A_808 = arith.constant 0 : i32
      %dma_start3A_809 = tpu.memref_slice %arg2[%dma_start3A_807, %dma_start3A_808] : memref<1000000x32xf32, #tpu.memory_space<hbm>> -> memref<1000000x32xf32, #tpu.memory_space<hbm>>
      tpu.enqueue_indirect_dma source(%dma_start3A_809 : memref<1000000x32xf32, #tpu.memory_space<hbm>>) target(%dma_start3A_803 : memref<128x32xf32, #tpu.memory_space<vmem>>) offsets(%dma_start3A_806 : memref<128xi32, #tpu.memory_space<vmem>>) semaphore(%arg14 : memref<!tpu.dma_semaphore, #tpu.memory_space<semaphore_mem>>)
      %mul3A_810 = arith.constant 4 : i32
      %mul3A_811 = arith.muli %add3A, %mul3A_810 : i32
      %add3A_812 = arith.constant 2 : i32
      %add3A_813 = arith.addi %mul3A_811, %add3A_812 : i32
      %dma_start3A_814 = arith.constant 6 : i32
      %dma_start3A_815 = arith.constant 0 : i32
      %dma_start3A_816 = arith.constant 0 : i32
      %dma_start3A_817 = arith.constant 0 : i32
      %dma_start3A_818 = tpu.memref_slice %arg7[%dma_start3A_814, %dma_start3A_815, %dma_start3A_816, %dma_start3A_817] : memref<8x4x8x128xf32, #tpu.memory_space<vmem>> -> memref<1x4x8x128xf32, #tpu.memory_space<vmem>>
      %dma_start3A_819 = tpu.memref_squeeze %dma_start3A_818 : memref<1x4x8x128xf32, #tpu.memory_space<vmem>> -> memref<4x8x128xf32, #tpu.memory_space<vmem>>
      %dma_start3A_820 = arith.constant 0 : i32
      %dma_start3A_821 = arith.constant 0 : i32
      %dma_start3A_822 = arith.constant 0 : i32
      %dma_start3A_823 = tpu.memref_slice %arg4[%add3A_772, %dma_start3A_820, %add3A_813, %dma_start3A_821, %dma_start3A_822] : memref<50x4x128x8x128xf32, #tpu.memory_space<hbm>> -> memref<1x4x1x8x128xf32, #tpu.memory_space<hbm>>
      %dma_start3A_824 = tpu.memref_squeeze %dma_start3A_823 : memref<1x4x1x8x128xf32, #tpu.memory_space<hbm>> -> memref<4x8x128xf32, #tpu.memory_space<hbm>>
      %dma_start3A_825 = arith.constant 0 : i32
      %dma_start3A_826 = arith.constant 0 : i32
      %dma_start3A_827 = arith.constant 0 : i32
      %dma_start3A_828 = tpu.memref_slice %arg4[%add3A_772, %dma_start3A_825, %add3A_813, %dma_start3A_826, %dma_start3A_827] : memref<50x4x128x8x128xf32, #tpu.memory_space<hbm>> -> memref<1x4x1x8x128xf32, #tpu.memory_space<hbm>>
      %dma_start3A_829 = tpu.memref_squeeze %dma_start3A_828 : memref<1x4x1x8x128xf32, #tpu.memory_space<hbm>> -> memref<4x8x128xf32, #tpu.memory_space<hbm>>
      %dma_start3A_830 = arith.constant 0 : i32
      %dma_start3A_831 = arith.constant 0 : i32
      %dma_start3A_832 = arith.constant 0 : i32
      %dma_start3A_833 = tpu.memref_slice %arg7[%dma_start3A_814, %dma_start3A_830, %dma_start3A_831, %dma_start3A_832] : memref<8x4x8x128xf32, #tpu.memory_space<vmem>> -> memref<1x4x8x128xf32, #tpu.memory_space<vmem>>
      %dma_start3A_834 = tpu.memref_squeeze %dma_start3A_833 : memref<1x4x8x128xf32, #tpu.memory_space<vmem>> -> memref<4x8x128xf32, #tpu.memory_space<vmem>>
      tpu.enqueue_dma source(%dma_start3A_834 : memref<4x8x128xf32, #tpu.memory_space<vmem>>) target(%dma_start3A_829 : memref<4x8x128xf32, #tpu.memory_space<hbm>>) target_semaphore(%arg22 : memref<!tpu.dma_semaphore, #tpu.memory_space<semaphore_mem>>)
      %add3A_835 = arith.constant 1 : i32
      %add3A_836 = arith.addi %mul3A_391, %add3A_835 : i32
      %add3A_837 = arith.constant 2 : i32
      %add3A_838 = arith.addi %add3A_836, %add3A_837 : i32
      %min3A_839 = arith.constant 49 : i32
      %min3A_840 = arith.minsi %add3A_838, %min3A_839 : i32
      %dma_wait3A_841 = arith.constant 0 : i32
      %dma_wait3A_842 = arith.constant 7 : i32
      %dma_wait3A_843 = arith.constant 0 : i32
      %dma_wait3A_844 = arith.constant 0 : i32
      %dma_wait3A_845 = tpu.memref_slice %arg6[%dma_wait3A_842, %dma_wait3A_843, %dma_wait3A_844] : memref<8x128x32xf32, #tpu.memory_space<vmem>> -> memref<1x128x32xf32, #tpu.memory_space<vmem>>
      %dma_wait3A_846 = tpu.memref_squeeze %dma_wait3A_845 : memref<1x128x32xf32, #tpu.memory_space<vmem>> -> memref<128x32xf32, #tpu.memory_space<vmem>>
      %dma_wait3A_847 = arith.constant 0 : i32
      %dma_wait3A_848 = tpu.memref_slice %arg5[%dma_wait3A_841, %dma_wait3A_847] : memref<50x512xi32, #tpu.memory_space<vmem>> -> memref<1x128xi32, #tpu.memory_space<vmem>>
      %dma_wait3A_849 = tpu.memref_squeeze %dma_wait3A_848 : memref<1x128xi32, #tpu.memory_space<vmem>> -> memref<128xi32, #tpu.memory_space<vmem>>
      %dma_wait3A_850 = arith.constant 0 : i32
      %dma_wait3A_851 = arith.constant 0 : i32
      %dma_wait3A_852 = tpu.memref_slice %arg2[%dma_wait3A_850, %dma_wait3A_851] : memref<1000000x32xf32, #tpu.memory_space<hbm>> -> memref<1000000x32xf32, #tpu.memory_space<hbm>>
      tpu.wait_indirect_dma semaphore(%arg15 : memref<!tpu.dma_semaphore, #tpu.memory_space<semaphore_mem>>) src(%dma_wait3A_852 : memref<1000000x32xf32, #tpu.memory_space<hbm>>) dst(%dma_wait3A_846 : memref<128x32xf32, #tpu.memory_space<vmem>>)
      %gt3A_853 = arith.constant 0 : i32
      %gt3A_854 = arith.cmpi sgt, %scan3A_389, %gt3A_853 : i32
      %convert_element_type3A_855 = arith.extui %gt3A_854 : i1 to i32
      %cond3A_856 = arith.constant 0 : i32
      %cond3A_857 = arith.cmpi ne, %convert_element_type3A_855, %cond3A_856 : i32
      scf.if %cond3A_857 {
        %dma_wait3A_899 = arith.constant 7 : i32
        %dma_wait3A_900 = arith.constant 0 : i32
        %dma_wait3A_901 = arith.constant 0 : i32
        %dma_wait3A_902 = arith.constant 0 : i32
        %dma_wait3A_903 = arith.constant 0 : i32
        %dma_wait3A_904 = arith.constant 0 : i32
        %dma_wait3A_905 = tpu.memref_slice %arg7[%dma_wait3A_899, %dma_wait3A_902, %dma_wait3A_903, %dma_wait3A_904] : memref<8x4x8x128xf32, #tpu.memory_space<vmem>> -> memref<1x4x8x128xf32, #tpu.memory_space<vmem>>
        %dma_wait3A_906 = tpu.memref_squeeze %dma_wait3A_905 : memref<1x4x8x128xf32, #tpu.memory_space<vmem>> -> memref<4x8x128xf32, #tpu.memory_space<vmem>>
        %dma_wait3A_907 = arith.constant 0 : i32
        %dma_wait3A_908 = arith.constant 0 : i32
        %dma_wait3A_909 = arith.constant 0 : i32
        %dma_wait3A_910 = tpu.memref_slice %arg4[%dma_wait3A_900, %dma_wait3A_907, %dma_wait3A_901, %dma_wait3A_908, %dma_wait3A_909] : memref<50x4x128x8x128xf32, #tpu.memory_space<hbm>> -> memref<1x4x1x8x128xf32, #tpu.memory_space<hbm>>
        %dma_wait3A_911 = tpu.memref_squeeze %dma_wait3A_910 : memref<1x4x1x8x128xf32, #tpu.memory_space<hbm>> -> memref<4x8x128xf32, #tpu.memory_space<hbm>>
        %dma_wait3A_912 = arith.constant 0 : i32
        %dma_wait3A_913 = arith.constant 0 : i32
        %dma_wait3A_914 = arith.constant 0 : i32
        %dma_wait3A_915 = tpu.memref_slice %arg4[%dma_wait3A_900, %dma_wait3A_912, %dma_wait3A_901, %dma_wait3A_913, %dma_wait3A_914] : memref<50x4x128x8x128xf32, #tpu.memory_space<hbm>> -> memref<1x4x1x8x128xf32, #tpu.memory_space<hbm>>
        %dma_wait3A_916 = tpu.memref_squeeze %dma_wait3A_915 : memref<1x4x1x8x128xf32, #tpu.memory_space<hbm>> -> memref<4x8x128xf32, #tpu.memory_space<hbm>>
        %dma_wait3A_917 = arith.constant 0 : i32
        %dma_wait3A_918 = arith.constant 0 : i32
        %dma_wait3A_919 = arith.constant 0 : i32
        %dma_wait3A_920 = tpu.memref_slice %arg7[%dma_wait3A_899, %dma_wait3A_917, %dma_wait3A_918, %dma_wait3A_919] : memref<8x4x8x128xf32, #tpu.memory_space<vmem>> -> memref<1x4x8x128xf32, #tpu.memory_space<vmem>>
        %dma_wait3A_921 = tpu.memref_squeeze %dma_wait3A_920 : memref<1x4x8x128xf32, #tpu.memory_space<vmem>> -> memref<4x8x128xf32, #tpu.memory_space<vmem>>
        tpu.wait_dma2 semaphore(%arg23 : memref<!tpu.dma_semaphore, #tpu.memory_space<semaphore_mem>>) src(%dma_wait3A_921 : memref<4x8x128xf32, #tpu.memory_space<vmem>>) dst(%dma_wait3A_916 : memref<4x8x128xf32, #tpu.memory_space<hbm>>)
      } else {
      }
      %parallel_loop3A_858 = arith.constant 0 : i32
      %parallel_loop3A_859 = arith.constant 128 : i32
      %parallel_loop3A_860 = arith.constant 1 : i32
      %parallel_loop3A_861 = arith.constant 7 : i32
      %parallel_loop3A_862 = arith.constant 7 : i32
      scf.for %parallel_loop3A_899 = %parallel_loop3A_858 to %parallel_loop3A_859 step %parallel_loop3A_860  : i32 {
        %parallel_loop3A_900 = arith.constant 0 : i32
        %parallel_loop3A_901 = vector.broadcast %parallel_loop3A_900 : i32 to vector<16xi32>
        %parallel_loop3A_902 = vector.broadcast %parallel_loop3A_899 : i32 to vector<16xi32>
        %parallel_loop3A_903 = arith.addi %parallel_loop3A_901, %parallel_loop3A_902 : vector<16xi32>
        %parallel_loop3A_904 = arith.constant 0 : i32
        %parallel_loop3A_905 = arith.constant 0 : i32
        %parallel_loop3A_906 = tpu.memref_slice %arg6[%parallel_loop3A_861, %parallel_loop3A_904, %parallel_loop3A_905] : memref<8x128x32xf32, #tpu.memory_space<vmem>> -> memref<1x128x32xf32, #tpu.memory_space<vmem>>
        %parallel_loop3A_907 = tpu.memref_squeeze %parallel_loop3A_906 : memref<1x128x32xf32, #tpu.memory_space<vmem>> -> memref<128x32xf32, #tpu.memory_space<vmem>>
        %parallel_loop3A_908 = arith.index_cast %parallel_loop3A_899 : i32 to index
        %parallel_loop3A_909 = arith.constant 0 : index
        %parallel_loop3A_910 = tpu.vector_load %parallel_loop3A_907[%parallel_loop3A_908, %parallel_loop3A_909] {strides = array<i32>} : memref<128x32xf32, #tpu.memory_space<vmem>>, vector<16xf32>,
        %parallel_loop3A_911 = arith.constant 0 : i32
        %parallel_loop3A_912 = arith.constant 0 : i32
        %parallel_loop3A_913 = tpu.memref_slice %arg6[%parallel_loop3A_861, %parallel_loop3A_911, %parallel_loop3A_912] : memref<8x128x32xf32, #tpu.memory_space<vmem>> -> memref<1x128x32xf32, #tpu.memory_space<vmem>>
        %parallel_loop3A_914 = tpu.memref_squeeze %parallel_loop3A_913 : memref<1x128x32xf32, #tpu.memory_space<vmem>> -> memref<128x32xf32, #tpu.memory_space<vmem>>
        %parallel_loop3A_915 = arith.index_cast %parallel_loop3A_899 : i32 to index
        %parallel_loop3A_916 = arith.constant 16 : index
        %parallel_loop3A_917 = tpu.vector_load %parallel_loop3A_914[%parallel_loop3A_915, %parallel_loop3A_916] {strides = array<i32>} : memref<128x32xf32, #tpu.memory_space<vmem>>, vector<16xf32>,
        %parallel_loop3A_918 = arith.constant 0 : i32
        %parallel_loop3A_919 = arith.constant 0 : i32
        %parallel_loop3A_920 = arith.constant 0 : i32
        %parallel_loop3A_921 = tpu.memref_slice %arg7[%parallel_loop3A_862, %parallel_loop3A_918, %parallel_loop3A_919, %parallel_loop3A_920] : memref<8x4x8x128xf32, #tpu.memory_space<vmem>> -> memref<1x4x8x128xf32, #tpu.memory_space<vmem>>
        %parallel_loop3A_922 = tpu.memref_squeeze %parallel_loop3A_921 : memref<1x4x8x128xf32, #tpu.memory_space<vmem>> -> memref<4x8x128xf32, #tpu.memory_space<vmem>>
        tpu.vector_store_idx %parallel_loop3A_922[%shift_right_arithmetic3A_4, %and3A_9, %parallel_loop3A_903], %parallel_loop3A_910 : memref<4x8x128xf32, #tpu.memory_space<vmem>>[vector<16xi32>, vector<16xi32>, vector<16xi32>], vector<16xf32>,
        %parallel_loop3A_923 = arith.constant 0 : i32
        %parallel_loop3A_924 = arith.constant 0 : i32
        %parallel_loop3A_925 = arith.constant 0 : i32
        %parallel_loop3A_926 = tpu.memref_slice %arg7[%parallel_loop3A_862, %parallel_loop3A_923, %parallel_loop3A_924, %parallel_loop3A_925] : memref<8x4x8x128xf32, #tpu.memory_space<vmem>> -> memref<1x4x8x128xf32, #tpu.memory_space<vmem>>
        %parallel_loop3A_927 = tpu.memref_squeeze %parallel_loop3A_926 : memref<1x4x8x128xf32, #tpu.memory_space<vmem>> -> memref<4x8x128xf32, #tpu.memory_space<vmem>>
        tpu.vector_store_idx %parallel_loop3A_927[%add3A_7, %and3A_9, %parallel_loop3A_903], %parallel_loop3A_917 : memref<4x8x128xf32, #tpu.memory_space<vmem>>[vector<16xi32>, vector<16xi32>, vector<16xi32>], vector<16xf32>,
      } {sc.loop_unroll_factor = 16 : i64, sc.parallel_access}
      %dma_start3A_863 = arith.constant 7 : i32
      %dma_start3A_864 = arith.constant 0 : i32
      %dma_start3A_865 = arith.constant 0 : i32
      %dma_start3A_866 = tpu.memref_slice %arg6[%dma_start3A_863, %dma_start3A_864, %dma_start3A_865] : memref<8x128x32xf32, #tpu.memory_space<vmem>> -> memref<1x128x32xf32, #tpu.memory_space<vmem>>
      %dma_start3A_867 = tpu.memref_squeeze %dma_start3A_866 : memref<1x128x32xf32, #tpu.memory_space<vmem>> -> memref<128x32xf32, #tpu.memory_space<vmem>>
      %dma_start3A_868 = arith.constant 384 : i32
      %dma_start3A_869 = tpu.memref_slice %arg5[%min3A_840, %dma_start3A_868] : memref<50x512xi32, #tpu.memory_space<vmem>> -> memref<1x128xi32, #tpu.memory_space<vmem>>
      %dma_start3A_870 = tpu.memref_squeeze %dma_start3A_869 : memref<1x128xi32, #tpu.memory_space<vmem>> -> memref<128xi32, #tpu.memory_space<vmem>>
      %dma_start3A_871 = arith.constant 0 : i32
      %dma_start3A_872 = arith.constant 0 : i32
      %dma_start3A_873 = tpu.memref_slice %arg2[%dma_start3A_871, %dma_start3A_872] : memref<1000000x32xf32, #tpu.memory_space<hbm>> -> memref<1000000x32xf32, #tpu.memory_space<hbm>>
      tpu.enqueue_indirect_dma source(%dma_start3A_873 : memref<1000000x32xf32, #tpu.memory_space<hbm>>) target(%dma_start3A_867 : memref<128x32xf32, #tpu.memory_space<vmem>>) offsets(%dma_start3A_870 : memref<128xi32, #tpu.memory_space<vmem>>) semaphore(%arg15 : memref<!tpu.dma_semaphore, #tpu.memory_space<semaphore_mem>>)
      %mul3A_874 = arith.constant 4 : i32
      %mul3A_875 = arith.muli %add3A, %mul3A_874 : i32
      %add3A_876 = arith.constant 3 : i32
      %add3A_877 = arith.addi %mul3A_875, %add3A_876 : i32
      %dma_start3A_878 = arith.constant 7 : i32
      %dma_start3A_879 = arith.constant 0 : i32
      %dma_start3A_880 = arith.constant 0 : i32
      %dma_start3A_881 = arith.constant 0 : i32
      %dma_start3A_882 = tpu.memref_slice %arg7[%dma_start3A_878, %dma_start3A_879, %dma_start3A_880, %dma_start3A_881] : memref<8x4x8x128xf32, #tpu.memory_space<vmem>> -> memref<1x4x8x128xf32, #tpu.memory_space<vmem>>
      %dma_start3A_883 = tpu.memref_squeeze %dma_start3A_882 : memref<1x4x8x128xf32, #tpu.memory_space<vmem>> -> memref<4x8x128xf32, #tpu.memory_space<vmem>>
      %dma_start3A_884 = arith.constant 0 : i32
      %dma_start3A_885 = arith.constant 0 : i32
      %dma_start3A_886 = arith.constant 0 : i32
      %dma_start3A_887 = tpu.memref_slice %arg4[%add3A_836, %dma_start3A_884, %add3A_877, %dma_start3A_885, %dma_start3A_886] : memref<50x4x128x8x128xf32, #tpu.memory_space<hbm>> -> memref<1x4x1x8x128xf32, #tpu.memory_space<hbm>>
      %dma_start3A_888 = tpu.memref_squeeze %dma_start3A_887 : memref<1x4x1x8x128xf32, #tpu.memory_space<hbm>> -> memref<4x8x128xf32, #tpu.memory_space<hbm>>
      %dma_start3A_889 = arith.constant 0 : i32
      %dma_start3A_890 = arith.constant 0 : i32
      %dma_start3A_891 = arith.constant 0 : i32
      %dma_start3A_892 = tpu.memref_slice %arg4[%add3A_836, %dma_start3A_889, %add3A_877, %dma_start3A_890, %dma_start3A_891] : memref<50x4x128x8x128xf32, #tpu.memory_space<hbm>> -> memref<1x4x1x8x128xf32, #tpu.memory_space<hbm>>
      %dma_start3A_893 = tpu.memref_squeeze %dma_start3A_892 : memref<1x4x1x8x128xf32, #tpu.memory_space<hbm>> -> memref<4x8x128xf32, #tpu.memory_space<hbm>>
      %dma_start3A_894 = arith.constant 0 : i32
      %dma_start3A_895 = arith.constant 0 : i32
      %dma_start3A_896 = arith.constant 0 : i32
      %dma_start3A_897 = tpu.memref_slice %arg7[%dma_start3A_878, %dma_start3A_894, %dma_start3A_895, %dma_start3A_896] : memref<8x4x8x128xf32, #tpu.memory_space<vmem>> -> memref<1x4x8x128xf32, #tpu.memory_space<vmem>>
      %dma_start3A_898 = tpu.memref_squeeze %dma_start3A_897 : memref<1x4x8x128xf32, #tpu.memory_space<vmem>> -> memref<4x8x128xf32, #tpu.memory_space<vmem>>
      tpu.enqueue_dma source(%dma_start3A_898 : memref<4x8x128xf32, #tpu.memory_space<vmem>>) target(%dma_start3A_893 : memref<4x8x128xf32, #tpu.memory_space<hbm>>) target_semaphore(%arg23 : memref<!tpu.dma_semaphore, #tpu.memory_space<semaphore_mem>>)
    }
    %scan3A_109 = arith.constant 25 : i32
    %dma_wait3A = arith.constant 0 : i32
    %dma_wait3A_110 = arith.constant 0 : i32
    %dma_wait3A_111 = arith.constant 0 : i32
    %dma_wait3A_112 = arith.constant 0 : i32
    %dma_wait3A_113 = tpu.memref_slice %arg6[%dma_wait3A_110, %dma_wait3A_111, %dma_wait3A_112] : memref<8x128x32xf32, #tpu.memory_space<vmem>> -> memref<1x128x32xf32, #tpu.memory_space<vmem>>
    %dma_wait3A_114 = tpu.memref_squeeze %dma_wait3A_113 : memref<1x128x32xf32, #tpu.memory_space<vmem>> -> memref<128x32xf32, #tpu.memory_space<vmem>>
    %dma_wait3A_115 = arith.constant 0 : i32
    %dma_wait3A_116 = tpu.memref_slice %arg5[%dma_wait3A, %dma_wait3A_115] : memref<50x512xi32, #tpu.memory_space<vmem>> -> memref<1x128xi32, #tpu.memory_space<vmem>>
    %dma_wait3A_117 = tpu.memref_squeeze %dma_wait3A_116 : memref<1x128xi32, #tpu.memory_space<vmem>> -> memref<128xi32, #tpu.memory_space<vmem>>
    %dma_wait3A_118 = arith.constant 0 : i32
    %dma_wait3A_119 = arith.constant 0 : i32
    %dma_wait3A_120 = tpu.memref_slice %arg2[%dma_wait3A_118, %dma_wait3A_119] : memref<1000000x32xf32, #tpu.memory_space<hbm>> -> memref<1000000x32xf32, #tpu.memory_space<hbm>>
    tpu.wait_indirect_dma semaphore(%arg8 : memref<!tpu.dma_semaphore, #tpu.memory_space<semaphore_mem>>) src(%dma_wait3A_120 : memref<1000000x32xf32, #tpu.memory_space<hbm>>) dst(%dma_wait3A_114 : memref<128x32xf32, #tpu.memory_space<vmem>>)
    %dma_wait3A_121 = arith.constant 0 : i32
    %dma_wait3A_122 = arith.constant 0 : i32
    %dma_wait3A_123 = arith.constant 0 : i32
    %dma_wait3A_124 = arith.constant 0 : i32
    %dma_wait3A_125 = arith.constant 0 : i32
    %dma_wait3A_126 = arith.constant 0 : i32
    %dma_wait3A_127 = tpu.memref_slice %arg7[%dma_wait3A_121, %dma_wait3A_124, %dma_wait3A_125, %dma_wait3A_126] : memref<8x4x8x128xf32, #tpu.memory_space<vmem>> -> memref<1x4x8x128xf32, #tpu.memory_space<vmem>>
    %dma_wait3A_128 = tpu.memref_squeeze %dma_wait3A_127 : memref<1x4x8x128xf32, #tpu.memory_space<vmem>> -> memref<4x8x128xf32, #tpu.memory_space<vmem>>
    %dma_wait3A_129 = arith.constant 0 : i32
    %dma_wait3A_130 = arith.constant 0 : i32
    %dma_wait3A_131 = arith.constant 0 : i32
    %dma_wait3A_132 = tpu.memref_slice %arg4[%dma_wait3A_122, %dma_wait3A_129, %dma_wait3A_123, %dma_wait3A_130, %dma_wait3A_131] : memref<50x4x128x8x128xf32, #tpu.memory_space<hbm>> -> memref<1x4x1x8x128xf32, #tpu.memory_space<hbm>>
    %dma_wait3A_133 = tpu.memref_squeeze %dma_wait3A_132 : memref<1x4x1x8x128xf32, #tpu.memory_space<hbm>> -> memref<4x8x128xf32, #tpu.memory_space<hbm>>
    %dma_wait3A_134 = arith.constant 0 : i32
    %dma_wait3A_135 = arith.constant 0 : i32
    %dma_wait3A_136 = arith.constant 0 : i32
    %dma_wait3A_137 = tpu.memref_slice %arg4[%dma_wait3A_122, %dma_wait3A_134, %dma_wait3A_123, %dma_wait3A_135, %dma_wait3A_136] : memref<50x4x128x8x128xf32, #tpu.memory_space<hbm>> -> memref<1x4x1x8x128xf32, #tpu.memory_space<hbm>>
    %dma_wait3A_138 = tpu.memref_squeeze %dma_wait3A_137 : memref<1x4x1x8x128xf32, #tpu.memory_space<hbm>> -> memref<4x8x128xf32, #tpu.memory_space<hbm>>
    %dma_wait3A_139 = arith.constant 0 : i32
    %dma_wait3A_140 = arith.constant 0 : i32
    %dma_wait3A_141 = arith.constant 0 : i32
    %dma_wait3A_142 = tpu.memref_slice %arg7[%dma_wait3A_121, %dma_wait3A_139, %dma_wait3A_140, %dma_wait3A_141] : memref<8x4x8x128xf32, #tpu.memory_space<vmem>> -> memref<1x4x8x128xf32, #tpu.memory_space<vmem>>
    %dma_wait3A_143 = tpu.memref_squeeze %dma_wait3A_142 : memref<1x4x8x128xf32, #tpu.memory_space<vmem>> -> memref<4x8x128xf32, #tpu.memory_space<vmem>>
    tpu.wait_dma2 semaphore(%arg16 : memref<!tpu.dma_semaphore, #tpu.memory_space<semaphore_mem>>) src(%dma_wait3A_143 : memref<4x8x128xf32, #tpu.memory_space<vmem>>) dst(%dma_wait3A_138 : memref<4x8x128xf32, #tpu.memory_space<hbm>>)
    %dma_wait3A_144 = arith.constant 0 : i32
    %dma_wait3A_145 = arith.constant 1 : i32
    %dma_wait3A_146 = arith.constant 0 : i32
    %dma_wait3A_147 = arith.constant 0 : i32
    %dma_wait3A_148 = tpu.memref_slice %arg6[%dma_wait3A_145, %dma_wait3A_146, %dma_wait3A_147] : memref<8x128x32xf32, #tpu.memory_space<vmem>> -> memref<1x128x32xf32, #tpu.memory_space<vmem>>
    %dma_wait3A_149 = tpu.memref_squeeze %dma_wait3A_148 : memref<1x128x32xf32, #tpu.memory_space<vmem>> -> memref<128x32xf32, #tpu.memory_space<vmem>>
    %dma_wait3A_150 = arith.constant 0 : i32
    %dma_wait3A_151 = tpu.memref_slice %arg5[%dma_wait3A_144, %dma_wait3A_150] : memref<50x512xi32, #tpu.memory_space<vmem>> -> memref<1x128xi32, #tpu.memory_space<vmem>>
    %dma_wait3A_152 = tpu.memref_squeeze %dma_wait3A_151 : memref<1x128xi32, #tpu.memory_space<vmem>> -> memref<128xi32, #tpu.memory_space<vmem>>
    %dma_wait3A_153 = arith.constant 0 : i32
    %dma_wait3A_154 = arith.constant 0 : i32
    %dma_wait3A_155 = tpu.memref_slice %arg2[%dma_wait3A_153, %dma_wait3A_154] : memref<1000000x32xf32, #tpu.memory_space<hbm>> -> memref<1000000x32xf32, #tpu.memory_space<hbm>>
    tpu.wait_indirect_dma semaphore(%arg9 : memref<!tpu.dma_semaphore, #tpu.memory_space<semaphore_mem>>) src(%dma_wait3A_155 : memref<1000000x32xf32, #tpu.memory_space<hbm>>) dst(%dma_wait3A_149 : memref<128x32xf32, #tpu.memory_space<vmem>>)
    %dma_wait3A_156 = arith.constant 1 : i32
    %dma_wait3A_157 = arith.constant 0 : i32
    %dma_wait3A_158 = arith.constant 0 : i32
    %dma_wait3A_159 = arith.constant 0 : i32
    %dma_wait3A_160 = arith.constant 0 : i32
    %dma_wait3A_161 = arith.constant 0 : i32
    %dma_wait3A_162 = tpu.memref_slice %arg7[%dma_wait3A_156, %dma_wait3A_159, %dma_wait3A_160, %dma_wait3A_161] : memref<8x4x8x128xf32, #tpu.memory_space<vmem>> -> memref<1x4x8x128xf32, #tpu.memory_space<vmem>>
    %dma_wait3A_163 = tpu.memref_squeeze %dma_wait3A_162 : memref<1x4x8x128xf32, #tpu.memory_space<vmem>> -> memref<4x8x128xf32, #tpu.memory_space<vmem>>
    %dma_wait3A_164 = arith.constant 0 : i32
    %dma_wait3A_165 = arith.constant 0 : i32
    %dma_wait3A_166 = arith.constant 0 : i32
    %dma_wait3A_167 = tpu.memref_slice %arg4[%dma_wait3A_157, %dma_wait3A_164, %dma_wait3A_158, %dma_wait3A_165, %dma_wait3A_166] : memref<50x4x128x8x128xf32, #tpu.memory_space<hbm>> -> memref<1x4x1x8x128xf32, #tpu.memory_space<hbm>>
    %dma_wait3A_168 = tpu.memref_squeeze %dma_wait3A_167 : memref<1x4x1x8x128xf32, #tpu.memory_space<hbm>> -> memref<4x8x128xf32, #tpu.memory_space<hbm>>
    %dma_wait3A_169 = arith.constant 0 : i32
    %dma_wait3A_170 = arith.constant 0 : i32
    %dma_wait3A_171 = arith.constant 0 : i32
    %dma_wait3A_172 = tpu.memref_slice %arg4[%dma_wait3A_157, %dma_wait3A_169, %dma_wait3A_158, %dma_wait3A_170, %dma_wait3A_171] : memref<50x4x128x8x128xf32, #tpu.memory_space<hbm>> -> memref<1x4x1x8x128xf32, #tpu.memory_space<hbm>>
    %dma_wait3A_173 = tpu.memref_squeeze %dma_wait3A_172 : memref<1x4x1x8x128xf32, #tpu.memory_space<hbm>> -> memref<4x8x128xf32, #tpu.memory_space<hbm>>
    %dma_wait3A_174 = arith.constant 0 : i32
    %dma_wait3A_175 = arith.constant 0 : i32
    %dma_wait3A_176 = arith.constant 0 : i32
    %dma_wait3A_177 = tpu.memref_slice %arg7[%dma_wait3A_156, %dma_wait3A_174, %dma_wait3A_175, %dma_wait3A_176] : memref<8x4x8x128xf32, #tpu.memory_space<vmem>> -> memref<1x4x8x128xf32, #tpu.memory_space<vmem>>
    %dma_wait3A_178 = tpu.memref_squeeze %dma_wait3A_177 : memref<1x4x8x128xf32, #tpu.memory_space<vmem>> -> memref<4x8x128xf32, #tpu.memory_space<vmem>>
    tpu.wait_dma2 semaphore(%arg17 : memref<!tpu.dma_semaphore, #tpu.memory_space<semaphore_mem>>) src(%dma_wait3A_178 : memref<4x8x128xf32, #tpu.memory_space<vmem>>) dst(%dma_wait3A_173 : memref<4x8x128xf32, #tpu.memory_space<hbm>>)
    %dma_wait3A_179 = arith.constant 0 : i32
    %dma_wait3A_180 = arith.constant 2 : i32
    %dma_wait3A_181 = arith.constant 0 : i32
    %dma_wait3A_182 = arith.constant 0 : i32
    %dma_wait3A_183 = tpu.memref_slice %arg6[%dma_wait3A_180, %dma_wait3A_181, %dma_wait3A_182] : memref<8x128x32xf32, #tpu.memory_space<vmem>> -> memref<1x128x32xf32, #tpu.memory_space<vmem>>
    %dma_wait3A_184 = tpu.memref_squeeze %dma_wait3A_183 : memref<1x128x32xf32, #tpu.memory_space<vmem>> -> memref<128x32xf32, #tpu.memory_space<vmem>>
    %dma_wait3A_185 = arith.constant 0 : i32
    %dma_wait3A_186 = tpu.memref_slice %arg5[%dma_wait3A_179, %dma_wait3A_185] : memref<50x512xi32, #tpu.memory_space<vmem>> -> memref<1x128xi32, #tpu.memory_space<vmem>>
    %dma_wait3A_187 = tpu.memref_squeeze %dma_wait3A_186 : memref<1x128xi32, #tpu.memory_space<vmem>> -> memref<128xi32, #tpu.memory_space<vmem>>
    %dma_wait3A_188 = arith.constant 0 : i32
    %dma_wait3A_189 = arith.constant 0 : i32
    %dma_wait3A_190 = tpu.memref_slice %arg2[%dma_wait3A_188, %dma_wait3A_189] : memref<1000000x32xf32, #tpu.memory_space<hbm>> -> memref<1000000x32xf32, #tpu.memory_space<hbm>>
    tpu.wait_indirect_dma semaphore(%arg10 : memref<!tpu.dma_semaphore, #tpu.memory_space<semaphore_mem>>) src(%dma_wait3A_190 : memref<1000000x32xf32, #tpu.memory_space<hbm>>) dst(%dma_wait3A_184 : memref<128x32xf32, #tpu.memory_space<vmem>>)
    %dma_wait3A_191 = arith.constant 2 : i32
    %dma_wait3A_192 = arith.constant 0 : i32
    %dma_wait3A_193 = arith.constant 0 : i32
    %dma_wait3A_194 = arith.constant 0 : i32
    %dma_wait3A_195 = arith.constant 0 : i32
    %dma_wait3A_196 = arith.constant 0 : i32
    %dma_wait3A_197 = tpu.memref_slice %arg7[%dma_wait3A_191, %dma_wait3A_194, %dma_wait3A_195, %dma_wait3A_196] : memref<8x4x8x128xf32, #tpu.memory_space<vmem>> -> memref<1x4x8x128xf32, #tpu.memory_space<vmem>>
    %dma_wait3A_198 = tpu.memref_squeeze %dma_wait3A_197 : memref<1x4x8x128xf32, #tpu.memory_space<vmem>> -> memref<4x8x128xf32, #tpu.memory_space<vmem>>
    %dma_wait3A_199 = arith.constant 0 : i32
    %dma_wait3A_200 = arith.constant 0 : i32
    %dma_wait3A_201 = arith.constant 0 : i32
    %dma_wait3A_202 = tpu.memref_slice %arg4[%dma_wait3A_192, %dma_wait3A_199, %dma_wait3A_193, %dma_wait3A_200, %dma_wait3A_201] : memref<50x4x128x8x128xf32, #tpu.memory_space<hbm>> -> memref<1x4x1x8x128xf32, #tpu.memory_space<hbm>>
    %dma_wait3A_203 = tpu.memref_squeeze %dma_wait3A_202 : memref<1x4x1x8x128xf32, #tpu.memory_space<hbm>> -> memref<4x8x128xf32, #tpu.memory_space<hbm>>
    %dma_wait3A_204 = arith.constant 0 : i32
    %dma_wait3A_205 = arith.constant 0 : i32
    %dma_wait3A_206 = arith.constant 0 : i32
    %dma_wait3A_207 = tpu.memref_slice %arg4[%dma_wait3A_192, %dma_wait3A_204, %dma_wait3A_193, %dma_wait3A_205, %dma_wait3A_206] : memref<50x4x128x8x128xf32, #tpu.memory_space<hbm>> -> memref<1x4x1x8x128xf32, #tpu.memory_space<hbm>>
    %dma_wait3A_208 = tpu.memref_squeeze %dma_wait3A_207 : memref<1x4x1x8x128xf32, #tpu.memory_space<hbm>> -> memref<4x8x128xf32, #tpu.memory_space<hbm>>
    %dma_wait3A_209 = arith.constant 0 : i32
    %dma_wait3A_210 = arith.constant 0 : i32
    %dma_wait3A_211 = arith.constant 0 : i32
    %dma_wait3A_212 = tpu.memref_slice %arg7[%dma_wait3A_191, %dma_wait3A_209, %dma_wait3A_210, %dma_wait3A_211] : memref<8x4x8x128xf32, #tpu.memory_space<vmem>> -> memref<1x4x8x128xf32, #tpu.memory_space<vmem>>
    %dma_wait3A_213 = tpu.memref_squeeze %dma_wait3A_212 : memref<1x4x8x128xf32, #tpu.memory_space<vmem>> -> memref<4x8x128xf32, #tpu.memory_space<vmem>>
    tpu.wait_dma2 semaphore(%arg18 : memref<!tpu.dma_semaphore, #tpu.memory_space<semaphore_mem>>) src(%dma_wait3A_213 : memref<4x8x128xf32, #tpu.memory_space<vmem>>) dst(%dma_wait3A_208 : memref<4x8x128xf32, #tpu.memory_space<hbm>>)
    %dma_wait3A_214 = arith.constant 0 : i32
    %dma_wait3A_215 = arith.constant 3 : i32
    %dma_wait3A_216 = arith.constant 0 : i32
    %dma_wait3A_217 = arith.constant 0 : i32
    %dma_wait3A_218 = tpu.memref_slice %arg6[%dma_wait3A_215, %dma_wait3A_216, %dma_wait3A_217] : memref<8x128x32xf32, #tpu.memory_space<vmem>> -> memref<1x128x32xf32, #tpu.memory_space<vmem>>
    %dma_wait3A_219 = tpu.memref_squeeze %dma_wait3A_218 : memref<1x128x32xf32, #tpu.memory_space<vmem>> -> memref<128x32xf32, #tpu.memory_space<vmem>>
    %dma_wait3A_220 = arith.constant 0 : i32
    %dma_wait3A_221 = tpu.memref_slice %arg5[%dma_wait3A_214, %dma_wait3A_220] : memref<50x512xi32, #tpu.memory_space<vmem>> -> memref<1x128xi32, #tpu.memory_space<vmem>>
    %dma_wait3A_222 = tpu.memref_squeeze %dma_wait3A_221 : memref<1x128xi32, #tpu.memory_space<vmem>> -> memref<128xi32, #tpu.memory_space<vmem>>
    %dma_wait3A_223 = arith.constant 0 : i32
    %dma_wait3A_224 = arith.constant 0 : i32
    %dma_wait3A_225 = tpu.memref_slice %arg2[%dma_wait3A_223, %dma_wait3A_224] : memref<1000000x32xf32, #tpu.memory_space<hbm>> -> memref<1000000x32xf32, #tpu.memory_space<hbm>>
    tpu.wait_indirect_dma semaphore(%arg11 : memref<!tpu.dma_semaphore, #tpu.memory_space<semaphore_mem>>) src(%dma_wait3A_225 : memref<1000000x32xf32, #tpu.memory_space<hbm>>) dst(%dma_wait3A_219 : memref<128x32xf32, #tpu.memory_space<vmem>>)
    %dma_wait3A_226 = arith.constant 3 : i32
    %dma_wait3A_227 = arith.constant 0 : i32
    %dma_wait3A_228 = arith.constant 0 : i32
    %dma_wait3A_229 = arith.constant 0 : i32
    %dma_wait3A_230 = arith.constant 0 : i32
    %dma_wait3A_231 = arith.constant 0 : i32
    %dma_wait3A_232 = tpu.memref_slice %arg7[%dma_wait3A_226, %dma_wait3A_229, %dma_wait3A_230, %dma_wait3A_231] : memref<8x4x8x128xf32, #tpu.memory_space<vmem>> -> memref<1x4x8x128xf32, #tpu.memory_space<vmem>>
    %dma_wait3A_233 = tpu.memref_squeeze %dma_wait3A_232 : memref<1x4x8x128xf32, #tpu.memory_space<vmem>> -> memref<4x8x128xf32, #tpu.memory_space<vmem>>
    %dma_wait3A_234 = arith.constant 0 : i32
    %dma_wait3A_235 = arith.constant 0 : i32
    %dma_wait3A_236 = arith.constant 0 : i32
    %dma_wait3A_237 = tpu.memref_slice %arg4[%dma_wait3A_227, %dma_wait3A_234, %dma_wait3A_228, %dma_wait3A_235, %dma_wait3A_236] : memref<50x4x128x8x128xf32, #tpu.memory_space<hbm>> -> memref<1x4x1x8x128xf32, #tpu.memory_space<hbm>>
    %dma_wait3A_238 = tpu.memref_squeeze %dma_wait3A_237 : memref<1x4x1x8x128xf32, #tpu.memory_space<hbm>> -> memref<4x8x128xf32, #tpu.memory_space<hbm>>
    %dma_wait3A_239 = arith.constant 0 : i32
    %dma_wait3A_240 = arith.constant 0 : i32
    %dma_wait3A_241 = arith.constant 0 : i32
    %dma_wait3A_242 = tpu.memref_slice %arg4[%dma_wait3A_227, %dma_wait3A_239, %dma_wait3A_228, %dma_wait3A_240, %dma_wait3A_241] : memref<50x4x128x8x128xf32, #tpu.memory_space<hbm>> -> memref<1x4x1x8x128xf32, #tpu.memory_space<hbm>>
    %dma_wait3A_243 = tpu.memref_squeeze %dma_wait3A_242 : memref<1x4x1x8x128xf32, #tpu.memory_space<hbm>> -> memref<4x8x128xf32, #tpu.memory_space<hbm>>
    %dma_wait3A_244 = arith.constant 0 : i32
    %dma_wait3A_245 = arith.constant 0 : i32
    %dma_wait3A_246 = arith.constant 0 : i32
    %dma_wait3A_247 = tpu.memref_slice %arg7[%dma_wait3A_226, %dma_wait3A_244, %dma_wait3A_245, %dma_wait3A_246] : memref<8x4x8x128xf32, #tpu.memory_space<vmem>> -> memref<1x4x8x128xf32, #tpu.memory_space<vmem>>
    %dma_wait3A_248 = tpu.memref_squeeze %dma_wait3A_247 : memref<1x4x8x128xf32, #tpu.memory_space<vmem>> -> memref<4x8x128xf32, #tpu.memory_space<vmem>>
    tpu.wait_dma2 semaphore(%arg19 : memref<!tpu.dma_semaphore, #tpu.memory_space<semaphore_mem>>) src(%dma_wait3A_248 : memref<4x8x128xf32, #tpu.memory_space<vmem>>) dst(%dma_wait3A_243 : memref<4x8x128xf32, #tpu.memory_space<hbm>>)
    %dma_wait3A_249 = arith.constant 0 : i32
    %dma_wait3A_250 = arith.constant 4 : i32
    %dma_wait3A_251 = arith.constant 0 : i32
    %dma_wait3A_252 = arith.constant 0 : i32
    %dma_wait3A_253 = tpu.memref_slice %arg6[%dma_wait3A_250, %dma_wait3A_251, %dma_wait3A_252] : memref<8x128x32xf32, #tpu.memory_space<vmem>> -> memref<1x128x32xf32, #tpu.memory_space<vmem>>
    %dma_wait3A_254 = tpu.memref_squeeze %dma_wait3A_253 : memref<1x128x32xf32, #tpu.memory_space<vmem>> -> memref<128x32xf32, #tpu.memory_space<vmem>>
    %dma_wait3A_255 = arith.constant 0 : i32
    %dma_wait3A_256 = tpu.memref_slice %arg5[%dma_wait3A_249, %dma_wait3A_255] : memref<50x512xi32, #tpu.memory_space<vmem>> -> memref<1x128xi32, #tpu.memory_space<vmem>>
    %dma_wait3A_257 = tpu.memref_squeeze %dma_wait3A_256 : memref<1x128xi32, #tpu.memory_space<vmem>> -> memref<128xi32, #tpu.memory_space<vmem>>
    %dma_wait3A_258 = arith.constant 0 : i32
    %dma_wait3A_259 = arith.constant 0 : i32
    %dma_wait3A_260 = tpu.memref_slice %arg2[%dma_wait3A_258, %dma_wait3A_259] : memref<1000000x32xf32, #tpu.memory_space<hbm>> -> memref<1000000x32xf32, #tpu.memory_space<hbm>>
    tpu.wait_indirect_dma semaphore(%arg12 : memref<!tpu.dma_semaphore, #tpu.memory_space<semaphore_mem>>) src(%dma_wait3A_260 : memref<1000000x32xf32, #tpu.memory_space<hbm>>) dst(%dma_wait3A_254 : memref<128x32xf32, #tpu.memory_space<vmem>>)
    %dma_wait3A_261 = arith.constant 4 : i32
    %dma_wait3A_262 = arith.constant 0 : i32
    %dma_wait3A_263 = arith.constant 0 : i32
    %dma_wait3A_264 = arith.constant 0 : i32
    %dma_wait3A_265 = arith.constant 0 : i32
    %dma_wait3A_266 = arith.constant 0 : i32
    %dma_wait3A_267 = tpu.memref_slice %arg7[%dma_wait3A_261, %dma_wait3A_264, %dma_wait3A_265, %dma_wait3A_266] : memref<8x4x8x128xf32, #tpu.memory_space<vmem>> -> memref<1x4x8x128xf32, #tpu.memory_space<vmem>>
    %dma_wait3A_268 = tpu.memref_squeeze %dma_wait3A_267 : memref<1x4x8x128xf32, #tpu.memory_space<vmem>> -> memref<4x8x128xf32, #tpu.memory_space<vmem>>
    %dma_wait3A_269 = arith.constant 0 : i32
    %dma_wait3A_270 = arith.constant 0 : i32
    %dma_wait3A_271 = arith.constant 0 : i32
    %dma_wait3A_272 = tpu.memref_slice %arg4[%dma_wait3A_262, %dma_wait3A_269, %dma_wait3A_263, %dma_wait3A_270, %dma_wait3A_271] : memref<50x4x128x8x128xf32, #tpu.memory_space<hbm>> -> memref<1x4x1x8x128xf32, #tpu.memory_space<hbm>>
    %dma_wait3A_273 = tpu.memref_squeeze %dma_wait3A_272 : memref<1x4x1x8x128xf32, #tpu.memory_space<hbm>> -> memref<4x8x128xf32, #tpu.memory_space<hbm>>
    %dma_wait3A_274 = arith.constant 0 : i32
    %dma_wait3A_275 = arith.constant 0 : i32
    %dma_wait3A_276 = arith.constant 0 : i32
    %dma_wait3A_277 = tpu.memref_slice %arg4[%dma_wait3A_262, %dma_wait3A_274, %dma_wait3A_263, %dma_wait3A_275, %dma_wait3A_276] : memref<50x4x128x8x128xf32, #tpu.memory_space<hbm>> -> memref<1x4x1x8x128xf32, #tpu.memory_space<hbm>>
    %dma_wait3A_278 = tpu.memref_squeeze %dma_wait3A_277 : memref<1x4x1x8x128xf32, #tpu.memory_space<hbm>> -> memref<4x8x128xf32, #tpu.memory_space<hbm>>
    %dma_wait3A_279 = arith.constant 0 : i32
    %dma_wait3A_280 = arith.constant 0 : i32
    %dma_wait3A_281 = arith.constant 0 : i32
    %dma_wait3A_282 = tpu.memref_slice %arg7[%dma_wait3A_261, %dma_wait3A_279, %dma_wait3A_280, %dma_wait3A_281] : memref<8x4x8x128xf32, #tpu.memory_space<vmem>> -> memref<1x4x8x128xf32, #tpu.memory_space<vmem>>
    %dma_wait3A_283 = tpu.memref_squeeze %dma_wait3A_282 : memref<1x4x8x128xf32, #tpu.memory_space<vmem>> -> memref<4x8x128xf32, #tpu.memory_space<vmem>>
    tpu.wait_dma2 semaphore(%arg20 : memref<!tpu.dma_semaphore, #tpu.memory_space<semaphore_mem>>) src(%dma_wait3A_283 : memref<4x8x128xf32, #tpu.memory_space<vmem>>) dst(%dma_wait3A_278 : memref<4x8x128xf32, #tpu.memory_space<hbm>>)
    %dma_wait3A_284 = arith.constant 0 : i32
    %dma_wait3A_285 = arith.constant 5 : i32
    %dma_wait3A_286 = arith.constant 0 : i32
    %dma_wait3A_287 = arith.constant 0 : i32
    %dma_wait3A_288 = tpu.memref_slice %arg6[%dma_wait3A_285, %dma_wait3A_286, %dma_wait3A_287] : memref<8x128x32xf32, #tpu.memory_space<vmem>> -> memref<1x128x32xf32, #tpu.memory_space<vmem>>
    %dma_wait3A_289 = tpu.memref_squeeze %dma_wait3A_288 : memref<1x128x32xf32, #tpu.memory_space<vmem>> -> memref<128x32xf32, #tpu.memory_space<vmem>>
    %dma_wait3A_290 = arith.constant 0 : i32
    %dma_wait3A_291 = tpu.memref_slice %arg5[%dma_wait3A_284, %dma_wait3A_290] : memref<50x512xi32, #tpu.memory_space<vmem>> -> memref<1x128xi32, #tpu.memory_space<vmem>>
    %dma_wait3A_292 = tpu.memref_squeeze %dma_wait3A_291 : memref<1x128xi32, #tpu.memory_space<vmem>> -> memref<128xi32, #tpu.memory_space<vmem>>
    %dma_wait3A_293 = arith.constant 0 : i32
    %dma_wait3A_294 = arith.constant 0 : i32
    %dma_wait3A_295 = tpu.memref_slice %arg2[%dma_wait3A_293, %dma_wait3A_294] : memref<1000000x32xf32, #tpu.memory_space<hbm>> -> memref<1000000x32xf32, #tpu.memory_space<hbm>>
    tpu.wait_indirect_dma semaphore(%arg13 : memref<!tpu.dma_semaphore, #tpu.memory_space<semaphore_mem>>) src(%dma_wait3A_295 : memref<1000000x32xf32, #tpu.memory_space<hbm>>) dst(%dma_wait3A_289 : memref<128x32xf32, #tpu.memory_space<vmem>>)
    %dma_wait3A_296 = arith.constant 5 : i32
    %dma_wait3A_297 = arith.constant 0 : i32
    %dma_wait3A_298 = arith.constant 0 : i32
    %dma_wait3A_299 = arith.constant 0 : i32
    %dma_wait3A_300 = arith.constant 0 : i32
    %dma_wait3A_301 = arith.constant 0 : i32
    %dma_wait3A_302 = tpu.memref_slice %arg7[%dma_wait3A_296, %dma_wait3A_299, %dma_wait3A_300, %dma_wait3A_301] : memref<8x4x8x128xf32, #tpu.memory_space<vmem>> -> memref<1x4x8x128xf32, #tpu.memory_space<vmem>>
    %dma_wait3A_303 = tpu.memref_squeeze %dma_wait3A_302 : memref<1x4x8x128xf32, #tpu.memory_space<vmem>> -> memref<4x8x128xf32, #tpu.memory_space<vmem>>
    %dma_wait3A_304 = arith.constant 0 : i32
    %dma_wait3A_305 = arith.constant 0 : i32
    %dma_wait3A_306 = arith.constant 0 : i32
    %dma_wait3A_307 = tpu.memref_slice %arg4[%dma_wait3A_297, %dma_wait3A_304, %dma_wait3A_298, %dma_wait3A_305, %dma_wait3A_306] : memref<50x4x128x8x128xf32, #tpu.memory_space<hbm>> -> memref<1x4x1x8x128xf32, #tpu.memory_space<hbm>>
    %dma_wait3A_308 = tpu.memref_squeeze %dma_wait3A_307 : memref<1x4x1x8x128xf32, #tpu.memory_space<hbm>> -> memref<4x8x128xf32, #tpu.memory_space<hbm>>
    %dma_wait3A_309 = arith.constant 0 : i32
    %dma_wait3A_310 = arith.constant 0 : i32
    %dma_wait3A_311 = arith.constant 0 : i32
    %dma_wait3A_312 = tpu.memref_slice %arg4[%dma_wait3A_297, %dma_wait3A_309, %dma_wait3A_298, %dma_wait3A_310, %dma_wait3A_311] : memref<50x4x128x8x128xf32, #tpu.memory_space<hbm>> -> memref<1x4x1x8x128xf32, #tpu.memory_space<hbm>>
    %dma_wait3A_313 = tpu.memref_squeeze %dma_wait3A_312 : memref<1x4x1x8x128xf32, #tpu.memory_space<hbm>> -> memref<4x8x128xf32, #tpu.memory_space<hbm>>
    %dma_wait3A_314 = arith.constant 0 : i32
    %dma_wait3A_315 = arith.constant 0 : i32
    %dma_wait3A_316 = arith.constant 0 : i32
    %dma_wait3A_317 = tpu.memref_slice %arg7[%dma_wait3A_296, %dma_wait3A_314, %dma_wait3A_315, %dma_wait3A_316] : memref<8x4x8x128xf32, #tpu.memory_space<vmem>> -> memref<1x4x8x128xf32, #tpu.memory_space<vmem>>
    %dma_wait3A_318 = tpu.memref_squeeze %dma_wait3A_317 : memref<1x4x8x128xf32, #tpu.memory_space<vmem>> -> memref<4x8x128xf32, #tpu.memory_space<vmem>>
    tpu.wait_dma2 semaphore(%arg21 : memref<!tpu.dma_semaphore, #tpu.memory_space<semaphore_mem>>) src(%dma_wait3A_318 : memref<4x8x128xf32, #tpu.memory_space<vmem>>) dst(%dma_wait3A_313 : memref<4x8x128xf32, #tpu.memory_space<hbm>>)
    %dma_wait3A_319 = arith.constant 0 : i32
    %dma_wait3A_320 = arith.constant 6 : i32
    %dma_wait3A_321 = arith.constant 0 : i32
    %dma_wait3A_322 = arith.constant 0 : i32
    %dma_wait3A_323 = tpu.memref_slice %arg6[%dma_wait3A_320, %dma_wait3A_321, %dma_wait3A_322] : memref<8x128x32xf32, #tpu.memory_space<vmem>> -> memref<1x128x32xf32, #tpu.memory_space<vmem>>
    %dma_wait3A_324 = tpu.memref_squeeze %dma_wait3A_323 : memref<1x128x32xf32, #tpu.memory_space<vmem>> -> memref<128x32xf32, #tpu.memory_space<vmem>>
    %dma_wait3A_325 = arith.constant 0 : i32
    %dma_wait3A_326 = tpu.memref_slice %arg5[%dma_wait3A_319, %dma_wait3A_325] : memref<50x512xi32, #tpu.memory_space<vmem>> -> memref<1x128xi32, #tpu.memory_space<vmem>>
    %dma_wait3A_327 = tpu.memref_squeeze %dma_wait3A_326 : memref<1x128xi32, #tpu.memory_space<vmem>> -> memref<128xi32, #tpu.memory_space<vmem>>
    %dma_wait3A_328 = arith.constant 0 : i32
    %dma_wait3A_329 = arith.constant 0 : i32
    %dma_wait3A_330 = tpu.memref_slice %arg2[%dma_wait3A_328, %dma_wait3A_329] : memref<1000000x32xf32, #tpu.memory_space<hbm>> -> memref<1000000x32xf32, #tpu.memory_space<hbm>>
    tpu.wait_indirect_dma semaphore(%arg14 : memref<!tpu.dma_semaphore, #tpu.memory_space<semaphore_mem>>) src(%dma_wait3A_330 : memref<1000000x32xf32, #tpu.memory_space<hbm>>) dst(%dma_wait3A_324 : memref<128x32xf32, #tpu.memory_space<vmem>>)
    %dma_wait3A_331 = arith.constant 6 : i32
    %dma_wait3A_332 = arith.constant 0 : i32
    %dma_wait3A_333 = arith.constant 0 : i32
    %dma_wait3A_334 = arith.constant 0 : i32
    %dma_wait3A_335 = arith.constant 0 : i32
    %dma_wait3A_336 = arith.constant 0 : i32
    %dma_wait3A_337 = tpu.memref_slice %arg7[%dma_wait3A_331, %dma_wait3A_334, %dma_wait3A_335, %dma_wait3A_336] : memref<8x4x8x128xf32, #tpu.memory_space<vmem>> -> memref<1x4x8x128xf32, #tpu.memory_space<vmem>>
    %dma_wait3A_338 = tpu.memref_squeeze %dma_wait3A_337 : memref<1x4x8x128xf32, #tpu.memory_space<vmem>> -> memref<4x8x128xf32, #tpu.memory_space<vmem>>
    %dma_wait3A_339 = arith.constant 0 : i32
    %dma_wait3A_340 = arith.constant 0 : i32
    %dma_wait3A_341 = arith.constant 0 : i32
    %dma_wait3A_342 = tpu.memref_slice %arg4[%dma_wait3A_332, %dma_wait3A_339, %dma_wait3A_333, %dma_wait3A_340, %dma_wait3A_341] : memref<50x4x128x8x128xf32, #tpu.memory_space<hbm>> -> memref<1x4x1x8x128xf32, #tpu.memory_space<hbm>>
    %dma_wait3A_343 = tpu.memref_squeeze %dma_wait3A_342 : memref<1x4x1x8x128xf32, #tpu.memory_space<hbm>> -> memref<4x8x128xf32, #tpu.memory_space<hbm>>
    %dma_wait3A_344 = arith.constant 0 : i32
    %dma_wait3A_345 = arith.constant 0 : i32
    %dma_wait3A_346 = arith.constant 0 : i32
    %dma_wait3A_347 = tpu.memref_slice %arg4[%dma_wait3A_332, %dma_wait3A_344, %dma_wait3A_333, %dma_wait3A_345, %dma_wait3A_346] : memref<50x4x128x8x128xf32, #tpu.memory_space<hbm>> -> memref<1x4x1x8x128xf32, #tpu.memory_space<hbm>>
    %dma_wait3A_348 = tpu.memref_squeeze %dma_wait3A_347 : memref<1x4x1x8x128xf32, #tpu.memory_space<hbm>> -> memref<4x8x128xf32, #tpu.memory_space<hbm>>
    %dma_wait3A_349 = arith.constant 0 : i32
    %dma_wait3A_350 = arith.constant 0 : i32
    %dma_wait3A_351 = arith.constant 0 : i32
    %dma_wait3A_352 = tpu.memref_slice %arg7[%dma_wait3A_331, %dma_wait3A_349, %dma_wait3A_350, %dma_wait3A_351] : memref<8x4x8x128xf32, #tpu.memory_space<vmem>> -> memref<1x4x8x128xf32, #tpu.memory_space<vmem>>
    %dma_wait3A_353 = tpu.memref_squeeze %dma_wait3A_352 : memref<1x4x8x128xf32, #tpu.memory_space<vmem>> -> memref<4x8x128xf32, #tpu.memory_space<vmem>>
    tpu.wait_dma2 semaphore(%arg22 : memref<!tpu.dma_semaphore, #tpu.memory_space<semaphore_mem>>) src(%dma_wait3A_353 : memref<4x8x128xf32, #tpu.memory_space<vmem>>) dst(%dma_wait3A_348 : memref<4x8x128xf32, #tpu.memory_space<hbm>>)
    %dma_wait3A_354 = arith.constant 0 : i32
    %dma_wait3A_355 = arith.constant 7 : i32
    %dma_wait3A_356 = arith.constant 0 : i32
    %dma_wait3A_357 = arith.constant 0 : i32
    %dma_wait3A_358 = tpu.memref_slice %arg6[%dma_wait3A_355, %dma_wait3A_356, %dma_wait3A_357] : memref<8x128x32xf32, #tpu.memory_space<vmem>> -> memref<1x128x32xf32, #tpu.memory_space<vmem>>
    %dma_wait3A_359 = tpu.memref_squeeze %dma_wait3A_358 : memref<1x128x32xf32, #tpu.memory_space<vmem>> -> memref<128x32xf32, #tpu.memory_space<vmem>>
    %dma_wait3A_360 = arith.constant 0 : i32
    %dma_wait3A_361 = tpu.memref_slice %arg5[%dma_wait3A_354, %dma_wait3A_360] : memref<50x512xi32, #tpu.memory_space<vmem>> -> memref<1x128xi32, #tpu.memory_space<vmem>>
    %dma_wait3A_362 = tpu.memref_squeeze %dma_wait3A_361 : memref<1x128xi32, #tpu.memory_space<vmem>> -> memref<128xi32, #tpu.memory_space<vmem>>
    %dma_wait3A_363 = arith.constant 0 : i32
    %dma_wait3A_364 = arith.constant 0 : i32
    %dma_wait3A_365 = tpu.memref_slice %arg2[%dma_wait3A_363, %dma_wait3A_364] : memref<1000000x32xf32, #tpu.memory_space<hbm>> -> memref<1000000x32xf32, #tpu.memory_space<hbm>>
    tpu.wait_indirect_dma semaphore(%arg15 : memref<!tpu.dma_semaphore, #tpu.memory_space<semaphore_mem>>) src(%dma_wait3A_365 : memref<1000000x32xf32, #tpu.memory_space<hbm>>) dst(%dma_wait3A_359 : memref<128x32xf32, #tpu.memory_space<vmem>>)
    %dma_wait3A_366 = arith.constant 7 : i32
    %dma_wait3A_367 = arith.constant 0 : i32
    %dma_wait3A_368 = arith.constant 0 : i32
    %dma_wait3A_369 = arith.constant 0 : i32
    %dma_wait3A_370 = arith.constant 0 : i32
    %dma_wait3A_371 = arith.constant 0 : i32
    %dma_wait3A_372 = tpu.memref_slice %arg7[%dma_wait3A_366, %dma_wait3A_369, %dma_wait3A_370, %dma_wait3A_371] : memref<8x4x8x128xf32, #tpu.memory_space<vmem>> -> memref<1x4x8x128xf32, #tpu.memory_space<vmem>>
    %dma_wait3A_373 = tpu.memref_squeeze %dma_wait3A_372 : memref<1x4x8x128xf32, #tpu.memory_space<vmem>> -> memref<4x8x128xf32, #tpu.memory_space<vmem>>
    %dma_wait3A_374 = arith.constant 0 : i32
    %dma_wait3A_375 = arith.constant 0 : i32
    %dma_wait3A_376 = arith.constant 0 : i32
    %dma_wait3A_377 = tpu.memref_slice %arg4[%dma_wait3A_367, %dma_wait3A_374, %dma_wait3A_368, %dma_wait3A_375, %dma_wait3A_376] : memref<50x4x128x8x128xf32, #tpu.memory_space<hbm>> -> memref<1x4x1x8x128xf32, #tpu.memory_space<hbm>>
    %dma_wait3A_378 = tpu.memref_squeeze %dma_wait3A_377 : memref<1x4x1x8x128xf32, #tpu.memory_space<hbm>> -> memref<4x8x128xf32, #tpu.memory_space<hbm>>
    %dma_wait3A_379 = arith.constant 0 : i32
    %dma_wait3A_380 = arith.constant 0 : i32
    %dma_wait3A_381 = arith.constant 0 : i32
    %dma_wait3A_382 = tpu.memref_slice %arg4[%dma_wait3A_367, %dma_wait3A_379, %dma_wait3A_368, %dma_wait3A_380, %dma_wait3A_381] : memref<50x4x128x8x128xf32, #tpu.memory_space<hbm>> -> memref<1x4x1x8x128xf32, #tpu.memory_space<hbm>>
    %dma_wait3A_383 = tpu.memref_squeeze %dma_wait3A_382 : memref<1x4x1x8x128xf32, #tpu.memory_space<hbm>> -> memref<4x8x128xf32, #tpu.memory_space<hbm>>
    %dma_wait3A_384 = arith.constant 0 : i32
    %dma_wait3A_385 = arith.constant 0 : i32
    %dma_wait3A_386 = arith.constant 0 : i32
    %dma_wait3A_387 = tpu.memref_slice %arg7[%dma_wait3A_366, %dma_wait3A_384, %dma_wait3A_385, %dma_wait3A_386] : memref<8x4x8x128xf32, #tpu.memory_space<vmem>> -> memref<1x4x8x128xf32, #tpu.memory_space<vmem>>
    %dma_wait3A_388 = tpu.memref_squeeze %dma_wait3A_387 : memref<1x4x8x128xf32, #tpu.memory_space<vmem>> -> memref<4x8x128xf32, #tpu.memory_space<vmem>>
    tpu.wait_dma2 semaphore(%arg23 : memref<!tpu.dma_semaphore, #tpu.memory_space<semaphore_mem>>) src(%dma_wait3A_388 : memref<4x8x128xf32, #tpu.memory_space<vmem>>) dst(%dma_wait3A_383 : memref<4x8x128xf32, #tpu.memory_space<hbm>>)
    return
  }
}

</mosaic_0001>

<sc_bundles>
// kernel: kernel.3.cloned.1.call-start
scs
__scs_entry_jumppad:
0x0: {  	(pc) =	sbr.rel $0x88, $3  }
0x1: {  	(tag) =	ssettag $0x0;
	lr =	simm.s32 $0x1  }
0x2: {  	[smem:$0x3F9F] =	sst lr;
	_ =	strace $0xD0000000  }
0x3: {  	_ = 	snop  }
0x4: {  	_ = 	snop  }
0x5: {  	_ = 	snop  }
0x6: {  	_ = 	snop  }
0x7: {  	_ = 	snop  }
__scs_overlays_trampoline_lowered:
0x8: {  	[smem:$0x3FAE] =	sst s0  }
0x9: {  	[smem:$0x3FAF] =	sst s1  }
0xa: {  	[smem:$0x3FB0] =	sst s2  }
0xb: {  	[smem:$0x3FB1] =	sst s3  }
0xc: {  	[smem:$0x3FB2] =	sst s4  }
0xd: {  	[smem:$0x3FB3] =	sst s5  }
0xe: {  	[smem:$0x3FB4] =	sst s6  }
0xf: {  	[smem:$0x3FB5] =	sst s7  }
0x10: {  	[smem:$0x3FB6] =	sst s8  }
0x11: {  	[smem:$0x3FB7] =	sst s9;
	s0 =	simm.s32 @!p0 $0x0  }
0x12: {  	s1 =	sld [smem:$0x3F9D];
	s0 =	simm.s32 @p0 $0x1  }
0x13: {  	[smem:$0x3FB8] =	sst s0;
	s0 =	simm.s32 @!p1 $0x0  }
0x14: {  	s2 =	sld [smem:$0x3F9C];
	s0 =	simm.s32 @p1 $0x1  }
0x15: {  	[smem:$0x3FB9] =	sst s0;
	s0 =	simm.s32 @!p2 $0x0  }
0x16: {  	s3 =	sld [smem:$0x3FDB];
	s0 =	simm.s32 @p2 $0x1  }
0x17: {  	s4 =	simm.s32 $0x1BF5;
	[smem:$0x3FBB] =	sst s0  }
0x18: {  	s0 =	sld [smem:$0x3F9E];
	_ =	swait.ge [sflag:s4], $0x0  }
0x19: {  	s7 =	sld [smem:$0x3F9F]  }
0x1a: {  	s8 =	sadd.s32 $0xFFFFE003, lr  }
0x1b: {  	s9 =	sadd.s32 $0xFFFFFEF7, lr;
	s5 =	simm.s32 $0xFFFFFFFF;
	p2 =	slt.u32 s8, $0xFFFFF086  }
0x1c: {  	p1 =	slt.u32 s9, $0xF7A;
	s5 =	simm.s32 @!p2 $0x0  }
0x1d: {  	s5 =	simm.s32 @p1 $0x1;
	p0 =	seq.s32 s7, s2  }
0x1e: {  	s7 =	smul.u32 @!p0 $0xF7A, s2;
	p2 =	seq.s32 @!p0 s5, $0x0  }
0x1f: {  	s9 =	smul.u32 $0xF7A, s1;
	s8 =	simm.s32 @!p0 $0x1BF5;
	p2 =	por !p2, p0  }
0x20: {  	[sflag:s8] =	ssyncset.s32 @!p0 $0xFFFFF086;
	s6 =	sadd.s32 @!p0 s3, s7;
	s7 =	simm.s32 @!p0 $0x108  }
0x21: {  	s3 =	sadd.s32 s3, s9;
	s6 =	sadd.s32 @!p0 $0x88, s6;
	s7 =	simm.s32 @p2 $0x1082  }
0x22: {  	[simem:s7], [sflag:s8] =	dma.local @!p0 [hbm:s6], $0xF7A  }
0x23: {  	s9 =	sor.u32 $0xD0000000, s2;
	s6 =	simm.s32 $0x108;
	_ =	swait.ge @!p0 [sflag:s8], $0x0  }
0x24: {  	s3 =	sadd.s32 $0x88, s3;
	s6 =	simm.s32 @!p1 $0x1082;
	[sflag:s4] =	ssyncset.s32 $0xFFFFF086  }
0x25: {  	[simem:s6], [sflag:s4] =	dma.local [hbm:s3], $0xF7A  }
0x26: {  	[smem:$0x3F9F] =	sst s1;
	(tag) =	ssettag s2;
	_ =	strace s9  }
0x27: {  	s1 =	sld [smem:$0x3FAF]  }
0x28: {  	s2 =	sld [smem:$0x3FB0]  }
0x29: {  	s4 =	sld [smem:$0x3FB2]  }
0x2a: {  	p0 =	seq.s32 s5, $0x0;
	s5 =	sld [smem:$0x3FB3]  }
0x2b: {  	s6 =	sld [smem:$0x3FB4]  }
0x2c: {  	s7 =	sld [smem:$0x3FB5]  }
0x2d: {  	s3 =	simm.s32 $0x108;
	s8 =	sld [smem:$0x3FB6]  }
0x2e: {  	s3 =	simm.s32 @!p0 $0x1082;
	s9 =	sld [smem:$0x3FB7]  }
0x2f: {  	lr =	sadd.s32 s0, s3;
	s0 =	sld [smem:$0x3FAE]  }
0x30: {  	s3 =	sld [smem:$0x3FB1]  }
0x31: {  	[smem:$0x3FBA] =	sst s10  }
0x32: {  	s10 =	sld [smem:$0x3FB8];
	_ =	sdelay $0x3  }
0x33: {  	p0 =	seq.s32 s10, $0x1;
	s10 =	sld [smem:$0x3FBA];
	_ =	sdelay $0x3  }
0x34: {  	[smem:$0x3FBA] =	sst s10  }
0x35: {  	s10 =	sld [smem:$0x3FB9];
	_ =	sdelay $0x3  }
0x36: {  	p1 =	seq.s32 s10, $0x1;
	s10 =	sld [smem:$0x3FBA];
	_ =	sdelay $0x3  }
0x37: {  	[smem:$0x3FBA] =	sst s10  }
0x38: {  	s10 =	sld [smem:$0x3FBB]  }
0x39: {  	_ = 	snop;
	(pc) =	sbr.ind lr, $3  }
0x3a: {  	_ = 	snop  }
0x3b: {  	_ = 	snop  }
0x3c: {  	p2 =	seq.s32 s10, $0x1;
	s10 =	sld [smem:$0x3FBA]  }
0x3d: {  	_ =	shalt  }
0x3e: {  	_ =	shalt  }
0x3f: {  	_ =	shalt  }
0x40: {  	_ =	shalt  }
0x41: {  	_ =	shalt  }
0x42: {  	_ =	shalt  }
0x43: {  	_ =	shalt  }
0x44: {  	_ =	shalt  }
0x45: {  	_ =	shalt  }
0x46: {  	_ =	shalt  }
0x47: {  	_ =	shalt  }
0x48: {  	_ =	shalt  }
0x49: {  	_ =	shalt  }
0x4a: {  	_ =	shalt  }
0x4b: {  	_ =	shalt  }
0x4c: {  	_ =	shalt  }
0x4d: {  	_ =	shalt  }
0x4e: {  	_ =	shalt  }
0x4f: {  	_ =	shalt  }
0x50: {  	_ =	shalt  }
0x51: {  	_ =	shalt  }
0x52: {  	_ =	shalt  }
0x53: {  	_ =	shalt  }
0x54: {  	_ =	shalt  }
0x55: {  	_ =	shalt  }
0x56: {  	_ =	shalt  }
0x57: {  	_ =	shalt  }
0x58: {  	_ =	shalt  }
0x59: {  	_ =	shalt  }
0x5a: {  	_ =	shalt  }
0x5b: {  	_ =	shalt  }
0x5c: {  	_ =	shalt  }
0x5d: {  	_ =	shalt  }
0x5e: {  	_ =	shalt  }
0x5f: {  	_ =	shalt  }
0x60: {  	_ =	shalt  }
0x61: {  	_ =	shalt  }
0x62: {  	_ =	shalt  }
0x63: {  	_ =	shalt  }
0x64: {  	_ =	shalt  }
0x65: {  	_ =	shalt  }
0x66: {  	_ =	shalt  }
0x67: {  	_ =	shalt  }
0x68: {  	_ =	shalt  }
0x69: {  	_ =	shalt  }
0x6a: {  	_ =	shalt  }
0x6b: {  	_ =	shalt  }
0x6c: {  	_ =	shalt  }
0x6d: {  	_ =	shalt  }
0x6e: {  	_ =	shalt  }
0x6f: {  	_ =	shalt  }
0x70: {  	_ =	shalt  }
0x71: {  	_ =	shalt  }
0x72: {  	_ =	shalt  }
0x73: {  	_ =	shalt  }
0x74: {  	_ =	shalt  }
0x75: {  	_ =	shalt  }
0x76: {  	_ =	shalt  }
0x77: {  	_ =	shalt  }
0x78: {  	_ =	shalt  }
0x79: {  	_ =	shalt  }
0x7a: {  	_ =	shalt  }
0x7b: {  	_ =	shalt  }
0x7c: {  	_ =	shalt  }
0x7d: {  	_ =	shalt  }
0x7e: {  	_ =	shalt  }
0x7f: {  	_ =	shalt  }
0x80: {  	_ =	shalt  }
0x81: {  	_ =	shalt  }
0x82: {  	_ =	shalt  }
0x83: {  	_ =	shalt  }
0x84: {  	_ =	shalt  }
0x85: {  	_ =	shalt  }
0x86: {  	_ =	shalt  }
0x87: {  	_ =	shalt  }
.Lfunc_end0:
.L_simem_size_0:
called_computation_lowered:
.L_overlay_start_0:
0x88: {  	s2 =	sld [smem:$0x3FD9]  }
0x89: {  	s3 =	sld [smem:$0x3FFE];
	_ =	sdelay $0x1  }
0x8a: {  	s1 =	srdreg.scid  }
0x8b: {  	s0 =	sand.u32 $0x1, s1  }
0x8c: {  	s17 =	sshll.u32 s0, $0xA;
	s2 =	sadd.s32 s3, s2  }
0x8d: {  	s2 =	sadd.s32 s2, s17  }
0x8e: {  	[smem:$0x3FC6] =	sst s2  }
0x8f: {  	_ = 	snop  }
0x90: {  	s2 =	sld [smem:$0x3FD0];
	(tm) =	ssettm $0x1  }
0x91: {  	s18 =	sld [smem:$0x3FFB];
	_ =	sdelay $0x3  }
0x92: {  	_ =	strace s18  }
0x93: {  	s3 =	sld [smem:$0x3FFC];
	_ =	sdelay $0x3  }
0x94: {  	_ =	strace s3  }
0x95: {  	s3 =	sld [smem:$0x3FFD];
	_ =	sdelay $0x3  }
0x96: {  	_ =	strace s3  }
0x97: {  	_ =	strace $0x8FFFFFFF  }
0x98: {  	s19 =	sld [smem:$0x3FDB];
	_ =	sdelay $0x1  }
0x99: {  	s4 =	simm.s32 $_scs_section_size  }
0x9a: {  	s5 =	simm.s32 $_size__tile_overlayer_lowered;
	s6 =	simm.s32 $_tile_overlayer_lowered  }
0x9b: {  	s22 =	simm.s32 $0x1BFF;
	s21 =	sshll.u32 s6, $0x1;
	s3 =	sadd.s32 s4, s19  }
0x9c: {  	s7 =	simm.s32 $0x0;
	s20 =	sshll.u32 s5, $0x1;
	s5 =	sadd.s32 s21, s3  }
0x9d: {  	[timem:s7], [sflag:s22] =	dma.local [hbm:s5], s20  }
0x9e: {  	_ =	swait.ge [sflag:s22], s20  }
0x9f: {  	s4 =	ssub.s32 $0x0, s20;
	[sflag:s22] =	ssyncset.done $0x0  }
0xa0: {  	[sflag:s22] =	ssyncadd.s32 s4;
	_ =	sdelay $0x1  }
0xa1: {  	s23 =	simm.s32 $0x1B8B  }
0xa2: {  	_ =	swait.ge [sflag:s23], $0x1  }
0xa3: {  	[sflag:s23] =	ssyncset.done $0x0  }
0xa4: {  	s25 =	simm.s32 $0x1B8E;
	s24 =	sld [smem:$0x3FFE];
	[sflag:s23] =	ssyncadd.s32 $0xFFFFFFFF  }
0xa5: {  	s26 =	simm.s32 $execute0_lowered;
	[smem:$0x3FD2] =	sst s25  }
0xa6: {  	s5 =	sshll.u32 s26, $0x1;
	_ =	strace $0x80000046;
	[dreg:$0x1] =	wrdreg $0xFFFFFFFF  }
0xa7: {  	s28 =	simm.s32 $_size_execute0_lowered;
	s3 =	sadd.s32 s3, s5;
	[dreg:$0x0] =	wrdreg $0x0  }
0xa8: {  	s5 =	sshll.u32 s28, $0x1;
	[dreg:$0x2] =	wrdreg s3  }
0xa9: {  	[dreg:$0x3] =	wrdreg s5  }
0xaa: {  	[dreg:$0x4] =	wrdreg $0xC0  }
0xab: {  	_ =	task [dreg:s7], $0x5FFFF  }
0xac: {  	[dreg:$0x1] =	wrdreg $0xFFFFFFFF  }
0xad: {  	[dreg:$0x0] =	wrdreg $0x60  }
0xae: {  	[dreg:$0x2] =	wrdreg s24  }
0xaf: {  	[dreg:$0x3] =	wrdreg s2  }
0xb0: {  	[dreg:$0x4] =	wrdreg $0x9  }
0xb1: {  	_ =	task.clear_ibuf [dreg:s7], $0x5FFFF;
	_ =	strace $0x90000046  }
0xb2: {  	s29 =	simm.s32 $0x9;
	_ =	strace $0x80000048  }
0xb3: {  	_ =	swait.ge [sflag:s29], $0x1  }
0xb4: {  	[sflag:s29] =	ssyncadd.s32 $0xFFFFFFFF  }
0xb5: {  	_ =	strace $0x90000048  }
0xb6: {  	_ =	sfence  }
0xb7: {  	s30 =	sld [smem:$0x0];
	_ =	sdelay $0x2  }
0xb8: {  	s31 =	sshll.u32 s1, $0xD;
	s1 =	sshrl.u32 s1, $0x2  }
0xb9: {  	s3 =	sand.u32 $0x4000, s31;
	s1 =	sadd.s32 s1, s30  }
0xba: {  	s0 =	sor.u32 s3, s0;
	s1 =	sshll.u32 s1, $0x11  }
0xbb: {  	s0 =	sor.u32 s1, s0  }
0xbc: {  	s0 =	sadd.s32 $0x8F2B, s0  }
0xbd: {  	[sflag:s0] =	ssyncadd.remote.s32 $0x1  }
0xbe: {  	_ =	sfence.sel $0xFFFF  }
0xbf: {  	[dreg:$0x0] =	wrdreg $0xFFFFFFFF;
	(pc) =	sbr.abs _section_cstart, $3  }
0xc0: {  	[dreg:$0x1] =	wrdreg $0xFFFFFFFF  }
0xc1: {  	_ =	task.clear_ibuf [dreg:s7], $0x2FFFF;
	_ =	strace $0x9FFFFFFF  }
0xc2: {  	(tm) =	ssettm $0x7FFFFFFF  }
0xc3: {  	_ =	shalt  }
tec
execute0_lowered:
.L_overlay_start_1:
0x0: {  	(tag) =	ssettag $0x1  }
0x1: {  	s0 =	rddreg [dreg:$0x0]  }
0x2: {  	s1 =	rddreg [dreg:$0x1];
	s2 =	srdreg.scid  }
0x3: {  	s5 =	simm.s32 $0x0;
	s4 =	stileid.u32;
	s14 =	simm.s32 $0x80  }
0x4: {  	s30 =	simm.s32 $0xE400;
	s31 =	simm.s32 $0x400;
	s12 =	simm.s32 $0xF400  }
0x5: {  	s17 =	simm.s32 $0x3;
	s19 =	simm.s32 $0x10400;
	s22 =	simm.s32 $0x4  }
0x6: {  	s24 =	simm.s32 $0x11400;
	s11 =	simm.s32 $0x12400;
	s10 =	simm.s32 $0x7  }
0x7: {  	s13 =	simm.s32 $0x14400;
	s15 =	simm.s32 $0x8;
	s16 =	simm.s32 $0x15400  }
0x8: {  	v0 =	vlaneseq.u32;
	s20 =	simm.s32 $0x0;
	s2 =	sand.u32 $0x1, s2;
	[smem:$0x7FF] =	sst s5  }
0x9: {  	v1 =	vimm.s32 $0x0;
	vm0 =	vcmask $0x300;
	v0 =	vmul.u32 $0x80, v0;
	s5 =	simm.s32 $0x13400;
	s3 =	sshll.u32 s2, $0x4;
	s2 =	ssub.s32 $0x2, s2  }
0xa: {  	v1 =	vsel vm0, $0x3, v1;
	_ =	strace $0x80000047;
	s3 =	sor.u32 s4, s3;
	s28 =	sshrl.u32 s2, $0x1  }
0xb: {  	s4 =	sadd.s32 $0xF42A00, s0;
	v2 =	vor.u32 $0x800, v0;
	v3 =	vor.u32 $0x1, v0;
	v4 =	vor.u32 $0x801, v0;
	s26 =	sshll.u32 s3, $0x6;
	s2 =	ssub.s32 s2, s28  }
0xc: {  	v5 =	vor.u32 $0x2, v0;
	v6 =	vor.u32 $0x802, v0;
	v7 =	vor.u32 $0x3, v0;
	s6 =	sshll.u32 s3, $0xC;
	s3 =	simm.s32 $0x6;
	s0 =	sadd.s32 s26, s0  }
0xd: {  	v8 =	vor.u32 $0x803, v0;
	v9 =	vor.u32 $0x4, v0;
	v10 =	vor.u32 $0x804, v0;
	s7 =	sor.u32 $0x400, s6;
	s8 =	sor.u32 $0x800, s6;
	s29 =	smax.u32 s2, $0x1  }
0xe: {  	v11 =	vor.u32 $0x5, v0;
	v12 =	vor.u32 $0x805, v0;
	v13 =	vor.u32 $0x6, v0;
	s9 =	sor.u32 $0xC00, s6;
	s0 =	sadd.s32 $0x600, s0;
	[dreg:$0x4] =	wrdreg s29  }
0xf: {  	v14 =	vor.u32 $0x806, v0;
	v15 =	vor.u32 $0x7, v0;
	v16 =	vor.u32 $0x807, v0;
	s26 =	simm.s32 $0x5;
	[dreg:$0x3] =	wrdreg s0;
	s0 =	simm.s32 $0x20000  }
.LBB2_1:
0x10: {  	[dreg:$0x5] =	wrdreg s20  }
0x11: {  	s2 =	simm.s32 $0x0;
	s18 =	rddreg [dreg:$0x3]  }
0x12: {  	s20 =	simm.s32 $0x200;
	s21 =	simm.s32 $0x4000;
	s28 =	simm.s32 $0x11  }
0x13: {  	[tilespmem:s2], [sflag:$0x11] =	stream.strided.gather [hbm4b:s18+s20], $0x6400, s21, s20, $0x38;
	[tilespmem:$0x16400] =	vst v63  }
0x14: {  	_ =	swait.ge [sflag:s28], $0x6400  }
0x15: {  	[sflag:s28] =	ssyncset.done $0x0  }
0x16: {  	s29 =	simm.s32 $0x6400;
	[sflag:s28] =	ssyncadd.s32 $0xFFFF9C00  }
0x17: {  	[tilespmem:s29], [sflag:$0x1] =	stream.indirect.gather [hbm4b:s4+s14], $0x20, s2, s14, $0xb8;
	[tilespmem:$0x16400] =	vst v63  }
0x18: {  	s21 =	simm.s32 $0x7400  }
0x19: {  	[tilespmem:s21], [sflag:$0x2] =	stream.indirect.gather [hbm4b:s4+s14], $0x20, s14, s14, $0xb8;
	[tilespmem:$0x16400] =	vst v63  }
0x1a: {  	s23 =	simm.s32 $0x100;
	s25 =	simm.s32 $0x8400  }
0x1b: {  	[tilespmem:s25], [sflag:$0x3] =	stream.indirect.gather [hbm4b:s4+s14], $0x20, s23, s14, $0xb8;
	[tilespmem:$0x16400] =	vst v63  }
0x1c: {  	s28 =	simm.s32 $0x180;
	s29 =	simm.s32 $0x9400  }
0x1d: {  	[tilespmem:s29], [sflag:$0x4] =	stream.indirect.gather [hbm4b:s4+s14], $0x20, s28, s14, $0xb8;
	[tilespmem:$0x16400] =	vst v63  }
0x1e: {  	s18 =	simm.s32 $0xA400  }
0x1f: {  	[tilespmem:s18], [sflag:$0x5] =	stream.indirect.gather [hbm4b:s4+s14], $0x20, s20, s14, $0xb8;
	[tilespmem:$0x16400] =	vst v63  }
0x20: {  	s21 =	simm.s32 $0xB400;
	s20 =	simm.s32 $0x280  }
0x21: {  	[tilespmem:s21], [sflag:$0x6] =	stream.indirect.gather [hbm4b:s4+s14], $0x20, s20, s14, $0xb8;
	[tilespmem:$0x16400] =	vst v63  }
0x22: {  	s23 =	simm.s32 $0x300;
	s25 =	simm.s32 $0xC400  }
0x23: {  	[tilespmem:s25], [sflag:$0x7] =	stream.indirect.gather [hbm4b:s4+s14], $0x20, s23, s14, $0xb8;
	[tilespmem:$0x16400] =	vst v63  }
0x24: {  	s28 =	simm.s32 $0x380;
	s29 =	simm.s32 $0xD400;
	s18 =	simm.s32 $0x0  }
0x25: {  	[tilespmem:s29], [sflag:$0x8] =	stream.indirect.gather [hbm4b:s4+s14], $0x20, s28, s14, $0xb8;
	[tilespmem:$0x16400] =	vst v63  }
.LBB2_2:
0x26: {  	s2 =	simm.s32 $0x1  }
0x27: {  	s20 =	simm.s32 $0xF;
	_ =	swait.ge [sflag:s2], $0x1000  }
0x28: {  	p0 =	seq.s32 s18, $0x0;
	s21 =	simm.s32 $0x0;
	v17 =	vmov s20;
	[sflag:s2] =	ssyncset.done $0x0  }
0x29: {  	s20 =	simm.s32 @!p0 $0x9;
	v18 =	vmov s21;
	v17 =	vshrl.u32 v17, $0x3;
	[sflag:s2] =	ssyncadd.s32 $0xFFFFF000  }
0x2a: {  	v18 =	vshrl.u32 v18, $0x3;
	v17 =	vshll.u32 v17, v1;
	_ =	swait.ge @!p0 [sflag:s20], $0x1000  }
0x2b: {  	s25 =	simm.s32 $0x1;
	v18 =	vshll.u32 v18, v1;
	v17 =	vbroadcast v17, $0x0;
	[sflag:s20] =	ssyncset.done @!p0 $0x0  }
0x2c: {  	s23 =	simm.s32 $0x6500;
	v19 =	vmov s25;
	v18 =	vbroadcast v18, $0x0;
	[sflag:s20] =	ssyncadd.s32 @!p0 $0xFFFFF000  }
0x2d: {  	s29 =	simm.s32 $0x2;
	v19 =	vshrl.u32 v19, $0x3;
	v21 =	vor.u32 v15, v17;
	v20 =	vld [tilespmem:s23+$0xE0]  }
0x2e: {  	v22 =	vmov s29;
	v19 =	vshll.u32 v19, v1;
	v25 =	vor.u32 v0, v18;
	v24 =	vld [tilespmem:s23+$0xFFFFFF00]  }
0x2f: {  	v22 =	vshrl.u32 v22, $0x3;
	s2 =	simm.s32 $0x3;
	v19 =	vbroadcast v19, $0x0;
	v17 =	vor.u32 v16, v17;
	v23 =	vld [tilespmem:s23+$0xF0]  }
0x30: {  	v22 =	vshll.u32 v22, v1;
	v27 =	vmov s2;
	v18 =	vor.u32 v2, v18;
	v26 =	vld [tilespmem:s23+$0xFFFFFF10]  }
0x31: {  	s21 =	simm.s32 $0x4;
	v22 =	vbroadcast v22, $0x0;
	v27 =	vshrl.u32 v27, $0x3;
	v29 =	vor.u32 v3, v19;
	v28 =	vld [tilespmem:s23+$0xFFFFFF20]  }
0x32: {  	v31 =	vmov s21;
	v19 =	vor.u32 v4, v19;
	v27 =	vshll.u32 v27, v1;
	v30 =	vld [tilespmem:s23+$0xFFFFFF30];
	[tilespmem:v21+s30+$0x0] =	vst.idx.msk $0xffff, v20  }
0x33: {  	s25 =	simm.s32 $0x5;
	v31 =	vshrl.u32 v31, $0x3;
	v27 =	vbroadcast v27, $0x0;
	v20 =	vld [tilespmem:s23+$0xFFFFFF40];
	v21 =	vor.u32 v5, v22;
	[tilespmem:v25+s30+$0x0] =	vst.idx.msk $0xffff, v24  }
0x34: {  	v22 =	vor.u32 v6, v22;
	v24 =	vmov s25;
	[tilespmem:v17+s30+$0x0] =	vst.idx.msk $0xffff, v23;
	v17 =	vld [tilespmem:s23+$0xFFFFFF50];
	v23 =	vshll.u32 v31, v1  }
0x35: {  	s29 =	simm.s32 $0x6;
	v25 =	vor.u32 v7, v27;
	[tilespmem:v18+s30+$0x0] =	vst.idx.msk $0xffff, v26;
	v18 =	vld [tilespmem:s23+$0xFFFFFF60];
	v24 =	vshrl.u32 v24, $0x3;
	v23 =	vbroadcast v23, $0x0  }
0x36: {  	[tilespmem:v29+s30+$0x0] =	vst.idx.msk $0xffff, v28;
	v27 =	vor.u32 v8, v27;
	v28 =	vmov s29;
	v26 =	vld [tilespmem:s23+$0xFFFFFF70];
	v24 =	vshll.u32 v24, v1  }
0x37: {  	s2 =	simm.s32 $0x7;
	[tilespmem:v19+s30+$0x0] =	vst.idx.msk $0xffff, v30;
	v19 =	vld [tilespmem:s23+$0xFFFFFF80];
	v28 =	vshrl.u32 v28, $0x3;
	v24 =	vbroadcast v24, $0x0;
	v29 =	vor.u32 v9, v23  }
0x38: {  	[tilespmem:v21+s30+$0x0] =	vst.idx.msk $0xffff, v20;
	v20 =	vld [tilespmem:s23+$0xFFFFFF90];
	v21 =	vor.u32 v10, v23;
	v23 =	vshll.u32 v28, v1;
	v28 =	vmov s2  }
0x39: {  	s21 =	simm.s32 $0x8;
	[tilespmem:v22+s30+$0x0] =	vst.idx.msk $0xffff, v17;
	v17 =	vld [tilespmem:s23+$0xFFFFFFA0];
	v22 =	vor.u32 v11, v24;
	v23 =	vbroadcast v23, $0x0;
	v28 =	vshrl.u32 v28, $0x3  }
0x3a: {  	[tilespmem:v25+s30+$0x0] =	vst.idx.msk $0xffff, v18;
	v18 =	vld [tilespmem:s23+$0xFFFFFFB0];
	v24 =	vor.u32 v12, v24;
	v25 =	vshll.u32 v28, v1;
	v28 =	vmov s21  }
0x3b: {  	s25 =	simm.s32 $0x9;
	[tilespmem:v27+s30+$0x0] =	vst.idx.msk $0xffff, v26;
	v26 =	vld [tilespmem:s23+$0xFFFFFFC0];
	v27 =	vor.u32 v13, v23;
	v25 =	vbroadcast v25, $0x0;
	v28 =	vshrl.u32 v28, $0x3  }
0x3c: {  	v23 =	vor.u32 v14, v23;
	[tilespmem:v29+s30+$0x0] =	vst.idx.msk $0xffff, v19;
	v19 =	vld [tilespmem:s23+$0xFFFFFFD0];
	v28 =	vshll.u32 v28, v1;
	v29 =	vmov s25  }
0x3d: {  	s29 =	simm.s32 $0xA;
	[tilespmem:v21+s30+$0x0] =	vst.idx.msk $0xffff, v20;
	v20 =	vld [tilespmem:s23+$0xFFFFFFE0];
	v21 =	vor.u32 v15, v25;
	v28 =	vbroadcast v28, $0x0;
	v29 =	vshrl.u32 v29, $0x3  }
0x3e: {  	[tilespmem:v22+s30+$0x0] =	vst.idx.msk $0xffff, v17;
	v17 =	vld [tilespmem:s23+$0xFFFFFFF0];
	v22 =	vor.u32 v16, v25;
	v25 =	vshll.u32 v29, v1;
	v29 =	vmov s29  }
0x3f: {  	s2 =	simm.s32 $0xB;
	[tilespmem:v24+s30+$0x0] =	vst.idx.msk $0xffff, v18;
	v18 =	vld [tilespmem:s23+$0x0];
	v24 =	vor.u32 v0, v28;
	v25 =	vbroadcast v25, $0x0;
	v29 =	vshrl.u32 v29, $0x3  }
0x40: {  	[tilespmem:v27+s30+$0x0] =	vst.idx.msk $0xffff, v26;
	v26 =	vld [tilespmem:s23+$0x10];
	v27 =	vor.u32 v2, v28;
	v28 =	vshll.u32 v29, v1;
	v29 =	vmov s2  }
0x41: {  	v30 =	vld [tilespmem:s23+$0x20];
	s21 =	simm.s32 $0xC;
	[tilespmem:v23+s30+$0x0] =	vst.idx.msk $0xffff, v19;
	v31 =	vor.u32 v3, v25;
	v23 =	vbroadcast v28, $0x0;
	v19 =	vshrl.u32 v29, $0x3  }
0x42: {  	v25 =	vor.u32 v4, v25;
	[tilespmem:v21+s30+$0x0] =	vst.idx.msk $0xffff, v20;
	v21 =	vld [tilespmem:s23+$0x30];
	v19 =	vshll.u32 v19, v1;
	v20 =	vmov s21  }
0x43: {  	s25 =	simm.s32 $0xD;
	v29 =	vld [tilespmem:s23+$0x40];
	[tilespmem:v22+s30+$0x0] =	vst.idx.msk $0xffff, v17;
	v32 =	vor.u32 v5, v23;
	v22 =	vbroadcast v19, $0x0;
	v17 =	vshrl.u32 v20, $0x3  }
0x44: {  	v19 =	vld [tilespmem:s23+$0x50];
	v23 =	vor.u32 v6, v23;
	[tilespmem:v24+s30+$0x0] =	vst.idx.msk $0xffff, v18;
	v18 =	vshll.u32 v17, v1;
	v24 =	vmov s25  }
0x45: {  	s29 =	simm.s32 $0xE;
	v17 =	vld [tilespmem:s23+$0x60];
	[tilespmem:v27+s30+$0x0] =	vst.idx.msk $0xffff, v26;
	v20 =	vor.u32 v7, v22;
	v33 =	vbroadcast v18, $0x0;
	v24 =	vshrl.u32 v24, $0x3  }
0x46: {  	v28 =	vmov s29;
	v18 =	vld [tilespmem:s23+$0x70];
	v22 =	vor.u32 v8, v22;
	[tilespmem:v31+s30+$0x0] =	vst.idx.msk $0xffff, v30;
	v27 =	vshll.u32 v24, v1  }
0x47: {  	s28 =	simm.s32 $0x1F;
	s20 =	sshll.u32 s18, $0x1;
	v24 =	vld [tilespmem:s23+$0x80];
	v30 =	vshrl.u32 v28, $0x3;
	[tilespmem:v25+s30+$0x0] =	vst.idx.msk $0xffff, v21;
	v26 =	vor.u32 v9, v33;
	v27 =	vbroadcast v27, $0x0  }
0x48: {  	s21 =	smin.u32 s20, $0x2F;
	s25 =	simm.s32 $0x10;
	v28 =	vmov s28;
	s28 =	simm.s32 $0x20;
	v21 =	vld [tilespmem:s23+$0x90];
	v25 =	vor.u32 v10, v33;
	[tilespmem:v32+s30+$0x0] =	vst.idx.msk $0xffff, v29;
	v29 =	vshll.u32 v30, v1  }
.LBB2_3:
0x49: {  	p1 =	slt.u32 s28, $0x70;
	v28 =	vshrl.u32 v28, $0x3;
	[tilespmem:v23+s30+$0x0] =	vst.idx.msk $0xffff, v19;
	v19 =	vld [tilespmem:s23+$0xA0];
	v23 =	vor.u32 v11, v27;
	v29 =	vbroadcast v29, $0x0  }
0x4a: {  	v30 =	vmov s25;
	v28 =	vshll.u32 v28, v1;
	[tilespmem:v20+s30+$0x0] =	vst.idx.msk $0xffff, v17;
	v17 =	vld [tilespmem:s23+$0xB0];
	v20 =	vor.u32 v12, v27  }
0x4b: {  	s29 =	sadd.s32 $0x1, s25;
	v27 =	vshrl.u32 v30, $0x3;
	v28 =	vbroadcast v28, $0x0;
	[tilespmem:v22+s30+$0x0] =	vst.idx.msk $0xffff, v18;
	v18 =	vld [tilespmem:s23+$0xC0];
	v22 =	vor.u32 v13, v29  }
0x4c: {  	v30 =	vmov s29;
	v27 =	vshll.u32 v27, v1;
	[tilespmem:v26+s30+$0x0] =	vst.idx.msk $0xffff, v24;
	v24 =	vld [tilespmem:s23+$0xD0];
	v26 =	vor.u32 v14, v29;
	s23 =	sadd.s32 $0x200, s23  }
0x4d: {  	s29 =	sadd.s32 $0x2, s25;
	v27 =	vbroadcast v27, $0x0;
	v29 =	vshrl.u32 v30, $0x3;
	v30 =	vld [tilespmem:s23+$0xE0];
	v31 =	vor.u32 v15, v28;
	[tilespmem:v25+s30+$0x0] =	vst.idx.msk $0xffff, v21  }
0x4e: {  	v21 =	vshll.u32 v29, v1;
	v25 =	vmov s29;
	v28 =	vor.u32 v16, v28;
	v29 =	vld [tilespmem:s23+$0xF0];
	[tilespmem:v23+s30+$0x0] =	vst.idx.msk $0xffff, v19  }
0x4f: {  	s29 =	sadd.s32 $0x3, s25;
	v23 =	vor.u32 v0, v27;
	v21 =	vbroadcast v21, $0x0;
	v25 =	vshrl.u32 v25, $0x3;
	v19 =	vld [tilespmem:s23+$0xFFFFFF00];
	[tilespmem:v20+s30+$0x0] =	vst.idx.msk $0xffff, v17  }
0x50: {  	v20 =	vor.u32 v2, v27;
	v25 =	vshll.u32 v25, v1;
	v27 =	vmov s29;
	v17 =	vld [tilespmem:s23+$0xFFFFFF10];
	[tilespmem:v22+s30+$0x0] =	vst.idx.msk $0xffff, v18  }
0x51: {  	s29 =	sadd.s32 $0x4, s25;
	v22 =	vor.u32 v3, v21;
	v25 =	vbroadcast v25, $0x0;
	v27 =	vshrl.u32 v27, $0x3;
	v18 =	vld [tilespmem:s23+$0xFFFFFF20];
	[tilespmem:v26+s30+$0x0] =	vst.idx.msk $0xffff, v24  }
0x52: {  	v21 =	vor.u32 v4, v21;
	v26 =	vshll.u32 v27, v1;
	v27 =	vmov s29;
	v24 =	vld [tilespmem:s23+$0xFFFFFF30];
	[tilespmem:v31+s30+$0x0] =	vst.idx.msk $0xffff, v30  }
0x53: {  	s29 =	sadd.s32 $0x5, s25;
	v31 =	vor.u32 v5, v25;
	v26 =	vbroadcast v26, $0x0;
	v27 =	vshrl.u32 v27, $0x3;
	v30 =	vld [tilespmem:s23+$0xFFFFFF40];
	[tilespmem:v28+s30+$0x0] =	vst.idx.msk $0xffff, v29  }
0x54: {  	[tilespmem:v23+s30+$0x0] =	vst.idx.msk $0xffff, v19;
	v19 =	vld [tilespmem:s23+$0xFFFFFF50];
	v23 =	vor.u32 v6, v25;
	v25 =	vshll.u32 v27, v1;
	v27 =	vmov s29  }
0x55: {  	s29 =	sadd.s32 $0x6, s25;
	[tilespmem:v20+s30+$0x0] =	vst.idx.msk $0xffff, v17;
	v17 =	vld [tilespmem:s23+$0xFFFFFF60];
	v20 =	vor.u32 v7, v26;
	v25 =	vbroadcast v25, $0x0;
	v27 =	vshrl.u32 v27, $0x3  }
0x56: {  	[tilespmem:v22+s30+$0x0] =	vst.idx.msk $0xffff, v18;
	v18 =	vld [tilespmem:s23+$0xFFFFFF70];
	v22 =	vor.u32 v8, v26;
	v26 =	vshll.u32 v27, v1;
	v27 =	vmov s29  }
0x57: {  	s29 =	sadd.s32 $0x7, s25;
	[tilespmem:v21+s30+$0x0] =	vst.idx.msk $0xffff, v24;
	v21 =	vld [tilespmem:s23+$0xFFFFFF80];
	v24 =	vor.u32 v9, v25;
	v26 =	vbroadcast v26, $0x0;
	v27 =	vshrl.u32 v27, $0x3  }
0x58: {  	v25 =	vor.u32 v10, v25;
	v29 =	vmov s29;
	[tilespmem:v31+s30+$0x0] =	vst.idx.msk $0xffff, v30;
	v28 =	vld [tilespmem:s23+$0xFFFFFF90];
	v27 =	vshll.u32 v27, v1  }
0x59: {  	s29 =	sadd.s32 $0x8, s25;
	v29 =	vshrl.u32 v29, $0x3;
	[tilespmem:v23+s30+$0x0] =	vst.idx.msk $0xffff, v19;
	v19 =	vld [tilespmem:s23+$0xFFFFFFA0];
	v23 =	vor.u32 v11, v26;
	v27 =	vbroadcast v27, $0x0  }
0x5a: {  	[tilespmem:v20+s30+$0x0] =	vst.idx.msk $0xffff, v17;
	v17 =	vld [tilespmem:s23+$0xFFFFFFB0];
	v20 =	vor.u32 v12, v26;
	v26 =	vshll.u32 v29, v1;
	v29 =	vmov s29  }
0x5b: {  	s29 =	sadd.s32 $0x9, s25;
	[tilespmem:v22+s30+$0x0] =	vst.idx.msk $0xffff, v18;
	v18 =	vld [tilespmem:s23+$0xFFFFFFC0];
	v22 =	vor.u32 v13, v27;
	v26 =	vbroadcast v26, $0x0;
	v29 =	vshrl.u32 v29, $0x3  }
0x5c: {  	[tilespmem:v24+s30+$0x0] =	vst.idx.msk $0xffff, v21;
	v21 =	vld [tilespmem:s23+$0xFFFFFFD0];
	v24 =	vor.u32 v14, v27;
	v27 =	vshll.u32 v29, v1;
	v29 =	vmov s29  }
0x5d: {  	s29 =	sadd.s32 $0xA, s25;
	[tilespmem:v25+s30+$0x0] =	vst.idx.msk $0xffff, v28;
	v25 =	vld [tilespmem:s23+$0xFFFFFFE0];
	v28 =	vor.u32 v15, v26;
	v27 =	vbroadcast v27, $0x0;
	v29 =	vshrl.u32 v29, $0x3  }
0x5e: {  	[tilespmem:v23+s30+$0x0] =	vst.idx.msk $0xffff, v19;
	v19 =	vld [tilespmem:s23+$0xFFFFFFF0];
	v23 =	vor.u32 v16, v26;
	v26 =	vshll.u32 v29, v1;
	v29 =	vmov s29  }
0x5f: {  	s29 =	sadd.s32 $0xB, s25;
	[tilespmem:v20+s30+$0x0] =	vst.idx.msk $0xffff, v17;
	v17 =	vld [tilespmem:s23+$0x0];
	v20 =	vor.u32 v0, v27;
	v26 =	vbroadcast v26, $0x0;
	v29 =	vshrl.u32 v29, $0x3  }
0x60: {  	[tilespmem:v22+s30+$0x0] =	vst.idx.msk $0xffff, v18;
	v18 =	vld [tilespmem:s23+$0x10];
	v22 =	vor.u32 v2, v27;
	v27 =	vshll.u32 v29, v1;
	v29 =	vmov s29  }
0x61: {  	s29 =	sadd.s32 $0xC, s25;
	[tilespmem:v24+s30+$0x0] =	vst.idx.msk $0xffff, v21;
	v21 =	vld [tilespmem:s23+$0x20];
	v24 =	vor.u32 v3, v26;
	v27 =	vbroadcast v27, $0x0;
	v29 =	vshrl.u32 v29, $0x3  }
0x62: {  	v26 =	vor.u32 v4, v26;
	[tilespmem:v28+s30+$0x0] =	vst.idx.msk $0xffff, v25;
	v25 =	vld [tilespmem:s23+$0x30];
	v28 =	vshll.u32 v29, v1;
	v29 =	vmov s29  }
0x63: {  	s29 =	sadd.s32 $0xD, s25;
	[tilespmem:v23+s30+$0x0] =	vst.idx.msk $0xffff, v19;
	v30 =	vld [tilespmem:s23+$0x40];
	v31 =	vor.u32 v5, v27;
	v28 =	vbroadcast v28, $0x0;
	v29 =	vshrl.u32 v29, $0x3  }
.Ltmp0:
0x64: {  	v23 =	vor.u32 v6, v27;
	[tilespmem:v20+s30+$0x0] =	vst.idx.msk $0xffff, v17;
	v19 =	vld [tilespmem:s23+$0x50];
	v27 =	vshll.u32 v29, v1;
	v29 =	vmov s29;
	(pc) =	sbr.rel @p1 .LBB2_3-.Ltmp0, $4  }
0x65: {  	s29 =	sadd.s32 $0xE, s25;
	s25 =	smov.u32 s28;
	[tilespmem:v22+s30+$0x0] =	vst.idx.msk $0xffff, v18;
	v17 =	vld [tilespmem:s23+$0x60];
	v20 =	vor.u32 v7, v28;
	v32 =	vbroadcast v27, $0x0;
	v27 =	vshrl.u32 v29, $0x3  }
0x66: {  	v22 =	vor.u32 v8, v28;
	v28 =	vmov s29;
	[tilespmem:v24+s30+$0x0] =	vst.idx.msk $0xffff, v21;
	v18 =	vld [tilespmem:s23+$0x70];
	v21 =	vshll.u32 v27, v1  }
0x67: {  	s29 =	sadd.s32 $0xF, s28;
	v29 =	vshrl.u32 v28, $0x3;
	[tilespmem:v26+s30+$0x0] =	vst.idx.msk $0xffff, v25;
	v24 =	vld [tilespmem:s23+$0x80];
	v26 =	vor.u32 v9, v32;
	v27 =	vbroadcast v21, $0x0  }
0x68: {  	s28 =	sadd.s32 $0x10, s28;
	v28 =	vmov s29;
	v25 =	vor.u32 v10, v32;
	v29 =	vshll.u32 v29, v1;
	[tilespmem:v31+s30+$0x0] =	vst.idx.msk $0xffff, v30;
	v21 =	vld [tilespmem:s23+$0x90]  }
0x69: {  	_ =	sdelay $0x3  }
0x6a: {  	v28 =	vshrl.u32 v28, $0x3;
	[tilespmem:v23+s30+$0x0] =	vst.idx.msk $0xffff, v19;
	v19 =	vld [tilespmem:s23+$0xA0];
	v23 =	vor.u32 v11, v27;
	v29 =	vbroadcast v29, $0x0  }
0x6b: {  	v30 =	vmov s25;
	v28 =	vshll.u32 v28, v1;
	[tilespmem:v20+s30+$0x0] =	vst.idx.msk $0xffff, v17;
	v17 =	vld [tilespmem:s23+$0xB0];
	v20 =	vor.u32 v12, v27  }
0x6c: {  	s28 =	sadd.s32 $0x1, s25;
	v27 =	vshrl.u32 v30, $0x3;
	v28 =	vbroadcast v28, $0x0;
	[tilespmem:v22+s30+$0x0] =	vst.idx.msk $0xffff, v18;
	v18 =	vld [tilespmem:s23+$0xC0];
	v22 =	vor.u32 v13, v29  }
0x6d: {  	v30 =	vmov s28;
	v27 =	vshll.u32 v27, v1;
	[tilespmem:v26+s30+$0x0] =	vst.idx.msk $0xffff, v24;
	v24 =	vld [tilespmem:s23+$0xD0];
	v26 =	vor.u32 v14, v29;
	s23 =	sadd.s32 $0x200, s23  }
0x6e: {  	s28 =	sadd.s32 $0x2, s25;
	v27 =	vbroadcast v27, $0x0;
	v29 =	vshrl.u32 v30, $0x3;
	v30 =	vld [tilespmem:s23+$0xE0];
	v31 =	vor.u32 v15, v28;
	[tilespmem:v25+s30+$0x0] =	vst.idx.msk $0xffff, v21  }
0x6f: {  	v21 =	vshll.u32 v29, v1;
	v25 =	vmov s28;
	v29 =	vld [tilespmem:s23+$0xF0];
	v28 =	vor.u32 v16, v28;
	[tilespmem:v23+s30+$0x0] =	vst.idx.msk $0xffff, v19  }
0x70: {  	s28 =	sadd.s32 $0x3, s25;
	v19 =	vld [tilespmem:s23+$0xFFFFFF00];
	v23 =	vor.u32 v0, v27;
	v21 =	vbroadcast v21, $0x0;
	v25 =	vshrl.u32 v25, $0x3;
	[tilespmem:v20+s30+$0x0] =	vst.idx.msk $0xffff, v17  }
0x71: {  	v17 =	vld [tilespmem:s23+$0xFFFFFF10];
	v20 =	vor.u32 v2, v27;
	v25 =	vshll.u32 v25, v1;
	v27 =	vmov s28;
	[tilespmem:v22+s30+$0x0] =	vst.idx.msk $0xffff, v18  }
0x72: {  	s28 =	sadd.s32 $0x4, s25;
	v18 =	vld [tilespmem:s23+$0xFFFFFF20];
	v22 =	vor.u32 v3, v21;
	v25 =	vbroadcast v25, $0x0;
	v27 =	vshrl.u32 v27, $0x3;
	[tilespmem:v26+s30+$0x0] =	vst.idx.msk $0xffff, v24  }
0x73: {  	v21 =	vor.u32 v4, v21;
	v24 =	vld [tilespmem:s23+$0xFFFFFF30];
	v26 =	vshll.u32 v27, v1;
	v27 =	vmov s28;
	[tilespmem:v31+s30+$0x0] =	vst.idx.msk $0xffff, v30  }
0x74: {  	s28 =	sadd.s32 $0x5, s25;
	v30 =	vld [tilespmem:s23+$0xFFFFFF40];
	v31 =	vor.u32 v5, v25;
	v26 =	vbroadcast v26, $0x0;
	v27 =	vshrl.u32 v27, $0x3;
	[tilespmem:v28+s30+$0x0] =	vst.idx.msk $0xffff, v29  }
0x75: {  	[tilespmem:v23+s30+$0x0] =	vst.idx.msk $0xffff, v19;
	v19 =	vld [tilespmem:s23+$0xFFFFFF50];
	v23 =	vor.u32 v6, v25;
	v25 =	vshll.u32 v27, v1;
	v27 =	vmov s28  }
0x76: {  	s28 =	sadd.s32 $0x6, s25;
	[tilespmem:v20+s30+$0x0] =	vst.idx.msk $0xffff, v17;
	v17 =	vld [tilespmem:s23+$0xFFFFFF60];
	v20 =	vor.u32 v7, v26;
	v25 =	vbroadcast v25, $0x0;
	v27 =	vshrl.u32 v27, $0x3  }
0x77: {  	[tilespmem:v22+s30+$0x0] =	vst.idx.msk $0xffff, v18;
	v18 =	vld [tilespmem:s23+$0xFFFFFF70];
	v22 =	vor.u32 v8, v26;
	v26 =	vshll.u32 v27, v1;
	v27 =	vmov s28  }
0x78: {  	s28 =	sadd.s32 $0x7, s25;
	[tilespmem:v21+s30+$0x0] =	vst.idx.msk $0xffff, v24;
	v21 =	vld [tilespmem:s23+$0xFFFFFF80];
	v24 =	vor.u32 v9, v25;
	v26 =	vbroadcast v26, $0x0;
	v27 =	vshrl.u32 v27, $0x3  }
0x79: {  	v28 =	vld [tilespmem:s23+$0xFFFFFF90];
	v25 =	vor.u32 v10, v25;
	v29 =	vmov s28;
	[tilespmem:v31+s30+$0x0] =	vst.idx.msk $0xffff, v30;
	v27 =	vshll.u32 v27, v1  }
0x7a: {  	s28 =	sadd.s32 $0x8, s25;
	v29 =	vshrl.u32 v29, $0x3;
	[tilespmem:v23+s30+$0x0] =	vst.idx.msk $0xffff, v19;
	v19 =	vld [tilespmem:s23+$0xFFFFFFA0];
	v23 =	vor.u32 v11, v26;
	v27 =	vbroadcast v27, $0x0  }
0x7b: {  	[tilespmem:v20+s30+$0x0] =	vst.idx.msk $0xffff, v17;
	v17 =	vld [tilespmem:s23+$0xFFFFFFB0];
	v20 =	vor.u32 v12, v26;
	v26 =	vshll.u32 v29, v1;
	v29 =	vmov s28  }
0x7c: {  	s28 =	sadd.s32 $0x9, s25;
	[tilespmem:v22+s30+$0x0] =	vst.idx.msk $0xffff, v18;
	v18 =	vld [tilespmem:s23+$0xFFFFFFC0];
	v22 =	vor.u32 v13, v27;
	v26 =	vbroadcast v26, $0x0;
	v29 =	vshrl.u32 v29, $0x3  }
0x7d: {  	[tilespmem:v24+s30+$0x0] =	vst.idx.msk $0xffff, v21;
	v21 =	vld [tilespmem:s23+$0xFFFFFFD0];
	v24 =	vor.u32 v14, v27;
	v27 =	vshll.u32 v29, v1;
	v29 =	vmov s28  }
0x7e: {  	s28 =	sadd.s32 $0xA, s25;
	[tilespmem:v25+s30+$0x0] =	vst.idx.msk $0xffff, v28;
	v25 =	vld [tilespmem:s23+$0xFFFFFFE0];
	v28 =	vor.u32 v15, v26;
	v27 =	vbroadcast v27, $0x0;
	v29 =	vshrl.u32 v29, $0x3  }
0x7f: {  	[tilespmem:v23+s30+$0x0] =	vst.idx.msk $0xffff, v19;
	v19 =	vld [tilespmem:s23+$0xFFFFFFF0];
	v23 =	vor.u32 v16, v26;
	v26 =	vshll.u32 v29, v1;
	v29 =	vmov s28  }
0x80: {  	s28 =	sadd.s32 $0xB, s25;
	[tilespmem:v20+s30+$0x0] =	vst.idx.msk $0xffff, v17;
	v17 =	vld [tilespmem:s23+$0x0];
	v20 =	vor.u32 v0, v27;
	v26 =	vbroadcast v26, $0x0;
	v29 =	vshrl.u32 v29, $0x3  }
0x81: {  	[tilespmem:v22+s30+$0x0] =	vst.idx.msk $0xffff, v18;
	v18 =	vld [tilespmem:s23+$0x10];
	v22 =	vor.u32 v2, v27;
	v27 =	vshll.u32 v29, v1;
	v29 =	vmov s28  }
0x82: {  	s28 =	sadd.s32 $0xC, s25;
	[tilespmem:v24+s30+$0x0] =	vst.idx.msk $0xffff, v21;
	v21 =	vld [tilespmem:s23+$0x20];
	v24 =	vor.u32 v3, v26;
	v27 =	vbroadcast v27, $0x0;
	v29 =	vshrl.u32 v29, $0x3  }
0x83: {  	v26 =	vor.u32 v4, v26;
	[tilespmem:v28+s30+$0x0] =	vst.idx.msk $0xffff, v25;
	v25 =	vld [tilespmem:s23+$0x30];
	v28 =	vshll.u32 v29, v1;
	v29 =	vmov s28  }
0x84: {  	s28 =	sadd.s32 $0xD, s25;
	[tilespmem:v23+s30+$0x0] =	vst.idx.msk $0xffff, v19;
	v19 =	vld [tilespmem:s23+$0x40];
	v23 =	vor.u32 v5, v27;
	v28 =	vbroadcast v28, $0x0;
	v29 =	vshrl.u32 v29, $0x3  }
0x85: {  	[tilespmem:v20+s30+$0x0] =	vst.idx.msk $0xffff, v17;
	v17 =	vld [tilespmem:s23+$0x50];
	v20 =	vor.u32 v6, v27;
	v27 =	vshll.u32 v29, v1;
	v29 =	vmov s28  }
0x86: {  	s2 =	sadd.s32 $0xE, s25;
	[tilespmem:v22+s30+$0x0] =	vst.idx.msk $0xffff, v18;
	v18 =	vld [tilespmem:s23+$0x60];
	v22 =	vor.u32 v7, v28;
	v27 =	vbroadcast v27, $0x0;
	v29 =	vshrl.u32 v29, $0x3  }
0x87: {  	[tilespmem:v24+s30+$0x0] =	vst.idx.msk $0xffff, v21;
	v21 =	vld [tilespmem:s23+$0x70];
	v24 =	vor.u32 v8, v28;
	v28 =	vshll.u32 v29, v1;
	v29 =	vmov s2  }
0x88: {  	[tilespmem:v26+s30+$0x0] =	vst.idx.msk $0xffff, v25;
	v25 =	vld [tilespmem:s23+$0x80];
	v26 =	vor.u32 v9, v27;
	v28 =	vbroadcast v28, $0x0;
	v29 =	vshrl.u32 v29, $0x3  }
0x89: {  	[tilespmem:v23+s30+$0x0] =	vst.idx.msk $0xffff, v19;
	v19 =	vld [tilespmem:s23+$0x90];
	v23 =	vor.u32 v10, v27;
	v27 =	vshll.u32 v29, v1  }
0x8a: {  	[tilespmem:v20+s30+$0x0] =	vst.idx.msk $0xffff, v17;
	v17 =	vld [tilespmem:s23+$0xA0];
	v20 =	vor.u32 v11, v28;
	v27 =	vbroadcast v27, $0x0  }
0x8b: {  	[tilespmem:v22+s30+$0x0] =	vst.idx.msk $0xffff, v18;
	v18 =	vld [tilespmem:s23+$0xB0];
	v22 =	vor.u32 v12, v28  }
0x8c: {  	[tilespmem:v24+s30+$0x0] =	vst.idx.msk $0xffff, v21;
	v21 =	vld [tilespmem:s23+$0xC0];
	v24 =	vor.u32 v13, v27  }
0x8d: {  	[tilespmem:v26+s30+$0x0] =	vst.idx.msk $0xffff, v25;
	v25 =	vld [tilespmem:s23+$0xD0];
	v26 =	vor.u32 v14, v27  }
0x8e: {  	[tilespmem:v23+s30+$0x0] =	vst.idx.msk $0xffff, v19  }
0x8f: {  	[tilespmem:v20+s30+$0x0] =	vst.idx.msk $0xffff, v17  }
0x90: {  	[tilespmem:v22+s30+$0x0] =	vst.idx.msk $0xffff, v18  }
0x91: {  	s23 =	sshll.u32 s21, $0x9;
	[tilespmem:v24+s30+$0x0] =	vst.idx.msk $0xffff, v21  }
0x92: {  	s2 =	simm.s32 $0x6400;
	s21 =	sadd.s32 $0x400, s23;
	[tilespmem:v26+s30+$0x0] =	vst.idx.msk $0xffff, v25  }
0x93: {  	[tilespmem:s2], [sflag:$0x1] =	stream.indirect.gather [hbm4b:s4+s14], $0x20, s21, s14, $0xb8;
	[tilespmem:$0x16400] =	vst v63  }
0x94: {  	s21 =	sshll.u32 s18, $0x14  }
0x95: {  	s2 =	sor.u32 s6, s21  }
0x96: {  	s25 =	sshrl.u32 s2, $0x3  }
0x97: {  	s2 =	simm.s32 $0x2;
	s25 =	sadd.s32 s1, s25  }
0x98: {  	[hbm4b:s25+s31] =	stream.strided.scatter [tilespmem:s30], [sflag:$0x9], $0x1000, s0, s31, $0x38;
	[tilespmem:$0x16400] =	vst v63  }
0x99: {  	s25 =	simm.s32 $0xF;
	_ =	swait.ge [sflag:s2], $0x1000  }
0x9a: {  	s28 =	simm.s32 $0x0;
	v17 =	vmov s25;
	[sflag:s2] =	ssyncset.done $0x0  }
0x9b: {  	v18 =	vmov s28;
	s25 =	simm.s32 @!p0 $0xA;
	v17 =	vshrl.u32 v17, $0x3;
	[sflag:s2] =	ssyncadd.s32 $0xFFFFF000  }
0x9c: {  	v18 =	vshrl.u32 v18, $0x3;
	v17 =	vshll.u32 v17, v1;
	_ =	swait.ge @!p0 [sflag:s25], $0x1000  }
0x9d: {  	s28 =	simm.s32 $0x1;
	v18 =	vshll.u32 v18, v1;
	v17 =	vbroadcast v17, $0x0;
	[sflag:s25] =	ssyncset.done @!p0 $0x0  }
0x9e: {  	v19 =	vmov s28;
	v18 =	vbroadcast v18, $0x0;
	[sflag:s25] =	ssyncadd.s32 @!p0 $0xFFFFF000;
	s25 =	simm.s32 $0x75F0  }
0x9f: {  	s28 =	simm.s32 $0x2;
	v19 =	vshrl.u32 v19, $0x3;
	v21 =	vor.u32 v15, v17;
	v20 =	vld [tilespmem:s25+$0xFFFFFFF0]  }
0xa0: {  	v22 =	vmov s28;
	v19 =	vshll.u32 v19, v1;
	v25 =	vor.u32 v0, v18;
	v24 =	vld [tilespmem:s25+$0xFFFFFE10]  }
0xa1: {  	s28 =	simm.s32 $0x3;
	v22 =	vshrl.u32 v22, $0x3;
	v19 =	vbroadcast v19, $0x0;
	v17 =	vor.u32 v16, v17;
	v23 =	vld [tilespmem:s25+$0x0]  }
0xa2: {  	v27 =	vmov s28;
	v22 =	vshll.u32 v22, v1;
	v18 =	vor.u32 v2, v18;
	v26 =	vld [tilespmem:s25+$0xFFFFFE20]  }
0xa3: {  	s28 =	simm.s32 $0x4;
	v27 =	vshrl.u32 v27, $0x3;
	v22 =	vbroadcast v22, $0x0;
	v29 =	vor.u32 v3, v19;
	v28 =	vld [tilespmem:s25+$0xFFFFFE30]  }
0xa4: {  	v31 =	vmov s28;
	v27 =	vshll.u32 v27, v1;
	v19 =	vor.u32 v4, v19;
	v30 =	vld [tilespmem:s25+$0xFFFFFE40];
	[tilespmem:v21+s12+$0x0] =	vst.idx.msk $0xffff, v20  }
0xa5: {  	s28 =	simm.s32 $0x5;
	v31 =	vshrl.u32 v31, $0x3;
	v27 =	vbroadcast v27, $0x0;
	v20 =	vld [tilespmem:s25+$0xFFFFFE50];
	v21 =	vor.u32 v5, v22;
	[tilespmem:v25+s12+$0x0] =	vst.idx.msk $0xffff, v24  }
0xa6: {  	v22 =	vor.u32 v6, v22;
	v24 =	vmov s28;
	[tilespmem:v17+s12+$0x0] =	vst.idx.msk $0xffff, v23;
	v17 =	vld [tilespmem:s25+$0xFFFFFE60];
	v23 =	vshll.u32 v31, v1  }
0xa7: {  	v25 =	vor.u32 v7, v27;
	s28 =	simm.s32 $0x6;
	[tilespmem:v18+s12+$0x0] =	vst.idx.msk $0xffff, v26;
	v18 =	vld [tilespmem:s25+$0xFFFFFE70];
	v24 =	vshrl.u32 v24, $0x3;
	v23 =	vbroadcast v23, $0x0  }
0xa8: {  	[tilespmem:v29+s12+$0x0] =	vst.idx.msk $0xffff, v28;
	v27 =	vor.u32 v8, v27;
	v26 =	vld [tilespmem:s25+$0xFFFFFE80];
	v28 =	vmov s28;
	v24 =	vshll.u32 v24, v1  }
0xa9: {  	[tilespmem:v19+s12+$0x0] =	vst.idx.msk $0xffff, v30;
	v19 =	vld [tilespmem:s25+$0xFFFFFE90];
	s28 =	simm.s32 $0x7;
	v28 =	vshrl.u32 v28, $0x3;
	v24 =	vbroadcast v24, $0x0;
	v29 =	vor.u32 v9, v23  }
0xaa: {  	[tilespmem:v21+s12+$0x0] =	vst.idx.msk $0xffff, v20;
	v20 =	vld [tilespmem:s25+$0xFFFFFEA0];
	v21 =	vor.u32 v10, v23;
	v23 =	vshll.u32 v28, v1;
	v28 =	vmov s28  }
0xab: {  	s28 =	simm.s32 $0x8;
	[tilespmem:v22+s12+$0x0] =	vst.idx.msk $0xffff, v17;
	v17 =	vld [tilespmem:s25+$0xFFFFFEB0];
	v22 =	vor.u32 v11, v24;
	v23 =	vbroadcast v23, $0x0;
	v28 =	vshrl.u32 v28, $0x3  }
0xac: {  	[tilespmem:v25+s12+$0x0] =	vst.idx.msk $0xffff, v18;
	v18 =	vld [tilespmem:s25+$0xFFFFFEC0];
	v24 =	vor.u32 v12, v24;
	v25 =	vshll.u32 v28, v1;
	v28 =	vmov s28  }
0xad: {  	[tilespmem:v27+s12+$0x0] =	vst.idx.msk $0xffff, v26;
	v26 =	vld [tilespmem:s25+$0xFFFFFED0];
	s28 =	simm.s32 $0x9;
	v27 =	vor.u32 v13, v23;
	v25 =	vbroadcast v25, $0x0;
	v28 =	vshrl.u32 v28, $0x3  }
0xae: {  	v23 =	vor.u32 v14, v23;
	[tilespmem:v29+s12+$0x0] =	vst.idx.msk $0xffff, v19;
	v19 =	vld [tilespmem:s25+$0xFFFFFEE0];
	v28 =	vshll.u32 v28, v1;
	v29 =	vmov s28  }
0xaf: {  	s28 =	simm.s32 $0xA;
	[tilespmem:v21+s12+$0x0] =	vst.idx.msk $0xffff, v20;
	v20 =	vld [tilespmem:s25+$0xFFFFFEF0];
	v21 =	vor.u32 v15, v25;
	v28 =	vbroadcast v28, $0x0;
	v29 =	vshrl.u32 v29, $0x3  }
0xb0: {  	[tilespmem:v22+s12+$0x0] =	vst.idx.msk $0xffff, v17;
	v17 =	vld [tilespmem:s25+$0xFFFFFF00];
	v22 =	vor.u32 v16, v25;
	v25 =	vshll.u32 v29, v1;
	v29 =	vmov s28  }
0xb1: {  	s28 =	simm.s32 $0xB;
	[tilespmem:v24+s12+$0x0] =	vst.idx.msk $0xffff, v18;
	v18 =	vld [tilespmem:s25+$0xFFFFFF10];
	v24 =	vor.u32 v0, v28;
	v25 =	vbroadcast v25, $0x0;
	v29 =	vshrl.u32 v29, $0x3  }
0xb2: {  	[tilespmem:v27+s12+$0x0] =	vst.idx.msk $0xffff, v26;
	v26 =	vld [tilespmem:s25+$0xFFFFFF20];
	v27 =	vor.u32 v2, v28;
	v28 =	vshll.u32 v29, v1;
	v29 =	vmov s28  }
0xb3: {  	s28 =	simm.s32 $0xC;
	[tilespmem:v23+s12+$0x0] =	vst.idx.msk $0xffff, v19;
	v19 =	vld [tilespmem:s25+$0xFFFFFF30];
	v23 =	vor.u32 v3, v25;
	v28 =	vbroadcast v28, $0x0;
	v29 =	vshrl.u32 v29, $0x3  }
0xb4: {  	v30 =	vld [tilespmem:s25+$0xFFFFFF40];
	v31 =	vor.u32 v4, v25;
	[tilespmem:v21+s12+$0x0] =	vst.idx.msk $0xffff, v20;
	v20 =	vshll.u32 v29, v1;
	v21 =	vmov s28  }
0xb5: {  	s28 =	simm.s32 $0xD;
	[tilespmem:v22+s12+$0x0] =	vst.idx.msk $0xffff, v17;
	v22 =	vld [tilespmem:s25+$0xFFFFFF50];
	v29 =	vor.u32 v5, v28;
	v32 =	vbroadcast v20, $0x0;
	v17 =	vshrl.u32 v21, $0x3  }
0xb6: {  	v20 =	vld [tilespmem:s25+$0xFFFFFF60];
	v25 =	vor.u32 v6, v28;
	[tilespmem:v24+s12+$0x0] =	vst.idx.msk $0xffff, v18;
	v18 =	vshll.u32 v17, v1;
	v24 =	vmov s28  }
0xb7: {  	v17 =	vld [tilespmem:s25+$0xFFFFFF70];
	s28 =	simm.s32 $0xE;
	[tilespmem:v27+s12+$0x0] =	vst.idx.msk $0xffff, v26;
	v21 =	vor.u32 v7, v32;
	v33 =	vbroadcast v18, $0x0;
	v18 =	vshrl.u32 v24, $0x3  }
0xb8: {  	v28 =	vmov s28;
	[tilespmem:v23+s12+$0x0] =	vst.idx.msk $0xffff, v19;
	v19 =	vld [tilespmem:s25+$0xFFFFFF80];
	v23 =	vor.u32 v8, v32;
	v18 =	vshll.u32 v18, v1  }
0xb9: {  	s29 =	simm.s32 $0x1F;
	v24 =	vld [tilespmem:s25+$0xFFFFFF90];
	[tilespmem:v31+s12+$0x0] =	vst.idx.msk $0xffff, v30;
	v26 =	vor.u32 v9, v33;
	v27 =	vbroadcast v18, $0x0;
	v30 =	vshrl.u32 v28, $0x3  }
0xba: {  	s28 =	simm.s32 $0x10;
	v28 =	vmov s29;
	s29 =	simm.s32 $0x20;
	v18 =	vld [tilespmem:s25+$0xFFFFFFA0];
	[tilespmem:v29+s12+$0x0] =	vst.idx.msk $0xffff, v22;
	v22 =	vor.u32 v10, v33;
	v29 =	vshll.u32 v30, v1  }
.LBB2_5:
0xbb: {  	p1 =	slt.u32 s29, $0x70;
	v28 =	vshrl.u32 v28, $0x3;
	[tilespmem:v25+s12+$0x0] =	vst.idx.msk $0xffff, v20;
	v20 =	vld [tilespmem:s25+$0xFFFFFFB0];
	v25 =	vor.u32 v11, v27;
	v29 =	vbroadcast v29, $0x0  }
0xbc: {  	v30 =	vmov s28;
	v28 =	vshll.u32 v28, v1;
	[tilespmem:v21+s12+$0x0] =	vst.idx.msk $0xffff, v17;
	v17 =	vld [tilespmem:s25+$0xFFFFFFC0];
	v21 =	vor.u32 v12, v27  }
0xbd: {  	s2 =	sadd.s32 $0x1, s28;
	v27 =	vshrl.u32 v30, $0x3;
	v28 =	vbroadcast v28, $0x0;
	[tilespmem:v23+s12+$0x0] =	vst.idx.msk $0xffff, v19;
	v19 =	vld [tilespmem:s25+$0xFFFFFFD0];
	v23 =	vor.u32 v13, v29  }
0xbe: {  	v30 =	vmov s2;
	v27 =	vshll.u32 v27, v1;
	[tilespmem:v26+s12+$0x0] =	vst.idx.msk $0xffff, v24;
	v24 =	vld [tilespmem:s25+$0xFFFFFFE0];
	v26 =	vor.u32 v14, v29;
	s25 =	sadd.s32 $0x200, s25  }
0xbf: {  	s2 =	sadd.s32 $0x2, s28;
	v27 =	vbroadcast v27, $0x0;
	v29 =	vshrl.u32 v30, $0x3;
	v30 =	vld [tilespmem:s25+$0xFFFFFFF0];
	v31 =	vor.u32 v15, v28;
	[tilespmem:v22+s12+$0x0] =	vst.idx.msk $0xffff, v18  }
0xc0: {  	v18 =	vshll.u32 v29, v1;
	v22 =	vmov s2;
	v28 =	vor.u32 v16, v28;
	v29 =	vld [tilespmem:s25+$0x0];
	[tilespmem:v25+s12+$0x0] =	vst.idx.msk $0xffff, v20  }
0xc1: {  	s2 =	sadd.s32 $0x3, s28;
	v25 =	vor.u32 v0, v27;
	v18 =	vbroadcast v18, $0x0;
	v22 =	vshrl.u32 v22, $0x3;
	v20 =	vld [tilespmem:s25+$0xFFFFFE10];
	[tilespmem:v21+s12+$0x0] =	vst.idx.msk $0xffff, v17  }
0xc2: {  	v21 =	vor.u32 v2, v27;
	v22 =	vshll.u32 v22, v1;
	v27 =	vmov s2;
	v17 =	vld [tilespmem:s25+$0xFFFFFE20];
	[tilespmem:v23+s12+$0x0] =	vst.idx.msk $0xffff, v19  }
0xc3: {  	s2 =	sadd.s32 $0x4, s28;
	v23 =	vor.u32 v3, v18;
	v22 =	vbroadcast v22, $0x0;
	v27 =	vshrl.u32 v27, $0x3;
	v19 =	vld [tilespmem:s25+$0xFFFFFE30];
	[tilespmem:v26+s12+$0x0] =	vst.idx.msk $0xffff, v24  }
0xc4: {  	v18 =	vor.u32 v4, v18;
	v26 =	vshll.u32 v27, v1;
	v27 =	vmov s2;
	v24 =	vld [tilespmem:s25+$0xFFFFFE40];
	[tilespmem:v31+s12+$0x0] =	vst.idx.msk $0xffff, v30  }
0xc5: {  	s2 =	sadd.s32 $0x5, s28;
	v31 =	vor.u32 v5, v22;
	v26 =	vbroadcast v26, $0x0;
	v27 =	vshrl.u32 v27, $0x3;
	v30 =	vld [tilespmem:s25+$0xFFFFFE50];
	[tilespmem:v28+s12+$0x0] =	vst.idx.msk $0xffff, v29  }
0xc6: {  	v22 =	vor.u32 v6, v22;
	[tilespmem:v25+s12+$0x0] =	vst.idx.msk $0xffff, v20;
	v20 =	vld [tilespmem:s25+$0xFFFFFE60];
	v25 =	vshll.u32 v27, v1;
	v27 =	vmov s2  }
0xc7: {  	s2 =	sadd.s32 $0x6, s28;
	[tilespmem:v21+s12+$0x0] =	vst.idx.msk $0xffff, v17;
	v17 =	vld [tilespmem:s25+$0xFFFFFE70];
	v21 =	vor.u32 v7, v26;
	v25 =	vbroadcast v25, $0x0;
	v27 =	vshrl.u32 v27, $0x3  }
0xc8: {  	[tilespmem:v23+s12+$0x0] =	vst.idx.msk $0xffff, v19;
	v19 =	vld [tilespmem:s25+$0xFFFFFE80];
	v23 =	vor.u32 v8, v26;
	v26 =	vshll.u32 v27, v1;
	v27 =	vmov s2  }
0xc9: {  	s2 =	sadd.s32 $0x7, s28;
	[tilespmem:v18+s12+$0x0] =	vst.idx.msk $0xffff, v24;
	v18 =	vld [tilespmem:s25+$0xFFFFFE90];
	v24 =	vor.u32 v9, v25;
	v26 =	vbroadcast v26, $0x0;
	v27 =	vshrl.u32 v27, $0x3  }
0xca: {  	v25 =	vor.u32 v10, v25;
	v29 =	vmov s2;
	[tilespmem:v31+s12+$0x0] =	vst.idx.msk $0xffff, v30;
	v28 =	vld [tilespmem:s25+$0xFFFFFEA0];
	v27 =	vshll.u32 v27, v1  }
0xcb: {  	s2 =	sadd.s32 $0x8, s28;
	v29 =	vshrl.u32 v29, $0x3;
	[tilespmem:v22+s12+$0x0] =	vst.idx.msk $0xffff, v20;
	v20 =	vld [tilespmem:s25+$0xFFFFFEB0];
	v22 =	vor.u32 v11, v26;
	v27 =	vbroadcast v27, $0x0  }
0xcc: {  	[tilespmem:v21+s12+$0x0] =	vst.idx.msk $0xffff, v17;
	v17 =	vld [tilespmem:s25+$0xFFFFFEC0];
	v21 =	vor.u32 v12, v26;
	v26 =	vshll.u32 v29, v1;
	v29 =	vmov s2  }
0xcd: {  	s2 =	sadd.s32 $0x9, s28;
	[tilespmem:v23+s12+$0x0] =	vst.idx.msk $0xffff, v19;
	v19 =	vld [tilespmem:s25+$0xFFFFFED0];
	v23 =	vor.u32 v13, v27;
	v26 =	vbroadcast v26, $0x0;
	v29 =	vshrl.u32 v29, $0x3  }
0xce: {  	[tilespmem:v24+s12+$0x0] =	vst.idx.msk $0xffff, v18;
	v18 =	vld [tilespmem:s25+$0xFFFFFEE0];
	v24 =	vor.u32 v14, v27;
	v27 =	vshll.u32 v29, v1;
	v29 =	vmov s2  }
0xcf: {  	s2 =	sadd.s32 $0xA, s28;
	[tilespmem:v25+s12+$0x0] =	vst.idx.msk $0xffff, v28;
	v25 =	vld [tilespmem:s25+$0xFFFFFEF0];
	v28 =	vor.u32 v15, v26;
	v27 =	vbroadcast v27, $0x0;
	v29 =	vshrl.u32 v29, $0x3  }
0xd0: {  	[tilespmem:v22+s12+$0x0] =	vst.idx.msk $0xffff, v20;
	v20 =	vld [tilespmem:s25+$0xFFFFFF00];
	v22 =	vor.u32 v16, v26;
	v26 =	vshll.u32 v29, v1;
	v29 =	vmov s2  }
0xd1: {  	s2 =	sadd.s32 $0xB, s28;
	[tilespmem:v21+s12+$0x0] =	vst.idx.msk $0xffff, v17;
	v17 =	vld [tilespmem:s25+$0xFFFFFF10];
	v21 =	vor.u32 v0, v27;
	v26 =	vbroadcast v26, $0x0;
	v29 =	vshrl.u32 v29, $0x3  }
0xd2: {  	[tilespmem:v23+s12+$0x0] =	vst.idx.msk $0xffff, v19;
	v19 =	vld [tilespmem:s25+$0xFFFFFF20];
	v23 =	vor.u32 v2, v27;
	v27 =	vshll.u32 v29, v1;
	v29 =	vmov s2  }
0xd3: {  	s2 =	sadd.s32 $0xC, s28;
	[tilespmem:v24+s12+$0x0] =	vst.idx.msk $0xffff, v18;
	v18 =	vld [tilespmem:s25+$0xFFFFFF30];
	v24 =	vor.u32 v3, v26;
	v27 =	vbroadcast v27, $0x0;
	v29 =	vshrl.u32 v29, $0x3  }
0xd4: {  	v26 =	vor.u32 v4, v26;
	[tilespmem:v28+s12+$0x0] =	vst.idx.msk $0xffff, v25;
	v28 =	vld [tilespmem:s25+$0xFFFFFF40];
	v25 =	vshll.u32 v29, v1;
	v29 =	vmov s2  }
0xd5: {  	s2 =	sadd.s32 $0xD, s28;
	[tilespmem:v22+s12+$0x0] =	vst.idx.msk $0xffff, v20;
	v22 =	vld [tilespmem:s25+$0xFFFFFF50];
	v30 =	vor.u32 v5, v27;
	v31 =	vbroadcast v25, $0x0;
	v29 =	vshrl.u32 v29, $0x3  }
.Ltmp1:
0xd6: {  	v25 =	vor.u32 v6, v27;
	[tilespmem:v21+s12+$0x0] =	vst.idx.msk $0xffff, v17;
	v20 =	vld [tilespmem:s25+$0xFFFFFF60];
	v27 =	vshll.u32 v29, v1;
	v29 =	vmov s2;
	(pc) =	sbr.rel @p1 .LBB2_5-.Ltmp1, $4  }
0xd7: {  	s2 =	sadd.s32 $0xE, s28;
	s28 =	smov.u32 s29;
	[tilespmem:v23+s12+$0x0] =	vst.idx.msk $0xffff, v19;
	v17 =	vld [tilespmem:s25+$0xFFFFFF70];
	v21 =	vor.u32 v7, v31;
	v32 =	vbroadcast v27, $0x0;
	v27 =	vshrl.u32 v29, $0x3  }
0xd8: {  	v23 =	vor.u32 v8, v31;
	v29 =	vmov s2;
	[tilespmem:v24+s12+$0x0] =	vst.idx.msk $0xffff, v18;
	v19 =	vld [tilespmem:s25+$0xFFFFFF80];
	v18 =	vshll.u32 v27, v1  }
0xd9: {  	s2 =	sadd.s32 $0xF, s29;
	v29 =	vshrl.u32 v29, $0x3;
	[tilespmem:v26+s12+$0x0] =	vst.idx.msk $0xffff, v28;
	v24 =	vld [tilespmem:s25+$0xFFFFFF90];
	v26 =	vor.u32 v9, v32;
	v27 =	vbroadcast v18, $0x0  }
0xda: {  	s29 =	sadd.s32 $0x10, s29;
	v28 =	vmov s2;
	v29 =	vshll.u32 v29, v1;
	[tilespmem:v30+s12+$0x0] =	vst.idx.msk $0xffff, v22;
	v18 =	vld [tilespmem:s25+$0xFFFFFFA0];
	v22 =	vor.u32 v10, v32  }
0xdb: {  	_ =	sdelay $0x3  }
0xdc: {  	v28 =	vshrl.u32 v28, $0x3;
	[tilespmem:v25+s12+$0x0] =	vst.idx.msk $0xffff, v20;
	v20 =	vld [tilespmem:s25+$0xFFFFFFB0];
	v25 =	vor.u32 v11, v27;
	v29 =	vbroadcast v29, $0x0  }
0xdd: {  	v30 =	vmov s28;
	v28 =	vshll.u32 v28, v1;
	[tilespmem:v21+s12+$0x0] =	vst.idx.msk $0xffff, v17;
	v17 =	vld [tilespmem:s25+$0xFFFFFFC0];
	v21 =	vor.u32 v12, v27  }
0xde: {  	s2 =	sadd.s32 $0x1, s28;
	v27 =	vshrl.u32 v30, $0x3;
	v28 =	vbroadcast v28, $0x0;
	[tilespmem:v23+s12+$0x0] =	vst.idx.msk $0xffff, v19;
	v19 =	vld [tilespmem:s25+$0xFFFFFFD0];
	v23 =	vor.u32 v13, v29  }
0xdf: {  	v30 =	vmov s2;
	v27 =	vshll.u32 v27, v1;
	[tilespmem:v26+s12+$0x0] =	vst.idx.msk $0xffff, v24;
	v24 =	vld [tilespmem:s25+$0xFFFFFFE0];
	v26 =	vor.u32 v14, v29;
	s25 =	sadd.s32 $0x200, s25  }
0xe0: {  	s2 =	sadd.s32 $0x2, s28;
	v27 =	vbroadcast v27, $0x0;
	v29 =	vshrl.u32 v30, $0x3;
	v30 =	vld [tilespmem:s25+$0xFFFFFFF0];
	v31 =	vor.u32 v15, v28;
	[tilespmem:v22+s12+$0x0] =	vst.idx.msk $0xffff, v18  }
0xe1: {  	v18 =	vshll.u32 v29, v1;
	v22 =	vmov s2;
	v29 =	vld [tilespmem:s25+$0x0];
	v28 =	vor.u32 v16, v28;
	[tilespmem:v25+s12+$0x0] =	vst.idx.msk $0xffff, v20  }
0xe2: {  	s2 =	sadd.s32 $0x3, s28;
	v20 =	vld [tilespmem:s25+$0xFFFFFE10];
	v25 =	vor.u32 v0, v27;
	v18 =	vbroadcast v18, $0x0;
	v22 =	vshrl.u32 v22, $0x3;
	[tilespmem:v21+s12+$0x0] =	vst.idx.msk $0xffff, v17  }
0xe3: {  	v17 =	vld [tilespmem:s25+$0xFFFFFE20];
	v21 =	vor.u32 v2, v27;
	v22 =	vshll.u32 v22, v1;
	v27 =	vmov s2;
	[tilespmem:v23+s12+$0x0] =	vst.idx.msk $0xffff, v19  }
0xe4: {  	s2 =	sadd.s32 $0x4, s28;
	v19 =	vld [tilespmem:s25+$0xFFFFFE30];
	v23 =	vor.u32 v3, v18;
	v22 =	vbroadcast v22, $0x0;
	v27 =	vshrl.u32 v27, $0x3;
	[tilespmem:v26+s12+$0x0] =	vst.idx.msk $0xffff, v24  }
0xe5: {  	v18 =	vor.u32 v4, v18;
	v24 =	vld [tilespmem:s25+$0xFFFFFE40];
	v26 =	vshll.u32 v27, v1;
	v27 =	vmov s2;
	[tilespmem:v31+s12+$0x0] =	vst.idx.msk $0xffff, v30  }
0xe6: {  	s2 =	sadd.s32 $0x5, s28;
	v30 =	vld [tilespmem:s25+$0xFFFFFE50];
	v31 =	vor.u32 v5, v22;
	v26 =	vbroadcast v26, $0x0;
	v27 =	vshrl.u32 v27, $0x3;
	[tilespmem:v28+s12+$0x0] =	vst.idx.msk $0xffff, v29  }
0xe7: {  	v22 =	vor.u32 v6, v22;
	[tilespmem:v25+s12+$0x0] =	vst.idx.msk $0xffff, v20;
	v20 =	vld [tilespmem:s25+$0xFFFFFE60];
	v25 =	vshll.u32 v27, v1;
	v27 =	vmov s2  }
0xe8: {  	s2 =	sadd.s32 $0x6, s28;
	[tilespmem:v21+s12+$0x0] =	vst.idx.msk $0xffff, v17;
	v17 =	vld [tilespmem:s25+$0xFFFFFE70];
	v21 =	vor.u32 v7, v26;
	v25 =	vbroadcast v25, $0x0;
	v27 =	vshrl.u32 v27, $0x3  }
0xe9: {  	[tilespmem:v23+s12+$0x0] =	vst.idx.msk $0xffff, v19;
	v19 =	vld [tilespmem:s25+$0xFFFFFE80];
	v23 =	vor.u32 v8, v26;
	v26 =	vshll.u32 v27, v1;
	v27 =	vmov s2  }
0xea: {  	s2 =	sadd.s32 $0x7, s28;
	[tilespmem:v18+s12+$0x0] =	vst.idx.msk $0xffff, v24;
	v18 =	vld [tilespmem:s25+$0xFFFFFE90];
	v24 =	vor.u32 v9, v25;
	v26 =	vbroadcast v26, $0x0;
	v27 =	vshrl.u32 v27, $0x3  }
0xeb: {  	v28 =	vld [tilespmem:s25+$0xFFFFFEA0];
	v25 =	vor.u32 v10, v25;
	v29 =	vmov s2;
	[tilespmem:v31+s12+$0x0] =	vst.idx.msk $0xffff, v30;
	v27 =	vshll.u32 v27, v1  }
0xec: {  	s2 =	sadd.s32 $0x8, s28;
	v29 =	vshrl.u32 v29, $0x3;
	[tilespmem:v22+s12+$0x0] =	vst.idx.msk $0xffff, v20;
	v20 =	vld [tilespmem:s25+$0xFFFFFEB0];
	v22 =	vor.u32 v11, v26;
	v27 =	vbroadcast v27, $0x0  }
0xed: {  	[tilespmem:v21+s12+$0x0] =	vst.idx.msk $0xffff, v17;
	v17 =	vld [tilespmem:s25+$0xFFFFFEC0];
	v21 =	vor.u32 v12, v26;
	v26 =	vshll.u32 v29, v1;
	v29 =	vmov s2  }
0xee: {  	s2 =	sadd.s32 $0x9, s28;
	[tilespmem:v23+s12+$0x0] =	vst.idx.msk $0xffff, v19;
	v19 =	vld [tilespmem:s25+$0xFFFFFED0];
	v23 =	vor.u32 v13, v27;
	v26 =	vbroadcast v26, $0x0;
	v29 =	vshrl.u32 v29, $0x3  }
0xef: {  	[tilespmem:v24+s12+$0x0] =	vst.idx.msk $0xffff, v18;
	v18 =	vld [tilespmem:s25+$0xFFFFFEE0];
	v24 =	vor.u32 v14, v27;
	v27 =	vshll.u32 v29, v1;
	v29 =	vmov s2  }
0xf0: {  	s2 =	sadd.s32 $0xA, s28;
	[tilespmem:v25+s12+$0x0] =	vst.idx.msk $0xffff, v28;
	v25 =	vld [tilespmem:s25+$0xFFFFFEF0];
	v28 =	vor.u32 v15, v26;
	v27 =	vbroadcast v27, $0x0;
	v29 =	vshrl.u32 v29, $0x3  }
0xf1: {  	[tilespmem:v22+s12+$0x0] =	vst.idx.msk $0xffff, v20;
	v20 =	vld [tilespmem:s25+$0xFFFFFF00];
	v22 =	vor.u32 v16, v26;
	v26 =	vshll.u32 v29, v1;
	v29 =	vmov s2  }
0xf2: {  	s2 =	sadd.s32 $0xB, s28;
	[tilespmem:v21+s12+$0x0] =	vst.idx.msk $0xffff, v17;
	v17 =	vld [tilespmem:s25+$0xFFFFFF10];
	v21 =	vor.u32 v0, v27;
	v26 =	vbroadcast v26, $0x0;
	v29 =	vshrl.u32 v29, $0x3  }
0xf3: {  	[tilespmem:v23+s12+$0x0] =	vst.idx.msk $0xffff, v19;
	v19 =	vld [tilespmem:s25+$0xFFFFFF20];
	v23 =	vor.u32 v2, v27;
	v27 =	vshll.u32 v29, v1;
	v29 =	vmov s2  }
0xf4: {  	s2 =	sadd.s32 $0xC, s28;
	[tilespmem:v24+s12+$0x0] =	vst.idx.msk $0xffff, v18;
	v18 =	vld [tilespmem:s25+$0xFFFFFF30];
	v24 =	vor.u32 v3, v26;
	v27 =	vbroadcast v27, $0x0;
	v29 =	vshrl.u32 v29, $0x3  }
0xf5: {  	v26 =	vor.u32 v4, v26;
	[tilespmem:v28+s12+$0x0] =	vst.idx.msk $0xffff, v25;
	v25 =	vld [tilespmem:s25+$0xFFFFFF40];
	v28 =	vshll.u32 v29, v1;
	v29 =	vmov s2  }
0xf6: {  	s2 =	sadd.s32 $0xD, s28;
	[tilespmem:v22+s12+$0x0] =	vst.idx.msk $0xffff, v20;
	v20 =	vld [tilespmem:s25+$0xFFFFFF50];
	v22 =	vor.u32 v5, v27;
	v28 =	vbroadcast v28, $0x0;
	v29 =	vshrl.u32 v29, $0x3  }
0xf7: {  	[tilespmem:v21+s12+$0x0] =	vst.idx.msk $0xffff, v17;
	v17 =	vld [tilespmem:s25+$0xFFFFFF60];
	v21 =	vor.u32 v6, v27;
	v27 =	vshll.u32 v29, v1;
	v29 =	vmov s2  }
0xf8: {  	s2 =	sadd.s32 $0xE, s28;
	[tilespmem:v23+s12+$0x0] =	vst.idx.msk $0xffff, v19;
	v19 =	vld [tilespmem:s25+$0xFFFFFF70];
	v23 =	vor.u32 v7, v28;
	v27 =	vbroadcast v27, $0x0;
	v29 =	vshrl.u32 v29, $0x3  }
0xf9: {  	[tilespmem:v24+s12+$0x0] =	vst.idx.msk $0xffff, v18;
	v18 =	vld [tilespmem:s25+$0xFFFFFF80];
	v24 =	vor.u32 v8, v28;
	v28 =	vshll.u32 v29, v1;
	v29 =	vmov s2  }
0xfa: {  	[tilespmem:v26+s12+$0x0] =	vst.idx.msk $0xffff, v25;
	v25 =	vld [tilespmem:s25+$0xFFFFFF90];
	v26 =	vor.u32 v9, v27;
	v28 =	vbroadcast v28, $0x0;
	v29 =	vshrl.u32 v29, $0x3  }
0xfb: {  	[tilespmem:v22+s12+$0x0] =	vst.idx.msk $0xffff, v20;
	v20 =	vld [tilespmem:s25+$0xFFFFFFA0];
	v22 =	vor.u32 v10, v27;
	v27 =	vshll.u32 v29, v1  }
0xfc: {  	[tilespmem:v21+s12+$0x0] =	vst.idx.msk $0xffff, v17;
	v17 =	vld [tilespmem:s25+$0xFFFFFFB0];
	v21 =	vor.u32 v11, v28;
	v27 =	vbroadcast v27, $0x0  }
0xfd: {  	[tilespmem:v23+s12+$0x0] =	vst.idx.msk $0xffff, v19;
	v19 =	vld [tilespmem:s25+$0xFFFFFFC0];
	v23 =	vor.u32 v12, v28  }
0xfe: {  	[tilespmem:v24+s12+$0x0] =	vst.idx.msk $0xffff, v18;
	v18 =	vld [tilespmem:s25+$0xFFFFFFD0];
	v24 =	vor.u32 v13, v27  }
0xff: {  	[tilespmem:v26+s12+$0x0] =	vst.idx.msk $0xffff, v25;
	v25 =	vld [tilespmem:s25+$0xFFFFFFE0];
	v26 =	vor.u32 v14, v27  }
0x100: {  	[tilespmem:v22+s12+$0x0] =	vst.idx.msk $0xffff, v20  }
0x101: {  	[tilespmem:v21+s12+$0x0] =	vst.idx.msk $0xffff, v17  }
0x102: {  	[tilespmem:v23+s12+$0x0] =	vst.idx.msk $0xffff, v19  }
0x103: {  	[tilespmem:v24+s12+$0x0] =	vst.idx.msk $0xffff, v18  }
0x104: {  	s2 =	sadd.s32 $0x480, s23;
	s25 =	simm.s32 $0x7400;
	[tilespmem:v26+s12+$0x0] =	vst.idx.msk $0xffff, v25  }
0x105: {  	[tilespmem:s25], [sflag:$0x2] =	stream.indirect.gather [hbm4b:s4+s14], $0x20, s2, s14, $0xb8;
	[tilespmem:$0x16400] =	vst v63  }
0x106: {  	s25 =	sor.u32 s7, s21  }
0x107: {  	s2 =	sshrl.u32 s25, $0x3  }
0x108: {  	s2 =	sadd.s32 s1, s2  }
0x109: {  	[hbm4b:s2+s31] =	stream.strided.scatter [tilespmem:s12], [sflag:$0xA], $0x1000, s0, s31, $0x38;
	[tilespmem:$0x16400] =	vst v63  }
0x10a: {  	s25 =	simm.s32 $0xF;
	_ =	swait.ge [sflag:s17], $0x1000  }
0x10b: {  	v17 =	vmov s25;
	s25 =	simm.s32 $0x0;
	[sflag:s17] =	ssyncset.done $0x0  }
0x10c: {  	s2 =	simm.s32 @!p0 $0xB;
	v17 =	vshrl.u32 v17, $0x3;
	v18 =	vmov s25;
	[sflag:s17] =	ssyncadd.s32 $0xFFFFF000  }
0x10d: {  	v17 =	vshll.u32 v17, v1;
	v18 =	vshrl.u32 v18, $0x3;
	_ =	swait.ge @!p0 [sflag:s2], $0x1000  }
0x10e: {  	s28 =	simm.s32 $0x1;
	v17 =	vbroadcast v17, $0x0;
	v18 =	vshll.u32 v18, v1;
	[sflag:s2] =	ssyncset.done @!p0 $0x0  }
0x10f: {  	v19 =	vmov s28;
	s25 =	simm.s32 $0x85F0;
	v18 =	vbroadcast v18, $0x0;
	[sflag:s2] =	ssyncadd.s32 @!p0 $0xFFFFF000  }
0x110: {  	v19 =	vshrl.u32 v19, $0x3;
	v21 =	vor.u32 v15, v17;
	s2 =	simm.s32 $0x2;
	v20 =	vld [tilespmem:s25+$0xFFFFFFF0]  }
0x111: {  	v19 =	vshll.u32 v19, v1;
	v25 =	vor.u32 v0, v18;
	v22 =	vmov s2;
	v24 =	vld [tilespmem:s25+$0xFFFFFE10]  }
0x112: {  	v19 =	vbroadcast v19, $0x0;
	v17 =	vor.u32 v16, v17;
	v23 =	vld [tilespmem:s25+$0x0];
	s2 =	simm.s32 $0x3;
	v22 =	vshrl.u32 v22, $0x3  }
0x113: {  	v18 =	vor.u32 v2, v18;
	v26 =	vld [tilespmem:s25+$0xFFFFFE20];
	v27 =	vmov s2;
	v22 =	vshll.u32 v22, v1  }
0x114: {  	v29 =	vor.u32 v3, v19;
	v28 =	vld [tilespmem:s25+$0xFFFFFE30];
	s2 =	simm.s32 $0x4;
	v27 =	vshrl.u32 v27, $0x3;
	v22 =	vbroadcast v22, $0x0  }
0x115: {  	v19 =	vor.u32 v4, v19;
	v30 =	vld [tilespmem:s25+$0xFFFFFE40];
	v31 =	vmov s2;
	v27 =	vshll.u32 v27, v1;
	[tilespmem:v21+s19+$0x0] =	vst.idx.msk $0xffff, v20  }
0x116: {  	s2 =	simm.s32 $0x5;
	v31 =	vshrl.u32 v31, $0x3;
	v27 =	vbroadcast v27, $0x0;
	v20 =	vld [tilespmem:s25+$0xFFFFFE50];
	v21 =	vor.u32 v5, v22;
	[tilespmem:v25+s19+$0x0] =	vst.idx.msk $0xffff, v24  }
0x117: {  	v22 =	vor.u32 v6, v22;
	v24 =	vmov s2;
	[tilespmem:v17+s19+$0x0] =	vst.idx.msk $0xffff, v23;
	v17 =	vld [tilespmem:s25+$0xFFFFFE60];
	v23 =	vshll.u32 v31, v1  }
0x118: {  	s2 =	simm.s32 $0x6;
	[tilespmem:v18+s19+$0x0] =	vst.idx.msk $0xffff, v26;
	v18 =	vld [tilespmem:s25+$0xFFFFFE70];
	v25 =	vor.u32 v7, v27;
	v24 =	vshrl.u32 v24, $0x3;
	v23 =	vbroadcast v23, $0x0  }
0x119: {  	[tilespmem:v29+s19+$0x0] =	vst.idx.msk $0xffff, v28;
	v26 =	vld [tilespmem:s25+$0xFFFFFE80];
	v27 =	vor.u32 v8, v27;
	v28 =	vmov s2;
	v24 =	vshll.u32 v24, v1  }
0x11a: {  	[tilespmem:v19+s19+$0x0] =	vst.idx.msk $0xffff, v30;
	v19 =	vld [tilespmem:s25+$0xFFFFFE90];
	s2 =	simm.s32 $0x7;
	v28 =	vshrl.u32 v28, $0x3;
	v24 =	vbroadcast v24, $0x0;
	v29 =	vor.u32 v9, v23  }
0x11b: {  	[tilespmem:v21+s19+$0x0] =	vst.idx.msk $0xffff, v20;
	v20 =	vld [tilespmem:s25+$0xFFFFFEA0];
	v21 =	vor.u32 v10, v23;
	v23 =	vshll.u32 v28, v1;
	v28 =	vmov s2  }
0x11c: {  	s2 =	simm.s32 $0x8;
	[tilespmem:v22+s19+$0x0] =	vst.idx.msk $0xffff, v17;
	v17 =	vld [tilespmem:s25+$0xFFFFFEB0];
	v22 =	vor.u32 v11, v24;
	v23 =	vbroadcast v23, $0x0;
	v28 =	vshrl.u32 v28, $0x3  }
0x11d: {  	[tilespmem:v25+s19+$0x0] =	vst.idx.msk $0xffff, v18;
	v18 =	vld [tilespmem:s25+$0xFFFFFEC0];
	v24 =	vor.u32 v12, v24;
	v25 =	vshll.u32 v28, v1;
	v28 =	vmov s2  }
0x11e: {  	[tilespmem:v27+s19+$0x0] =	vst.idx.msk $0xffff, v26;
	v26 =	vld [tilespmem:s25+$0xFFFFFED0];
	s2 =	simm.s32 $0x9;
	v27 =	vor.u32 v13, v23;
	v25 =	vbroadcast v25, $0x0;
	v28 =	vshrl.u32 v28, $0x3  }
0x11f: {  	v23 =	vor.u32 v14, v23;
	[tilespmem:v29+s19+$0x0] =	vst.idx.msk $0xffff, v19;
	v19 =	vld [tilespmem:s25+$0xFFFFFEE0];
	v28 =	vshll.u32 v28, v1;
	v29 =	vmov s2  }
0x120: {  	s2 =	simm.s32 $0xA;
	[tilespmem:v21+s19+$0x0] =	vst.idx.msk $0xffff, v20;
	v20 =	vld [tilespmem:s25+$0xFFFFFEF0];
	v21 =	vor.u32 v15, v25;
	v28 =	vbroadcast v28, $0x0;
	v29 =	vshrl.u32 v29, $0x3  }
0x121: {  	[tilespmem:v22+s19+$0x0] =	vst.idx.msk $0xffff, v17;
	v17 =	vld [tilespmem:s25+$0xFFFFFF00];
	v22 =	vor.u32 v16, v25;
	v25 =	vshll.u32 v29, v1;
	v29 =	vmov s2  }
0x122: {  	s2 =	simm.s32 $0xB;
	[tilespmem:v24+s19+$0x0] =	vst.idx.msk $0xffff, v18;
	v18 =	vld [tilespmem:s25+$0xFFFFFF10];
	v24 =	vor.u32 v0, v28;
	v25 =	vbroadcast v25, $0x0;
	v29 =	vshrl.u32 v29, $0x3  }
0x123: {  	[tilespmem:v27+s19+$0x0] =	vst.idx.msk $0xffff, v26;
	v26 =	vld [tilespmem:s25+$0xFFFFFF20];
	v27 =	vor.u32 v2, v28;
	v28 =	vshll.u32 v29, v1;
	v29 =	vmov s2  }
0x124: {  	s2 =	simm.s32 $0xC;
	[tilespmem:v23+s19+$0x0] =	vst.idx.msk $0xffff, v19;
	v19 =	vld [tilespmem:s25+$0xFFFFFF30];
	v23 =	vor.u32 v3, v25;
	v28 =	vbroadcast v28, $0x0;
	v29 =	vshrl.u32 v29, $0x3  }
0x125: {  	v30 =	vld [tilespmem:s25+$0xFFFFFF40];
	v31 =	vor.u32 v4, v25;
	[tilespmem:v21+s19+$0x0] =	vst.idx.msk $0xffff, v20;
	v20 =	vshll.u32 v29, v1;
	v21 =	vmov s2  }
0x126: {  	s2 =	simm.s32 $0xD;
	[tilespmem:v22+s19+$0x0] =	vst.idx.msk $0xffff, v17;
	v22 =	vld [tilespmem:s25+$0xFFFFFF50];
	v29 =	vor.u32 v5, v28;
	v32 =	vbroadcast v20, $0x0;
	v17 =	vshrl.u32 v21, $0x3  }
0x127: {  	v20 =	vld [tilespmem:s25+$0xFFFFFF60];
	v25 =	vor.u32 v6, v28;
	[tilespmem:v24+s19+$0x0] =	vst.idx.msk $0xffff, v18;
	v18 =	vshll.u32 v17, v1;
	v24 =	vmov s2  }
0x128: {  	v17 =	vld [tilespmem:s25+$0xFFFFFF70];
	s2 =	simm.s32 $0xE;
	[tilespmem:v27+s19+$0x0] =	vst.idx.msk $0xffff, v26;
	v21 =	vor.u32 v7, v32;
	v33 =	vbroadcast v18, $0x0;
	v18 =	vshrl.u32 v24, $0x3  }
0x129: {  	v28 =	vmov s2;
	[tilespmem:v23+s19+$0x0] =	vst.idx.msk $0xffff, v19;
	v19 =	vld [tilespmem:s25+$0xFFFFFF80];
	v23 =	vor.u32 v8, v32;
	v18 =	vshll.u32 v18, v1  }
0x12a: {  	s2 =	simm.s32 $0x1F;
	v24 =	vld [tilespmem:s25+$0xFFFFFF90];
	[tilespmem:v31+s19+$0x0] =	vst.idx.msk $0xffff, v30;
	v26 =	vor.u32 v9, v33;
	v27 =	vbroadcast v18, $0x0;
	v30 =	vshrl.u32 v28, $0x3  }
0x12b: {  	s29 =	simm.s32 $0x20;
	s28 =	simm.s32 $0x10;
	v28 =	vmov s2;
	v18 =	vld [tilespmem:s25+$0xFFFFFFA0];
	[tilespmem:v29+s19+$0x0] =	vst.idx.msk $0xffff, v22;
	v22 =	vor.u32 v10, v33;
	v29 =	vshll.u32 v30, v1  }
.LBB2_7:
0x12c: {  	p1 =	slt.u32 s29, $0x70;
	v28 =	vshrl.u32 v28, $0x3;
	[tilespmem:v25+s19+$0x0] =	vst.idx.msk $0xffff, v20;
	v20 =	vld [tilespmem:s25+$0xFFFFFFB0];
	v25 =	vor.u32 v11, v27;
	v29 =	vbroadcast v29, $0x0  }
0x12d: {  	v30 =	vmov s28;
	v28 =	vshll.u32 v28, v1;
	[tilespmem:v21+s19+$0x0] =	vst.idx.msk $0xffff, v17;
	v17 =	vld [tilespmem:s25+$0xFFFFFFC0];
	v21 =	vor.u32 v12, v27  }
0x12e: {  	s2 =	sadd.s32 $0x1, s28;
	v27 =	vshrl.u32 v30, $0x3;
	v28 =	vbroadcast v28, $0x0;
	[tilespmem:v23+s19+$0x0] =	vst.idx.msk $0xffff, v19;
	v19 =	vld [tilespmem:s25+$0xFFFFFFD0];
	v23 =	vor.u32 v13, v29  }
0x12f: {  	v30 =	vmov s2;
	v27 =	vshll.u32 v27, v1;
	[tilespmem:v26+s19+$0x0] =	vst.idx.msk $0xffff, v24;
	v24 =	vld [tilespmem:s25+$0xFFFFFFE0];
	v26 =	vor.u32 v14, v29;
	s25 =	sadd.s32 $0x200, s25  }
0x130: {  	s2 =	sadd.s32 $0x2, s28;
	v27 =	vbroadcast v27, $0x0;
	v29 =	vshrl.u32 v30, $0x3;
	v30 =	vld [tilespmem:s25+$0xFFFFFFF0];
	v31 =	vor.u32 v15, v28;
	[tilespmem:v22+s19+$0x0] =	vst.idx.msk $0xffff, v18  }
0x131: {  	v18 =	vshll.u32 v29, v1;
	v22 =	vmov s2;
	v28 =	vor.u32 v16, v28;
	v29 =	vld [tilespmem:s25+$0x0];
	[tilespmem:v25+s19+$0x0] =	vst.idx.msk $0xffff, v20  }
0x132: {  	s2 =	sadd.s32 $0x3, s28;
	v25 =	vor.u32 v0, v27;
	v18 =	vbroadcast v18, $0x0;
	v22 =	vshrl.u32 v22, $0x3;
	v20 =	vld [tilespmem:s25+$0xFFFFFE10];
	[tilespmem:v21+s19+$0x0] =	vst.idx.msk $0xffff, v17  }
0x133: {  	v21 =	vor.u32 v2, v27;
	v22 =	vshll.u32 v22, v1;
	v27 =	vmov s2;
	v17 =	vld [tilespmem:s25+$0xFFFFFE20];
	[tilespmem:v23+s19+$0x0] =	vst.idx.msk $0xffff, v19  }
0x134: {  	s2 =	sadd.s32 $0x4, s28;
	v23 =	vor.u32 v3, v18;
	v22 =	vbroadcast v22, $0x0;
	v27 =	vshrl.u32 v27, $0x3;
	v19 =	vld [tilespmem:s25+$0xFFFFFE30];
	[tilespmem:v26+s19+$0x0] =	vst.idx.msk $0xffff, v24  }
0x135: {  	v18 =	vor.u32 v4, v18;
	v26 =	vshll.u32 v27, v1;
	v27 =	vmov s2;
	v24 =	vld [tilespmem:s25+$0xFFFFFE40];
	[tilespmem:v31+s19+$0x0] =	vst.idx.msk $0xffff, v30  }
0x136: {  	s2 =	sadd.s32 $0x5, s28;
	v31 =	vor.u32 v5, v22;
	v26 =	vbroadcast v26, $0x0;
	v27 =	vshrl.u32 v27, $0x3;
	v30 =	vld [tilespmem:s25+$0xFFFFFE50];
	[tilespmem:v28+s19+$0x0] =	vst.idx.msk $0xffff, v29  }
0x137: {  	v22 =	vor.u32 v6, v22;
	[tilespmem:v25+s19+$0x0] =	vst.idx.msk $0xffff, v20;
	v20 =	vld [tilespmem:s25+$0xFFFFFE60];
	v25 =	vshll.u32 v27, v1;
	v27 =	vmov s2  }
0x138: {  	s2 =	sadd.s32 $0x6, s28;
	[tilespmem:v21+s19+$0x0] =	vst.idx.msk $0xffff, v17;
	v17 =	vld [tilespmem:s25+$0xFFFFFE70];
	v21 =	vor.u32 v7, v26;
	v25 =	vbroadcast v25, $0x0;
	v27 =	vshrl.u32 v27, $0x3  }
0x139: {  	[tilespmem:v23+s19+$0x0] =	vst.idx.msk $0xffff, v19;
	v19 =	vld [tilespmem:s25+$0xFFFFFE80];
	v23 =	vor.u32 v8, v26;
	v26 =	vshll.u32 v27, v1;
	v27 =	vmov s2  }
0x13a: {  	s2 =	sadd.s32 $0x7, s28;
	[tilespmem:v18+s19+$0x0] =	vst.idx.msk $0xffff, v24;
	v18 =	vld [tilespmem:s25+$0xFFFFFE90];
	v24 =	vor.u32 v9, v25;
	v26 =	vbroadcast v26, $0x0;
	v27 =	vshrl.u32 v27, $0x3  }
0x13b: {  	v25 =	vor.u32 v10, v25;
	v29 =	vmov s2;
	[tilespmem:v31+s19+$0x0] =	vst.idx.msk $0xffff, v30;
	v28 =	vld [tilespmem:s25+$0xFFFFFEA0];
	v27 =	vshll.u32 v27, v1  }
0x13c: {  	s2 =	sadd.s32 $0x8, s28;
	v29 =	vshrl.u32 v29, $0x3;
	[tilespmem:v22+s19+$0x0] =	vst.idx.msk $0xffff, v20;
	v20 =	vld [tilespmem:s25+$0xFFFFFEB0];
	v22 =	vor.u32 v11, v26;
	v27 =	vbroadcast v27, $0x0  }
0x13d: {  	[tilespmem:v21+s19+$0x0] =	vst.idx.msk $0xffff, v17;
	v17 =	vld [tilespmem:s25+$0xFFFFFEC0];
	v21 =	vor.u32 v12, v26;
	v26 =	vshll.u32 v29, v1;
	v29 =	vmov s2  }
0x13e: {  	s2 =	sadd.s32 $0x9, s28;
	[tilespmem:v23+s19+$0x0] =	vst.idx.msk $0xffff, v19;
	v19 =	vld [tilespmem:s25+$0xFFFFFED0];
	v23 =	vor.u32 v13, v27;
	v26 =	vbroadcast v26, $0x0;
	v29 =	vshrl.u32 v29, $0x3  }
0x13f: {  	[tilespmem:v24+s19+$0x0] =	vst.idx.msk $0xffff, v18;
	v18 =	vld [tilespmem:s25+$0xFFFFFEE0];
	v24 =	vor.u32 v14, v27;
	v27 =	vshll.u32 v29, v1;
	v29 =	vmov s2  }
0x140: {  	s2 =	sadd.s32 $0xA, s28;
	[tilespmem:v25+s19+$0x0] =	vst.idx.msk $0xffff, v28;
	v25 =	vld [tilespmem:s25+$0xFFFFFEF0];
	v28 =	vor.u32 v15, v26;
	v27 =	vbroadcast v27, $0x0;
	v29 =	vshrl.u32 v29, $0x3  }
0x141: {  	[tilespmem:v22+s19+$0x0] =	vst.idx.msk $0xffff, v20;
	v20 =	vld [tilespmem:s25+$0xFFFFFF00];
	v22 =	vor.u32 v16, v26;
	v26 =	vshll.u32 v29, v1;
	v29 =	vmov s2  }
0x142: {  	s2 =	sadd.s32 $0xB, s28;
	[tilespmem:v21+s19+$0x0] =	vst.idx.msk $0xffff, v17;
	v17 =	vld [tilespmem:s25+$0xFFFFFF10];
	v21 =	vor.u32 v0, v27;
	v26 =	vbroadcast v26, $0x0;
	v29 =	vshrl.u32 v29, $0x3  }
0x143: {  	[tilespmem:v23+s19+$0x0] =	vst.idx.msk $0xffff, v19;
	v19 =	vld [tilespmem:s25+$0xFFFFFF20];
	v23 =	vor.u32 v2, v27;
	v27 =	vshll.u32 v29, v1;
	v29 =	vmov s2  }
0x144: {  	s2 =	sadd.s32 $0xC, s28;
	[tilespmem:v24+s19+$0x0] =	vst.idx.msk $0xffff, v18;
	v18 =	vld [tilespmem:s25+$0xFFFFFF30];
	v24 =	vor.u32 v3, v26;
	v27 =	vbroadcast v27, $0x0;
	v29 =	vshrl.u32 v29, $0x3  }
0x145: {  	v26 =	vor.u32 v4, v26;
	[tilespmem:v28+s19+$0x0] =	vst.idx.msk $0xffff, v25;
	v28 =	vld [tilespmem:s25+$0xFFFFFF40];
	v25 =	vshll.u32 v29, v1;
	v29 =	vmov s2  }
0x146: {  	s2 =	sadd.s32 $0xD, s28;
	[tilespmem:v22+s19+$0x0] =	vst.idx.msk $0xffff, v20;
	v22 =	vld [tilespmem:s25+$0xFFFFFF50];
	v30 =	vor.u32 v5, v27;
	v31 =	vbroadcast v25, $0x0;
	v29 =	vshrl.u32 v29, $0x3  }
.Ltmp2:
0x147: {  	v25 =	vor.u32 v6, v27;
	[tilespmem:v21+s19+$0x0] =	vst.idx.msk $0xffff, v17;
	v20 =	vld [tilespmem:s25+$0xFFFFFF60];
	v27 =	vshll.u32 v29, v1;
	v29 =	vmov s2;
	(pc) =	sbr.rel @p1 .LBB2_7-.Ltmp2, $4  }
0x148: {  	s2 =	sadd.s32 $0xE, s28;
	s28 =	smov.u32 s29;
	[tilespmem:v23+s19+$0x0] =	vst.idx.msk $0xffff, v19;
	v17 =	vld [tilespmem:s25+$0xFFFFFF70];
	v21 =	vor.u32 v7, v31;
	v32 =	vbroadcast v27, $0x0;
	v27 =	vshrl.u32 v29, $0x3  }
0x149: {  	v23 =	vor.u32 v8, v31;
	v29 =	vmov s2;
	[tilespmem:v24+s19+$0x0] =	vst.idx.msk $0xffff, v18;
	v19 =	vld [tilespmem:s25+$0xFFFFFF80];
	v18 =	vshll.u32 v27, v1  }
0x14a: {  	s2 =	sadd.s32 $0xF, s29;
	v29 =	vshrl.u32 v29, $0x3;
	[tilespmem:v26+s19+$0x0] =	vst.idx.msk $0xffff, v28;
	v24 =	vld [tilespmem:s25+$0xFFFFFF90];
	v26 =	vor.u32 v9, v32;
	v27 =	vbroadcast v18, $0x0  }
0x14b: {  	s29 =	sadd.s32 $0x10, s29;
	v28 =	vmov s2;
	v29 =	vshll.u32 v29, v1;
	[tilespmem:v30+s19+$0x0] =	vst.idx.msk $0xffff, v22;
	v18 =	vld [tilespmem:s25+$0xFFFFFFA0];
	v22 =	vor.u32 v10, v32  }
0x14c: {  	_ =	sdelay $0x3  }
0x14d: {  	v28 =	vshrl.u32 v28, $0x3;
	[tilespmem:v25+s19+$0x0] =	vst.idx.msk $0xffff, v20;
	v20 =	vld [tilespmem:s25+$0xFFFFFFB0];
	v25 =	vor.u32 v11, v27;
	v29 =	vbroadcast v29, $0x0  }
0x14e: {  	v30 =	vmov s28;
	v28 =	vshll.u32 v28, v1;
	[tilespmem:v21+s19+$0x0] =	vst.idx.msk $0xffff, v17;
	v17 =	vld [tilespmem:s25+$0xFFFFFFC0];
	v21 =	vor.u32 v12, v27  }
0x14f: {  	s2 =	sadd.s32 $0x1, s28;
	v27 =	vshrl.u32 v30, $0x3;
	v28 =	vbroadcast v28, $0x0;
	[tilespmem:v23+s19+$0x0] =	vst.idx.msk $0xffff, v19;
	v19 =	vld [tilespmem:s25+$0xFFFFFFD0];
	v23 =	vor.u32 v13, v29  }
0x150: {  	v30 =	vmov s2;
	v27 =	vshll.u32 v27, v1;
	[tilespmem:v26+s19+$0x0] =	vst.idx.msk $0xffff, v24;
	v24 =	vld [tilespmem:s25+$0xFFFFFFE0];
	v26 =	vor.u32 v14, v29;
	s25 =	sadd.s32 $0x200, s25  }
0x151: {  	s2 =	sadd.s32 $0x2, s28;
	v27 =	vbroadcast v27, $0x0;
	v29 =	vshrl.u32 v30, $0x3;
	v30 =	vld [tilespmem:s25+$0xFFFFFFF0];
	v31 =	vor.u32 v15, v28;
	[tilespmem:v22+s19+$0x0] =	vst.idx.msk $0xffff, v18  }
0x152: {  	v18 =	vshll.u32 v29, v1;
	v22 =	vmov s2;
	v29 =	vld [tilespmem:s25+$0x0];
	v28 =	vor.u32 v16, v28;
	[tilespmem:v25+s19+$0x0] =	vst.idx.msk $0xffff, v20  }
0x153: {  	s2 =	sadd.s32 $0x3, s28;
	v20 =	vld [tilespmem:s25+$0xFFFFFE10];
	v25 =	vor.u32 v0, v27;
	v18 =	vbroadcast v18, $0x0;
	v22 =	vshrl.u32 v22, $0x3;
	[tilespmem:v21+s19+$0x0] =	vst.idx.msk $0xffff, v17  }
0x154: {  	v17 =	vld [tilespmem:s25+$0xFFFFFE20];
	v21 =	vor.u32 v2, v27;
	v22 =	vshll.u32 v22, v1;
	v27 =	vmov s2;
	[tilespmem:v23+s19+$0x0] =	vst.idx.msk $0xffff, v19  }
0x155: {  	s2 =	sadd.s32 $0x4, s28;
	v19 =	vld [tilespmem:s25+$0xFFFFFE30];
	v23 =	vor.u32 v3, v18;
	v22 =	vbroadcast v22, $0x0;
	v27 =	vshrl.u32 v27, $0x3;
	[tilespmem:v26+s19+$0x0] =	vst.idx.msk $0xffff, v24  }
0x156: {  	v18 =	vor.u32 v4, v18;
	v24 =	vld [tilespmem:s25+$0xFFFFFE40];
	v26 =	vshll.u32 v27, v1;
	v27 =	vmov s2;
	[tilespmem:v31+s19+$0x0] =	vst.idx.msk $0xffff, v30  }
0x157: {  	s2 =	sadd.s32 $0x5, s28;
	v30 =	vld [tilespmem:s25+$0xFFFFFE50];
	v31 =	vor.u32 v5, v22;
	v26 =	vbroadcast v26, $0x0;
	v27 =	vshrl.u32 v27, $0x3;
	[tilespmem:v28+s19+$0x0] =	vst.idx.msk $0xffff, v29  }
0x158: {  	v22 =	vor.u32 v6, v22;
	[tilespmem:v25+s19+$0x0] =	vst.idx.msk $0xffff, v20;
	v20 =	vld [tilespmem:s25+$0xFFFFFE60];
	v25 =	vshll.u32 v27, v1;
	v27 =	vmov s2  }
0x159: {  	s2 =	sadd.s32 $0x6, s28;
	[tilespmem:v21+s19+$0x0] =	vst.idx.msk $0xffff, v17;
	v17 =	vld [tilespmem:s25+$0xFFFFFE70];
	v21 =	vor.u32 v7, v26;
	v25 =	vbroadcast v25, $0x0;
	v27 =	vshrl.u32 v27, $0x3  }
0x15a: {  	[tilespmem:v23+s19+$0x0] =	vst.idx.msk $0xffff, v19;
	v19 =	vld [tilespmem:s25+$0xFFFFFE80];
	v23 =	vor.u32 v8, v26;
	v26 =	vshll.u32 v27, v1;
	v27 =	vmov s2  }
0x15b: {  	s2 =	sadd.s32 $0x7, s28;
	[tilespmem:v18+s19+$0x0] =	vst.idx.msk $0xffff, v24;
	v18 =	vld [tilespmem:s25+$0xFFFFFE90];
	v24 =	vor.u32 v9, v25;
	v26 =	vbroadcast v26, $0x0;
	v27 =	vshrl.u32 v27, $0x3  }
0x15c: {  	v28 =	vld [tilespmem:s25+$0xFFFFFEA0];
	v25 =	vor.u32 v10, v25;
	v29 =	vmov s2;
	[tilespmem:v31+s19+$0x0] =	vst.idx.msk $0xffff, v30;
	v27 =	vshll.u32 v27, v1  }
0x15d: {  	s2 =	sadd.s32 $0x8, s28;
	v29 =	vshrl.u32 v29, $0x3;
	[tilespmem:v22+s19+$0x0] =	vst.idx.msk $0xffff, v20;
	v20 =	vld [tilespmem:s25+$0xFFFFFEB0];
	v22 =	vor.u32 v11, v26;
	v27 =	vbroadcast v27, $0x0  }
0x15e: {  	[tilespmem:v21+s19+$0x0] =	vst.idx.msk $0xffff, v17;
	v17 =	vld [tilespmem:s25+$0xFFFFFEC0];
	v21 =	vor.u32 v12, v26;
	v26 =	vshll.u32 v29, v1;
	v29 =	vmov s2  }
0x15f: {  	s2 =	sadd.s32 $0x9, s28;
	[tilespmem:v23+s19+$0x0] =	vst.idx.msk $0xffff, v19;
	v19 =	vld [tilespmem:s25+$0xFFFFFED0];
	v23 =	vor.u32 v13, v27;
	v26 =	vbroadcast v26, $0x0;
	v29 =	vshrl.u32 v29, $0x3  }
0x160: {  	[tilespmem:v24+s19+$0x0] =	vst.idx.msk $0xffff, v18;
	v18 =	vld [tilespmem:s25+$0xFFFFFEE0];
	v24 =	vor.u32 v14, v27;
	v27 =	vshll.u32 v29, v1;
	v29 =	vmov s2  }
0x161: {  	s2 =	sadd.s32 $0xA, s28;
	[tilespmem:v25+s19+$0x0] =	vst.idx.msk $0xffff, v28;
	v25 =	vld [tilespmem:s25+$0xFFFFFEF0];
	v28 =	vor.u32 v15, v26;
	v27 =	vbroadcast v27, $0x0;
	v29 =	vshrl.u32 v29, $0x3  }
0x162: {  	[tilespmem:v22+s19+$0x0] =	vst.idx.msk $0xffff, v20;
	v20 =	vld [tilespmem:s25+$0xFFFFFF00];
	v22 =	vor.u32 v16, v26;
	v26 =	vshll.u32 v29, v1;
	v29 =	vmov s2  }
0x163: {  	s2 =	sadd.s32 $0xB, s28;
	[tilespmem:v21+s19+$0x0] =	vst.idx.msk $0xffff, v17;
	v17 =	vld [tilespmem:s25+$0xFFFFFF10];
	v21 =	vor.u32 v0, v27;
	v26 =	vbroadcast v26, $0x0;
	v29 =	vshrl.u32 v29, $0x3  }
0x164: {  	[tilespmem:v23+s19+$0x0] =	vst.idx.msk $0xffff, v19;
	v19 =	vld [tilespmem:s25+$0xFFFFFF20];
	v23 =	vor.u32 v2, v27;
	v27 =	vshll.u32 v29, v1;
	v29 =	vmov s2  }
0x165: {  	s2 =	sadd.s32 $0xC, s28;
	[tilespmem:v24+s19+$0x0] =	vst.idx.msk $0xffff, v18;
	v18 =	vld [tilespmem:s25+$0xFFFFFF30];
	v24 =	vor.u32 v3, v26;
	v27 =	vbroadcast v27, $0x0;
	v29 =	vshrl.u32 v29, $0x3  }
0x166: {  	v26 =	vor.u32 v4, v26;
	[tilespmem:v28+s19+$0x0] =	vst.idx.msk $0xffff, v25;
	v25 =	vld [tilespmem:s25+$0xFFFFFF40];
	v28 =	vshll.u32 v29, v1;
	v29 =	vmov s2  }
0x167: {  	s2 =	sadd.s32 $0xD, s28;
	[tilespmem:v22+s19+$0x0] =	vst.idx.msk $0xffff, v20;
	v20 =	vld [tilespmem:s25+$0xFFFFFF50];
	v22 =	vor.u32 v5, v27;
	v28 =	vbroadcast v28, $0x0;
	v29 =	vshrl.u32 v29, $0x3  }
0x168: {  	[tilespmem:v21+s19+$0x0] =	vst.idx.msk $0xffff, v17;
	v17 =	vld [tilespmem:s25+$0xFFFFFF60];
	v21 =	vor.u32 v6, v27;
	v27 =	vshll.u32 v29, v1;
	v29 =	vmov s2  }
0x169: {  	s2 =	sadd.s32 $0xE, s28;
	[tilespmem:v23+s19+$0x0] =	vst.idx.msk $0xffff, v19;
	v19 =	vld [tilespmem:s25+$0xFFFFFF70];
	v23 =	vor.u32 v7, v28;
	v27 =	vbroadcast v27, $0x0;
	v29 =	vshrl.u32 v29, $0x3  }
0x16a: {  	[tilespmem:v24+s19+$0x0] =	vst.idx.msk $0xffff, v18;
	v18 =	vld [tilespmem:s25+$0xFFFFFF80];
	v24 =	vor.u32 v8, v28;
	v28 =	vshll.u32 v29, v1;
	v29 =	vmov s2  }
0x16b: {  	[tilespmem:v26+s19+$0x0] =	vst.idx.msk $0xffff, v25;
	v25 =	vld [tilespmem:s25+$0xFFFFFF90];
	v26 =	vor.u32 v9, v27;
	v28 =	vbroadcast v28, $0x0;
	v29 =	vshrl.u32 v29, $0x3  }
0x16c: {  	[tilespmem:v22+s19+$0x0] =	vst.idx.msk $0xffff, v20;
	v20 =	vld [tilespmem:s25+$0xFFFFFFA0];
	v22 =	vor.u32 v10, v27;
	v27 =	vshll.u32 v29, v1  }
0x16d: {  	[tilespmem:v21+s19+$0x0] =	vst.idx.msk $0xffff, v17;
	v17 =	vld [tilespmem:s25+$0xFFFFFFB0];
	v21 =	vor.u32 v11, v28;
	v27 =	vbroadcast v27, $0x0  }
0x16e: {  	[tilespmem:v23+s19+$0x0] =	vst.idx.msk $0xffff, v19;
	v19 =	vld [tilespmem:s25+$0xFFFFFFC0];
	v23 =	vor.u32 v12, v28  }
0x16f: {  	[tilespmem:v24+s19+$0x0] =	vst.idx.msk $0xffff, v18;
	v18 =	vld [tilespmem:s25+$0xFFFFFFD0];
	v24 =	vor.u32 v13, v27  }
0x170: {  	[tilespmem:v26+s19+$0x0] =	vst.idx.msk $0xffff, v25;
	v25 =	vld [tilespmem:s25+$0xFFFFFFE0];
	v26 =	vor.u32 v14, v27  }
0x171: {  	[tilespmem:v22+s19+$0x0] =	vst.idx.msk $0xffff, v20  }
0x172: {  	[tilespmem:v21+s19+$0x0] =	vst.idx.msk $0xffff, v17  }
0x173: {  	[tilespmem:v23+s19+$0x0] =	vst.idx.msk $0xffff, v19  }
0x174: {  	[tilespmem:v24+s19+$0x0] =	vst.idx.msk $0xffff, v18  }
0x175: {  	s2 =	sadd.s32 $0x500, s23;
	s25 =	simm.s32 $0x8400;
	[tilespmem:v26+s19+$0x0] =	vst.idx.msk $0xffff, v25  }
0x176: {  	[tilespmem:s25], [sflag:$0x3] =	stream.indirect.gather [hbm4b:s4+s14], $0x20, s2, s14, $0xb8;
	[tilespmem:$0x16400] =	vst v63  }
0x177: {  	s25 =	sor.u32 s8, s21  }
0x178: {  	s2 =	sshrl.u32 s25, $0x3  }
0x179: {  	s2 =	sadd.s32 s1, s2  }
0x17a: {  	[hbm4b:s2+s31] =	stream.strided.scatter [tilespmem:s19], [sflag:$0xB], $0x1000, s0, s31, $0x38;
	[tilespmem:$0x16400] =	vst v63  }
0x17b: {  	s25 =	simm.s32 $0xF;
	_ =	swait.ge [sflag:s22], $0x1000  }
0x17c: {  	v17 =	vmov s25;
	s25 =	simm.s32 $0x0;
	[sflag:s22] =	ssyncset.done $0x0  }
0x17d: {  	s2 =	simm.s32 @!p0 $0xC;
	v17 =	vshrl.u32 v17, $0x3;
	v18 =	vmov s25;
	[sflag:s22] =	ssyncadd.s32 $0xFFFFF000  }
0x17e: {  	v17 =	vshll.u32 v17, v1;
	v18 =	vshrl.u32 v18, $0x3;
	_ =	swait.ge @!p0 [sflag:s2], $0x1000  }
0x17f: {  	s28 =	simm.s32 $0x1;
	v17 =	vbroadcast v17, $0x0;
	v18 =	vshll.u32 v18, v1;
	[sflag:s2] =	ssyncset.done @!p0 $0x0  }
0x180: {  	v19 =	vmov s28;
	s25 =	simm.s32 $0x95F0;
	v18 =	vbroadcast v18, $0x0;
	[sflag:s2] =	ssyncadd.s32 @!p0 $0xFFFFF000  }
0x181: {  	v19 =	vshrl.u32 v19, $0x3;
	v21 =	vor.u32 v15, v17;
	s2 =	simm.s32 $0x2;
	v20 =	vld [tilespmem:s25+$0xFFFFFFF0]  }
0x182: {  	v19 =	vshll.u32 v19, v1;
	v25 =	vor.u32 v0, v18;
	v22 =	vmov s2;
	v24 =	vld [tilespmem:s25+$0xFFFFFE10]  }
0x183: {  	v19 =	vbroadcast v19, $0x0;
	v17 =	vor.u32 v16, v17;
	v23 =	vld [tilespmem:s25+$0x0];
	s2 =	simm.s32 $0x3;
	v22 =	vshrl.u32 v22, $0x3  }
0x184: {  	v18 =	vor.u32 v2, v18;
	v26 =	vld [tilespmem:s25+$0xFFFFFE20];
	v27 =	vmov s2;
	v22 =	vshll.u32 v22, v1  }
0x185: {  	v29 =	vor.u32 v3, v19;
	v28 =	vld [tilespmem:s25+$0xFFFFFE30];
	s2 =	simm.s32 $0x4;
	v27 =	vshrl.u32 v27, $0x3;
	v22 =	vbroadcast v22, $0x0  }
0x186: {  	v19 =	vor.u32 v4, v19;
	v30 =	vld [tilespmem:s25+$0xFFFFFE40];
	v31 =	vmov s2;
	v27 =	vshll.u32 v27, v1;
	[tilespmem:v21+s24+$0x0] =	vst.idx.msk $0xffff, v20  }
0x187: {  	s2 =	simm.s32 $0x5;
	v31 =	vshrl.u32 v31, $0x3;
	v27 =	vbroadcast v27, $0x0;
	v20 =	vld [tilespmem:s25+$0xFFFFFE50];
	v21 =	vor.u32 v5, v22;
	[tilespmem:v25+s24+$0x0] =	vst.idx.msk $0xffff, v24  }
0x188: {  	v22 =	vor.u32 v6, v22;
	v24 =	vmov s2;
	[tilespmem:v17+s24+$0x0] =	vst.idx.msk $0xffff, v23;
	v17 =	vld [tilespmem:s25+$0xFFFFFE60];
	v23 =	vshll.u32 v31, v1  }
0x189: {  	s2 =	simm.s32 $0x6;
	[tilespmem:v18+s24+$0x0] =	vst.idx.msk $0xffff, v26;
	v18 =	vld [tilespmem:s25+$0xFFFFFE70];
	v25 =	vor.u32 v7, v27;
	v24 =	vshrl.u32 v24, $0x3;
	v23 =	vbroadcast v23, $0x0  }
0x18a: {  	[tilespmem:v29+s24+$0x0] =	vst.idx.msk $0xffff, v28;
	v26 =	vld [tilespmem:s25+$0xFFFFFE80];
	v27 =	vor.u32 v8, v27;
	v28 =	vmov s2;
	v24 =	vshll.u32 v24, v1  }
0x18b: {  	[tilespmem:v19+s24+$0x0] =	vst.idx.msk $0xffff, v30;
	v19 =	vld [tilespmem:s25+$0xFFFFFE90];
	s2 =	simm.s32 $0x7;
	v28 =	vshrl.u32 v28, $0x3;
	v24 =	vbroadcast v24, $0x0;
	v29 =	vor.u32 v9, v23  }
0x18c: {  	[tilespmem:v21+s24+$0x0] =	vst.idx.msk $0xffff, v20;
	v20 =	vld [tilespmem:s25+$0xFFFFFEA0];
	v21 =	vor.u32 v10, v23;
	v23 =	vshll.u32 v28, v1;
	v28 =	vmov s2  }
0x18d: {  	s2 =	simm.s32 $0x8;
	[tilespmem:v22+s24+$0x0] =	vst.idx.msk $0xffff, v17;
	v17 =	vld [tilespmem:s25+$0xFFFFFEB0];
	v22 =	vor.u32 v11, v24;
	v23 =	vbroadcast v23, $0x0;
	v28 =	vshrl.u32 v28, $0x3  }
0x18e: {  	[tilespmem:v25+s24+$0x0] =	vst.idx.msk $0xffff, v18;
	v18 =	vld [tilespmem:s25+$0xFFFFFEC0];
	v24 =	vor.u32 v12, v24;
	v25 =	vshll.u32 v28, v1;
	v28 =	vmov s2  }
0x18f: {  	[tilespmem:v27+s24+$0x0] =	vst.idx.msk $0xffff, v26;
	v26 =	vld [tilespmem:s25+$0xFFFFFED0];
	s2 =	simm.s32 $0x9;
	v27 =	vor.u32 v13, v23;
	v25 =	vbroadcast v25, $0x0;
	v28 =	vshrl.u32 v28, $0x3  }
0x190: {  	v23 =	vor.u32 v14, v23;
	[tilespmem:v29+s24+$0x0] =	vst.idx.msk $0xffff, v19;
	v19 =	vld [tilespmem:s25+$0xFFFFFEE0];
	v28 =	vshll.u32 v28, v1;
	v29 =	vmov s2  }
0x191: {  	s2 =	simm.s32 $0xA;
	[tilespmem:v21+s24+$0x0] =	vst.idx.msk $0xffff, v20;
	v20 =	vld [tilespmem:s25+$0xFFFFFEF0];
	v21 =	vor.u32 v15, v25;
	v28 =	vbroadcast v28, $0x0;
	v29 =	vshrl.u32 v29, $0x3  }
0x192: {  	[tilespmem:v22+s24+$0x0] =	vst.idx.msk $0xffff, v17;
	v17 =	vld [tilespmem:s25+$0xFFFFFF00];
	v22 =	vor.u32 v16, v25;
	v25 =	vshll.u32 v29, v1;
	v29 =	vmov s2  }
0x193: {  	s2 =	simm.s32 $0xB;
	[tilespmem:v24+s24+$0x0] =	vst.idx.msk $0xffff, v18;
	v18 =	vld [tilespmem:s25+$0xFFFFFF10];
	v24 =	vor.u32 v0, v28;
	v25 =	vbroadcast v25, $0x0;
	v29 =	vshrl.u32 v29, $0x3  }
0x194: {  	[tilespmem:v27+s24+$0x0] =	vst.idx.msk $0xffff, v26;
	v26 =	vld [tilespmem:s25+$0xFFFFFF20];
	v27 =	vor.u32 v2, v28;
	v28 =	vshll.u32 v29, v1;
	v29 =	vmov s2  }
0x195: {  	s2 =	simm.s32 $0xC;
	[tilespmem:v23+s24+$0x0] =	vst.idx.msk $0xffff, v19;
	v19 =	vld [tilespmem:s25+$0xFFFFFF30];
	v23 =	vor.u32 v3, v25;
	v28 =	vbroadcast v28, $0x0;
	v29 =	vshrl.u32 v29, $0x3  }
0x196: {  	v30 =	vld [tilespmem:s25+$0xFFFFFF40];
	v31 =	vor.u32 v4, v25;
	[tilespmem:v21+s24+$0x0] =	vst.idx.msk $0xffff, v20;
	v20 =	vshll.u32 v29, v1;
	v21 =	vmov s2  }
0x197: {  	s2 =	simm.s32 $0xD;
	[tilespmem:v22+s24+$0x0] =	vst.idx.msk $0xffff, v17;
	v22 =	vld [tilespmem:s25+$0xFFFFFF50];
	v29 =	vor.u32 v5, v28;
	v32 =	vbroadcast v20, $0x0;
	v17 =	vshrl.u32 v21, $0x3  }
0x198: {  	v20 =	vld [tilespmem:s25+$0xFFFFFF60];
	v25 =	vor.u32 v6, v28;
	[tilespmem:v24+s24+$0x0] =	vst.idx.msk $0xffff, v18;
	v18 =	vshll.u32 v17, v1;
	v24 =	vmov s2  }
0x199: {  	v17 =	vld [tilespmem:s25+$0xFFFFFF70];
	s2 =	simm.s32 $0xE;
	[tilespmem:v27+s24+$0x0] =	vst.idx.msk $0xffff, v26;
	v21 =	vor.u32 v7, v32;
	v33 =	vbroadcast v18, $0x0;
	v18 =	vshrl.u32 v24, $0x3  }
0x19a: {  	v28 =	vmov s2;
	[tilespmem:v23+s24+$0x0] =	vst.idx.msk $0xffff, v19;
	v19 =	vld [tilespmem:s25+$0xFFFFFF80];
	v23 =	vor.u32 v8, v32;
	v18 =	vshll.u32 v18, v1  }
0x19b: {  	s2 =	simm.s32 $0x1F;
	v24 =	vld [tilespmem:s25+$0xFFFFFF90];
	[tilespmem:v31+s24+$0x0] =	vst.idx.msk $0xffff, v30;
	v26 =	vor.u32 v9, v33;
	v27 =	vbroadcast v18, $0x0;
	v30 =	vshrl.u32 v28, $0x3  }
0x19c: {  	s29 =	simm.s32 $0x20;
	s28 =	simm.s32 $0x10;
	v28 =	vmov s2;
	v18 =	vld [tilespmem:s25+$0xFFFFFFA0];
	[tilespmem:v29+s24+$0x0] =	vst.idx.msk $0xffff, v22;
	v22 =	vor.u32 v10, v33;
	v29 =	vshll.u32 v30, v1  }
.LBB2_9:
0x19d: {  	p1 =	slt.u32 s29, $0x70;
	v28 =	vshrl.u32 v28, $0x3;
	[tilespmem:v25+s24+$0x0] =	vst.idx.msk $0xffff, v20;
	v20 =	vld [tilespmem:s25+$0xFFFFFFB0];
	v25 =	vor.u32 v11, v27;
	v29 =	vbroadcast v29, $0x0  }
0x19e: {  	v30 =	vmov s28;
	v28 =	vshll.u32 v28, v1;
	[tilespmem:v21+s24+$0x0] =	vst.idx.msk $0xffff, v17;
	v17 =	vld [tilespmem:s25+$0xFFFFFFC0];
	v21 =	vor.u32 v12, v27  }
0x19f: {  	s2 =	sadd.s32 $0x1, s28;
	v27 =	vshrl.u32 v30, $0x3;
	v28 =	vbroadcast v28, $0x0;
	[tilespmem:v23+s24+$0x0] =	vst.idx.msk $0xffff, v19;
	v19 =	vld [tilespmem:s25+$0xFFFFFFD0];
	v23 =	vor.u32 v13, v29  }
0x1a0: {  	v30 =	vmov s2;
	v27 =	vshll.u32 v27, v1;
	[tilespmem:v26+s24+$0x0] =	vst.idx.msk $0xffff, v24;
	v24 =	vld [tilespmem:s25+$0xFFFFFFE0];
	v26 =	vor.u32 v14, v29;
	s25 =	sadd.s32 $0x200, s25  }
0x1a1: {  	s2 =	sadd.s32 $0x2, s28;
	v27 =	vbroadcast v27, $0x0;
	v29 =	vshrl.u32 v30, $0x3;
	v30 =	vld [tilespmem:s25+$0xFFFFFFF0];
	v31 =	vor.u32 v15, v28;
	[tilespmem:v22+s24+$0x0] =	vst.idx.msk $0xffff, v18  }
0x1a2: {  	v18 =	vshll.u32 v29, v1;
	v22 =	vmov s2;
	v28 =	vor.u32 v16, v28;
	v29 =	vld [tilespmem:s25+$0x0];
	[tilespmem:v25+s24+$0x0] =	vst.idx.msk $0xffff, v20  }
0x1a3: {  	s2 =	sadd.s32 $0x3, s28;
	v25 =	vor.u32 v0, v27;
	v18 =	vbroadcast v18, $0x0;
	v22 =	vshrl.u32 v22, $0x3;
	v20 =	vld [tilespmem:s25+$0xFFFFFE10];
	[tilespmem:v21+s24+$0x0] =	vst.idx.msk $0xffff, v17  }
0x1a4: {  	v21 =	vor.u32 v2, v27;
	v22 =	vshll.u32 v22, v1;
	v27 =	vmov s2;
	v17 =	vld [tilespmem:s25+$0xFFFFFE20];
	[tilespmem:v23+s24+$0x0] =	vst.idx.msk $0xffff, v19  }
0x1a5: {  	s2 =	sadd.s32 $0x4, s28;
	v23 =	vor.u32 v3, v18;
	v22 =	vbroadcast v22, $0x0;
	v27 =	vshrl.u32 v27, $0x3;
	v19 =	vld [tilespmem:s25+$0xFFFFFE30];
	[tilespmem:v26+s24+$0x0] =	vst.idx.msk $0xffff, v24  }
0x1a6: {  	v18 =	vor.u32 v4, v18;
	v26 =	vshll.u32 v27, v1;
	v27 =	vmov s2;
	v24 =	vld [tilespmem:s25+$0xFFFFFE40];
	[tilespmem:v31+s24+$0x0] =	vst.idx.msk $0xffff, v30  }
0x1a7: {  	s2 =	sadd.s32 $0x5, s28;
	v31 =	vor.u32 v5, v22;
	v26 =	vbroadcast v26, $0x0;
	v27 =	vshrl.u32 v27, $0x3;
	v30 =	vld [tilespmem:s25+$0xFFFFFE50];
	[tilespmem:v28+s24+$0x0] =	vst.idx.msk $0xffff, v29  }
0x1a8: {  	v22 =	vor.u32 v6, v22;
	[tilespmem:v25+s24+$0x0] =	vst.idx.msk $0xffff, v20;
	v20 =	vld [tilespmem:s25+$0xFFFFFE60];
	v25 =	vshll.u32 v27, v1;
	v27 =	vmov s2  }
0x1a9: {  	s2 =	sadd.s32 $0x6, s28;
	[tilespmem:v21+s24+$0x0] =	vst.idx.msk $0xffff, v17;
	v17 =	vld [tilespmem:s25+$0xFFFFFE70];
	v21 =	vor.u32 v7, v26;
	v25 =	vbroadcast v25, $0x0;
	v27 =	vshrl.u32 v27, $0x3  }
0x1aa: {  	[tilespmem:v23+s24+$0x0] =	vst.idx.msk $0xffff, v19;
	v19 =	vld [tilespmem:s25+$0xFFFFFE80];
	v23 =	vor.u32 v8, v26;
	v26 =	vshll.u32 v27, v1;
	v27 =	vmov s2  }
0x1ab: {  	s2 =	sadd.s32 $0x7, s28;
	[tilespmem:v18+s24+$0x0] =	vst.idx.msk $0xffff, v24;
	v18 =	vld [tilespmem:s25+$0xFFFFFE90];
	v24 =	vor.u32 v9, v25;
	v26 =	vbroadcast v26, $0x0;
	v27 =	vshrl.u32 v27, $0x3  }
0x1ac: {  	v25 =	vor.u32 v10, v25;
	v29 =	vmov s2;
	[tilespmem:v31+s24+$0x0] =	vst.idx.msk $0xffff, v30;
	v28 =	vld [tilespmem:s25+$0xFFFFFEA0];
	v27 =	vshll.u32 v27, v1  }
0x1ad: {  	s2 =	sadd.s32 $0x8, s28;
	v29 =	vshrl.u32 v29, $0x3;
	[tilespmem:v22+s24+$0x0] =	vst.idx.msk $0xffff, v20;
	v20 =	vld [tilespmem:s25+$0xFFFFFEB0];
	v22 =	vor.u32 v11, v26;
	v27 =	vbroadcast v27, $0x0  }
0x1ae: {  	[tilespmem:v21+s24+$0x0] =	vst.idx.msk $0xffff, v17;
	v17 =	vld [tilespmem:s25+$0xFFFFFEC0];
	v21 =	vor.u32 v12, v26;
	v26 =	vshll.u32 v29, v1;
	v29 =	vmov s2  }
0x1af: {  	s2 =	sadd.s32 $0x9, s28;
	[tilespmem:v23+s24+$0x0] =	vst.idx.msk $0xffff, v19;
	v19 =	vld [tilespmem:s25+$0xFFFFFED0];
	v23 =	vor.u32 v13, v27;
	v26 =	vbroadcast v26, $0x0;
	v29 =	vshrl.u32 v29, $0x3  }
0x1b0: {  	[tilespmem:v24+s24+$0x0] =	vst.idx.msk $0xffff, v18;
	v18 =	vld [tilespmem:s25+$0xFFFFFEE0];
	v24 =	vor.u32 v14, v27;
	v27 =	vshll.u32 v29, v1;
	v29 =	vmov s2  }
0x1b1: {  	s2 =	sadd.s32 $0xA, s28;
	[tilespmem:v25+s24+$0x0] =	vst.idx.msk $0xffff, v28;
	v25 =	vld [tilespmem:s25+$0xFFFFFEF0];
	v28 =	vor.u32 v15, v26;
	v27 =	vbroadcast v27, $0x0;
	v29 =	vshrl.u32 v29, $0x3  }
0x1b2: {  	[tilespmem:v22+s24+$0x0] =	vst.idx.msk $0xffff, v20;
	v20 =	vld [tilespmem:s25+$0xFFFFFF00];
	v22 =	vor.u32 v16, v26;
	v26 =	vshll.u32 v29, v1;
	v29 =	vmov s2  }
0x1b3: {  	s2 =	sadd.s32 $0xB, s28;
	[tilespmem:v21+s24+$0x0] =	vst.idx.msk $0xffff, v17;
	v17 =	vld [tilespmem:s25+$0xFFFFFF10];
	v21 =	vor.u32 v0, v27;
	v26 =	vbroadcast v26, $0x0;
	v29 =	vshrl.u32 v29, $0x3  }
0x1b4: {  	[tilespmem:v23+s24+$0x0] =	vst.idx.msk $0xffff, v19;
	v19 =	vld [tilespmem:s25+$0xFFFFFF20];
	v23 =	vor.u32 v2, v27;
	v27 =	vshll.u32 v29, v1;
	v29 =	vmov s2  }
0x1b5: {  	s2 =	sadd.s32 $0xC, s28;
	[tilespmem:v24+s24+$0x0] =	vst.idx.msk $0xffff, v18;
	v18 =	vld [tilespmem:s25+$0xFFFFFF30];
	v24 =	vor.u32 v3, v26;
	v27 =	vbroadcast v27, $0x0;
	v29 =	vshrl.u32 v29, $0x3  }
0x1b6: {  	v26 =	vor.u32 v4, v26;
	[tilespmem:v28+s24+$0x0] =	vst.idx.msk $0xffff, v25;
	v28 =	vld [tilespmem:s25+$0xFFFFFF40];
	v25 =	vshll.u32 v29, v1;
	v29 =	vmov s2  }
0x1b7: {  	s2 =	sadd.s32 $0xD, s28;
	[tilespmem:v22+s24+$0x0] =	vst.idx.msk $0xffff, v20;
	v22 =	vld [tilespmem:s25+$0xFFFFFF50];
	v30 =	vor.u32 v5, v27;
	v31 =	vbroadcast v25, $0x0;
	v29 =	vshrl.u32 v29, $0x3  }
.Ltmp3:
0x1b8: {  	v25 =	vor.u32 v6, v27;
	[tilespmem:v21+s24+$0x0] =	vst.idx.msk $0xffff, v17;
	v20 =	vld [tilespmem:s25+$0xFFFFFF60];
	v27 =	vshll.u32 v29, v1;
	v29 =	vmov s2;
	(pc) =	sbr.rel @p1 .LBB2_9-.Ltmp3, $4  }
0x1b9: {  	s2 =	sadd.s32 $0xE, s28;
	s28 =	smov.u32 s29;
	[tilespmem:v23+s24+$0x0] =	vst.idx.msk $0xffff, v19;
	v17 =	vld [tilespmem:s25+$0xFFFFFF70];
	v21 =	vor.u32 v7, v31;
	v32 =	vbroadcast v27, $0x0;
	v27 =	vshrl.u32 v29, $0x3  }
0x1ba: {  	v23 =	vor.u32 v8, v31;
	v29 =	vmov s2;
	[tilespmem:v24+s24+$0x0] =	vst.idx.msk $0xffff, v18;
	v19 =	vld [tilespmem:s25+$0xFFFFFF80];
	v18 =	vshll.u32 v27, v1  }
0x1bb: {  	s2 =	sadd.s32 $0xF, s29;
	v29 =	vshrl.u32 v29, $0x3;
	[tilespmem:v26+s24+$0x0] =	vst.idx.msk $0xffff, v28;
	v24 =	vld [tilespmem:s25+$0xFFFFFF90];
	v26 =	vor.u32 v9, v32;
	v27 =	vbroadcast v18, $0x0  }
0x1bc: {  	s29 =	sadd.s32 $0x10, s29;
	v28 =	vmov s2;
	v29 =	vshll.u32 v29, v1;
	[tilespmem:v30+s24+$0x0] =	vst.idx.msk $0xffff, v22;
	v18 =	vld [tilespmem:s25+$0xFFFFFFA0];
	v22 =	vor.u32 v10, v32  }
0x1bd: {  	_ =	sdelay $0x3  }
0x1be: {  	v28 =	vshrl.u32 v28, $0x3;
	[tilespmem:v25+s24+$0x0] =	vst.idx.msk $0xffff, v20;
	v20 =	vld [tilespmem:s25+$0xFFFFFFB0];
	v25 =	vor.u32 v11, v27;
	v29 =	vbroadcast v29, $0x0  }
0x1bf: {  	v30 =	vmov s28;
	v28 =	vshll.u32 v28, v1;
	[tilespmem:v21+s24+$0x0] =	vst.idx.msk $0xffff, v17;
	v17 =	vld [tilespmem:s25+$0xFFFFFFC0];
	v21 =	vor.u32 v12, v27  }
0x1c0: {  	s2 =	sadd.s32 $0x1, s28;
	v27 =	vshrl.u32 v30, $0x3;
	v28 =	vbroadcast v28, $0x0;
	[tilespmem:v23+s24+$0x0] =	vst.idx.msk $0xffff, v19;
	v19 =	vld [tilespmem:s25+$0xFFFFFFD0];
	v23 =	vor.u32 v13, v29  }
0x1c1: {  	v30 =	vmov s2;
	v27 =	vshll.u32 v27, v1;
	[tilespmem:v26+s24+$0x0] =	vst.idx.msk $0xffff, v24;
	v24 =	vld [tilespmem:s25+$0xFFFFFFE0];
	v26 =	vor.u32 v14, v29;
	s25 =	sadd.s32 $0x200, s25  }
0x1c2: {  	s29 =	sadd.s32 $0x2, s28;
	v27 =	vbroadcast v27, $0x0;
	v29 =	vshrl.u32 v30, $0x3;
	v30 =	vld [tilespmem:s25+$0xFFFFFFF0];
	v31 =	vor.u32 v15, v28;
	[tilespmem:v22+s24+$0x0] =	vst.idx.msk $0xffff, v18  }
0x1c3: {  	v18 =	vshll.u32 v29, v1;
	v22 =	vmov s29;
	v29 =	vld [tilespmem:s25+$0x0];
	v28 =	vor.u32 v16, v28;
	[tilespmem:v25+s24+$0x0] =	vst.idx.msk $0xffff, v20  }
0x1c4: {  	s29 =	sadd.s32 $0x3, s28;
	v20 =	vld [tilespmem:s25+$0xFFFFFE10];
	v25 =	vor.u32 v0, v27;
	v18 =	vbroadcast v18, $0x0;
	v22 =	vshrl.u32 v22, $0x3;
	[tilespmem:v21+s24+$0x0] =	vst.idx.msk $0xffff, v17  }
0x1c5: {  	v17 =	vld [tilespmem:s25+$0xFFFFFE20];
	v21 =	vor.u32 v2, v27;
	v22 =	vshll.u32 v22, v1;
	v27 =	vmov s29;
	[tilespmem:v23+s24+$0x0] =	vst.idx.msk $0xffff, v19  }
0x1c6: {  	s29 =	sadd.s32 $0x4, s28;
	v19 =	vld [tilespmem:s25+$0xFFFFFE30];
	v23 =	vor.u32 v3, v18;
	v22 =	vbroadcast v22, $0x0;
	v27 =	vshrl.u32 v27, $0x3;
	[tilespmem:v26+s24+$0x0] =	vst.idx.msk $0xffff, v24  }
0x1c7: {  	v18 =	vor.u32 v4, v18;
	v24 =	vld [tilespmem:s25+$0xFFFFFE40];
	v26 =	vshll.u32 v27, v1;
	v27 =	vmov s29;
	[tilespmem:v31+s24+$0x0] =	vst.idx.msk $0xffff, v30  }
0x1c8: {  	s29 =	sadd.s32 $0x5, s28;
	v30 =	vld [tilespmem:s25+$0xFFFFFE50];
	v31 =	vor.u32 v5, v22;
	v26 =	vbroadcast v26, $0x0;
	v27 =	vshrl.u32 v27, $0x3;
	[tilespmem:v28+s24+$0x0] =	vst.idx.msk $0xffff, v29  }
0x1c9: {  	v22 =	vor.u32 v6, v22;
	[tilespmem:v25+s24+$0x0] =	vst.idx.msk $0xffff, v20;
	v20 =	vld [tilespmem:s25+$0xFFFFFE60];
	v25 =	vshll.u32 v27, v1;
	v27 =	vmov s29  }
0x1ca: {  	s29 =	sadd.s32 $0x6, s28;
	[tilespmem:v21+s24+$0x0] =	vst.idx.msk $0xffff, v17;
	v17 =	vld [tilespmem:s25+$0xFFFFFE70];
	v21 =	vor.u32 v7, v26;
	v25 =	vbroadcast v25, $0x0;
	v27 =	vshrl.u32 v27, $0x3  }
0x1cb: {  	[tilespmem:v23+s24+$0x0] =	vst.idx.msk $0xffff, v19;
	v19 =	vld [tilespmem:s25+$0xFFFFFE80];
	v23 =	vor.u32 v8, v26;
	v26 =	vshll.u32 v27, v1;
	v27 =	vmov s29  }
0x1cc: {  	s29 =	sadd.s32 $0x7, s28;
	[tilespmem:v18+s24+$0x0] =	vst.idx.msk $0xffff, v24;
	v18 =	vld [tilespmem:s25+$0xFFFFFE90];
	v24 =	vor.u32 v9, v25;
	v26 =	vbroadcast v26, $0x0;
	v27 =	vshrl.u32 v27, $0x3  }
0x1cd: {  	v28 =	vld [tilespmem:s25+$0xFFFFFEA0];
	v25 =	vor.u32 v10, v25;
	v29 =	vmov s29;
	[tilespmem:v31+s24+$0x0] =	vst.idx.msk $0xffff, v30;
	v27 =	vshll.u32 v27, v1  }
0x1ce: {  	s29 =	sadd.s32 $0x8, s28;
	v29 =	vshrl.u32 v29, $0x3;
	[tilespmem:v22+s24+$0x0] =	vst.idx.msk $0xffff, v20;
	v20 =	vld [tilespmem:s25+$0xFFFFFEB0];
	v22 =	vor.u32 v11, v26;
	v27 =	vbroadcast v27, $0x0  }
0x1cf: {  	[tilespmem:v21+s24+$0x0] =	vst.idx.msk $0xffff, v17;
	v17 =	vld [tilespmem:s25+$0xFFFFFEC0];
	v21 =	vor.u32 v12, v26;
	v26 =	vshll.u32 v29, v1;
	v29 =	vmov s29  }
0x1d0: {  	s29 =	sadd.s32 $0x9, s28;
	[tilespmem:v23+s24+$0x0] =	vst.idx.msk $0xffff, v19;
	v19 =	vld [tilespmem:s25+$0xFFFFFED0];
	v23 =	vor.u32 v13, v27;
	v26 =	vbroadcast v26, $0x0;
	v29 =	vshrl.u32 v29, $0x3  }
0x1d1: {  	[tilespmem:v24+s24+$0x0] =	vst.idx.msk $0xffff, v18;
	v18 =	vld [tilespmem:s25+$0xFFFFFEE0];
	v24 =	vor.u32 v14, v27;
	v27 =	vshll.u32 v29, v1;
	v29 =	vmov s29  }
0x1d2: {  	s29 =	sadd.s32 $0xA, s28;
	[tilespmem:v25+s24+$0x0] =	vst.idx.msk $0xffff, v28;
	v25 =	vld [tilespmem:s25+$0xFFFFFEF0];
	v28 =	vor.u32 v15, v26;
	v27 =	vbroadcast v27, $0x0;
	v29 =	vshrl.u32 v29, $0x3  }
0x1d3: {  	[tilespmem:v22+s24+$0x0] =	vst.idx.msk $0xffff, v20;
	v20 =	vld [tilespmem:s25+$0xFFFFFF00];
	v22 =	vor.u32 v16, v26;
	v26 =	vshll.u32 v29, v1;
	v29 =	vmov s29  }
0x1d4: {  	s29 =	sadd.s32 $0xB, s28;
	[tilespmem:v21+s24+$0x0] =	vst.idx.msk $0xffff, v17;
	v17 =	vld [tilespmem:s25+$0xFFFFFF10];
	v21 =	vor.u32 v0, v27;
	v26 =	vbroadcast v26, $0x0;
	v29 =	vshrl.u32 v29, $0x3  }
0x1d5: {  	[tilespmem:v23+s24+$0x0] =	vst.idx.msk $0xffff, v19;
	v19 =	vld [tilespmem:s25+$0xFFFFFF20];
	v23 =	vor.u32 v2, v27;
	v27 =	vshll.u32 v29, v1;
	v29 =	vmov s29  }
0x1d6: {  	s29 =	sadd.s32 $0xC, s28;
	[tilespmem:v24+s24+$0x0] =	vst.idx.msk $0xffff, v18;
	v18 =	vld [tilespmem:s25+$0xFFFFFF30];
	v24 =	vor.u32 v3, v26;
	v27 =	vbroadcast v27, $0x0;
	v29 =	vshrl.u32 v29, $0x3  }
0x1d7: {  	v26 =	vor.u32 v4, v26;
	[tilespmem:v28+s24+$0x0] =	vst.idx.msk $0xffff, v25;
	v25 =	vld [tilespmem:s25+$0xFFFFFF40];
	v28 =	vshll.u32 v29, v1;
	v29 =	vmov s29  }
0x1d8: {  	s29 =	sadd.s32 $0xD, s28;
	[tilespmem:v22+s24+$0x0] =	vst.idx.msk $0xffff, v20;
	v20 =	vld [tilespmem:s25+$0xFFFFFF50];
	v22 =	vor.u32 v5, v27;
	v28 =	vbroadcast v28, $0x0;
	v29 =	vshrl.u32 v29, $0x3  }
0x1d9: {  	[tilespmem:v21+s24+$0x0] =	vst.idx.msk $0xffff, v17;
	v17 =	vld [tilespmem:s25+$0xFFFFFF60];
	v21 =	vor.u32 v6, v27;
	v27 =	vshll.u32 v29, v1;
	v29 =	vmov s29  }
0x1da: {  	s29 =	sadd.s32 $0xE, s28;
	[tilespmem:v23+s24+$0x0] =	vst.idx.msk $0xffff, v19;
	v19 =	vld [tilespmem:s25+$0xFFFFFF70];
	v23 =	vor.u32 v7, v28;
	v27 =	vbroadcast v27, $0x0;
	v29 =	vshrl.u32 v29, $0x3  }
0x1db: {  	[tilespmem:v24+s24+$0x0] =	vst.idx.msk $0xffff, v18;
	v18 =	vld [tilespmem:s25+$0xFFFFFF80];
	v24 =	vor.u32 v8, v28;
	v28 =	vshll.u32 v29, v1;
	v29 =	vmov s29  }
0x1dc: {  	[tilespmem:v26+s24+$0x0] =	vst.idx.msk $0xffff, v25;
	v25 =	vld [tilespmem:s25+$0xFFFFFF90];
	v26 =	vor.u32 v9, v27;
	v28 =	vbroadcast v28, $0x0;
	v29 =	vshrl.u32 v29, $0x3  }
0x1dd: {  	[tilespmem:v22+s24+$0x0] =	vst.idx.msk $0xffff, v20;
	v20 =	vld [tilespmem:s25+$0xFFFFFFA0];
	v22 =	vor.u32 v10, v27;
	v27 =	vshll.u32 v29, v1  }
0x1de: {  	[tilespmem:v21+s24+$0x0] =	vst.idx.msk $0xffff, v17;
	v17 =	vld [tilespmem:s25+$0xFFFFFFB0];
	v21 =	vor.u32 v11, v28;
	v27 =	vbroadcast v27, $0x0  }
0x1df: {  	[tilespmem:v23+s24+$0x0] =	vst.idx.msk $0xffff, v19;
	v19 =	vld [tilespmem:s25+$0xFFFFFFC0];
	v23 =	vor.u32 v12, v28  }
0x1e0: {  	[tilespmem:v24+s24+$0x0] =	vst.idx.msk $0xffff, v18;
	v18 =	vld [tilespmem:s25+$0xFFFFFFD0];
	v24 =	vor.u32 v13, v27  }
0x1e1: {  	[tilespmem:v26+s24+$0x0] =	vst.idx.msk $0xffff, v25;
	v25 =	vld [tilespmem:s25+$0xFFFFFFE0];
	v26 =	vor.u32 v14, v27  }
0x1e2: {  	[tilespmem:v22+s24+$0x0] =	vst.idx.msk $0xffff, v20  }
0x1e3: {  	[tilespmem:v21+s24+$0x0] =	vst.idx.msk $0xffff, v17  }
0x1e4: {  	[tilespmem:v23+s24+$0x0] =	vst.idx.msk $0xffff, v19  }
0x1e5: {  	s29 =	sor.u32 s9, s21;
	[tilespmem:v24+s24+$0x0] =	vst.idx.msk $0xffff, v18  }
0x1e6: {  	s23 =	sadd.s32 $0x580, s23;
	s2 =	sshrl.u32 s29, $0x3;
	s25 =	simm.s32 $0x9400;
	[tilespmem:v26+s24+$0x0] =	vst.idx.msk $0xffff, v25  }
0x1e7: {  	[tilespmem:s25], [sflag:$0x4] =	stream.indirect.gather [hbm4b:s4+s14], $0x20, s23, s14, $0xb8;
	[tilespmem:$0x16400] =	vst v63  }
0x1e8: {  	s2 =	sadd.s32 s1, s2  }
0x1e9: {  	[hbm4b:s2+s31] =	stream.strided.scatter [tilespmem:s24], [sflag:$0xC], $0x1000, s0, s31, $0x38;
	[tilespmem:$0x16400] =	vst v63  }
0x1ea: {  	s23 =	simm.s32 $0xF;
	_ =	swait.ge [sflag:s26], $0x1000  }
0x1eb: {  	s25 =	simm.s32 $0x0;
	v17 =	vmov s23;
	[sflag:s26] =	ssyncset.done $0x0  }
0x1ec: {  	v18 =	vmov s25;
	s2 =	simm.s32 @!p0 $0xD;
	v17 =	vshrl.u32 v17, $0x3;
	[sflag:s26] =	ssyncadd.s32 $0xFFFFF000  }
0x1ed: {  	v18 =	vshrl.u32 v18, $0x3;
	v17 =	vshll.u32 v17, v1;
	_ =	swait.ge @!p0 [sflag:s2], $0x1000  }
0x1ee: {  	s29 =	simm.s32 $0x1;
	v18 =	vshll.u32 v18, v1;
	v17 =	vbroadcast v17, $0x0;
	[sflag:s2] =	ssyncset.done @!p0 $0x0  }
0x1ef: {  	v19 =	vmov s29;
	s23 =	simm.s32 $0xA5F0;
	v18 =	vbroadcast v18, $0x0;
	[sflag:s2] =	ssyncadd.s32 @!p0 $0xFFFFF000  }
0x1f0: {  	v19 =	vshrl.u32 v19, $0x3;
	s25 =	simm.s32 $0x2;
	v21 =	vor.u32 v15, v17;
	v20 =	vld [tilespmem:s23+$0xFFFFFFF0]  }
0x1f1: {  	v19 =	vshll.u32 v19, v1;
	v22 =	vmov s25;
	v25 =	vor.u32 v0, v18;
	v24 =	vld [tilespmem:s23+$0xFFFFFE10]  }
0x1f2: {  	s29 =	simm.s32 $0x3;
	v19 =	vbroadcast v19, $0x0;
	v22 =	vshrl.u32 v22, $0x3;
	v17 =	vor.u32 v16, v17;
	v23 =	vld [tilespmem:s23+$0x0]  }
0x1f3: {  	v27 =	vmov s29;
	v22 =	vshll.u32 v22, v1;
	v18 =	vor.u32 v2, v18;
	v26 =	vld [tilespmem:s23+$0xFFFFFE20]  }
0x1f4: {  	v27 =	vshrl.u32 v27, $0x3;
	v29 =	vor.u32 v3, v19;
	s25 =	simm.s32 $0x4;
	v22 =	vbroadcast v22, $0x0;
	v28 =	vld [tilespmem:s23+$0xFFFFFE30]  }
0x1f5: {  	v27 =	vshll.u32 v27, v1;
	v19 =	vor.u32 v4, v19;
	v31 =	vmov s25;
	v30 =	vld [tilespmem:s23+$0xFFFFFE40];
	[tilespmem:v21+s11+$0x0] =	vst.idx.msk $0xffff, v20  }
0x1f6: {  	s29 =	simm.s32 $0x5;
	v27 =	vbroadcast v27, $0x0;
	v31 =	vshrl.u32 v31, $0x3;
	v20 =	vld [tilespmem:s23+$0xFFFFFE50];
	v21 =	vor.u32 v5, v22;
	[tilespmem:v25+s11+$0x0] =	vst.idx.msk $0xffff, v24  }
0x1f7: {  	v22 =	vor.u32 v6, v22;
	v24 =	vmov s29;
	[tilespmem:v17+s11+$0x0] =	vst.idx.msk $0xffff, v23;
	v17 =	vld [tilespmem:s23+$0xFFFFFE60];
	v23 =	vshll.u32 v31, v1  }
0x1f8: {  	s25 =	simm.s32 $0x6;
	v25 =	vor.u32 v7, v27;
	[tilespmem:v18+s11+$0x0] =	vst.idx.msk $0xffff, v26;
	v18 =	vld [tilespmem:s23+$0xFFFFFE70];
	v24 =	vshrl.u32 v24, $0x3;
	v23 =	vbroadcast v23, $0x0  }
0x1f9: {  	[tilespmem:v29+s11+$0x0] =	vst.idx.msk $0xffff, v28;
	v27 =	vor.u32 v8, v27;
	v28 =	vmov s25;
	v26 =	vld [tilespmem:s23+$0xFFFFFE80];
	v24 =	vshll.u32 v24, v1  }
0x1fa: {  	s29 =	simm.s32 $0x7;
	[tilespmem:v19+s11+$0x0] =	vst.idx.msk $0xffff, v30;
	v19 =	vld [tilespmem:s23+$0xFFFFFE90];
	v28 =	vshrl.u32 v28, $0x3;
	v24 =	vbroadcast v24, $0x0;
	v29 =	vor.u32 v9, v23  }
0x1fb: {  	[tilespmem:v21+s11+$0x0] =	vst.idx.msk $0xffff, v20;
	v20 =	vld [tilespmem:s23+$0xFFFFFEA0];
	v21 =	vor.u32 v10, v23;
	v23 =	vshll.u32 v28, v1;
	v28 =	vmov s29  }
0x1fc: {  	s25 =	simm.s32 $0x8;
	[tilespmem:v22+s11+$0x0] =	vst.idx.msk $0xffff, v17;
	v17 =	vld [tilespmem:s23+$0xFFFFFEB0];
	v22 =	vor.u32 v11, v24;
	v23 =	vbroadcast v23, $0x0;
	v28 =	vshrl.u32 v28, $0x3  }
0x1fd: {  	[tilespmem:v25+s11+$0x0] =	vst.idx.msk $0xffff, v18;
	v18 =	vld [tilespmem:s23+$0xFFFFFEC0];
	v24 =	vor.u32 v12, v24;
	v25 =	vshll.u32 v28, v1;
	v28 =	vmov s25  }
0x1fe: {  	s29 =	simm.s32 $0x9;
	[tilespmem:v27+s11+$0x0] =	vst.idx.msk $0xffff, v26;
	v26 =	vld [tilespmem:s23+$0xFFFFFED0];
	v27 =	vor.u32 v13, v23;
	v25 =	vbroadcast v25, $0x0;
	v28 =	vshrl.u32 v28, $0x3  }
0x1ff: {  	v23 =	vor.u32 v14, v23;
	[tilespmem:v29+s11+$0x0] =	vst.idx.msk $0xffff, v19;
	v19 =	vld [tilespmem:s23+$0xFFFFFEE0];
	v28 =	vshll.u32 v28, v1;
	v29 =	vmov s29  }
0x200: {  	s25 =	simm.s32 $0xA;
	[tilespmem:v21+s11+$0x0] =	vst.idx.msk $0xffff, v20;
	v20 =	vld [tilespmem:s23+$0xFFFFFEF0];
	v21 =	vor.u32 v15, v25;
	v28 =	vbroadcast v28, $0x0;
	v29 =	vshrl.u32 v29, $0x3  }
0x201: {  	[tilespmem:v22+s11+$0x0] =	vst.idx.msk $0xffff, v17;
	v17 =	vld [tilespmem:s23+$0xFFFFFF00];
	v22 =	vor.u32 v16, v25;
	v25 =	vshll.u32 v29, v1;
	v29 =	vmov s25  }
0x202: {  	s29 =	simm.s32 $0xB;
	[tilespmem:v24+s11+$0x0] =	vst.idx.msk $0xffff, v18;
	v18 =	vld [tilespmem:s23+$0xFFFFFF10];
	v24 =	vor.u32 v0, v28;
	v25 =	vbroadcast v25, $0x0;
	v29 =	vshrl.u32 v29, $0x3  }
0x203: {  	[tilespmem:v27+s11+$0x0] =	vst.idx.msk $0xffff, v26;
	v26 =	vld [tilespmem:s23+$0xFFFFFF20];
	v27 =	vor.u32 v2, v28;
	v28 =	vshll.u32 v29, v1;
	v29 =	vmov s29  }
0x204: {  	s25 =	simm.s32 $0xC;
	[tilespmem:v23+s11+$0x0] =	vst.idx.msk $0xffff, v19;
	v19 =	vld [tilespmem:s23+$0xFFFFFF30];
	v23 =	vor.u32 v3, v25;
	v28 =	vbroadcast v28, $0x0;
	v29 =	vshrl.u32 v29, $0x3  }
0x205: {  	v30 =	vld [tilespmem:s23+$0xFFFFFF40];
	v31 =	vor.u32 v4, v25;
	[tilespmem:v21+s11+$0x0] =	vst.idx.msk $0xffff, v20;
	v20 =	vshll.u32 v29, v1;
	v21 =	vmov s25  }
0x206: {  	s29 =	simm.s32 $0xD;
	v29 =	vld [tilespmem:s23+$0xFFFFFF50];
	[tilespmem:v22+s11+$0x0] =	vst.idx.msk $0xffff, v17;
	v32 =	vor.u32 v5, v28;
	v22 =	vbroadcast v20, $0x0;
	v17 =	vshrl.u32 v21, $0x3  }
0x207: {  	v20 =	vld [tilespmem:s23+$0xFFFFFF60];
	v25 =	vor.u32 v6, v28;
	[tilespmem:v24+s11+$0x0] =	vst.idx.msk $0xffff, v18;
	v18 =	vshll.u32 v17, v1;
	v24 =	vmov s29  }
0x208: {  	s25 =	simm.s32 $0xE;
	v17 =	vld [tilespmem:s23+$0xFFFFFF70];
	[tilespmem:v27+s11+$0x0] =	vst.idx.msk $0xffff, v26;
	v21 =	vor.u32 v7, v22;
	v33 =	vbroadcast v18, $0x0;
	v24 =	vshrl.u32 v24, $0x3  }
0x209: {  	v18 =	vld [tilespmem:s23+$0xFFFFFF80];
	v22 =	vor.u32 v8, v22;
	[tilespmem:v23+s11+$0x0] =	vst.idx.msk $0xffff, v19;
	v19 =	vshll.u32 v24, v1;
	v24 =	vmov s25  }
0x20a: {  	s29 =	simm.s32 $0x1F;
	v23 =	vld [tilespmem:s23+$0xFFFFFF90];
	[tilespmem:v31+s11+$0x0] =	vst.idx.msk $0xffff, v30;
	v26 =	vor.u32 v9, v33;
	v27 =	vbroadcast v19, $0x0;
	v30 =	vshrl.u32 v24, $0x3  }
0x20b: {  	s20 =	smin.u32 s20, $0x2E;
	s28 =	simm.s32 $0x20;
	v28 =	vmov s29;
	s25 =	simm.s32 $0x10;
	v19 =	vld [tilespmem:s23+$0xFFFFFFA0];
	v24 =	vor.u32 v10, v33;
	[tilespmem:v32+s11+$0x0] =	vst.idx.msk $0xffff, v29;
	v29 =	vshll.u32 v30, v1  }
.LBB2_11:
0x20c: {  	p1 =	slt.u32 s28, $0x70;
	v28 =	vshrl.u32 v28, $0x3;
	[tilespmem:v25+s11+$0x0] =	vst.idx.msk $0xffff, v20;
	v20 =	vld [tilespmem:s23+$0xFFFFFFB0];
	v25 =	vor.u32 v11, v27;
	v29 =	vbroadcast v29, $0x0  }
0x20d: {  	v30 =	vmov s25;
	v28 =	vshll.u32 v28, v1;
	[tilespmem:v21+s11+$0x0] =	vst.idx.msk $0xffff, v17;
	v17 =	vld [tilespmem:s23+$0xFFFFFFC0];
	v21 =	vor.u32 v12, v27  }
0x20e: {  	s2 =	sadd.s32 $0x1, s25;
	v27 =	vshrl.u32 v30, $0x3;
	v28 =	vbroadcast v28, $0x0;
	[tilespmem:v22+s11+$0x0] =	vst.idx.msk $0xffff, v18;
	v18 =	vld [tilespmem:s23+$0xFFFFFFD0];
	v22 =	vor.u32 v13, v29  }
0x20f: {  	v30 =	vmov s2;
	v27 =	vshll.u32 v27, v1;
	[tilespmem:v26+s11+$0x0] =	vst.idx.msk $0xffff, v23;
	v23 =	vld [tilespmem:s23+$0xFFFFFFE0];
	v26 =	vor.u32 v14, v29;
	s23 =	sadd.s32 $0x200, s23  }
0x210: {  	s2 =	sadd.s32 $0x2, s25;
	v27 =	vbroadcast v27, $0x0;
	v29 =	vshrl.u32 v30, $0x3;
	v30 =	vld [tilespmem:s23+$0xFFFFFFF0];
	v31 =	vor.u32 v15, v28;
	[tilespmem:v24+s11+$0x0] =	vst.idx.msk $0xffff, v19  }
0x211: {  	v19 =	vshll.u32 v29, v1;
	v24 =	vmov s2;
	v28 =	vor.u32 v16, v28;
	v29 =	vld [tilespmem:s23+$0x0];
	[tilespmem:v25+s11+$0x0] =	vst.idx.msk $0xffff, v20  }
0x212: {  	s2 =	sadd.s32 $0x3, s25;
	v25 =	vor.u32 v0, v27;
	v19 =	vbroadcast v19, $0x0;
	v24 =	vshrl.u32 v24, $0x3;
	v20 =	vld [tilespmem:s23+$0xFFFFFE10];
	[tilespmem:v21+s11+$0x0] =	vst.idx.msk $0xffff, v17  }
0x213: {  	v21 =	vor.u32 v2, v27;
	v24 =	vshll.u32 v24, v1;
	v27 =	vmov s2;
	v17 =	vld [tilespmem:s23+$0xFFFFFE20];
	[tilespmem:v22+s11+$0x0] =	vst.idx.msk $0xffff, v18  }
0x214: {  	s2 =	sadd.s32 $0x4, s25;
	v22 =	vor.u32 v3, v19;
	v24 =	vbroadcast v24, $0x0;
	v27 =	vshrl.u32 v27, $0x3;
	v18 =	vld [tilespmem:s23+$0xFFFFFE30];
	[tilespmem:v26+s11+$0x0] =	vst.idx.msk $0xffff, v23  }
0x215: {  	v19 =	vor.u32 v4, v19;
	v26 =	vshll.u32 v27, v1;
	v27 =	vmov s2;
	v23 =	vld [tilespmem:s23+$0xFFFFFE40];
	[tilespmem:v31+s11+$0x0] =	vst.idx.msk $0xffff, v30  }
0x216: {  	s2 =	sadd.s32 $0x5, s25;
	v31 =	vor.u32 v5, v24;
	v26 =	vbroadcast v26, $0x0;
	v27 =	vshrl.u32 v27, $0x3;
	v30 =	vld [tilespmem:s23+$0xFFFFFE50];
	[tilespmem:v28+s11+$0x0] =	vst.idx.msk $0xffff, v29  }
0x217: {  	v24 =	vor.u32 v6, v24;
	[tilespmem:v25+s11+$0x0] =	vst.idx.msk $0xffff, v20;
	v20 =	vld [tilespmem:s23+$0xFFFFFE60];
	v25 =	vshll.u32 v27, v1;
	v27 =	vmov s2  }
0x218: {  	s2 =	sadd.s32 $0x6, s25;
	[tilespmem:v21+s11+$0x0] =	vst.idx.msk $0xffff, v17;
	v17 =	vld [tilespmem:s23+$0xFFFFFE70];
	v21 =	vor.u32 v7, v26;
	v25 =	vbroadcast v25, $0x0;
	v27 =	vshrl.u32 v27, $0x3  }
0x219: {  	[tilespmem:v22+s11+$0x0] =	vst.idx.msk $0xffff, v18;
	v18 =	vld [tilespmem:s23+$0xFFFFFE80];
	v22 =	vor.u32 v8, v26;
	v26 =	vshll.u32 v27, v1;
	v27 =	vmov s2  }
0x21a: {  	s2 =	sadd.s32 $0x7, s25;
	[tilespmem:v19+s11+$0x0] =	vst.idx.msk $0xffff, v23;
	v19 =	vld [tilespmem:s23+$0xFFFFFE90];
	v23 =	vor.u32 v9, v25;
	v26 =	vbroadcast v26, $0x0;
	v27 =	vshrl.u32 v27, $0x3  }
0x21b: {  	v25 =	vor.u32 v10, v25;
	v29 =	vmov s2;
	[tilespmem:v31+s11+$0x0] =	vst.idx.msk $0xffff, v30;
	v28 =	vld [tilespmem:s23+$0xFFFFFEA0];
	v27 =	vshll.u32 v27, v1  }
0x21c: {  	s2 =	sadd.s32 $0x8, s25;
	v29 =	vshrl.u32 v29, $0x3;
	[tilespmem:v24+s11+$0x0] =	vst.idx.msk $0xffff, v20;
	v20 =	vld [tilespmem:s23+$0xFFFFFEB0];
	v24 =	vor.u32 v11, v26;
	v27 =	vbroadcast v27, $0x0  }
0x21d: {  	[tilespmem:v21+s11+$0x0] =	vst.idx.msk $0xffff, v17;
	v17 =	vld [tilespmem:s23+$0xFFFFFEC0];
	v21 =	vor.u32 v12, v26;
	v26 =	vshll.u32 v29, v1;
	v29 =	vmov s2  }
0x21e: {  	s2 =	sadd.s32 $0x9, s25;
	[tilespmem:v22+s11+$0x0] =	vst.idx.msk $0xffff, v18;
	v18 =	vld [tilespmem:s23+$0xFFFFFED0];
	v22 =	vor.u32 v13, v27;
	v26 =	vbroadcast v26, $0x0;
	v29 =	vshrl.u32 v29, $0x3  }
0x21f: {  	[tilespmem:v23+s11+$0x0] =	vst.idx.msk $0xffff, v19;
	v19 =	vld [tilespmem:s23+$0xFFFFFEE0];
	v23 =	vor.u32 v14, v27;
	v27 =	vshll.u32 v29, v1;
	v29 =	vmov s2  }
0x220: {  	s2 =	sadd.s32 $0xA, s25;
	[tilespmem:v25+s11+$0x0] =	vst.idx.msk $0xffff, v28;
	v25 =	vld [tilespmem:s23+$0xFFFFFEF0];
	v28 =	vor.u32 v15, v26;
	v27 =	vbroadcast v27, $0x0;
	v29 =	vshrl.u32 v29, $0x3  }
0x221: {  	[tilespmem:v24+s11+$0x0] =	vst.idx.msk $0xffff, v20;
	v20 =	vld [tilespmem:s23+$0xFFFFFF00];
	v24 =	vor.u32 v16, v26;
	v26 =	vshll.u32 v29, v1;
	v29 =	vmov s2  }
0x222: {  	s2 =	sadd.s32 $0xB, s25;
	[tilespmem:v21+s11+$0x0] =	vst.idx.msk $0xffff, v17;
	v17 =	vld [tilespmem:s23+$0xFFFFFF10];
	v21 =	vor.u32 v0, v27;
	v26 =	vbroadcast v26, $0x0;
	v29 =	vshrl.u32 v29, $0x3  }
0x223: {  	[tilespmem:v22+s11+$0x0] =	vst.idx.msk $0xffff, v18;
	v18 =	vld [tilespmem:s23+$0xFFFFFF20];
	v22 =	vor.u32 v2, v27;
	v27 =	vshll.u32 v29, v1;
	v29 =	vmov s2  }
0x224: {  	s2 =	sadd.s32 $0xC, s25;
	[tilespmem:v23+s11+$0x0] =	vst.idx.msk $0xffff, v19;
	v19 =	vld [tilespmem:s23+$0xFFFFFF30];
	v23 =	vor.u32 v3, v26;
	v27 =	vbroadcast v27, $0x0;
	v29 =	vshrl.u32 v29, $0x3  }
0x225: {  	v26 =	vor.u32 v4, v26;
	[tilespmem:v28+s11+$0x0] =	vst.idx.msk $0xffff, v25;
	v28 =	vld [tilespmem:s23+$0xFFFFFF40];
	v25 =	vshll.u32 v29, v1;
	v29 =	vmov s2  }
0x226: {  	s2 =	sadd.s32 $0xD, s25;
	[tilespmem:v24+s11+$0x0] =	vst.idx.msk $0xffff, v20;
	v24 =	vld [tilespmem:s23+$0xFFFFFF50];
	v30 =	vor.u32 v5, v27;
	v31 =	vbroadcast v25, $0x0;
	v29 =	vshrl.u32 v29, $0x3  }
.Ltmp4:
0x227: {  	v25 =	vor.u32 v6, v27;
	[tilespmem:v21+s11+$0x0] =	vst.idx.msk $0xffff, v17;
	v20 =	vld [tilespmem:s23+$0xFFFFFF60];
	v27 =	vshll.u32 v29, v1;
	v29 =	vmov s2;
	(pc) =	sbr.rel @p1 .LBB2_11-.Ltmp4, $4  }
0x228: {  	s2 =	sadd.s32 $0xE, s25;
	s25 =	smov.u32 s28;
	[tilespmem:v22+s11+$0x0] =	vst.idx.msk $0xffff, v18;
	v17 =	vld [tilespmem:s23+$0xFFFFFF70];
	v21 =	vor.u32 v7, v31;
	v32 =	vbroadcast v27, $0x0;
	v27 =	vshrl.u32 v29, $0x3  }
0x229: {  	v22 =	vor.u32 v8, v31;
	v29 =	vmov s2;
	[tilespmem:v23+s11+$0x0] =	vst.idx.msk $0xffff, v19;
	v18 =	vld [tilespmem:s23+$0xFFFFFF80];
	v19 =	vshll.u32 v27, v1  }
0x22a: {  	s2 =	sadd.s32 $0xF, s28;
	v29 =	vshrl.u32 v29, $0x3;
	[tilespmem:v26+s11+$0x0] =	vst.idx.msk $0xffff, v28;
	v23 =	vld [tilespmem:s23+$0xFFFFFF90];
	v26 =	vor.u32 v9, v32;
	v27 =	vbroadcast v19, $0x0  }
0x22b: {  	s28 =	sadd.s32 $0x10, s28;
	v28 =	vmov s2;
	v29 =	vshll.u32 v29, v1;
	[tilespmem:v30+s11+$0x0] =	vst.idx.msk $0xffff, v24;
	v19 =	vld [tilespmem:s23+$0xFFFFFFA0];
	v24 =	vor.u32 v10, v32  }
0x22c: {  	_ =	sdelay $0x3  }
0x22d: {  	v28 =	vshrl.u32 v28, $0x3;
	[tilespmem:v25+s11+$0x0] =	vst.idx.msk $0xffff, v20;
	v20 =	vld [tilespmem:s23+$0xFFFFFFB0];
	v25 =	vor.u32 v11, v27;
	v29 =	vbroadcast v29, $0x0  }
0x22e: {  	v30 =	vmov s25;
	v28 =	vshll.u32 v28, v1;
	[tilespmem:v21+s11+$0x0] =	vst.idx.msk $0xffff, v17;
	v17 =	vld [tilespmem:s23+$0xFFFFFFC0];
	v21 =	vor.u32 v12, v27  }
0x22f: {  	s2 =	sadd.s32 $0x1, s25;
	v27 =	vshrl.u32 v30, $0x3;
	v28 =	vbroadcast v28, $0x0;
	[tilespmem:v22+s11+$0x0] =	vst.idx.msk $0xffff, v18;
	v18 =	vld [tilespmem:s23+$0xFFFFFFD0];
	v22 =	vor.u32 v13, v29  }
0x230: {  	v30 =	vmov s2;
	v27 =	vshll.u32 v27, v1;
	[tilespmem:v26+s11+$0x0] =	vst.idx.msk $0xffff, v23;
	v23 =	vld [tilespmem:s23+$0xFFFFFFE0];
	v26 =	vor.u32 v14, v29;
	s23 =	sadd.s32 $0x200, s23  }
0x231: {  	s29 =	sadd.s32 $0x2, s25;
	v27 =	vbroadcast v27, $0x0;
	v29 =	vshrl.u32 v30, $0x3;
	v30 =	vld [tilespmem:s23+$0xFFFFFFF0];
	v31 =	vor.u32 v15, v28;
	[tilespmem:v24+s11+$0x0] =	vst.idx.msk $0xffff, v19  }
0x232: {  	v19 =	vshll.u32 v29, v1;
	v24 =	vmov s29;
	v29 =	vld [tilespmem:s23+$0x0];
	v28 =	vor.u32 v16, v28;
	[tilespmem:v25+s11+$0x0] =	vst.idx.msk $0xffff, v20  }
0x233: {  	s29 =	sadd.s32 $0x3, s25;
	v20 =	vld [tilespmem:s23+$0xFFFFFE10];
	v25 =	vor.u32 v0, v27;
	v19 =	vbroadcast v19, $0x0;
	v24 =	vshrl.u32 v24, $0x3;
	[tilespmem:v21+s11+$0x0] =	vst.idx.msk $0xffff, v17  }
0x234: {  	v17 =	vld [tilespmem:s23+$0xFFFFFE20];
	v21 =	vor.u32 v2, v27;
	v24 =	vshll.u32 v24, v1;
	v27 =	vmov s29;
	[tilespmem:v22+s11+$0x0] =	vst.idx.msk $0xffff, v18  }
0x235: {  	s29 =	sadd.s32 $0x4, s25;
	v18 =	vld [tilespmem:s23+$0xFFFFFE30];
	v22 =	vor.u32 v3, v19;
	v24 =	vbroadcast v24, $0x0;
	v27 =	vshrl.u32 v27, $0x3;
	[tilespmem:v26+s11+$0x0] =	vst.idx.msk $0xffff, v23  }
0x236: {  	v19 =	vor.u32 v4, v19;
	v23 =	vld [tilespmem:s23+$0xFFFFFE40];
	v26 =	vshll.u32 v27, v1;
	v27 =	vmov s29;
	[tilespmem:v31+s11+$0x0] =	vst.idx.msk $0xffff, v30  }
0x237: {  	s29 =	sadd.s32 $0x5, s25;
	v30 =	vld [tilespmem:s23+$0xFFFFFE50];
	v31 =	vor.u32 v5, v24;
	v26 =	vbroadcast v26, $0x0;
	v27 =	vshrl.u32 v27, $0x3;
	[tilespmem:v28+s11+$0x0] =	vst.idx.msk $0xffff, v29  }
0x238: {  	v24 =	vor.u32 v6, v24;
	[tilespmem:v25+s11+$0x0] =	vst.idx.msk $0xffff, v20;
	v20 =	vld [tilespmem:s23+$0xFFFFFE60];
	v25 =	vshll.u32 v27, v1;
	v27 =	vmov s29  }
0x239: {  	s29 =	sadd.s32 $0x6, s25;
	[tilespmem:v21+s11+$0x0] =	vst.idx.msk $0xffff, v17;
	v17 =	vld [tilespmem:s23+$0xFFFFFE70];
	v21 =	vor.u32 v7, v26;
	v25 =	vbroadcast v25, $0x0;
	v27 =	vshrl.u32 v27, $0x3  }
0x23a: {  	[tilespmem:v22+s11+$0x0] =	vst.idx.msk $0xffff, v18;
	v18 =	vld [tilespmem:s23+$0xFFFFFE80];
	v22 =	vor.u32 v8, v26;
	v26 =	vshll.u32 v27, v1;
	v27 =	vmov s29  }
0x23b: {  	s29 =	sadd.s32 $0x7, s25;
	[tilespmem:v19+s11+$0x0] =	vst.idx.msk $0xffff, v23;
	v19 =	vld [tilespmem:s23+$0xFFFFFE90];
	v23 =	vor.u32 v9, v25;
	v26 =	vbroadcast v26, $0x0;
	v27 =	vshrl.u32 v27, $0x3  }
0x23c: {  	v28 =	vld [tilespmem:s23+$0xFFFFFEA0];
	v25 =	vor.u32 v10, v25;
	v29 =	vmov s29;
	[tilespmem:v31+s11+$0x0] =	vst.idx.msk $0xffff, v30;
	v27 =	vshll.u32 v27, v1  }
0x23d: {  	s29 =	sadd.s32 $0x8, s25;
	v29 =	vshrl.u32 v29, $0x3;
	[tilespmem:v24+s11+$0x0] =	vst.idx.msk $0xffff, v20;
	v20 =	vld [tilespmem:s23+$0xFFFFFEB0];
	v24 =	vor.u32 v11, v26;
	v27 =	vbroadcast v27, $0x0  }
0x23e: {  	[tilespmem:v21+s11+$0x0] =	vst.idx.msk $0xffff, v17;
	v17 =	vld [tilespmem:s23+$0xFFFFFEC0];
	v21 =	vor.u32 v12, v26;
	v26 =	vshll.u32 v29, v1;
	v29 =	vmov s29  }
0x23f: {  	s29 =	sadd.s32 $0x9, s25;
	[tilespmem:v22+s11+$0x0] =	vst.idx.msk $0xffff, v18;
	v18 =	vld [tilespmem:s23+$0xFFFFFED0];
	v22 =	vor.u32 v13, v27;
	v26 =	vbroadcast v26, $0x0;
	v29 =	vshrl.u32 v29, $0x3  }
0x240: {  	[tilespmem:v23+s11+$0x0] =	vst.idx.msk $0xffff, v19;
	v19 =	vld [tilespmem:s23+$0xFFFFFEE0];
	v23 =	vor.u32 v14, v27;
	v27 =	vshll.u32 v29, v1;
	v29 =	vmov s29  }
0x241: {  	s29 =	sadd.s32 $0xA, s25;
	[tilespmem:v25+s11+$0x0] =	vst.idx.msk $0xffff, v28;
	v25 =	vld [tilespmem:s23+$0xFFFFFEF0];
	v28 =	vor.u32 v15, v26;
	v27 =	vbroadcast v27, $0x0;
	v29 =	vshrl.u32 v29, $0x3  }
0x242: {  	[tilespmem:v24+s11+$0x0] =	vst.idx.msk $0xffff, v20;
	v20 =	vld [tilespmem:s23+$0xFFFFFF00];
	v24 =	vor.u32 v16, v26;
	v26 =	vshll.u32 v29, v1;
	v29 =	vmov s29  }
0x243: {  	s29 =	sadd.s32 $0xB, s25;
	[tilespmem:v21+s11+$0x0] =	vst.idx.msk $0xffff, v17;
	v17 =	vld [tilespmem:s23+$0xFFFFFF10];
	v21 =	vor.u32 v0, v27;
	v26 =	vbroadcast v26, $0x0;
	v29 =	vshrl.u32 v29, $0x3  }
0x244: {  	[tilespmem:v22+s11+$0x0] =	vst.idx.msk $0xffff, v18;
	v18 =	vld [tilespmem:s23+$0xFFFFFF20];
	v22 =	vor.u32 v2, v27;
	v27 =	vshll.u32 v29, v1;
	v29 =	vmov s29  }
0x245: {  	s29 =	sadd.s32 $0xC, s25;
	[tilespmem:v23+s11+$0x0] =	vst.idx.msk $0xffff, v19;
	v19 =	vld [tilespmem:s23+$0xFFFFFF30];
	v23 =	vor.u32 v3, v26;
	v27 =	vbroadcast v27, $0x0;
	v29 =	vshrl.u32 v29, $0x3  }
0x246: {  	v26 =	vor.u32 v4, v26;
	[tilespmem:v28+s11+$0x0] =	vst.idx.msk $0xffff, v25;
	v25 =	vld [tilespmem:s23+$0xFFFFFF40];
	v28 =	vshll.u32 v29, v1;
	v29 =	vmov s29  }
0x247: {  	s29 =	sadd.s32 $0xD, s25;
	[tilespmem:v24+s11+$0x0] =	vst.idx.msk $0xffff, v20;
	v20 =	vld [tilespmem:s23+$0xFFFFFF50];
	v24 =	vor.u32 v5, v27;
	v28 =	vbroadcast v28, $0x0;
	v29 =	vshrl.u32 v29, $0x3  }
0x248: {  	[tilespmem:v21+s11+$0x0] =	vst.idx.msk $0xffff, v17;
	v17 =	vld [tilespmem:s23+$0xFFFFFF60];
	v21 =	vor.u32 v6, v27;
	v27 =	vshll.u32 v29, v1;
	v29 =	vmov s29  }
0x249: {  	s29 =	sadd.s32 $0xE, s25;
	[tilespmem:v22+s11+$0x0] =	vst.idx.msk $0xffff, v18;
	v18 =	vld [tilespmem:s23+$0xFFFFFF70];
	v22 =	vor.u32 v7, v28;
	v27 =	vbroadcast v27, $0x0;
	v29 =	vshrl.u32 v29, $0x3  }
0x24a: {  	[tilespmem:v23+s11+$0x0] =	vst.idx.msk $0xffff, v19;
	v19 =	vld [tilespmem:s23+$0xFFFFFF80];
	v23 =	vor.u32 v8, v28;
	v28 =	vshll.u32 v29, v1;
	v29 =	vmov s29  }
0x24b: {  	[tilespmem:v26+s11+$0x0] =	vst.idx.msk $0xffff, v25;
	v25 =	vld [tilespmem:s23+$0xFFFFFF90];
	v26 =	vor.u32 v9, v27;
	v28 =	vbroadcast v28, $0x0;
	v29 =	vshrl.u32 v29, $0x3  }
0x24c: {  	[tilespmem:v24+s11+$0x0] =	vst.idx.msk $0xffff, v20;
	v20 =	vld [tilespmem:s23+$0xFFFFFFA0];
	v24 =	vor.u32 v10, v27;
	v27 =	vshll.u32 v29, v1  }
0x24d: {  	[tilespmem:v21+s11+$0x0] =	vst.idx.msk $0xffff, v17;
	v17 =	vld [tilespmem:s23+$0xFFFFFFB0];
	v21 =	vor.u32 v11, v28;
	v27 =	vbroadcast v27, $0x0  }
0x24e: {  	[tilespmem:v22+s11+$0x0] =	vst.idx.msk $0xffff, v18;
	v18 =	vld [tilespmem:s23+$0xFFFFFFC0];
	v22 =	vor.u32 v12, v28  }
0x24f: {  	[tilespmem:v23+s11+$0x0] =	vst.idx.msk $0xffff, v19;
	v19 =	vld [tilespmem:s23+$0xFFFFFFD0];
	v23 =	vor.u32 v13, v27  }
0x250: {  	[tilespmem:v26+s11+$0x0] =	vst.idx.msk $0xffff, v25;
	v25 =	vld [tilespmem:s23+$0xFFFFFFE0];
	v26 =	vor.u32 v14, v27  }
0x251: {  	[tilespmem:v24+s11+$0x0] =	vst.idx.msk $0xffff, v20  }
0x252: {  	[tilespmem:v21+s11+$0x0] =	vst.idx.msk $0xffff, v17  }
0x253: {  	s21 =	sor.u32 $0x80000, s21;
	[tilespmem:v22+s11+$0x0] =	vst.idx.msk $0xffff, v18  }
0x254: {  	s20 =	sshll.u32 s20, $0x9;
	s29 =	sor.u32 s6, s21;
	[tilespmem:v23+s11+$0x0] =	vst.idx.msk $0xffff, v19  }
0x255: {  	s25 =	simm.s32 $0xA400;
	s2 =	sshrl.u32 s29, $0x3;
	s23 =	sadd.s32 $0x600, s20;
	[tilespmem:v26+s11+$0x0] =	vst.idx.msk $0xffff, v25  }
0x256: {  	[tilespmem:s25], [sflag:$0x5] =	stream.indirect.gather [hbm4b:s4+s14], $0x20, s23, s14, $0xb8;
	[tilespmem:$0x16400] =	vst v63  }
0x257: {  	s2 =	sadd.s32 s1, s2  }
0x258: {  	[hbm4b:s2+s31] =	stream.strided.scatter [tilespmem:s11], [sflag:$0xD], $0x1000, s0, s31, $0x38;
	[tilespmem:$0x16400] =	vst v63  }
0x259: {  	s23 =	simm.s32 $0xF;
	_ =	swait.ge [sflag:s3], $0x1000  }
0x25a: {  	s25 =	simm.s32 $0x0;
	v17 =	vmov s23;
	[sflag:s3] =	ssyncset.done $0x0  }
0x25b: {  	v18 =	vmov s25;
	s2 =	simm.s32 @!p0 $0xE;
	v17 =	vshrl.u32 v17, $0x3;
	[sflag:s3] =	ssyncadd.s32 $0xFFFFF000  }
0x25c: {  	v18 =	vshrl.u32 v18, $0x3;
	v17 =	vshll.u32 v17, v1;
	_ =	swait.ge @!p0 [sflag:s2], $0x1000  }
0x25d: {  	s29 =	simm.s32 $0x1;
	v18 =	vshll.u32 v18, v1;
	v17 =	vbroadcast v17, $0x0;
	[sflag:s2] =	ssyncset.done @!p0 $0x0  }
0x25e: {  	v19 =	vmov s29;
	s23 =	simm.s32 $0xB5F0;
	v18 =	vbroadcast v18, $0x0;
	[sflag:s2] =	ssyncadd.s32 @!p0 $0xFFFFF000  }
0x25f: {  	v19 =	vshrl.u32 v19, $0x3;
	s25 =	simm.s32 $0x2;
	v21 =	vor.u32 v15, v17;
	v20 =	vld [tilespmem:s23+$0xFFFFFFF0]  }
0x260: {  	v19 =	vshll.u32 v19, v1;
	v22 =	vmov s25;
	v25 =	vor.u32 v0, v18;
	v24 =	vld [tilespmem:s23+$0xFFFFFE10]  }
0x261: {  	s29 =	simm.s32 $0x3;
	v19 =	vbroadcast v19, $0x0;
	v22 =	vshrl.u32 v22, $0x3;
	v17 =	vor.u32 v16, v17;
	v23 =	vld [tilespmem:s23+$0x0]  }
0x262: {  	v27 =	vmov s29;
	v22 =	vshll.u32 v22, v1;
	v18 =	vor.u32 v2, v18;
	v26 =	vld [tilespmem:s23+$0xFFFFFE20]  }
0x263: {  	v27 =	vshrl.u32 v27, $0x3;
	s25 =	simm.s32 $0x4;
	v29 =	vor.u32 v3, v19;
	v22 =	vbroadcast v22, $0x0;
	v28 =	vld [tilespmem:s23+$0xFFFFFE30]  }
0x264: {  	v27 =	vshll.u32 v27, v1;
	v19 =	vor.u32 v4, v19;
	v31 =	vmov s25;
	v30 =	vld [tilespmem:s23+$0xFFFFFE40];
	[tilespmem:v21+s5+$0x0] =	vst.idx.msk $0xffff, v20  }
0x265: {  	s29 =	simm.s32 $0x5;
	v27 =	vbroadcast v27, $0x0;
	v31 =	vshrl.u32 v31, $0x3;
	v20 =	vld [tilespmem:s23+$0xFFFFFE50];
	v21 =	vor.u32 v5, v22;
	[tilespmem:v25+s5+$0x0] =	vst.idx.msk $0xffff, v24  }
0x266: {  	v22 =	vor.u32 v6, v22;
	v24 =	vmov s29;
	[tilespmem:v17+s5+$0x0] =	vst.idx.msk $0xffff, v23;
	v17 =	vld [tilespmem:s23+$0xFFFFFE60];
	v23 =	vshll.u32 v31, v1  }
0x267: {  	s25 =	simm.s32 $0x6;
	v25 =	vor.u32 v7, v27;
	[tilespmem:v18+s5+$0x0] =	vst.idx.msk $0xffff, v26;
	v18 =	vld [tilespmem:s23+$0xFFFFFE70];
	v24 =	vshrl.u32 v24, $0x3;
	v23 =	vbroadcast v23, $0x0  }
0x268: {  	[tilespmem:v29+s5+$0x0] =	vst.idx.msk $0xffff, v28;
	v27 =	vor.u32 v8, v27;
	v28 =	vmov s25;
	v26 =	vld [tilespmem:s23+$0xFFFFFE80];
	v24 =	vshll.u32 v24, v1  }
0x269: {  	s29 =	simm.s32 $0x7;
	[tilespmem:v19+s5+$0x0] =	vst.idx.msk $0xffff, v30;
	v19 =	vld [tilespmem:s23+$0xFFFFFE90];
	v28 =	vshrl.u32 v28, $0x3;
	v24 =	vbroadcast v24, $0x0;
	v29 =	vor.u32 v9, v23  }
0x26a: {  	[tilespmem:v21+s5+$0x0] =	vst.idx.msk $0xffff, v20;
	v20 =	vld [tilespmem:s23+$0xFFFFFEA0];
	v21 =	vor.u32 v10, v23;
	v23 =	vshll.u32 v28, v1;
	v28 =	vmov s29  }
0x26b: {  	s25 =	simm.s32 $0x8;
	[tilespmem:v22+s5+$0x0] =	vst.idx.msk $0xffff, v17;
	v17 =	vld [tilespmem:s23+$0xFFFFFEB0];
	v22 =	vor.u32 v11, v24;
	v23 =	vbroadcast v23, $0x0;
	v28 =	vshrl.u32 v28, $0x3  }
0x26c: {  	[tilespmem:v25+s5+$0x0] =	vst.idx.msk $0xffff, v18;
	v18 =	vld [tilespmem:s23+$0xFFFFFEC0];
	v24 =	vor.u32 v12, v24;
	v25 =	vshll.u32 v28, v1;
	v28 =	vmov s25  }
0x26d: {  	s29 =	simm.s32 $0x9;
	[tilespmem:v27+s5+$0x0] =	vst.idx.msk $0xffff, v26;
	v26 =	vld [tilespmem:s23+$0xFFFFFED0];
	v27 =	vor.u32 v13, v23;
	v25 =	vbroadcast v25, $0x0;
	v28 =	vshrl.u32 v28, $0x3  }
0x26e: {  	v23 =	vor.u32 v14, v23;
	[tilespmem:v29+s5+$0x0] =	vst.idx.msk $0xffff, v19;
	v19 =	vld [tilespmem:s23+$0xFFFFFEE0];
	v28 =	vshll.u32 v28, v1;
	v29 =	vmov s29  }
0x26f: {  	s25 =	simm.s32 $0xA;
	[tilespmem:v21+s5+$0x0] =	vst.idx.msk $0xffff, v20;
	v20 =	vld [tilespmem:s23+$0xFFFFFEF0];
	v21 =	vor.u32 v15, v25;
	v28 =	vbroadcast v28, $0x0;
	v29 =	vshrl.u32 v29, $0x3  }
0x270: {  	[tilespmem:v22+s5+$0x0] =	vst.idx.msk $0xffff, v17;
	v17 =	vld [tilespmem:s23+$0xFFFFFF00];
	v22 =	vor.u32 v16, v25;
	v25 =	vshll.u32 v29, v1;
	v29 =	vmov s25  }
0x271: {  	s29 =	simm.s32 $0xB;
	[tilespmem:v24+s5+$0x0] =	vst.idx.msk $0xffff, v18;
	v18 =	vld [tilespmem:s23+$0xFFFFFF10];
	v24 =	vor.u32 v0, v28;
	v25 =	vbroadcast v25, $0x0;
	v29 =	vshrl.u32 v29, $0x3  }
0x272: {  	[tilespmem:v27+s5+$0x0] =	vst.idx.msk $0xffff, v26;
	v26 =	vld [tilespmem:s23+$0xFFFFFF20];
	v27 =	vor.u32 v2, v28;
	v28 =	vshll.u32 v29, v1;
	v29 =	vmov s29  }
0x273: {  	s25 =	simm.s32 $0xC;
	[tilespmem:v23+s5+$0x0] =	vst.idx.msk $0xffff, v19;
	v19 =	vld [tilespmem:s23+$0xFFFFFF30];
	v23 =	vor.u32 v3, v25;
	v28 =	vbroadcast v28, $0x0;
	v29 =	vshrl.u32 v29, $0x3  }
0x274: {  	v30 =	vld [tilespmem:s23+$0xFFFFFF40];
	v31 =	vor.u32 v4, v25;
	[tilespmem:v21+s5+$0x0] =	vst.idx.msk $0xffff, v20;
	v20 =	vshll.u32 v29, v1;
	v21 =	vmov s25  }
0x275: {  	s29 =	simm.s32 $0xD;
	[tilespmem:v22+s5+$0x0] =	vst.idx.msk $0xffff, v17;
	v22 =	vld [tilespmem:s23+$0xFFFFFF50];
	v29 =	vor.u32 v5, v28;
	v32 =	vbroadcast v20, $0x0;
	v17 =	vshrl.u32 v21, $0x3  }
0x276: {  	v20 =	vld [tilespmem:s23+$0xFFFFFF60];
	v25 =	vor.u32 v6, v28;
	[tilespmem:v24+s5+$0x0] =	vst.idx.msk $0xffff, v18;
	v18 =	vshll.u32 v17, v1;
	v24 =	vmov s29  }
0x277: {  	s25 =	simm.s32 $0xE;
	v17 =	vld [tilespmem:s23+$0xFFFFFF70];
	[tilespmem:v27+s5+$0x0] =	vst.idx.msk $0xffff, v26;
	v21 =	vor.u32 v7, v32;
	v33 =	vbroadcast v18, $0x0;
	v18 =	vshrl.u32 v24, $0x3  }
0x278: {  	v28 =	vmov s25;
	[tilespmem:v23+s5+$0x0] =	vst.idx.msk $0xffff, v19;
	v19 =	vld [tilespmem:s23+$0xFFFFFF80];
	v23 =	vor.u32 v8, v32;
	v18 =	vshll.u32 v18, v1  }
0x279: {  	s29 =	simm.s32 $0x1F;
	v24 =	vld [tilespmem:s23+$0xFFFFFF90];
	[tilespmem:v31+s5+$0x0] =	vst.idx.msk $0xffff, v30;
	v26 =	vor.u32 v9, v33;
	v27 =	vbroadcast v18, $0x0;
	v30 =	vshrl.u32 v28, $0x3  }
0x27a: {  	s28 =	simm.s32 $0x20;
	s25 =	simm.s32 $0x10;
	v28 =	vmov s29;
	v18 =	vld [tilespmem:s23+$0xFFFFFFA0];
	[tilespmem:v29+s5+$0x0] =	vst.idx.msk $0xffff, v22;
	v22 =	vor.u32 v10, v33;
	v29 =	vshll.u32 v30, v1  }
.LBB2_13:
0x27b: {  	p1 =	slt.u32 s28, $0x70;
	v28 =	vshrl.u32 v28, $0x3;
	[tilespmem:v25+s5+$0x0] =	vst.idx.msk $0xffff, v20;
	v20 =	vld [tilespmem:s23+$0xFFFFFFB0];
	v25 =	vor.u32 v11, v27;
	v29 =	vbroadcast v29, $0x0  }
0x27c: {  	v30 =	vmov s25;
	v28 =	vshll.u32 v28, v1;
	[tilespmem:v21+s5+$0x0] =	vst.idx.msk $0xffff, v17;
	v17 =	vld [tilespmem:s23+$0xFFFFFFC0];
	v21 =	vor.u32 v12, v27  }
0x27d: {  	s2 =	sadd.s32 $0x1, s25;
	v27 =	vshrl.u32 v30, $0x3;
	v28 =	vbroadcast v28, $0x0;
	[tilespmem:v23+s5+$0x0] =	vst.idx.msk $0xffff, v19;
	v19 =	vld [tilespmem:s23+$0xFFFFFFD0];
	v23 =	vor.u32 v13, v29  }
0x27e: {  	v30 =	vmov s2;
	v27 =	vshll.u32 v27, v1;
	[tilespmem:v26+s5+$0x0] =	vst.idx.msk $0xffff, v24;
	v24 =	vld [tilespmem:s23+$0xFFFFFFE0];
	v26 =	vor.u32 v14, v29;
	s23 =	sadd.s32 $0x200, s23  }
0x27f: {  	s2 =	sadd.s32 $0x2, s25;
	v27 =	vbroadcast v27, $0x0;
	v29 =	vshrl.u32 v30, $0x3;
	v30 =	vld [tilespmem:s23+$0xFFFFFFF0];
	v31 =	vor.u32 v15, v28;
	[tilespmem:v22+s5+$0x0] =	vst.idx.msk $0xffff, v18  }
0x280: {  	v18 =	vshll.u32 v29, v1;
	v22 =	vmov s2;
	v28 =	vor.u32 v16, v28;
	v29 =	vld [tilespmem:s23+$0x0];
	[tilespmem:v25+s5+$0x0] =	vst.idx.msk $0xffff, v20  }
0x281: {  	s2 =	sadd.s32 $0x3, s25;
	v25 =	vor.u32 v0, v27;
	v18 =	vbroadcast v18, $0x0;
	v22 =	vshrl.u32 v22, $0x3;
	v20 =	vld [tilespmem:s23+$0xFFFFFE10];
	[tilespmem:v21+s5+$0x0] =	vst.idx.msk $0xffff, v17  }
0x282: {  	v21 =	vor.u32 v2, v27;
	v22 =	vshll.u32 v22, v1;
	v27 =	vmov s2;
	v17 =	vld [tilespmem:s23+$0xFFFFFE20];
	[tilespmem:v23+s5+$0x0] =	vst.idx.msk $0xffff, v19  }
0x283: {  	s2 =	sadd.s32 $0x4, s25;
	v23 =	vor.u32 v3, v18;
	v22 =	vbroadcast v22, $0x0;
	v27 =	vshrl.u32 v27, $0x3;
	v19 =	vld [tilespmem:s23+$0xFFFFFE30];
	[tilespmem:v26+s5+$0x0] =	vst.idx.msk $0xffff, v24  }
0x284: {  	v18 =	vor.u32 v4, v18;
	v26 =	vshll.u32 v27, v1;
	v27 =	vmov s2;
	v24 =	vld [tilespmem:s23+$0xFFFFFE40];
	[tilespmem:v31+s5+$0x0] =	vst.idx.msk $0xffff, v30  }
0x285: {  	s2 =	sadd.s32 $0x5, s25;
	v31 =	vor.u32 v5, v22;
	v26 =	vbroadcast v26, $0x0;
	v27 =	vshrl.u32 v27, $0x3;
	v30 =	vld [tilespmem:s23+$0xFFFFFE50];
	[tilespmem:v28+s5+$0x0] =	vst.idx.msk $0xffff, v29  }
0x286: {  	v22 =	vor.u32 v6, v22;
	[tilespmem:v25+s5+$0x0] =	vst.idx.msk $0xffff, v20;
	v20 =	vld [tilespmem:s23+$0xFFFFFE60];
	v25 =	vshll.u32 v27, v1;
	v27 =	vmov s2  }
0x287: {  	s2 =	sadd.s32 $0x6, s25;
	[tilespmem:v21+s5+$0x0] =	vst.idx.msk $0xffff, v17;
	v17 =	vld [tilespmem:s23+$0xFFFFFE70];
	v21 =	vor.u32 v7, v26;
	v25 =	vbroadcast v25, $0x0;
	v27 =	vshrl.u32 v27, $0x3  }
0x288: {  	[tilespmem:v23+s5+$0x0] =	vst.idx.msk $0xffff, v19;
	v19 =	vld [tilespmem:s23+$0xFFFFFE80];
	v23 =	vor.u32 v8, v26;
	v26 =	vshll.u32 v27, v1;
	v27 =	vmov s2  }
0x289: {  	s2 =	sadd.s32 $0x7, s25;
	[tilespmem:v18+s5+$0x0] =	vst.idx.msk $0xffff, v24;
	v18 =	vld [tilespmem:s23+$0xFFFFFE90];
	v24 =	vor.u32 v9, v25;
	v26 =	vbroadcast v26, $0x0;
	v27 =	vshrl.u32 v27, $0x3  }
0x28a: {  	v25 =	vor.u32 v10, v25;
	v29 =	vmov s2;
	[tilespmem:v31+s5+$0x0] =	vst.idx.msk $0xffff, v30;
	v28 =	vld [tilespmem:s23+$0xFFFFFEA0];
	v27 =	vshll.u32 v27, v1  }
0x28b: {  	s2 =	sadd.s32 $0x8, s25;
	v29 =	vshrl.u32 v29, $0x3;
	[tilespmem:v22+s5+$0x0] =	vst.idx.msk $0xffff, v20;
	v20 =	vld [tilespmem:s23+$0xFFFFFEB0];
	v22 =	vor.u32 v11, v26;
	v27 =	vbroadcast v27, $0x0  }
0x28c: {  	[tilespmem:v21+s5+$0x0] =	vst.idx.msk $0xffff, v17;
	v17 =	vld [tilespmem:s23+$0xFFFFFEC0];
	v21 =	vor.u32 v12, v26;
	v26 =	vshll.u32 v29, v1;
	v29 =	vmov s2  }
0x28d: {  	s2 =	sadd.s32 $0x9, s25;
	[tilespmem:v23+s5+$0x0] =	vst.idx.msk $0xffff, v19;
	v19 =	vld [tilespmem:s23+$0xFFFFFED0];
	v23 =	vor.u32 v13, v27;
	v26 =	vbroadcast v26, $0x0;
	v29 =	vshrl.u32 v29, $0x3  }
0x28e: {  	[tilespmem:v24+s5+$0x0] =	vst.idx.msk $0xffff, v18;
	v18 =	vld [tilespmem:s23+$0xFFFFFEE0];
	v24 =	vor.u32 v14, v27;
	v27 =	vshll.u32 v29, v1;
	v29 =	vmov s2  }
0x28f: {  	s2 =	sadd.s32 $0xA, s25;
	[tilespmem:v25+s5+$0x0] =	vst.idx.msk $0xffff, v28;
	v25 =	vld [tilespmem:s23+$0xFFFFFEF0];
	v28 =	vor.u32 v15, v26;
	v27 =	vbroadcast v27, $0x0;
	v29 =	vshrl.u32 v29, $0x3  }
0x290: {  	[tilespmem:v22+s5+$0x0] =	vst.idx.msk $0xffff, v20;
	v20 =	vld [tilespmem:s23+$0xFFFFFF00];
	v22 =	vor.u32 v16, v26;
	v26 =	vshll.u32 v29, v1;
	v29 =	vmov s2  }
0x291: {  	s2 =	sadd.s32 $0xB, s25;
	[tilespmem:v21+s5+$0x0] =	vst.idx.msk $0xffff, v17;
	v17 =	vld [tilespmem:s23+$0xFFFFFF10];
	v21 =	vor.u32 v0, v27;
	v26 =	vbroadcast v26, $0x0;
	v29 =	vshrl.u32 v29, $0x3  }
0x292: {  	[tilespmem:v23+s5+$0x0] =	vst.idx.msk $0xffff, v19;
	v19 =	vld [tilespmem:s23+$0xFFFFFF20];
	v23 =	vor.u32 v2, v27;
	v27 =	vshll.u32 v29, v1;
	v29 =	vmov s2  }
0x293: {  	s2 =	sadd.s32 $0xC, s25;
	[tilespmem:v24+s5+$0x0] =	vst.idx.msk $0xffff, v18;
	v18 =	vld [tilespmem:s23+$0xFFFFFF30];
	v24 =	vor.u32 v3, v26;
	v27 =	vbroadcast v27, $0x0;
	v29 =	vshrl.u32 v29, $0x3  }
0x294: {  	v26 =	vor.u32 v4, v26;
	[tilespmem:v28+s5+$0x0] =	vst.idx.msk $0xffff, v25;
	v28 =	vld [tilespmem:s23+$0xFFFFFF40];
	v25 =	vshll.u32 v29, v1;
	v29 =	vmov s2  }
0x295: {  	s2 =	sadd.s32 $0xD, s25;
	[tilespmem:v22+s5+$0x0] =	vst.idx.msk $0xffff, v20;
	v22 =	vld [tilespmem:s23+$0xFFFFFF50];
	v30 =	vor.u32 v5, v27;
	v31 =	vbroadcast v25, $0x0;
	v29 =	vshrl.u32 v29, $0x3  }
.Ltmp5:
0x296: {  	v25 =	vor.u32 v6, v27;
	[tilespmem:v21+s5+$0x0] =	vst.idx.msk $0xffff, v17;
	v20 =	vld [tilespmem:s23+$0xFFFFFF60];
	v27 =	vshll.u32 v29, v1;
	v29 =	vmov s2;
	(pc) =	sbr.rel @p1 .LBB2_13-.Ltmp5, $4  }
0x297: {  	s2 =	sadd.s32 $0xE, s25;
	s25 =	smov.u32 s28;
	[tilespmem:v23+s5+$0x0] =	vst.idx.msk $0xffff, v19;
	v17 =	vld [tilespmem:s23+$0xFFFFFF70];
	v21 =	vor.u32 v7, v31;
	v32 =	vbroadcast v27, $0x0;
	v27 =	vshrl.u32 v29, $0x3  }
0x298: {  	v23 =	vor.u32 v8, v31;
	v29 =	vmov s2;
	[tilespmem:v24+s5+$0x0] =	vst.idx.msk $0xffff, v18;
	v19 =	vld [tilespmem:s23+$0xFFFFFF80];
	v18 =	vshll.u32 v27, v1  }
0x299: {  	s2 =	sadd.s32 $0xF, s28;
	v29 =	vshrl.u32 v29, $0x3;
	[tilespmem:v26+s5+$0x0] =	vst.idx.msk $0xffff, v28;
	v24 =	vld [tilespmem:s23+$0xFFFFFF90];
	v26 =	vor.u32 v9, v32;
	v27 =	vbroadcast v18, $0x0  }
0x29a: {  	s28 =	sadd.s32 $0x10, s28;
	v28 =	vmov s2;
	v29 =	vshll.u32 v29, v1;
	[tilespmem:v30+s5+$0x0] =	vst.idx.msk $0xffff, v22;
	v18 =	vld [tilespmem:s23+$0xFFFFFFA0];
	v22 =	vor.u32 v10, v32  }
0x29b: {  	_ =	sdelay $0x3  }
0x29c: {  	v28 =	vshrl.u32 v28, $0x3;
	[tilespmem:v25+s5+$0x0] =	vst.idx.msk $0xffff, v20;
	v20 =	vld [tilespmem:s23+$0xFFFFFFB0];
	v25 =	vor.u32 v11, v27;
	v29 =	vbroadcast v29, $0x0  }
0x29d: {  	v30 =	vmov s25;
	v28 =	vshll.u32 v28, v1;
	[tilespmem:v21+s5+$0x0] =	vst.idx.msk $0xffff, v17;
	v17 =	vld [tilespmem:s23+$0xFFFFFFC0];
	v21 =	vor.u32 v12, v27  }
0x29e: {  	s2 =	sadd.s32 $0x1, s25;
	v27 =	vshrl.u32 v30, $0x3;
	v28 =	vbroadcast v28, $0x0;
	[tilespmem:v23+s5+$0x0] =	vst.idx.msk $0xffff, v19;
	v19 =	vld [tilespmem:s23+$0xFFFFFFD0];
	v23 =	vor.u32 v13, v29  }
0x29f: {  	v30 =	vmov s2;
	v27 =	vshll.u32 v27, v1;
	[tilespmem:v26+s5+$0x0] =	vst.idx.msk $0xffff, v24;
	v24 =	vld [tilespmem:s23+$0xFFFFFFE0];
	v26 =	vor.u32 v14, v29;
	s23 =	sadd.s32 $0x200, s23  }
0x2a0: {  	s29 =	sadd.s32 $0x2, s25;
	v27 =	vbroadcast v27, $0x0;
	v29 =	vshrl.u32 v30, $0x3;
	v30 =	vld [tilespmem:s23+$0xFFFFFFF0];
	v31 =	vor.u32 v15, v28;
	[tilespmem:v22+s5+$0x0] =	vst.idx.msk $0xffff, v18  }
0x2a1: {  	v18 =	vshll.u32 v29, v1;
	v22 =	vmov s29;
	v29 =	vld [tilespmem:s23+$0x0];
	v28 =	vor.u32 v16, v28;
	[tilespmem:v25+s5+$0x0] =	vst.idx.msk $0xffff, v20  }
0x2a2: {  	s29 =	sadd.s32 $0x3, s25;
	v20 =	vld [tilespmem:s23+$0xFFFFFE10];
	v25 =	vor.u32 v0, v27;
	v18 =	vbroadcast v18, $0x0;
	v22 =	vshrl.u32 v22, $0x3;
	[tilespmem:v21+s5+$0x0] =	vst.idx.msk $0xffff, v17  }
0x2a3: {  	v17 =	vld [tilespmem:s23+$0xFFFFFE20];
	v21 =	vor.u32 v2, v27;
	v22 =	vshll.u32 v22, v1;
	v27 =	vmov s29;
	[tilespmem:v23+s5+$0x0] =	vst.idx.msk $0xffff, v19  }
0x2a4: {  	s29 =	sadd.s32 $0x4, s25;
	v19 =	vld [tilespmem:s23+$0xFFFFFE30];
	v23 =	vor.u32 v3, v18;
	v22 =	vbroadcast v22, $0x0;
	v27 =	vshrl.u32 v27, $0x3;
	[tilespmem:v26+s5+$0x0] =	vst.idx.msk $0xffff, v24  }
0x2a5: {  	v18 =	vor.u32 v4, v18;
	v24 =	vld [tilespmem:s23+$0xFFFFFE40];
	v26 =	vshll.u32 v27, v1;
	v27 =	vmov s29;
	[tilespmem:v31+s5+$0x0] =	vst.idx.msk $0xffff, v30  }
0x2a6: {  	s29 =	sadd.s32 $0x5, s25;
	v30 =	vld [tilespmem:s23+$0xFFFFFE50];
	v31 =	vor.u32 v5, v22;
	v26 =	vbroadcast v26, $0x0;
	v27 =	vshrl.u32 v27, $0x3;
	[tilespmem:v28+s5+$0x0] =	vst.idx.msk $0xffff, v29  }
0x2a7: {  	v22 =	vor.u32 v6, v22;
	[tilespmem:v25+s5+$0x0] =	vst.idx.msk $0xffff, v20;
	v20 =	vld [tilespmem:s23+$0xFFFFFE60];
	v25 =	vshll.u32 v27, v1;
	v27 =	vmov s29  }
0x2a8: {  	s29 =	sadd.s32 $0x6, s25;
	[tilespmem:v21+s5+$0x0] =	vst.idx.msk $0xffff, v17;
	v17 =	vld [tilespmem:s23+$0xFFFFFE70];
	v21 =	vor.u32 v7, v26;
	v25 =	vbroadcast v25, $0x0;
	v27 =	vshrl.u32 v27, $0x3  }
0x2a9: {  	[tilespmem:v23+s5+$0x0] =	vst.idx.msk $0xffff, v19;
	v19 =	vld [tilespmem:s23+$0xFFFFFE80];
	v23 =	vor.u32 v8, v26;
	v26 =	vshll.u32 v27, v1;
	v27 =	vmov s29  }
0x2aa: {  	s29 =	sadd.s32 $0x7, s25;
	[tilespmem:v18+s5+$0x0] =	vst.idx.msk $0xffff, v24;
	v18 =	vld [tilespmem:s23+$0xFFFFFE90];
	v24 =	vor.u32 v9, v25;
	v26 =	vbroadcast v26, $0x0;
	v27 =	vshrl.u32 v27, $0x3  }
0x2ab: {  	v28 =	vld [tilespmem:s23+$0xFFFFFEA0];
	v25 =	vor.u32 v10, v25;
	v29 =	vmov s29;
	[tilespmem:v31+s5+$0x0] =	vst.idx.msk $0xffff, v30;
	v27 =	vshll.u32 v27, v1  }
0x2ac: {  	s29 =	sadd.s32 $0x8, s25;
	v29 =	vshrl.u32 v29, $0x3;
	[tilespmem:v22+s5+$0x0] =	vst.idx.msk $0xffff, v20;
	v20 =	vld [tilespmem:s23+$0xFFFFFEB0];
	v22 =	vor.u32 v11, v26;
	v27 =	vbroadcast v27, $0x0  }
0x2ad: {  	[tilespmem:v21+s5+$0x0] =	vst.idx.msk $0xffff, v17;
	v17 =	vld [tilespmem:s23+$0xFFFFFEC0];
	v21 =	vor.u32 v12, v26;
	v26 =	vshll.u32 v29, v1;
	v29 =	vmov s29  }
0x2ae: {  	s29 =	sadd.s32 $0x9, s25;
	[tilespmem:v23+s5+$0x0] =	vst.idx.msk $0xffff, v19;
	v19 =	vld [tilespmem:s23+$0xFFFFFED0];
	v23 =	vor.u32 v13, v27;
	v26 =	vbroadcast v26, $0x0;
	v29 =	vshrl.u32 v29, $0x3  }
0x2af: {  	[tilespmem:v24+s5+$0x0] =	vst.idx.msk $0xffff, v18;
	v18 =	vld [tilespmem:s23+$0xFFFFFEE0];
	v24 =	vor.u32 v14, v27;
	v27 =	vshll.u32 v29, v1;
	v29 =	vmov s29  }
0x2b0: {  	s29 =	sadd.s32 $0xA, s25;
	[tilespmem:v25+s5+$0x0] =	vst.idx.msk $0xffff, v28;
	v25 =	vld [tilespmem:s23+$0xFFFFFEF0];
	v28 =	vor.u32 v15, v26;
	v27 =	vbroadcast v27, $0x0;
	v29 =	vshrl.u32 v29, $0x3  }
0x2b1: {  	[tilespmem:v22+s5+$0x0] =	vst.idx.msk $0xffff, v20;
	v20 =	vld [tilespmem:s23+$0xFFFFFF00];
	v22 =	vor.u32 v16, v26;
	v26 =	vshll.u32 v29, v1;
	v29 =	vmov s29  }
0x2b2: {  	s29 =	sadd.s32 $0xB, s25;
	[tilespmem:v21+s5+$0x0] =	vst.idx.msk $0xffff, v17;
	v17 =	vld [tilespmem:s23+$0xFFFFFF10];
	v21 =	vor.u32 v0, v27;
	v26 =	vbroadcast v26, $0x0;
	v29 =	vshrl.u32 v29, $0x3  }
0x2b3: {  	[tilespmem:v23+s5+$0x0] =	vst.idx.msk $0xffff, v19;
	v19 =	vld [tilespmem:s23+$0xFFFFFF20];
	v23 =	vor.u32 v2, v27;
	v27 =	vshll.u32 v29, v1;
	v29 =	vmov s29  }
0x2b4: {  	s29 =	sadd.s32 $0xC, s25;
	[tilespmem:v24+s5+$0x0] =	vst.idx.msk $0xffff, v18;
	v18 =	vld [tilespmem:s23+$0xFFFFFF30];
	v24 =	vor.u32 v3, v26;
	v27 =	vbroadcast v27, $0x0;
	v29 =	vshrl.u32 v29, $0x3  }
0x2b5: {  	v26 =	vor.u32 v4, v26;
	[tilespmem:v28+s5+$0x0] =	vst.idx.msk $0xffff, v25;
	v25 =	vld [tilespmem:s23+$0xFFFFFF40];
	v28 =	vshll.u32 v29, v1;
	v29 =	vmov s29  }
0x2b6: {  	s29 =	sadd.s32 $0xD, s25;
	[tilespmem:v22+s5+$0x0] =	vst.idx.msk $0xffff, v20;
	v20 =	vld [tilespmem:s23+$0xFFFFFF50];
	v22 =	vor.u32 v5, v27;
	v28 =	vbroadcast v28, $0x0;
	v29 =	vshrl.u32 v29, $0x3  }
0x2b7: {  	[tilespmem:v21+s5+$0x0] =	vst.idx.msk $0xffff, v17;
	v17 =	vld [tilespmem:s23+$0xFFFFFF60];
	v21 =	vor.u32 v6, v27;
	v27 =	vshll.u32 v29, v1;
	v29 =	vmov s29  }
0x2b8: {  	s29 =	sadd.s32 $0xE, s25;
	[tilespmem:v23+s5+$0x0] =	vst.idx.msk $0xffff, v19;
	v19 =	vld [tilespmem:s23+$0xFFFFFF70];
	v23 =	vor.u32 v7, v28;
	v27 =	vbroadcast v27, $0x0;
	v29 =	vshrl.u32 v29, $0x3  }
0x2b9: {  	[tilespmem:v24+s5+$0x0] =	vst.idx.msk $0xffff, v18;
	v18 =	vld [tilespmem:s23+$0xFFFFFF80];
	v24 =	vor.u32 v8, v28;
	v28 =	vshll.u32 v29, v1;
	v29 =	vmov s29  }
0x2ba: {  	[tilespmem:v26+s5+$0x0] =	vst.idx.msk $0xffff, v25;
	v25 =	vld [tilespmem:s23+$0xFFFFFF90];
	v26 =	vor.u32 v9, v27;
	v28 =	vbroadcast v28, $0x0;
	v29 =	vshrl.u32 v29, $0x3  }
0x2bb: {  	[tilespmem:v22+s5+$0x0] =	vst.idx.msk $0xffff, v20;
	v20 =	vld [tilespmem:s23+$0xFFFFFFA0];
	v22 =	vor.u32 v10, v27;
	v27 =	vshll.u32 v29, v1  }
0x2bc: {  	[tilespmem:v21+s5+$0x0] =	vst.idx.msk $0xffff, v17;
	v17 =	vld [tilespmem:s23+$0xFFFFFFB0];
	v21 =	vor.u32 v11, v28;
	v27 =	vbroadcast v27, $0x0  }
0x2bd: {  	[tilespmem:v23+s5+$0x0] =	vst.idx.msk $0xffff, v19;
	v19 =	vld [tilespmem:s23+$0xFFFFFFC0];
	v23 =	vor.u32 v12, v28  }
0x2be: {  	[tilespmem:v24+s5+$0x0] =	vst.idx.msk $0xffff, v18;
	v18 =	vld [tilespmem:s23+$0xFFFFFFD0];
	v24 =	vor.u32 v13, v27  }
0x2bf: {  	[tilespmem:v26+s5+$0x0] =	vst.idx.msk $0xffff, v25;
	v25 =	vld [tilespmem:s23+$0xFFFFFFE0];
	v26 =	vor.u32 v14, v27  }
0x2c0: {  	[tilespmem:v22+s5+$0x0] =	vst.idx.msk $0xffff, v20  }
0x2c1: {  	[tilespmem:v21+s5+$0x0] =	vst.idx.msk $0xffff, v17  }
0x2c2: {  	[tilespmem:v23+s5+$0x0] =	vst.idx.msk $0xffff, v19  }
0x2c3: {  	s29 =	sor.u32 s7, s21;
	[tilespmem:v24+s5+$0x0] =	vst.idx.msk $0xffff, v18  }
0x2c4: {  	s25 =	simm.s32 $0xB400;
	s2 =	sshrl.u32 s29, $0x3;
	s23 =	sadd.s32 $0x680, s20;
	[tilespmem:v26+s5+$0x0] =	vst.idx.msk $0xffff, v25  }
0x2c5: {  	[tilespmem:s25], [sflag:$0x6] =	stream.indirect.gather [hbm4b:s4+s14], $0x20, s23, s14, $0xb8;
	[tilespmem:$0x16400] =	vst v63  }
0x2c6: {  	s2 =	sadd.s32 s1, s2  }
0x2c7: {  	[hbm4b:s2+s31] =	stream.strided.scatter [tilespmem:s5], [sflag:$0xE], $0x1000, s0, s31, $0x38;
	[tilespmem:$0x16400] =	vst v63  }
0x2c8: {  	s23 =	simm.s32 $0xF;
	_ =	swait.ge [sflag:s10], $0x1000  }
0x2c9: {  	s25 =	simm.s32 $0x0;
	v17 =	vmov s23;
	[sflag:s10] =	ssyncset.done $0x0  }
0x2ca: {  	v18 =	vmov s25;
	s2 =	simm.s32 @!p0 $0xF;
	v17 =	vshrl.u32 v17, $0x3;
	[sflag:s10] =	ssyncadd.s32 $0xFFFFF000  }
0x2cb: {  	v18 =	vshrl.u32 v18, $0x3;
	v17 =	vshll.u32 v17, v1;
	_ =	swait.ge @!p0 [sflag:s2], $0x1000  }
0x2cc: {  	s29 =	simm.s32 $0x1;
	v18 =	vshll.u32 v18, v1;
	v17 =	vbroadcast v17, $0x0;
	[sflag:s2] =	ssyncset.done @!p0 $0x0  }
0x2cd: {  	v19 =	vmov s29;
	s23 =	simm.s32 $0xC5F0;
	v18 =	vbroadcast v18, $0x0;
	[sflag:s2] =	ssyncadd.s32 @!p0 $0xFFFFF000  }
0x2ce: {  	v19 =	vshrl.u32 v19, $0x3;
	s25 =	simm.s32 $0x2;
	v21 =	vor.u32 v15, v17;
	v20 =	vld [tilespmem:s23+$0xFFFFFFF0]  }
0x2cf: {  	v19 =	vshll.u32 v19, v1;
	v22 =	vmov s25;
	v25 =	vor.u32 v0, v18;
	v24 =	vld [tilespmem:s23+$0xFFFFFE10]  }
0x2d0: {  	s29 =	simm.s32 $0x3;
	v19 =	vbroadcast v19, $0x0;
	v22 =	vshrl.u32 v22, $0x3;
	v17 =	vor.u32 v16, v17;
	v23 =	vld [tilespmem:s23+$0x0]  }
0x2d1: {  	v27 =	vmov s29;
	v22 =	vshll.u32 v22, v1;
	v18 =	vor.u32 v2, v18;
	v26 =	vld [tilespmem:s23+$0xFFFFFE20]  }
0x2d2: {  	v27 =	vshrl.u32 v27, $0x3;
	v29 =	vor.u32 v3, v19;
	s25 =	simm.s32 $0x4;
	v22 =	vbroadcast v22, $0x0;
	v28 =	vld [tilespmem:s23+$0xFFFFFE30]  }
0x2d3: {  	v27 =	vshll.u32 v27, v1;
	v19 =	vor.u32 v4, v19;
	v31 =	vmov s25;
	v30 =	vld [tilespmem:s23+$0xFFFFFE40];
	[tilespmem:v21+s13+$0x0] =	vst.idx.msk $0xffff, v20  }
0x2d4: {  	s29 =	simm.s32 $0x5;
	v27 =	vbroadcast v27, $0x0;
	v31 =	vshrl.u32 v31, $0x3;
	v20 =	vld [tilespmem:s23+$0xFFFFFE50];
	v21 =	vor.u32 v5, v22;
	[tilespmem:v25+s13+$0x0] =	vst.idx.msk $0xffff, v24  }
0x2d5: {  	v22 =	vor.u32 v6, v22;
	v24 =	vmov s29;
	[tilespmem:v17+s13+$0x0] =	vst.idx.msk $0xffff, v23;
	v17 =	vld [tilespmem:s23+$0xFFFFFE60];
	v23 =	vshll.u32 v31, v1  }
0x2d6: {  	s25 =	simm.s32 $0x6;
	v25 =	vor.u32 v7, v27;
	[tilespmem:v18+s13+$0x0] =	vst.idx.msk $0xffff, v26;
	v18 =	vld [tilespmem:s23+$0xFFFFFE70];
	v24 =	vshrl.u32 v24, $0x3;
	v23 =	vbroadcast v23, $0x0  }
0x2d7: {  	[tilespmem:v29+s13+$0x0] =	vst.idx.msk $0xffff, v28;
	v27 =	vor.u32 v8, v27;
	v28 =	vmov s25;
	v26 =	vld [tilespmem:s23+$0xFFFFFE80];
	v24 =	vshll.u32 v24, v1  }
0x2d8: {  	s29 =	simm.s32 $0x7;
	[tilespmem:v19+s13+$0x0] =	vst.idx.msk $0xffff, v30;
	v19 =	vld [tilespmem:s23+$0xFFFFFE90];
	v28 =	vshrl.u32 v28, $0x3;
	v24 =	vbroadcast v24, $0x0;
	v29 =	vor.u32 v9, v23  }
0x2d9: {  	[tilespmem:v21+s13+$0x0] =	vst.idx.msk $0xffff, v20;
	v20 =	vld [tilespmem:s23+$0xFFFFFEA0];
	v21 =	vor.u32 v10, v23;
	v23 =	vshll.u32 v28, v1;
	v28 =	vmov s29  }
0x2da: {  	s25 =	simm.s32 $0x8;
	[tilespmem:v22+s13+$0x0] =	vst.idx.msk $0xffff, v17;
	v17 =	vld [tilespmem:s23+$0xFFFFFEB0];
	v22 =	vor.u32 v11, v24;
	v23 =	vbroadcast v23, $0x0;
	v28 =	vshrl.u32 v28, $0x3  }
0x2db: {  	[tilespmem:v25+s13+$0x0] =	vst.idx.msk $0xffff, v18;
	v18 =	vld [tilespmem:s23+$0xFFFFFEC0];
	v24 =	vor.u32 v12, v24;
	v25 =	vshll.u32 v28, v1;
	v28 =	vmov s25  }
0x2dc: {  	s29 =	simm.s32 $0x9;
	[tilespmem:v27+s13+$0x0] =	vst.idx.msk $0xffff, v26;
	v26 =	vld [tilespmem:s23+$0xFFFFFED0];
	v27 =	vor.u32 v13, v23;
	v25 =	vbroadcast v25, $0x0;
	v28 =	vshrl.u32 v28, $0x3  }
0x2dd: {  	v23 =	vor.u32 v14, v23;
	[tilespmem:v29+s13+$0x0] =	vst.idx.msk $0xffff, v19;
	v19 =	vld [tilespmem:s23+$0xFFFFFEE0];
	v28 =	vshll.u32 v28, v1;
	v29 =	vmov s29  }
0x2de: {  	s25 =	simm.s32 $0xA;
	[tilespmem:v21+s13+$0x0] =	vst.idx.msk $0xffff, v20;
	v20 =	vld [tilespmem:s23+$0xFFFFFEF0];
	v21 =	vor.u32 v15, v25;
	v28 =	vbroadcast v28, $0x0;
	v29 =	vshrl.u32 v29, $0x3  }
0x2df: {  	[tilespmem:v22+s13+$0x0] =	vst.idx.msk $0xffff, v17;
	v17 =	vld [tilespmem:s23+$0xFFFFFF00];
	v22 =	vor.u32 v16, v25;
	v25 =	vshll.u32 v29, v1;
	v29 =	vmov s25  }
0x2e0: {  	s29 =	simm.s32 $0xB;
	[tilespmem:v24+s13+$0x0] =	vst.idx.msk $0xffff, v18;
	v18 =	vld [tilespmem:s23+$0xFFFFFF10];
	v24 =	vor.u32 v0, v28;
	v25 =	vbroadcast v25, $0x0;
	v29 =	vshrl.u32 v29, $0x3  }
0x2e1: {  	[tilespmem:v27+s13+$0x0] =	vst.idx.msk $0xffff, v26;
	v26 =	vld [tilespmem:s23+$0xFFFFFF20];
	v27 =	vor.u32 v2, v28;
	v28 =	vshll.u32 v29, v1;
	v29 =	vmov s29  }
0x2e2: {  	s25 =	simm.s32 $0xC;
	[tilespmem:v23+s13+$0x0] =	vst.idx.msk $0xffff, v19;
	v19 =	vld [tilespmem:s23+$0xFFFFFF30];
	v23 =	vor.u32 v3, v25;
	v28 =	vbroadcast v28, $0x0;
	v29 =	vshrl.u32 v29, $0x3  }
0x2e3: {  	v30 =	vld [tilespmem:s23+$0xFFFFFF40];
	v31 =	vor.u32 v4, v25;
	[tilespmem:v21+s13+$0x0] =	vst.idx.msk $0xffff, v20;
	v20 =	vshll.u32 v29, v1;
	v21 =	vmov s25  }
0x2e4: {  	s29 =	simm.s32 $0xD;
	[tilespmem:v22+s13+$0x0] =	vst.idx.msk $0xffff, v17;
	v22 =	vld [tilespmem:s23+$0xFFFFFF50];
	v29 =	vor.u32 v5, v28;
	v32 =	vbroadcast v20, $0x0;
	v17 =	vshrl.u32 v21, $0x3  }
0x2e5: {  	v20 =	vld [tilespmem:s23+$0xFFFFFF60];
	v25 =	vor.u32 v6, v28;
	[tilespmem:v24+s13+$0x0] =	vst.idx.msk $0xffff, v18;
	v18 =	vshll.u32 v17, v1;
	v24 =	vmov s29  }
0x2e6: {  	s25 =	simm.s32 $0xE;
	v17 =	vld [tilespmem:s23+$0xFFFFFF70];
	[tilespmem:v27+s13+$0x0] =	vst.idx.msk $0xffff, v26;
	v21 =	vor.u32 v7, v32;
	v33 =	vbroadcast v18, $0x0;
	v18 =	vshrl.u32 v24, $0x3  }
0x2e7: {  	v28 =	vmov s25;
	[tilespmem:v23+s13+$0x0] =	vst.idx.msk $0xffff, v19;
	v19 =	vld [tilespmem:s23+$0xFFFFFF80];
	v23 =	vor.u32 v8, v32;
	v18 =	vshll.u32 v18, v1  }
0x2e8: {  	s29 =	simm.s32 $0x1F;
	v24 =	vld [tilespmem:s23+$0xFFFFFF90];
	[tilespmem:v31+s13+$0x0] =	vst.idx.msk $0xffff, v30;
	v26 =	vor.u32 v9, v33;
	v27 =	vbroadcast v18, $0x0;
	v30 =	vshrl.u32 v28, $0x3  }
0x2e9: {  	s28 =	simm.s32 $0x20;
	s25 =	simm.s32 $0x10;
	v28 =	vmov s29;
	v18 =	vld [tilespmem:s23+$0xFFFFFFA0];
	[tilespmem:v29+s13+$0x0] =	vst.idx.msk $0xffff, v22;
	v22 =	vor.u32 v10, v33;
	v29 =	vshll.u32 v30, v1  }
.LBB2_15:
0x2ea: {  	p1 =	slt.u32 s28, $0x70;
	v28 =	vshrl.u32 v28, $0x3;
	[tilespmem:v25+s13+$0x0] =	vst.idx.msk $0xffff, v20;
	v20 =	vld [tilespmem:s23+$0xFFFFFFB0];
	v25 =	vor.u32 v11, v27;
	v29 =	vbroadcast v29, $0x0  }
0x2eb: {  	v30 =	vmov s25;
	v28 =	vshll.u32 v28, v1;
	[tilespmem:v21+s13+$0x0] =	vst.idx.msk $0xffff, v17;
	v17 =	vld [tilespmem:s23+$0xFFFFFFC0];
	v21 =	vor.u32 v12, v27  }
0x2ec: {  	s2 =	sadd.s32 $0x1, s25;
	v27 =	vshrl.u32 v30, $0x3;
	v28 =	vbroadcast v28, $0x0;
	[tilespmem:v23+s13+$0x0] =	vst.idx.msk $0xffff, v19;
	v19 =	vld [tilespmem:s23+$0xFFFFFFD0];
	v23 =	vor.u32 v13, v29  }
0x2ed: {  	v30 =	vmov s2;
	v27 =	vshll.u32 v27, v1;
	[tilespmem:v26+s13+$0x0] =	vst.idx.msk $0xffff, v24;
	v24 =	vld [tilespmem:s23+$0xFFFFFFE0];
	v26 =	vor.u32 v14, v29;
	s23 =	sadd.s32 $0x200, s23  }
0x2ee: {  	s2 =	sadd.s32 $0x2, s25;
	v27 =	vbroadcast v27, $0x0;
	v29 =	vshrl.u32 v30, $0x3;
	v30 =	vld [tilespmem:s23+$0xFFFFFFF0];
	v31 =	vor.u32 v15, v28;
	[tilespmem:v22+s13+$0x0] =	vst.idx.msk $0xffff, v18  }
0x2ef: {  	v18 =	vshll.u32 v29, v1;
	v22 =	vmov s2;
	v28 =	vor.u32 v16, v28;
	v29 =	vld [tilespmem:s23+$0x0];
	[tilespmem:v25+s13+$0x0] =	vst.idx.msk $0xffff, v20  }
0x2f0: {  	s2 =	sadd.s32 $0x3, s25;
	v25 =	vor.u32 v0, v27;
	v18 =	vbroadcast v18, $0x0;
	v22 =	vshrl.u32 v22, $0x3;
	v20 =	vld [tilespmem:s23+$0xFFFFFE10];
	[tilespmem:v21+s13+$0x0] =	vst.idx.msk $0xffff, v17  }
0x2f1: {  	v21 =	vor.u32 v2, v27;
	v22 =	vshll.u32 v22, v1;
	v27 =	vmov s2;
	v17 =	vld [tilespmem:s23+$0xFFFFFE20];
	[tilespmem:v23+s13+$0x0] =	vst.idx.msk $0xffff, v19  }
0x2f2: {  	s2 =	sadd.s32 $0x4, s25;
	v23 =	vor.u32 v3, v18;
	v22 =	vbroadcast v22, $0x0;
	v27 =	vshrl.u32 v27, $0x3;
	v19 =	vld [tilespmem:s23+$0xFFFFFE30];
	[tilespmem:v26+s13+$0x0] =	vst.idx.msk $0xffff, v24  }
0x2f3: {  	v18 =	vor.u32 v4, v18;
	v26 =	vshll.u32 v27, v1;
	v27 =	vmov s2;
	v24 =	vld [tilespmem:s23+$0xFFFFFE40];
	[tilespmem:v31+s13+$0x0] =	vst.idx.msk $0xffff, v30  }
0x2f4: {  	s2 =	sadd.s32 $0x5, s25;
	v31 =	vor.u32 v5, v22;
	v26 =	vbroadcast v26, $0x0;
	v27 =	vshrl.u32 v27, $0x3;
	v30 =	vld [tilespmem:s23+$0xFFFFFE50];
	[tilespmem:v28+s13+$0x0] =	vst.idx.msk $0xffff, v29  }
0x2f5: {  	v22 =	vor.u32 v6, v22;
	[tilespmem:v25+s13+$0x0] =	vst.idx.msk $0xffff, v20;
	v20 =	vld [tilespmem:s23+$0xFFFFFE60];
	v25 =	vshll.u32 v27, v1;
	v27 =	vmov s2  }
0x2f6: {  	s2 =	sadd.s32 $0x6, s25;
	[tilespmem:v21+s13+$0x0] =	vst.idx.msk $0xffff, v17;
	v17 =	vld [tilespmem:s23+$0xFFFFFE70];
	v21 =	vor.u32 v7, v26;
	v25 =	vbroadcast v25, $0x0;
	v27 =	vshrl.u32 v27, $0x3  }
0x2f7: {  	[tilespmem:v23+s13+$0x0] =	vst.idx.msk $0xffff, v19;
	v19 =	vld [tilespmem:s23+$0xFFFFFE80];
	v23 =	vor.u32 v8, v26;
	v26 =	vshll.u32 v27, v1;
	v27 =	vmov s2  }
0x2f8: {  	s2 =	sadd.s32 $0x7, s25;
	[tilespmem:v18+s13+$0x0] =	vst.idx.msk $0xffff, v24;
	v18 =	vld [tilespmem:s23+$0xFFFFFE90];
	v24 =	vor.u32 v9, v25;
	v26 =	vbroadcast v26, $0x0;
	v27 =	vshrl.u32 v27, $0x3  }
0x2f9: {  	v25 =	vor.u32 v10, v25;
	v29 =	vmov s2;
	[tilespmem:v31+s13+$0x0] =	vst.idx.msk $0xffff, v30;
	v28 =	vld [tilespmem:s23+$0xFFFFFEA0];
	v27 =	vshll.u32 v27, v1  }
0x2fa: {  	s2 =	sadd.s32 $0x8, s25;
	v29 =	vshrl.u32 v29, $0x3;
	[tilespmem:v22+s13+$0x0] =	vst.idx.msk $0xffff, v20;
	v20 =	vld [tilespmem:s23+$0xFFFFFEB0];
	v22 =	vor.u32 v11, v26;
	v27 =	vbroadcast v27, $0x0  }
0x2fb: {  	[tilespmem:v21+s13+$0x0] =	vst.idx.msk $0xffff, v17;
	v17 =	vld [tilespmem:s23+$0xFFFFFEC0];
	v21 =	vor.u32 v12, v26;
	v26 =	vshll.u32 v29, v1;
	v29 =	vmov s2  }
0x2fc: {  	s2 =	sadd.s32 $0x9, s25;
	[tilespmem:v23+s13+$0x0] =	vst.idx.msk $0xffff, v19;
	v19 =	vld [tilespmem:s23+$0xFFFFFED0];
	v23 =	vor.u32 v13, v27;
	v26 =	vbroadcast v26, $0x0;
	v29 =	vshrl.u32 v29, $0x3  }
0x2fd: {  	[tilespmem:v24+s13+$0x0] =	vst.idx.msk $0xffff, v18;
	v18 =	vld [tilespmem:s23+$0xFFFFFEE0];
	v24 =	vor.u32 v14, v27;
	v27 =	vshll.u32 v29, v1;
	v29 =	vmov s2  }
0x2fe: {  	s2 =	sadd.s32 $0xA, s25;
	[tilespmem:v25+s13+$0x0] =	vst.idx.msk $0xffff, v28;
	v25 =	vld [tilespmem:s23+$0xFFFFFEF0];
	v28 =	vor.u32 v15, v26;
	v27 =	vbroadcast v27, $0x0;
	v29 =	vshrl.u32 v29, $0x3  }
0x2ff: {  	[tilespmem:v22+s13+$0x0] =	vst.idx.msk $0xffff, v20;
	v20 =	vld [tilespmem:s23+$0xFFFFFF00];
	v22 =	vor.u32 v16, v26;
	v26 =	vshll.u32 v29, v1;
	v29 =	vmov s2  }
0x300: {  	s2 =	sadd.s32 $0xB, s25;
	[tilespmem:v21+s13+$0x0] =	vst.idx.msk $0xffff, v17;
	v17 =	vld [tilespmem:s23+$0xFFFFFF10];
	v21 =	vor.u32 v0, v27;
	v26 =	vbroadcast v26, $0x0;
	v29 =	vshrl.u32 v29, $0x3  }
0x301: {  	[tilespmem:v23+s13+$0x0] =	vst.idx.msk $0xffff, v19;
	v19 =	vld [tilespmem:s23+$0xFFFFFF20];
	v23 =	vor.u32 v2, v27;
	v27 =	vshll.u32 v29, v1;
	v29 =	vmov s2  }
0x302: {  	s2 =	sadd.s32 $0xC, s25;
	[tilespmem:v24+s13+$0x0] =	vst.idx.msk $0xffff, v18;
	v18 =	vld [tilespmem:s23+$0xFFFFFF30];
	v24 =	vor.u32 v3, v26;
	v27 =	vbroadcast v27, $0x0;
	v29 =	vshrl.u32 v29, $0x3  }
0x303: {  	v26 =	vor.u32 v4, v26;
	[tilespmem:v28+s13+$0x0] =	vst.idx.msk $0xffff, v25;
	v28 =	vld [tilespmem:s23+$0xFFFFFF40];
	v25 =	vshll.u32 v29, v1;
	v29 =	vmov s2  }
0x304: {  	s2 =	sadd.s32 $0xD, s25;
	[tilespmem:v22+s13+$0x0] =	vst.idx.msk $0xffff, v20;
	v22 =	vld [tilespmem:s23+$0xFFFFFF50];
	v30 =	vor.u32 v5, v27;
	v31 =	vbroadcast v25, $0x0;
	v29 =	vshrl.u32 v29, $0x3  }
.Ltmp6:
0x305: {  	v25 =	vor.u32 v6, v27;
	[tilespmem:v21+s13+$0x0] =	vst.idx.msk $0xffff, v17;
	v20 =	vld [tilespmem:s23+$0xFFFFFF60];
	v27 =	vshll.u32 v29, v1;
	v29 =	vmov s2;
	(pc) =	sbr.rel @p1 .LBB2_15-.Ltmp6, $4  }
0x306: {  	s2 =	sadd.s32 $0xE, s25;
	s25 =	smov.u32 s28;
	[tilespmem:v23+s13+$0x0] =	vst.idx.msk $0xffff, v19;
	v17 =	vld [tilespmem:s23+$0xFFFFFF70];
	v21 =	vor.u32 v7, v31;
	v32 =	vbroadcast v27, $0x0;
	v27 =	vshrl.u32 v29, $0x3  }
0x307: {  	v23 =	vor.u32 v8, v31;
	v29 =	vmov s2;
	[tilespmem:v24+s13+$0x0] =	vst.idx.msk $0xffff, v18;
	v19 =	vld [tilespmem:s23+$0xFFFFFF80];
	v18 =	vshll.u32 v27, v1  }
0x308: {  	s2 =	sadd.s32 $0xF, s28;
	v29 =	vshrl.u32 v29, $0x3;
	[tilespmem:v26+s13+$0x0] =	vst.idx.msk $0xffff, v28;
	v24 =	vld [tilespmem:s23+$0xFFFFFF90];
	v26 =	vor.u32 v9, v32;
	v27 =	vbroadcast v18, $0x0  }
0x309: {  	s28 =	sadd.s32 $0x10, s28;
	v28 =	vmov s2;
	v29 =	vshll.u32 v29, v1;
	[tilespmem:v30+s13+$0x0] =	vst.idx.msk $0xffff, v22;
	v18 =	vld [tilespmem:s23+$0xFFFFFFA0];
	v22 =	vor.u32 v10, v32  }
0x30a: {  	_ =	sdelay $0x3  }
0x30b: {  	v28 =	vshrl.u32 v28, $0x3;
	[tilespmem:v25+s13+$0x0] =	vst.idx.msk $0xffff, v20;
	v20 =	vld [tilespmem:s23+$0xFFFFFFB0];
	v25 =	vor.u32 v11, v27;
	v29 =	vbroadcast v29, $0x0  }
0x30c: {  	v30 =	vmov s25;
	v28 =	vshll.u32 v28, v1;
	[tilespmem:v21+s13+$0x0] =	vst.idx.msk $0xffff, v17;
	v17 =	vld [tilespmem:s23+$0xFFFFFFC0];
	v21 =	vor.u32 v12, v27  }
0x30d: {  	s2 =	sadd.s32 $0x1, s25;
	v27 =	vshrl.u32 v30, $0x3;
	v28 =	vbroadcast v28, $0x0;
	[tilespmem:v23+s13+$0x0] =	vst.idx.msk $0xffff, v19;
	v19 =	vld [tilespmem:s23+$0xFFFFFFD0];
	v23 =	vor.u32 v13, v29  }
0x30e: {  	v30 =	vmov s2;
	v27 =	vshll.u32 v27, v1;
	[tilespmem:v26+s13+$0x0] =	vst.idx.msk $0xffff, v24;
	v24 =	vld [tilespmem:s23+$0xFFFFFFE0];
	v26 =	vor.u32 v14, v29;
	s23 =	sadd.s32 $0x200, s23  }
0x30f: {  	s29 =	sadd.s32 $0x2, s25;
	v27 =	vbroadcast v27, $0x0;
	v29 =	vshrl.u32 v30, $0x3;
	v30 =	vld [tilespmem:s23+$0xFFFFFFF0];
	v31 =	vor.u32 v15, v28;
	[tilespmem:v22+s13+$0x0] =	vst.idx.msk $0xffff, v18  }
0x310: {  	v18 =	vshll.u32 v29, v1;
	v22 =	vmov s29;
	v29 =	vld [tilespmem:s23+$0x0];
	v28 =	vor.u32 v16, v28;
	[tilespmem:v25+s13+$0x0] =	vst.idx.msk $0xffff, v20  }
0x311: {  	s29 =	sadd.s32 $0x3, s25;
	v20 =	vld [tilespmem:s23+$0xFFFFFE10];
	v25 =	vor.u32 v0, v27;
	v18 =	vbroadcast v18, $0x0;
	v22 =	vshrl.u32 v22, $0x3;
	[tilespmem:v21+s13+$0x0] =	vst.idx.msk $0xffff, v17  }
0x312: {  	v17 =	vld [tilespmem:s23+$0xFFFFFE20];
	v21 =	vor.u32 v2, v27;
	v22 =	vshll.u32 v22, v1;
	v27 =	vmov s29;
	[tilespmem:v23+s13+$0x0] =	vst.idx.msk $0xffff, v19  }
0x313: {  	s29 =	sadd.s32 $0x4, s25;
	v19 =	vld [tilespmem:s23+$0xFFFFFE30];
	v23 =	vor.u32 v3, v18;
	v22 =	vbroadcast v22, $0x0;
	v27 =	vshrl.u32 v27, $0x3;
	[tilespmem:v26+s13+$0x0] =	vst.idx.msk $0xffff, v24  }
0x314: {  	v18 =	vor.u32 v4, v18;
	v24 =	vld [tilespmem:s23+$0xFFFFFE40];
	v26 =	vshll.u32 v27, v1;
	v27 =	vmov s29;
	[tilespmem:v31+s13+$0x0] =	vst.idx.msk $0xffff, v30  }
0x315: {  	s29 =	sadd.s32 $0x5, s25;
	v30 =	vld [tilespmem:s23+$0xFFFFFE50];
	v31 =	vor.u32 v5, v22;
	v26 =	vbroadcast v26, $0x0;
	v27 =	vshrl.u32 v27, $0x3;
	[tilespmem:v28+s13+$0x0] =	vst.idx.msk $0xffff, v29  }
0x316: {  	v22 =	vor.u32 v6, v22;
	[tilespmem:v25+s13+$0x0] =	vst.idx.msk $0xffff, v20;
	v20 =	vld [tilespmem:s23+$0xFFFFFE60];
	v25 =	vshll.u32 v27, v1;
	v27 =	vmov s29  }
0x317: {  	s29 =	sadd.s32 $0x6, s25;
	[tilespmem:v21+s13+$0x0] =	vst.idx.msk $0xffff, v17;
	v17 =	vld [tilespmem:s23+$0xFFFFFE70];
	v21 =	vor.u32 v7, v26;
	v25 =	vbroadcast v25, $0x0;
	v27 =	vshrl.u32 v27, $0x3  }
0x318: {  	[tilespmem:v23+s13+$0x0] =	vst.idx.msk $0xffff, v19;
	v19 =	vld [tilespmem:s23+$0xFFFFFE80];
	v23 =	vor.u32 v8, v26;
	v26 =	vshll.u32 v27, v1;
	v27 =	vmov s29  }
0x319: {  	s29 =	sadd.s32 $0x7, s25;
	[tilespmem:v18+s13+$0x0] =	vst.idx.msk $0xffff, v24;
	v18 =	vld [tilespmem:s23+$0xFFFFFE90];
	v24 =	vor.u32 v9, v25;
	v26 =	vbroadcast v26, $0x0;
	v27 =	vshrl.u32 v27, $0x3  }
0x31a: {  	v28 =	vld [tilespmem:s23+$0xFFFFFEA0];
	v25 =	vor.u32 v10, v25;
	v29 =	vmov s29;
	[tilespmem:v31+s13+$0x0] =	vst.idx.msk $0xffff, v30;
	v27 =	vshll.u32 v27, v1  }
0x31b: {  	s29 =	sadd.s32 $0x8, s25;
	v29 =	vshrl.u32 v29, $0x3;
	[tilespmem:v22+s13+$0x0] =	vst.idx.msk $0xffff, v20;
	v20 =	vld [tilespmem:s23+$0xFFFFFEB0];
	v22 =	vor.u32 v11, v26;
	v27 =	vbroadcast v27, $0x0  }
0x31c: {  	[tilespmem:v21+s13+$0x0] =	vst.idx.msk $0xffff, v17;
	v17 =	vld [tilespmem:s23+$0xFFFFFEC0];
	v21 =	vor.u32 v12, v26;
	v26 =	vshll.u32 v29, v1;
	v29 =	vmov s29  }
0x31d: {  	s29 =	sadd.s32 $0x9, s25;
	[tilespmem:v23+s13+$0x0] =	vst.idx.msk $0xffff, v19;
	v19 =	vld [tilespmem:s23+$0xFFFFFED0];
	v23 =	vor.u32 v13, v27;
	v26 =	vbroadcast v26, $0x0;
	v29 =	vshrl.u32 v29, $0x3  }
0x31e: {  	[tilespmem:v24+s13+$0x0] =	vst.idx.msk $0xffff, v18;
	v18 =	vld [tilespmem:s23+$0xFFFFFEE0];
	v24 =	vor.u32 v14, v27;
	v27 =	vshll.u32 v29, v1;
	v29 =	vmov s29  }
0x31f: {  	s29 =	sadd.s32 $0xA, s25;
	[tilespmem:v25+s13+$0x0] =	vst.idx.msk $0xffff, v28;
	v25 =	vld [tilespmem:s23+$0xFFFFFEF0];
	v28 =	vor.u32 v15, v26;
	v27 =	vbroadcast v27, $0x0;
	v29 =	vshrl.u32 v29, $0x3  }
0x320: {  	[tilespmem:v22+s13+$0x0] =	vst.idx.msk $0xffff, v20;
	v20 =	vld [tilespmem:s23+$0xFFFFFF00];
	v22 =	vor.u32 v16, v26;
	v26 =	vshll.u32 v29, v1;
	v29 =	vmov s29  }
0x321: {  	s29 =	sadd.s32 $0xB, s25;
	[tilespmem:v21+s13+$0x0] =	vst.idx.msk $0xffff, v17;
	v17 =	vld [tilespmem:s23+$0xFFFFFF10];
	v21 =	vor.u32 v0, v27;
	v26 =	vbroadcast v26, $0x0;
	v29 =	vshrl.u32 v29, $0x3  }
0x322: {  	[tilespmem:v23+s13+$0x0] =	vst.idx.msk $0xffff, v19;
	v19 =	vld [tilespmem:s23+$0xFFFFFF20];
	v23 =	vor.u32 v2, v27;
	v27 =	vshll.u32 v29, v1;
	v29 =	vmov s29  }
0x323: {  	s29 =	sadd.s32 $0xC, s25;
	[tilespmem:v24+s13+$0x0] =	vst.idx.msk $0xffff, v18;
	v18 =	vld [tilespmem:s23+$0xFFFFFF30];
	v24 =	vor.u32 v3, v26;
	v27 =	vbroadcast v27, $0x0;
	v29 =	vshrl.u32 v29, $0x3  }
0x324: {  	v26 =	vor.u32 v4, v26;
	[tilespmem:v28+s13+$0x0] =	vst.idx.msk $0xffff, v25;
	v25 =	vld [tilespmem:s23+$0xFFFFFF40];
	v28 =	vshll.u32 v29, v1;
	v29 =	vmov s29  }
0x325: {  	s29 =	sadd.s32 $0xD, s25;
	[tilespmem:v22+s13+$0x0] =	vst.idx.msk $0xffff, v20;
	v20 =	vld [tilespmem:s23+$0xFFFFFF50];
	v22 =	vor.u32 v5, v27;
	v28 =	vbroadcast v28, $0x0;
	v29 =	vshrl.u32 v29, $0x3  }
0x326: {  	[tilespmem:v21+s13+$0x0] =	vst.idx.msk $0xffff, v17;
	v17 =	vld [tilespmem:s23+$0xFFFFFF60];
	v21 =	vor.u32 v6, v27;
	v27 =	vshll.u32 v29, v1;
	v29 =	vmov s29  }
0x327: {  	s29 =	sadd.s32 $0xE, s25;
	[tilespmem:v23+s13+$0x0] =	vst.idx.msk $0xffff, v19;
	v19 =	vld [tilespmem:s23+$0xFFFFFF70];
	v23 =	vor.u32 v7, v28;
	v27 =	vbroadcast v27, $0x0;
	v29 =	vshrl.u32 v29, $0x3  }
0x328: {  	[tilespmem:v24+s13+$0x0] =	vst.idx.msk $0xffff, v18;
	v18 =	vld [tilespmem:s23+$0xFFFFFF80];
	v24 =	vor.u32 v8, v28;
	v28 =	vshll.u32 v29, v1;
	v29 =	vmov s29  }
0x329: {  	[tilespmem:v26+s13+$0x0] =	vst.idx.msk $0xffff, v25;
	v25 =	vld [tilespmem:s23+$0xFFFFFF90];
	v26 =	vor.u32 v9, v27;
	v28 =	vbroadcast v28, $0x0;
	v29 =	vshrl.u32 v29, $0x3  }
0x32a: {  	[tilespmem:v22+s13+$0x0] =	vst.idx.msk $0xffff, v20;
	v20 =	vld [tilespmem:s23+$0xFFFFFFA0];
	v22 =	vor.u32 v10, v27;
	v27 =	vshll.u32 v29, v1  }
0x32b: {  	[tilespmem:v21+s13+$0x0] =	vst.idx.msk $0xffff, v17;
	v17 =	vld [tilespmem:s23+$0xFFFFFFB0];
	v21 =	vor.u32 v11, v28;
	v27 =	vbroadcast v27, $0x0  }
0x32c: {  	[tilespmem:v23+s13+$0x0] =	vst.idx.msk $0xffff, v19;
	v19 =	vld [tilespmem:s23+$0xFFFFFFC0];
	v23 =	vor.u32 v12, v28  }
0x32d: {  	[tilespmem:v24+s13+$0x0] =	vst.idx.msk $0xffff, v18;
	v18 =	vld [tilespmem:s23+$0xFFFFFFD0];
	v24 =	vor.u32 v13, v27  }
0x32e: {  	[tilespmem:v26+s13+$0x0] =	vst.idx.msk $0xffff, v25;
	v25 =	vld [tilespmem:s23+$0xFFFFFFE0];
	v26 =	vor.u32 v14, v27  }
0x32f: {  	[tilespmem:v22+s13+$0x0] =	vst.idx.msk $0xffff, v20  }
0x330: {  	[tilespmem:v21+s13+$0x0] =	vst.idx.msk $0xffff, v17  }
0x331: {  	[tilespmem:v23+s13+$0x0] =	vst.idx.msk $0xffff, v19  }
0x332: {  	s29 =	sor.u32 s8, s21;
	[tilespmem:v24+s13+$0x0] =	vst.idx.msk $0xffff, v18  }
0x333: {  	s25 =	simm.s32 $0xC400;
	s2 =	sshrl.u32 s29, $0x3;
	s23 =	sadd.s32 $0x700, s20;
	[tilespmem:v26+s13+$0x0] =	vst.idx.msk $0xffff, v25  }
0x334: {  	[tilespmem:s25], [sflag:$0x7] =	stream.indirect.gather [hbm4b:s4+s14], $0x20, s23, s14, $0xb8;
	[tilespmem:$0x16400] =	vst v63  }
0x335: {  	s2 =	sadd.s32 s1, s2  }
0x336: {  	[hbm4b:s2+s31] =	stream.strided.scatter [tilespmem:s13], [sflag:$0xF], $0x1000, s0, s31, $0x38;
	[tilespmem:$0x16400] =	vst v63  }
0x337: {  	s23 =	simm.s32 $0xF;
	_ =	swait.ge [sflag:s15], $0x1000  }
0x338: {  	s25 =	simm.s32 $0x0;
	v17 =	vmov s23;
	[sflag:s15] =	ssyncset.done $0x0  }
0x339: {  	v18 =	vmov s25;
	s2 =	simm.s32 @!p0 $0x10;
	v17 =	vshrl.u32 v17, $0x3;
	[sflag:s15] =	ssyncadd.s32 $0xFFFFF000  }
0x33a: {  	v18 =	vshrl.u32 v18, $0x3;
	v17 =	vshll.u32 v17, v1;
	_ =	swait.ge @!p0 [sflag:s2], $0x1000  }
0x33b: {  	s29 =	simm.s32 $0x1;
	v18 =	vshll.u32 v18, v1;
	v17 =	vbroadcast v17, $0x0;
	[sflag:s2] =	ssyncset.done @!p0 $0x0  }
0x33c: {  	v19 =	vmov s29;
	s23 =	simm.s32 $0xD5F0;
	v18 =	vbroadcast v18, $0x0;
	[sflag:s2] =	ssyncadd.s32 @!p0 $0xFFFFF000  }
0x33d: {  	v19 =	vshrl.u32 v19, $0x3;
	s25 =	simm.s32 $0x2;
	v21 =	vor.u32 v15, v17;
	v20 =	vld [tilespmem:s23+$0xFFFFFFF0]  }
0x33e: {  	v19 =	vshll.u32 v19, v1;
	v22 =	vmov s25;
	v25 =	vor.u32 v0, v18;
	v24 =	vld [tilespmem:s23+$0xFFFFFE10]  }
0x33f: {  	s29 =	simm.s32 $0x3;
	v19 =	vbroadcast v19, $0x0;
	v22 =	vshrl.u32 v22, $0x3;
	v17 =	vor.u32 v16, v17;
	v23 =	vld [tilespmem:s23+$0x0]  }
0x340: {  	v27 =	vmov s29;
	v22 =	vshll.u32 v22, v1;
	v18 =	vor.u32 v2, v18;
	v26 =	vld [tilespmem:s23+$0xFFFFFE20]  }
0x341: {  	v27 =	vshrl.u32 v27, $0x3;
	v29 =	vor.u32 v3, v19;
	s25 =	simm.s32 $0x4;
	v22 =	vbroadcast v22, $0x0;
	v28 =	vld [tilespmem:s23+$0xFFFFFE30]  }
0x342: {  	v27 =	vshll.u32 v27, v1;
	v19 =	vor.u32 v4, v19;
	v31 =	vmov s25;
	v30 =	vld [tilespmem:s23+$0xFFFFFE40];
	[tilespmem:v21+s16+$0x0] =	vst.idx.msk $0xffff, v20  }
0x343: {  	s29 =	simm.s32 $0x5;
	v27 =	vbroadcast v27, $0x0;
	v31 =	vshrl.u32 v31, $0x3;
	v20 =	vld [tilespmem:s23+$0xFFFFFE50];
	v21 =	vor.u32 v5, v22;
	[tilespmem:v25+s16+$0x0] =	vst.idx.msk $0xffff, v24  }
0x344: {  	v22 =	vor.u32 v6, v22;
	v24 =	vmov s29;
	[tilespmem:v17+s16+$0x0] =	vst.idx.msk $0xffff, v23;
	v17 =	vld [tilespmem:s23+$0xFFFFFE60];
	v23 =	vshll.u32 v31, v1  }
0x345: {  	s25 =	simm.s32 $0x6;
	v25 =	vor.u32 v7, v27;
	[tilespmem:v18+s16+$0x0] =	vst.idx.msk $0xffff, v26;
	v18 =	vld [tilespmem:s23+$0xFFFFFE70];
	v24 =	vshrl.u32 v24, $0x3;
	v23 =	vbroadcast v23, $0x0  }
0x346: {  	[tilespmem:v29+s16+$0x0] =	vst.idx.msk $0xffff, v28;
	v27 =	vor.u32 v8, v27;
	v28 =	vmov s25;
	v26 =	vld [tilespmem:s23+$0xFFFFFE80];
	v24 =	vshll.u32 v24, v1  }
0x347: {  	s29 =	simm.s32 $0x7;
	[tilespmem:v19+s16+$0x0] =	vst.idx.msk $0xffff, v30;
	v19 =	vld [tilespmem:s23+$0xFFFFFE90];
	v28 =	vshrl.u32 v28, $0x3;
	v24 =	vbroadcast v24, $0x0;
	v29 =	vor.u32 v9, v23  }
0x348: {  	[tilespmem:v21+s16+$0x0] =	vst.idx.msk $0xffff, v20;
	v20 =	vld [tilespmem:s23+$0xFFFFFEA0];
	v21 =	vor.u32 v10, v23;
	v23 =	vshll.u32 v28, v1;
	v28 =	vmov s29  }
0x349: {  	s25 =	simm.s32 $0x8;
	[tilespmem:v22+s16+$0x0] =	vst.idx.msk $0xffff, v17;
	v17 =	vld [tilespmem:s23+$0xFFFFFEB0];
	v22 =	vor.u32 v11, v24;
	v23 =	vbroadcast v23, $0x0;
	v28 =	vshrl.u32 v28, $0x3  }
0x34a: {  	[tilespmem:v25+s16+$0x0] =	vst.idx.msk $0xffff, v18;
	v18 =	vld [tilespmem:s23+$0xFFFFFEC0];
	v24 =	vor.u32 v12, v24;
	v25 =	vshll.u32 v28, v1;
	v28 =	vmov s25  }
0x34b: {  	s29 =	simm.s32 $0x9;
	[tilespmem:v27+s16+$0x0] =	vst.idx.msk $0xffff, v26;
	v26 =	vld [tilespmem:s23+$0xFFFFFED0];
	v27 =	vor.u32 v13, v23;
	v25 =	vbroadcast v25, $0x0;
	v28 =	vshrl.u32 v28, $0x3  }
0x34c: {  	v23 =	vor.u32 v14, v23;
	[tilespmem:v29+s16+$0x0] =	vst.idx.msk $0xffff, v19;
	v19 =	vld [tilespmem:s23+$0xFFFFFEE0];
	v28 =	vshll.u32 v28, v1;
	v29 =	vmov s29  }
0x34d: {  	s25 =	simm.s32 $0xA;
	[tilespmem:v21+s16+$0x0] =	vst.idx.msk $0xffff, v20;
	v20 =	vld [tilespmem:s23+$0xFFFFFEF0];
	v21 =	vor.u32 v15, v25;
	v28 =	vbroadcast v28, $0x0;
	v29 =	vshrl.u32 v29, $0x3  }
0x34e: {  	[tilespmem:v22+s16+$0x0] =	vst.idx.msk $0xffff, v17;
	v17 =	vld [tilespmem:s23+$0xFFFFFF00];
	v22 =	vor.u32 v16, v25;
	v25 =	vshll.u32 v29, v1;
	v29 =	vmov s25  }
0x34f: {  	s29 =	simm.s32 $0xB;
	[tilespmem:v24+s16+$0x0] =	vst.idx.msk $0xffff, v18;
	v18 =	vld [tilespmem:s23+$0xFFFFFF10];
	v24 =	vor.u32 v0, v28;
	v25 =	vbroadcast v25, $0x0;
	v29 =	vshrl.u32 v29, $0x3  }
0x350: {  	[tilespmem:v27+s16+$0x0] =	vst.idx.msk $0xffff, v26;
	v26 =	vld [tilespmem:s23+$0xFFFFFF20];
	v27 =	vor.u32 v2, v28;
	v28 =	vshll.u32 v29, v1;
	v29 =	vmov s29  }
0x351: {  	s25 =	simm.s32 $0xC;
	[tilespmem:v23+s16+$0x0] =	vst.idx.msk $0xffff, v19;
	v19 =	vld [tilespmem:s23+$0xFFFFFF30];
	v23 =	vor.u32 v3, v25;
	v28 =	vbroadcast v28, $0x0;
	v29 =	vshrl.u32 v29, $0x3  }
0x352: {  	v30 =	vld [tilespmem:s23+$0xFFFFFF40];
	v31 =	vor.u32 v4, v25;
	[tilespmem:v21+s16+$0x0] =	vst.idx.msk $0xffff, v20;
	v20 =	vshll.u32 v29, v1;
	v21 =	vmov s25  }
0x353: {  	s29 =	simm.s32 $0xD;
	[tilespmem:v22+s16+$0x0] =	vst.idx.msk $0xffff, v17;
	v22 =	vld [tilespmem:s23+$0xFFFFFF50];
	v29 =	vor.u32 v5, v28;
	v32 =	vbroadcast v20, $0x0;
	v17 =	vshrl.u32 v21, $0x3  }
0x354: {  	v20 =	vld [tilespmem:s23+$0xFFFFFF60];
	v25 =	vor.u32 v6, v28;
	[tilespmem:v24+s16+$0x0] =	vst.idx.msk $0xffff, v18;
	v18 =	vshll.u32 v17, v1;
	v24 =	vmov s29  }
0x355: {  	s25 =	simm.s32 $0xE;
	v17 =	vld [tilespmem:s23+$0xFFFFFF70];
	[tilespmem:v27+s16+$0x0] =	vst.idx.msk $0xffff, v26;
	v21 =	vor.u32 v7, v32;
	v33 =	vbroadcast v18, $0x0;
	v18 =	vshrl.u32 v24, $0x3  }
0x356: {  	v28 =	vmov s25;
	[tilespmem:v23+s16+$0x0] =	vst.idx.msk $0xffff, v19;
	v19 =	vld [tilespmem:s23+$0xFFFFFF80];
	v23 =	vor.u32 v8, v32;
	v18 =	vshll.u32 v18, v1  }
0x357: {  	s29 =	simm.s32 $0x1F;
	v24 =	vld [tilespmem:s23+$0xFFFFFF90];
	[tilespmem:v31+s16+$0x0] =	vst.idx.msk $0xffff, v30;
	v26 =	vor.u32 v9, v33;
	v27 =	vbroadcast v18, $0x0;
	v30 =	vshrl.u32 v28, $0x3  }
0x358: {  	s28 =	simm.s32 $0x20;
	s25 =	simm.s32 $0x10;
	v28 =	vmov s29;
	v18 =	vld [tilespmem:s23+$0xFFFFFFA0];
	[tilespmem:v29+s16+$0x0] =	vst.idx.msk $0xffff, v22;
	v22 =	vor.u32 v10, v33;
	v29 =	vshll.u32 v30, v1  }
.LBB2_17:
0x359: {  	p0 =	slt.u32 s28, $0x70;
	v28 =	vshrl.u32 v28, $0x3;
	[tilespmem:v25+s16+$0x0] =	vst.idx.msk $0xffff, v20;
	v20 =	vld [tilespmem:s23+$0xFFFFFFB0];
	v25 =	vor.u32 v11, v27;
	v29 =	vbroadcast v29, $0x0  }
0x35a: {  	v30 =	vmov s25;
	v28 =	vshll.u32 v28, v1;
	[tilespmem:v21+s16+$0x0] =	vst.idx.msk $0xffff, v17;
	v17 =	vld [tilespmem:s23+$0xFFFFFFC0];
	v21 =	vor.u32 v12, v27  }
0x35b: {  	s2 =	sadd.s32 $0x1, s25;
	v27 =	vshrl.u32 v30, $0x3;
	v28 =	vbroadcast v28, $0x0;
	[tilespmem:v23+s16+$0x0] =	vst.idx.msk $0xffff, v19;
	v19 =	vld [tilespmem:s23+$0xFFFFFFD0];
	v23 =	vor.u32 v13, v29  }
0x35c: {  	v30 =	vmov s2;
	v27 =	vshll.u32 v27, v1;
	[tilespmem:v26+s16+$0x0] =	vst.idx.msk $0xffff, v24;
	v24 =	vld [tilespmem:s23+$0xFFFFFFE0];
	v26 =	vor.u32 v14, v29;
	s23 =	sadd.s32 $0x200, s23  }
0x35d: {  	s2 =	sadd.s32 $0x2, s25;
	v27 =	vbroadcast v27, $0x0;
	v29 =	vshrl.u32 v30, $0x3;
	v30 =	vld [tilespmem:s23+$0xFFFFFFF0];
	v31 =	vor.u32 v15, v28;
	[tilespmem:v22+s16+$0x0] =	vst.idx.msk $0xffff, v18  }
0x35e: {  	v18 =	vshll.u32 v29, v1;
	v22 =	vmov s2;
	v28 =	vor.u32 v16, v28;
	v29 =	vld [tilespmem:s23+$0x0];
	[tilespmem:v25+s16+$0x0] =	vst.idx.msk $0xffff, v20  }
0x35f: {  	s2 =	sadd.s32 $0x3, s25;
	v25 =	vor.u32 v0, v27;
	v18 =	vbroadcast v18, $0x0;
	v22 =	vshrl.u32 v22, $0x3;
	v20 =	vld [tilespmem:s23+$0xFFFFFE10];
	[tilespmem:v21+s16+$0x0] =	vst.idx.msk $0xffff, v17  }
0x360: {  	v21 =	vor.u32 v2, v27;
	v22 =	vshll.u32 v22, v1;
	v27 =	vmov s2;
	v17 =	vld [tilespmem:s23+$0xFFFFFE20];
	[tilespmem:v23+s16+$0x0] =	vst.idx.msk $0xffff, v19  }
0x361: {  	s2 =	sadd.s32 $0x4, s25;
	v23 =	vor.u32 v3, v18;
	v22 =	vbroadcast v22, $0x0;
	v27 =	vshrl.u32 v27, $0x3;
	v19 =	vld [tilespmem:s23+$0xFFFFFE30];
	[tilespmem:v26+s16+$0x0] =	vst.idx.msk $0xffff, v24  }
0x362: {  	v18 =	vor.u32 v4, v18;
	v26 =	vshll.u32 v27, v1;
	v27 =	vmov s2;
	v24 =	vld [tilespmem:s23+$0xFFFFFE40];
	[tilespmem:v31+s16+$0x0] =	vst.idx.msk $0xffff, v30  }
0x363: {  	s2 =	sadd.s32 $0x5, s25;
	v31 =	vor.u32 v5, v22;
	v26 =	vbroadcast v26, $0x0;
	v27 =	vshrl.u32 v27, $0x3;
	v30 =	vld [tilespmem:s23+$0xFFFFFE50];
	[tilespmem:v28+s16+$0x0] =	vst.idx.msk $0xffff, v29  }
0x364: {  	v22 =	vor.u32 v6, v22;
	[tilespmem:v25+s16+$0x0] =	vst.idx.msk $0xffff, v20;
	v20 =	vld [tilespmem:s23+$0xFFFFFE60];
	v25 =	vshll.u32 v27, v1;
	v27 =	vmov s2  }
0x365: {  	s2 =	sadd.s32 $0x6, s25;
	[tilespmem:v21+s16+$0x0] =	vst.idx.msk $0xffff, v17;
	v17 =	vld [tilespmem:s23+$0xFFFFFE70];
	v21 =	vor.u32 v7, v26;
	v25 =	vbroadcast v25, $0x0;
	v27 =	vshrl.u32 v27, $0x3  }
0x366: {  	[tilespmem:v23+s16+$0x0] =	vst.idx.msk $0xffff, v19;
	v19 =	vld [tilespmem:s23+$0xFFFFFE80];
	v23 =	vor.u32 v8, v26;
	v26 =	vshll.u32 v27, v1;
	v27 =	vmov s2  }
0x367: {  	s2 =	sadd.s32 $0x7, s25;
	[tilespmem:v18+s16+$0x0] =	vst.idx.msk $0xffff, v24;
	v18 =	vld [tilespmem:s23+$0xFFFFFE90];
	v24 =	vor.u32 v9, v25;
	v26 =	vbroadcast v26, $0x0;
	v27 =	vshrl.u32 v27, $0x3  }
0x368: {  	v25 =	vor.u32 v10, v25;
	v29 =	vmov s2;
	[tilespmem:v31+s16+$0x0] =	vst.idx.msk $0xffff, v30;
	v28 =	vld [tilespmem:s23+$0xFFFFFEA0];
	v27 =	vshll.u32 v27, v1  }
0x369: {  	s2 =	sadd.s32 $0x8, s25;
	v29 =	vshrl.u32 v29, $0x3;
	[tilespmem:v22+s16+$0x0] =	vst.idx.msk $0xffff, v20;
	v20 =	vld [tilespmem:s23+$0xFFFFFEB0];
	v22 =	vor.u32 v11, v26;
	v27 =	vbroadcast v27, $0x0  }
0x36a: {  	[tilespmem:v21+s16+$0x0] =	vst.idx.msk $0xffff, v17;
	v17 =	vld [tilespmem:s23+$0xFFFFFEC0];
	v21 =	vor.u32 v12, v26;
	v26 =	vshll.u32 v29, v1;
	v29 =	vmov s2  }
0x36b: {  	s2 =	sadd.s32 $0x9, s25;
	[tilespmem:v23+s16+$0x0] =	vst.idx.msk $0xffff, v19;
	v19 =	vld [tilespmem:s23+$0xFFFFFED0];
	v23 =	vor.u32 v13, v27;
	v26 =	vbroadcast v26, $0x0;
	v29 =	vshrl.u32 v29, $0x3  }
0x36c: {  	[tilespmem:v24+s16+$0x0] =	vst.idx.msk $0xffff, v18;
	v18 =	vld [tilespmem:s23+$0xFFFFFEE0];
	v24 =	vor.u32 v14, v27;
	v27 =	vshll.u32 v29, v1;
	v29 =	vmov s2  }
0x36d: {  	s2 =	sadd.s32 $0xA, s25;
	[tilespmem:v25+s16+$0x0] =	vst.idx.msk $0xffff, v28;
	v25 =	vld [tilespmem:s23+$0xFFFFFEF0];
	v28 =	vor.u32 v15, v26;
	v27 =	vbroadcast v27, $0x0;
	v29 =	vshrl.u32 v29, $0x3  }
0x36e: {  	[tilespmem:v22+s16+$0x0] =	vst.idx.msk $0xffff, v20;
	v20 =	vld [tilespmem:s23+$0xFFFFFF00];
	v22 =	vor.u32 v16, v26;
	v26 =	vshll.u32 v29, v1;
	v29 =	vmov s2  }
0x36f: {  	s2 =	sadd.s32 $0xB, s25;
	[tilespmem:v21+s16+$0x0] =	vst.idx.msk $0xffff, v17;
	v17 =	vld [tilespmem:s23+$0xFFFFFF10];
	v21 =	vor.u32 v0, v27;
	v26 =	vbroadcast v26, $0x0;
	v29 =	vshrl.u32 v29, $0x3  }
0x370: {  	[tilespmem:v23+s16+$0x0] =	vst.idx.msk $0xffff, v19;
	v19 =	vld [tilespmem:s23+$0xFFFFFF20];
	v23 =	vor.u32 v2, v27;
	v27 =	vshll.u32 v29, v1;
	v29 =	vmov s2  }
0x371: {  	s2 =	sadd.s32 $0xC, s25;
	[tilespmem:v24+s16+$0x0] =	vst.idx.msk $0xffff, v18;
	v18 =	vld [tilespmem:s23+$0xFFFFFF30];
	v24 =	vor.u32 v3, v26;
	v27 =	vbroadcast v27, $0x0;
	v29 =	vshrl.u32 v29, $0x3  }
0x372: {  	v26 =	vor.u32 v4, v26;
	[tilespmem:v28+s16+$0x0] =	vst.idx.msk $0xffff, v25;
	v28 =	vld [tilespmem:s23+$0xFFFFFF40];
	v25 =	vshll.u32 v29, v1;
	v29 =	vmov s2  }
0x373: {  	s2 =	sadd.s32 $0xD, s25;
	[tilespmem:v22+s16+$0x0] =	vst.idx.msk $0xffff, v20;
	v22 =	vld [tilespmem:s23+$0xFFFFFF50];
	v30 =	vor.u32 v5, v27;
	v31 =	vbroadcast v25, $0x0;
	v29 =	vshrl.u32 v29, $0x3  }
.Ltmp7:
0x374: {  	v25 =	vor.u32 v6, v27;
	[tilespmem:v21+s16+$0x0] =	vst.idx.msk $0xffff, v17;
	v20 =	vld [tilespmem:s23+$0xFFFFFF60];
	v27 =	vshll.u32 v29, v1;
	v29 =	vmov s2;
	(pc) =	sbr.rel @p0 .LBB2_17-.Ltmp7, $4  }
0x375: {  	s2 =	sadd.s32 $0xE, s25;
	s25 =	smov.u32 s28;
	[tilespmem:v23+s16+$0x0] =	vst.idx.msk $0xffff, v19;
	v17 =	vld [tilespmem:s23+$0xFFFFFF70];
	v21 =	vor.u32 v7, v31;
	v32 =	vbroadcast v27, $0x0;
	v27 =	vshrl.u32 v29, $0x3  }
0x376: {  	v23 =	vor.u32 v8, v31;
	v29 =	vmov s2;
	[tilespmem:v24+s16+$0x0] =	vst.idx.msk $0xffff, v18;
	v19 =	vld [tilespmem:s23+$0xFFFFFF80];
	v18 =	vshll.u32 v27, v1  }
0x377: {  	s2 =	sadd.s32 $0xF, s28;
	v29 =	vshrl.u32 v29, $0x3;
	[tilespmem:v26+s16+$0x0] =	vst.idx.msk $0xffff, v28;
	v24 =	vld [tilespmem:s23+$0xFFFFFF90];
	v26 =	vor.u32 v9, v32;
	v27 =	vbroadcast v18, $0x0  }
0x378: {  	s28 =	sadd.s32 $0x10, s28;
	v28 =	vmov s2;
	v29 =	vshll.u32 v29, v1;
	[tilespmem:v30+s16+$0x0] =	vst.idx.msk $0xffff, v22;
	v18 =	vld [tilespmem:s23+$0xFFFFFFA0];
	v22 =	vor.u32 v10, v32  }
0x379: {  	v28 =	vshrl.u32 v28, $0x3  }
0x37a: {  	v55 =	vor.u32 v11, v27;
	v29 =	vbroadcast v29, $0x0;
	v30 =	vmov s25  }
0x37b: {  	v56 =	vor.u32 v12, v27;
	s2 =	sadd.s32 $0x1, s25;
	s29 =	sadd.s32 $0x2, s25;
	s28 =	sadd.s32 $0x3, s25;
	v28 =	vshll.u32 v28, v1;
	v57 =	vshrl.u32 v30, $0x3  }
0x37c: {  	v54 =	vld [tilespmem:s23+$0xFFFFFFB0];
	v59 =	vmov s2;
	v32 =	vmov s29;
	v37 =	vmov s28  }
0x37d: {  	v60 =	vld [tilespmem:s23+$0xFFFFFFE0];
	[tilespmem:v21+s16+$0x0] =	vst.idx.msk $0xffff, v17;
	s29 =	sadd.s32 $0x4, s25;
	v28 =	vbroadcast v28, $0x0;
	v58 =	vor.u32 v13, v29;
	v27 =	vshll.u32 v57, v1  }
0x37e: {  	v17 =	vld [tilespmem:s23+$0xFFFFFFC0];
	s28 =	sadd.s32 $0x5, s25;
	[tilespmem:v23+s16+$0x0] =	vst.idx.msk $0xffff, v19;
	v61 =	vor.u32 v14, v29;
	v62 =	vshrl.u32 v59, $0x3;
	v41 =	vmov s29;
	s29 =	sadd.s32 $0x6, s25  }
0x37f: {  	v19 =	vld [tilespmem:s23+$0xFFFFFFD0];
	s23 =	sadd.s32 $0x200, s23;
	v46 =	vmov s28;
	s28 =	sadd.s32 $0x7, s25;
	[tilespmem:v26+s16+$0x0] =	vst.idx.msk $0xffff, v24;
	v27 =	vbroadcast v27, $0x0;
	v50 =	vmov s29  }
0x380: {  	v63 =	vld [tilespmem:s23+$0xFFFFFFF0];
	v53 =	vmov s28;
	v31 =	vor.u32 v15, v28;
	[tilespmem:v22+s16+$0x0] =	vst.idx.msk $0xffff, v18;
	v18 =	vshll.u32 v62, v1  }
0x381: {  	[tilespmem:v25+s16+$0x0] =	vst.idx.msk $0xffff, v20;
	v33 =	vld [tilespmem:s23+$0x0];
	s28 =	sadd.s32 $0x9, s25;
	v28 =	vor.u32 v16, v28;
	v22 =	vshrl.u32 v32, $0x3;
	v29 =	vshrl.u32 v53, $0x3  }
0x382: {  	v34 =	vld [tilespmem:s23+$0xFFFFFE10];
	v62 =	vmov s28;
	[tilespmem:v55+s16+$0x0] =	vst.idx.msk $0xffff, v54;
	v35 =	vor.u32 v0, v27;
	v18 =	vbroadcast v18, $0x0  }
0x383: {  	v39 =	vld [tilespmem:s23+$0xFFFFFE40];
	v36 =	vor.u32 v2, v27;
	v22 =	vshll.u32 v22, v1;
	v27 =	vshrl.u32 v37, $0x3;
	[tilespmem:v56+s16+$0x0] =	vst.idx.msk $0xffff, v17  }
0x384: {  	v57 =	vshll.u32 v29, v1;
	v17 =	vld [tilespmem:s23+$0xFFFFFE20];
	v22 =	vbroadcast v22, $0x0;
	v40 =	vshll.u32 v27, v1;
	[tilespmem:v58+s16+$0x0] =	vst.idx.msk $0xffff, v19  }
0x385: {  	v27 =	vshrl.u32 v41, $0x3;
	v19 =	vld [tilespmem:s23+$0xFFFFFE30];
	v38 =	vor.u32 v3, v18;
	v18 =	vor.u32 v4, v18;
	[tilespmem:v61+s16+$0x0] =	vst.idx.msk $0xffff, v60  }
0x386: {  	v42 =	vld [tilespmem:s23+$0xFFFFFE50];
	s29 =	sadd.s32 $0x8, s25;
	v26 =	vbroadcast v40, $0x0;
	v45 =	vshll.u32 v27, v1;
	v27 =	vshrl.u32 v46, $0x3;
	[tilespmem:v31+s16+$0x0] =	vst.idx.msk $0xffff, v63  }
0x387: {  	v44 =	vld [tilespmem:s23+$0xFFFFFE60];
	v58 =	vmov s29;
	v43 =	vor.u32 v5, v22;
	v22 =	vor.u32 v6, v22;
	[tilespmem:v28+s16+$0x0] =	vst.idx.msk $0xffff, v33  }
0x388: {  	v52 =	vld [tilespmem:s23+$0xFFFFFEA0];
	v25 =	vbroadcast v45, $0x0;
	v49 =	vshll.u32 v27, v1;
	v27 =	vshrl.u32 v50, $0x3;
	[tilespmem:v35+s16+$0x0] =	vst.idx.msk $0xffff, v34  }
0x389: {  	v47 =	vor.u32 v7, v26;
	v48 =	vor.u32 v8, v26;
	v26 =	vbroadcast v49, $0x0;
	[tilespmem:v36+s16+$0x0] =	vst.idx.msk $0xffff, v17;
	v17 =	vld [tilespmem:s23+$0xFFFFFE70]  }
0x38a: {  	v29 =	vshrl.u32 v58, $0x3;
	v27 =	vshll.u32 v27, v1;
	v51 =	vor.u32 v9, v25;
	[tilespmem:v38+s16+$0x0] =	vst.idx.msk $0xffff, v19;
	v19 =	vld [tilespmem:s23+$0xFFFFFE80]  }
0x38b: {  	s28 =	sadd.s32 $0xB, s25;
	v55 =	vor.u32 v11, v26;
	v56 =	vor.u32 v12, v26;
	v26 =	vbroadcast v57, $0x0;
	[tilespmem:v18+s16+$0x0] =	vst.idx.msk $0xffff, v39;
	v18 =	vld [tilespmem:s23+$0xFFFFFE90]  }
0x38c: {  	v54 =	vld [tilespmem:s23+$0xFFFFFEB0];
	v40 =	vmov s28;
	v61 =	vshll.u32 v29, v1;
	v27 =	vbroadcast v27, $0x0;
	[tilespmem:v43+s16+$0x0] =	vst.idx.msk $0xffff, v42  }
0x38d: {  	s29 =	sadd.s32 $0xA, s25;
	v63 =	vld [tilespmem:s23+$0xFFFFFEF0];
	v29 =	vshrl.u32 v62, $0x3;
	v25 =	vor.u32 v10, v25;
	v32 =	vor.u32 v15, v26;
	[tilespmem:v22+s16+$0x0] =	vst.idx.msk $0xffff, v44  }
0x38e: {  	v35 =	vshll.u32 v29, v1;
	v36 =	vmov s29;
	v59 =	vor.u32 v13, v27;
	[tilespmem:v47+s16+$0x0] =	vst.idx.msk $0xffff, v17;
	v17 =	vld [tilespmem:s23+$0xFFFFFEC0]  }
0x38f: {  	v60 =	vor.u32 v14, v27;
	v27 =	vbroadcast v61, $0x0;
	v29 =	vshrl.u32 v36, $0x3;
	[tilespmem:v48+s16+$0x0] =	vst.idx.msk $0xffff, v19;
	v19 =	vld [tilespmem:s23+$0xFFFFFED0]  }
0x390: {  	s29 =	sadd.s32 $0xC, s25;
	v34 =	vor.u32 v16, v26;
	v39 =	vshll.u32 v29, v1;
	v29 =	vshrl.u32 v40, $0x3;
	[tilespmem:v51+s16+$0x0] =	vst.idx.msk $0xffff, v18;
	v18 =	vld [tilespmem:s23+$0xFFFFFEE0]  }
0x391: {  	v45 =	vld [tilespmem:s23+$0xFFFFFF50];
	v37 =	vor.u32 v0, v27;
	v38 =	vor.u32 v2, v27;
	v44 =	vmov s29;
	[tilespmem:v55+s16+$0x0] =	vst.idx.msk $0xffff, v54  }
0x392: {  	v33 =	vld [tilespmem:s23+$0xFFFFFF00];
	v27 =	vbroadcast v39, $0x0;
	v43 =	vshll.u32 v29, v1;
	v29 =	vshrl.u32 v44, $0x3;
	[tilespmem:v32+s16+$0x0] =	vst.idx.msk $0xffff, v63  }
0x393: {  	v26 =	vbroadcast v35, $0x0;
	v48 =	vshll.u32 v29, v1;
	[tilespmem:v56+s16+$0x0] =	vst.idx.msk $0xffff, v17;
	v17 =	vld [tilespmem:s23+$0xFFFFFF10]  }
0x394: {  	v46 =	vor.u32 v5, v27;
	v47 =	vor.u32 v6, v27;
	v27 =	vbroadcast v48, $0x0;
	[tilespmem:v59+s16+$0x0] =	vst.idx.msk $0xffff, v19;
	v19 =	vld [tilespmem:s23+$0xFFFFFF20]  }
0x395: {  	v41 =	vor.u32 v3, v26;
	[tilespmem:v60+s16+$0x0] =	vst.idx.msk $0xffff, v18;
	v18 =	vld [tilespmem:s23+$0xFFFFFF30]  }
0x396: {  	v54 =	vld [tilespmem:s23+$0xFFFFFF90];
	[tilespmem:v25+s16+$0x0] =	vst.idx.msk $0xffff, v52;
	v55 =	vor.u32 v9, v27  }
0x397: {  	s28 =	sadd.s32 $0xD, s25;
	v42 =	vld [tilespmem:s23+$0xFFFFFF40];
	v28 =	vbroadcast v43, $0x0;
	[tilespmem:v34+s16+$0x0] =	vst.idx.msk $0xffff, v33  }
0x398: {  	v49 =	vmov s28;
	[tilespmem:v37+s16+$0x0] =	vst.idx.msk $0xffff, v17;
	v17 =	vld [tilespmem:s23+$0xFFFFFF60]  }
0x399: {  	s29 =	sadd.s32 $0xE, s25;
	v50 =	vor.u32 v7, v28;
	v29 =	vshrl.u32 v49, $0x3;
	[tilespmem:v38+s16+$0x0] =	vst.idx.msk $0xffff, v19;
	v19 =	vld [tilespmem:s23+$0xFFFFFF70]  }
0x39a: {  	v53 =	vmov s29;
	v51 =	vor.u32 v8, v28;
	v52 =	vshll.u32 v29, v1;
	[tilespmem:v41+s16+$0x0] =	vst.idx.msk $0xffff, v18;
	v18 =	vld [tilespmem:s23+$0xFFFFFF80]  }
0x39b: {  	v29 =	vshrl.u32 v53, $0x3;
	v28 =	vbroadcast v52, $0x0;
	v57 =	vor.u32 v10, v27;
	v56 =	vld [tilespmem:s23+$0xFFFFFFA0];
	[tilespmem:v55+s16+$0x0] =	vst.idx.msk $0xffff, v54  }
0x39c: {  	v26 =	vor.u32 v4, v26;
	v58 =	vshll.u32 v29, v1;
	[tilespmem:v46+s16+$0x0] =	vst.idx.msk $0xffff, v45  }
0x39d: {  	v27 =	vbroadcast v58, $0x0;
	v59 =	vor.u32 v11, v28;
	[tilespmem:v47+s16+$0x0] =	vst.idx.msk $0xffff, v17;
	v17 =	vld [tilespmem:s23+$0xFFFFFFB0]  }
0x39e: {  	v60 =	vor.u32 v12, v28;
	[tilespmem:v50+s16+$0x0] =	vst.idx.msk $0xffff, v19;
	v19 =	vld [tilespmem:s23+$0xFFFFFFC0]  }
0x39f: {  	v61 =	vor.u32 v13, v27;
	[tilespmem:v51+s16+$0x0] =	vst.idx.msk $0xffff, v18;
	v18 =	vld [tilespmem:s23+$0xFFFFFFD0]  }
0x3a0: {  	v62 =	vld [tilespmem:s23+$0xFFFFFFE0];
	v63 =	vor.u32 v14, v27;
	[tilespmem:v57+s16+$0x0] =	vst.idx.msk $0xffff, v56  }
0x3a1: {  	[tilespmem:v26+s16+$0x0] =	vst.idx.msk $0xffff, v42  }
0x3a2: {  	s18 =	sadd.s32 $0x1, s18;
	[tilespmem:v59+s16+$0x0] =	vst.idx.msk $0xffff, v17  }
0x3a3: {  	p0 =	sne.s32 s18, $0x19;
	[tilespmem:v60+s16+$0x0] =	vst.idx.msk $0xffff, v19  }
.Ltmp8:
0x3a4: {  	s29 =	sor.u32 s9, s21;
	[tilespmem:v61+s16+$0x0] =	vst.idx.msk $0xffff, v18;
	(pc) =	sbr.rel @p0 .LBB2_2-.Ltmp8, $4  }
0x3a5: {  	s28 =	simm.s32 $0xD400;
	s25 =	sadd.s32 $0x780, s20;
	s2 =	sshrl.u32 s29, $0x3;
	[tilespmem:v63+s16+$0x0] =	vst.idx.msk $0xffff, v62  }
0x3a6: {  	[tilespmem:s28], [sflag:$0x8] =	stream.indirect.gather [hbm4b:s4+s14], $0x20, s25, s14, $0xb8;
	[tilespmem:$0x16400] =	vst v63  }
0x3a7: {  	s2 =	sadd.s32 s1, s2  }
0x3a8: {  	[hbm4b:s2+s31] =	stream.strided.scatter [tilespmem:s16], [sflag:$0x10], $0x1000, s0, s31, $0x38;
	[tilespmem:$0x16400] =	vst v63  }
0x3a9: {  	s2 =	simm.s32 $0x1  }
0x3aa: {  	_ =	swait.ge [sflag:s2], $0x1000  }
0x3ab: {  	[sflag:s2] =	ssyncset.done $0x0  }
0x3ac: {  	s28 =	simm.s32 $0x9;
	[sflag:s2] =	ssyncadd.s32 $0xFFFFF000  }
0x3ad: {  	_ =	swait.ge [sflag:s28], $0x1000  }
0x3ae: {  	[sflag:s28] =	ssyncset.done $0x0  }
0x3af: {  	s29 =	simm.s32 $0x2;
	[sflag:s28] =	ssyncadd.s32 $0xFFFFF000  }
0x3b0: {  	_ =	swait.ge [sflag:s29], $0x1000  }
0x3b1: {  	[sflag:s29] =	ssyncset.done $0x0  }
0x3b2: {  	s18 =	simm.s32 $0xA;
	[sflag:s29] =	ssyncadd.s32 $0xFFFFF000  }
0x3b3: {  	_ =	swait.ge [sflag:s18], $0x1000  }
0x3b4: {  	[sflag:s18] =	ssyncset.done $0x0  }
0x3b5: {  	[sflag:s18] =	ssyncadd.s32 $0xFFFFF000  }
0x3b6: {  	_ =	swait.ge [sflag:s17], $0x1000  }
0x3b7: {  	[sflag:s17] =	ssyncset.done $0x0  }
0x3b8: {  	s20 =	simm.s32 $0xB;
	[sflag:s17] =	ssyncadd.s32 $0xFFFFF000  }
0x3b9: {  	_ =	swait.ge [sflag:s20], $0x1000  }
0x3ba: {  	[sflag:s20] =	ssyncset.done $0x0  }
0x3bb: {  	[sflag:s20] =	ssyncadd.s32 $0xFFFFF000  }
0x3bc: {  	_ =	swait.ge [sflag:s22], $0x1000  }
0x3bd: {  	[sflag:s22] =	ssyncset.done $0x0  }
0x3be: {  	s21 =	simm.s32 $0xC;
	[sflag:s22] =	ssyncadd.s32 $0xFFFFF000  }
0x3bf: {  	_ =	swait.ge [sflag:s21], $0x1000  }
0x3c0: {  	[sflag:s21] =	ssyncset.done $0x0  }
0x3c1: {  	[sflag:s21] =	ssyncadd.s32 $0xFFFFF000  }
0x3c2: {  	_ =	swait.ge [sflag:s26], $0x1000  }
0x3c3: {  	[sflag:s26] =	ssyncset.done $0x0  }
0x3c4: {  	s23 =	simm.s32 $0xD;
	[sflag:s26] =	ssyncadd.s32 $0xFFFFF000  }
0x3c5: {  	_ =	swait.ge [sflag:s23], $0x1000  }
0x3c6: {  	[sflag:s23] =	ssyncset.done $0x0  }
0x3c7: {  	[sflag:s23] =	ssyncadd.s32 $0xFFFFF000  }
0x3c8: {  	_ =	swait.ge [sflag:s3], $0x1000  }
0x3c9: {  	[sflag:s3] =	ssyncset.done $0x0  }
0x3ca: {  	s25 =	simm.s32 $0xE;
	[sflag:s3] =	ssyncadd.s32 $0xFFFFF000  }
0x3cb: {  	_ =	swait.ge [sflag:s25], $0x1000  }
0x3cc: {  	[sflag:s25] =	ssyncset.done $0x0  }
0x3cd: {  	[sflag:s25] =	ssyncadd.s32 $0xFFFFF000  }
0x3ce: {  	_ =	swait.ge [sflag:s10], $0x1000  }
0x3cf: {  	[sflag:s10] =	ssyncset.done $0x0  }
0x3d0: {  	s28 =	simm.s32 $0xF;
	[sflag:s10] =	ssyncadd.s32 $0xFFFFF000  }
0x3d1: {  	_ =	swait.ge [sflag:s28], $0x1000  }
0x3d2: {  	[sflag:s28] =	ssyncset.done $0x0  }
0x3d3: {  	[sflag:s28] =	ssyncadd.s32 $0xFFFFF000  }
0x3d4: {  	_ =	swait.ge [sflag:s15], $0x1000  }
0x3d5: {  	[sflag:s15] =	ssyncset.done $0x0  }
0x3d6: {  	s18 =	simm.s32 $0x10;
	[sflag:s15] =	ssyncadd.s32 $0xFFFFF000  }
0x3d7: {  	_ =	swait.ge [sflag:s18], $0x1000  }
0x3d8: {  	s20 =	rddreg [dreg:$0x5]  }
0x3d9: {  	s29 =	rddreg [dreg:$0x4];
	s20 =	sadd.s32 $0x1, s20  }
0x3da: {  	p0 =	sne.s32 s20, s29  }
.Ltmp9:
0x3db: {  	_ = 	snop;
	(pc) =	sbr.rel @p0 .LBB2_1-.Ltmp9, $3  }
0x3dc: {  	_ =	sdelay $0x1  }
0x3dd: {  	[sflag:s18] =	ssyncset.done $0x0  }
0x3de: {  	[sflag:s18] =	ssyncadd.s32 $0xFFFFF000  }
0x3df: {  	_ =	sfence.sel $0x180000  }
0x3e0: {  	[bflag:$0x0] =	sbarrier.arrive $0xFFFF  }
0x3e1: {  	_ =	strace $0x90000047  }
0x3e2: {  	s0 =	stileid.u32;
	[bflag:$0x2] =	sbarrier.arrive $0xFFFF  }
0x3e3: {  	p0 =	sne.s32 s0, $0x0;
	s0 =	rddreg [dreg:$0x2]  }
0x3e4: {  	s0 =	sadd.s32 @!p0 $0x100000, s0  }
0x3e5: {  	[sflag:s0] =	ssyncadd.tile.s32 @!p0 $0x1;
	_ =	shalt  }
.Lfunc_end2:
_tile_overlayer_lowered:
.L_overlay_start_2:
0x3e6: {  	(tag) =	ssettag $0x2  }
0x3e7: {  	s0 =	rddreg [dreg:$0x0];
	s2 =	stileid.u32  }
0x3e8: {  	s1 =	rddreg [dreg:$0x1];
	p0 =	sne.s32 s2, $0x0  }
0x3e9: {  	s3 =	rddreg [dreg:$0x2];
	[bflag:$0x3] =	sbarrier.arrive $0xFFFF;
	s2 =	simm.s32 @!p0 $0x1C11  }
0x3ea: {  	[timem:s3], [sflag:s2] =	dma.local @!p0 [hbm:s0], s1  }
0x3eb: {  	s0 =	simm.s32 @!p0 $0x11  }
0x3ec: {  	_ =	swait.ge @!p0 [sflag:s0], s1  }
0x3ed: {  	s1 =	ssub.s32 @!p0 $0x0, s1;
	[sflag:s0] =	ssyncset.done @!p0 $0x0  }
0x3ee: {  	[sflag:s0] =	ssyncadd.s32 @!p0 s1  }
0x3ef: {  	[bflag:$0x3] =	sbarrier.arrive $0xFFFF  }
0x3f0: {  	_ =	shalt  }

</sc_bundles>
